<compile_context>
chip_gen: v7x
topology: tpu7x:2x2x1
jax: 0.10.2.dev20260603
libtpu: 0.0.44.dev20260713+nightly
codegen_flags: <defaults>
</compile_context>

<pallas_src>
import functools

import jax
import jax.numpy as jnp
from jax import lax
from jax.experimental import pallas as pl
from jax.experimental.pallas import tpu as pltpu
from jax.experimental.pallas import tpu_sc as plsc

N = 10000
D = 128
H = 8
DH = 16
E = 320000
EL = 200000
LANES = 16
NC = 2
NS = 16
NW = NC * NS

GRP = 128
IGRP = 8
S1_CHUNK = GRP * IGRP
S1_QTR = S1_CHUNK // 4
E_PAD = 327680
S1_CPW = E_PAD // S1_CHUNK // NW
NP = N + 8

NSR = 1280
S1_BATCH = 16
S1_SETS = 4
S1_BPC = S1_CHUNK // S1_BATCH
ZROWS = 8
ZBLOCKS = N // ZROWS
ZBLOCKS_S = NSR // ZROWS
DROWS = 80
DBLOCKS = N // DROWS
DBLOCKS_S = NSR // DROWS

S2_CHUNK = GRP * IGRP
S2_QTR = S2_CHUNK // 4
EL_PAD = 200704
S2_NCHUNKS = EL_PAD // S2_CHUNK
S2_ITERS = -(-S2_NCHUNKS // NW)

TBLK = 1000


def _leaky(x):
    return jnp.where(x > 0, x, x * 0.2)



def _t1_body(x_ref, w_ref, b_ref, am1_ref, am2_ref,
             h_ref, a1_ref, a2_ref, m1_ref, m2_ref):
    i = pl.program_id(0)
    h = jnp.dot(x_ref[...], w_ref[...], preferred_element_type=jnp.float32)
    h = h + b_ref[...]
    h_ref[...] = h
    a1 = jnp.dot(h, am1_ref[...], preferred_element_type=jnp.float32)
    a2 = jnp.dot(h, am2_ref[...], preferred_element_type=jnp.float32)
    a1_ref[...] = a1
    a2_ref[...] = a2
    bm1 = jnp.max(a1, axis=0, keepdims=True)
    bm2 = jnp.max(a2, axis=0, keepdims=True)

    @pl.when(i == 0)
    def _():
        m1_ref[...] = bm1
        m2_ref[...] = bm2

    @pl.when(i != 0)
    def _():
        m1_ref[...] = jnp.maximum(m1_ref[...], bm1)
        m2_ref[...] = jnp.maximum(m2_ref[...], bm2)


def _project(x, w, b, am1, am2):
    return pl.pallas_call(
        _t1_body,
        grid=(N // TBLK,),
        in_specs=[
            pl.BlockSpec((TBLK, D), lambda i: (i, 0)),
            pl.BlockSpec((D, D), lambda i: (0, 0)),
            pl.BlockSpec((1, D), lambda i: (0, 0)),
            pl.BlockSpec((D, D), lambda i: (0, 0)),
            pl.BlockSpec((D, D), lambda i: (0, 0)),
        ],
        out_specs=[
            pl.BlockSpec((TBLK, D), lambda i: (i, 0)),
            pl.BlockSpec((TBLK, D), lambda i: (i, 0)),
            pl.BlockSpec((TBLK, D), lambda i: (i, 0)),
            pl.BlockSpec((1, D), lambda i: (0, 0)),
            pl.BlockSpec((1, D), lambda i: (0, 0)),
        ],
        out_shape=[
            jax.ShapeDtypeStruct((N, D), jnp.float32),
            jax.ShapeDtypeStruct((N, D), jnp.float32),
            jax.ShapeDtypeStruct((N, D), jnp.float32),
            jax.ShapeDtypeStruct((1, D), jnp.float32),
            jax.ShapeDtypeStruct((1, D), jnp.float32),
        ],
    )(x, w, b, am1, am2)



@functools.cache
def _sc_mesh():
    return plsc.VectorSubcoreMesh(
        core_axis_name="core", subcore_axis_name="subcore",
        num_cores=NC, num_subcores=NS)


@functools.cache
def _s1_kernel():
    return pl.kernel(
        _s1_conv,
        out_type=(
            jax.ShapeDtypeStruct((NC, N, D), jnp.float32),
            jax.ShapeDtypeStruct((NC, NSR, D), jnp.float32),
            jax.ShapeDtypeStruct((NC, N, D), jnp.float32),
            jax.ShapeDtypeStruct((NC, NSR, D), jnp.float32),
        ),
        mesh=_sc_mesh(),
        scratch_types=[
            pltpu.VMEM_SHARED((NP, D), jnp.float32),
            pltpu.VMEM_SHARED((NSR, D), jnp.float32),
            pltpu.VMEM((IGRP, GRP), jnp.int32),
            pltpu.VMEM((IGRP, GRP), jnp.int32),
            pltpu.VMEM((S1_SETS, S1_BATCH, D), jnp.float32),
            pltpu.VMEM((S1_SETS, S1_BATCH, D), jnp.float32),
            pltpu.VMEM((S1_SETS, S1_BATCH, D), jnp.float32),
            pltpu.VMEM((D,), jnp.float32),
            pltpu.VMEM((ZROWS, D), jnp.float32),
            pltpu.SemaphoreType.DMA((S1_SETS,)),
            pltpu.SemaphoreType.DMA((S1_SETS,)),
        ],
        compiler_params=pltpu.CompilerParams(needs_layout_passes=False),
    )


def _s1_conv(hreq_hbm, hcode_hbm, asf_hbm, adf_hbm, asr_hbm, adr_hbm,
             srcf_hbm, dstf_hbm, srcr_hbm, dstr_hbm, mf_hbm, mr_hbm,
             pf_hbm, sf_hbm, pr_hbm, sr_hbm,
             out_acc, s_acc, srcv, dstv, asb, adb,
             msgb, m_v, zbuf, sem_ga, sem_sa):
    core = lax.axis_index("core")
    sub = lax.axis_index("subcore")
    wid = sub * NC + core

    zero = jnp.zeros((LANES,), jnp.float32)
    lanes_iota = lax.iota(jnp.int32, LANES)

    @pl.loop(0, ZROWS)
    def _(r):
        @pl.loop(0, D, step=LANES)
        def _(c):
            zbuf[r, pl.ds(c, LANES)] = zero

    for direction in range(2):
        if direction == 0:
            h_src, a_src, a_dst = hreq_hbm, asf_hbm, adf_hbm
            src_e, dst_e, m_h = srcf_hbm, dstf_hbm, mf_hbm
            p_out, s_out = pf_hbm, sf_hbm
        else:
            h_src, a_src, a_dst = hcode_hbm, asr_hbm, adr_hbm
            src_e, dst_e, m_h = srcr_hbm, dstr_hbm, mr_hbm
            p_out, s_out = pr_hbm, sr_hbm

        @pl.loop(0, -(-(ZBLOCKS + ZBLOCKS_S) // NS))
        def _(t):
            b = t * NS + sub

            @pl.when(b < ZBLOCKS)
            def _():
                pltpu.sync_copy(zbuf, out_acc.at[pl.ds(b * ZROWS, ZROWS)])

            @pl.when(jnp.logical_and(b >= ZBLOCKS, b < ZBLOCKS + ZBLOCKS_S))
            def _():
                pltpu.sync_copy(
                    zbuf, s_acc.at[pl.ds((b - ZBLOCKS) * ZROWS, ZROWS)])

        pltpu.sync_copy(m_h, m_v)
        mreg = m_v[pl.ds(0, LANES)]
        plsc.subcore_barrier()


        def issue_gathers(b, s):
            row = lax.shift_right_logical(b, 3)
            off = lax.bitwise_and(b, IGRP - 1) * LANES
            sreg = srcv[row, pl.ds(off, LANES)]
            dreg = dstv[row, pl.ds(off, LANES)]
            pltpu.async_copy(a_src.at[sreg], asb.at[s], sem_ga.at[s])
            pltpu.async_copy(a_dst.at[dreg], adb.at[s], sem_ga.at[s])
            pltpu.async_copy(h_src.at[sreg], msgb.at[s], sem_ga.at[s])

        def wait_gathers(s):
            pltpu.make_async_copy(
                a_src.at[pl.ds(0, S1_BATCH)], asb.at[s], sem_ga.at[s]).wait()
            pltpu.make_async_copy(
                a_dst.at[pl.ds(0, S1_BATCH)], adb.at[s], sem_ga.at[s]).wait()
            pltpu.make_async_copy(
                h_src.at[pl.ds(0, S1_BATCH)], msgb.at[s], sem_ga.at[s]).wait()

        def wait_scatters(s):
            pltpu.make_async_copy(
                msgb.at[s], out_acc.at[pl.ds(0, S1_BATCH)], sem_sa.at[s]).wait()
            pltpu.make_async_copy(
                adb.at[s], s_acc.at[pl.ds(0, S1_BATCH)], sem_sa.at[s]).wait()

        @pl.loop(0, S1_CPW)
        def _(t):
            cid = wid * S1_CPW + t
            g0 = cid * IGRP
            pltpu.sync_copy(src_e.at[pl.ds(g0, IGRP)], srcv)
            pltpu.sync_copy(dst_e.at[pl.ds(g0, IGRP)], dstv)

            issue_gathers(0, 0)
            issue_gathers(1, 1)

            @pl.loop(0, S1_BPC)
            def _(b):
                s = lax.rem(b, S1_SETS)
                sn = lax.rem(b + 2, S1_SETS)

                @pl.when(b + 2 < S1_BPC)
                def _():
                    @pl.when(b >= 2)
                    def _():
                        wait_scatters(sn)
                    issue_gathers(b + 2, sn)

                row = lax.shift_right_logical(b, 3)
                off = lax.bitwise_and(b, IGRP - 1) * LANES
                dreg = dstv[row, pl.ds(off, LANES)]
                wait_gathers(s)

                sv = jnp.full((LANES,), s, jnp.int32)

                @plsc.parallel_loop(0, S1_BATCH, unroll=4)
                def _(i):
                    x = (asb[s, i, pl.ds(0, LANES)]
                         + adb[s, i, pl.ds(0, LANES)])
                    w16 = jnp.exp(_leaky(x) - mreg)
                    iv = jnp.full((LANES,), i, jnp.int32)
                    dsts = dreg.at[iv].get(mode="promise_in_bounds")
                    col = (lax.bitwise_and(dsts, 7) * LANES) + lanes_iota
                    for blk in range(H):
                        adb[s, i, pl.ds(blk * LANES, LANES)] = zero
                    plsc.store_scatter(adb, [sv, iv, col], w16)
                    for j in range(H):
                        jv = jnp.full((LANES,), j, jnp.int32)
                        wspl = w16.at[jv].get(mode="promise_in_bounds")
                        sl = pl.ds(j * DH, DH)
                        msgb[s, i, sl] = msgb[s, i, sl] * wspl

                d8 = lax.shift_right_logical(dreg, 3)
                pltpu.async_copy(msgb.at[s], out_acc.at[dreg],
                                 sem_sa.at[s], add=True)
                pltpu.async_copy(adb.at[s], s_acc.at[d8],
                                 sem_sa.at[s], add=True)

            for sst in range(S1_SETS):
                wait_scatters(jnp.int32(sst))

        plsc.subcore_barrier()

        @pl.loop(0, -(-(DBLOCKS + DBLOCKS_S) // NS))
        def _(t):
            b = t * NS + sub

            @pl.when(b < DBLOCKS)
            def _():
                r = b * DROWS
                pltpu.sync_copy(out_acc.at[pl.ds(r, DROWS)],
                                p_out.at[core, pl.ds(r, DROWS)])

            @pl.when(jnp.logical_and(b >= DBLOCKS, b < DBLOCKS + DBLOCKS_S))
            def _():
                r = (b - DBLOCKS) * DROWS
                pltpu.sync_copy(s_acc.at[pl.ds(r, DROWS)],
                                s_out.at[core, pl.ds(r, DROWS)])

        plsc.subcore_barrier()



def _t2a_body(p0_ref, p1_ref, s0_ref, s1_ref, exp_ref,
              o_ref, sum1_ref, sum2_ref):
    i = pl.program_id(0)
    t = p0_ref[0] + p1_ref[0]
    ssum = s0_ref[0] + s1_ref[0]
    den = jnp.dot(ssum, exp_ref[...], preferred_element_type=jnp.float32)
    o = jnp.maximum(t / (den + 1e-16), 0.0)
    o_ref[...] = o
    b1 = jnp.sum(o, axis=0, keepdims=True)
    b2 = jnp.sum(o * o, axis=0, keepdims=True)

    @pl.when(i == 0)
    def _():
        sum1_ref[...] = b1
        sum2_ref[...] = b2

    @pl.when(i != 0)
    def _():
        sum1_ref[...] = sum1_ref[...] + b1
        sum2_ref[...] = sum2_ref[...] + b2


def _t2a_call(p, s, expand):
    return pl.pallas_call(
        _t2a_body,
        grid=(N // TBLK,),
        in_specs=[
            pl.BlockSpec((1, TBLK, D), lambda i: (0, i, 0)),
            pl.BlockSpec((1, TBLK, D), lambda i: (1, i, 0)),
            pl.BlockSpec((1, TBLK, LANES), lambda i: (0, i, 0)),
            pl.BlockSpec((1, TBLK, LANES), lambda i: (1, i, 0)),
            pl.BlockSpec((LANES, D), lambda i: (0, 0)),
        ],
        out_specs=[
            pl.BlockSpec((TBLK, D), lambda i: (i, 0)),
            pl.BlockSpec((1, D), lambda i: (0, 0)),
            pl.BlockSpec((1, D), lambda i: (0, 0)),
        ],
        out_shape=[
            jax.ShapeDtypeStruct((N, D), jnp.float32),
            jax.ShapeDtypeStruct((1, D), jnp.float32),
            jax.ShapeDtypeStruct((1, D), jnp.float32),
        ],
    )(p, p, s, s, expand)



def _t2b_body(o_ref, a_ref, b_ref, out_ref):
    out_ref[...] = o_ref[...] * a_ref[...] + b_ref[...]


def _bn_apply(o, a, b):
    return pl.pallas_call(
        _t2b_body,
        grid=(N // TBLK,),
        in_specs=[
            pl.BlockSpec((TBLK, D), lambda i: (i, 0)),
            pl.BlockSpec((1, D), lambda i: (0, 0)),
            pl.BlockSpec((1, D), lambda i: (0, 0)),
        ],
        out_specs=pl.BlockSpec((TBLK, D), lambda i: (i, 0)),
        out_shape=jax.ShapeDtypeStruct((N, D), jnp.float32),
    )(o, a, b)



@functools.cache
def _s2_kernel():
    return pl.kernel(
        _s2_score,
        out_type=jax.ShapeDtypeStruct((EL_PAD,), jnp.float32),
        mesh=_sc_mesh(),
        scratch_types=[
            pltpu.VMEM((IGRP, GRP), jnp.int32),
            pltpu.VMEM((IGRP, GRP), jnp.int32),
            pltpu.VMEM((2, GRP, D), jnp.float32),
            pltpu.VMEM((2, GRP, D), jnp.float32),
            pltpu.VMEM((GRP, LANES), jnp.float32),
            pltpu.VMEM((GRP,), jnp.float32),
            pltpu.SemaphoreType.DMA((2,)),
        ],
        compiler_params=pltpu.CompilerParams(needs_layout_passes=False),
    )


def _s2_score(nr_hbm, ncd_hbm, i0_hbm, i1_hbm, out_hbm,
              i0, i1, r_rows, c_rows, tbuf, outbuf, sem_ga):
    core = lax.axis_index("core")
    sub = lax.axis_index("subcore")
    wid = sub * NC + core
    lanes_iota = lax.iota(jnp.int32, LANES)

    def issue_gathers(b, s):
        for k in range(GRP // LANES):
            sl = pl.ds(k * LANES, LANES)
            r0reg = i0[b, sl]
            r1reg = i1[b, sl]
            pltpu.async_copy(nr_hbm.at[r0reg], r_rows.at[s, sl],
                             sem_ga.at[s])
            pltpu.async_copy(ncd_hbm.at[r1reg], c_rows.at[s, sl],
                             sem_ga.at[s])

    def wait_gathers(s):
        pltpu.make_async_copy(
            nr_hbm.at[pl.ds(0, GRP)], r_rows.at[s], sem_ga.at[s]).wait()
        pltpu.make_async_copy(
            ncd_hbm.at[pl.ds(0, GRP)], c_rows.at[s], sem_ga.at[s]).wait()

    @pl.loop(0, S2_ITERS)
    def _(t):
        cid = t * NW + wid

        @pl.when(cid < S2_NCHUNKS)
        def _():
            g0 = cid * IGRP
            pltpu.sync_copy(i0_hbm.at[pl.ds(g0, IGRP)], i0)
            pltpu.sync_copy(i1_hbm.at[pl.ds(g0, IGRP)], i1)
            issue_gathers(0, 0)

            @pl.loop(0, IGRP)
            def _(b):
                s = lax.rem(b, 2)
                wait_gathers(s)

                @pl.when(b + 1 < IGRP)
                def _():
                    issue_gathers(b + 1, lax.rem(b + 1, 2))

                @plsc.parallel_loop(0, GRP, unroll=4)
                def _(i):
                    acc = (r_rows[s, i, pl.ds(0, LANES)]
                           * c_rows[s, i, pl.ds(0, LANES)])
                    for j in range(1, H):
                        sl = pl.ds(j * DH, LANES)
                        acc = acc + r_rows[s, i, sl] * c_rows[s, i, sl]
                    tbuf[i, :] = acc

                @plsc.parallel_loop(0, GRP, step=LANES, unroll=2)
                def _(g):
                    rows = lanes_iota + g
                    acc = plsc.load_gather(
                        tbuf, [rows, jnp.zeros((LANES,), jnp.int32)])
                    for c in range(1, LANES):
                        acc = acc + plsc.load_gather(
                            tbuf, [rows, jnp.full((LANES,), c, jnp.int32)])
                    outbuf[pl.ds(g, LANES)] = 1.0 / (1.0 + jnp.exp(-acc))

                pltpu.sync_copy(
                    outbuf, out_hbm.at[pl.ds(cid * S2_CHUNK + b * GRP, GRP)])



def _amat(att):
    a3 = att.reshape(H, DH)
    eye = jnp.eye(H, D, dtype=jnp.float32)
    return (a3[:, :, None] * eye[:, None, :]).reshape(H * DH, D)


def kernel(x_req, x_code, edge_index, edge_index_rev, edge_label_index,
           W_req, b_req, W_code, b_code,
           att_src_fwd, att_dst_fwd, att_src_rev, att_dst_rev,
           q_sem, Wk, bk, bn_w, bn_b):
    f32 = jnp.float32

    am_req_1 = _amat(att_src_fwd)
    am_req_2 = _amat(att_dst_rev)
    am_code_1 = _amat(att_dst_fwd)
    am_code_2 = _amat(att_src_rev)

    h_req, asf, adr, max_asf, max_adr = _project(
        x_req, W_req, b_req.reshape(1, D), am_req_1, am_req_2)
    h_code, adf, asr, max_adf, max_asr = _project(
        x_code, W_code, b_code.reshape(1, D), am_code_1, am_code_2)

    m_fwd = _leaky(max_asf + max_adf).reshape(D)
    m_rev = _leaky(max_asr + max_adr).reshape(D)

    pad_n = ((0, NP - N), (0, 0))
    h_req_p = jnp.pad(h_req, pad_n)
    h_code_p = jnp.pad(h_code, pad_n)
    asf_p = jnp.pad(asf, pad_n)
    adf_p = jnp.pad(adf, pad_n)
    asr_p = jnp.pad(asr, pad_n)
    adr_p = jnp.pad(adr, pad_n)

    def edges2d(v):
        v = jnp.pad(v, (0, E_PAD - E), constant_values=N)
        return v.reshape(E_PAD // GRP, GRP)

    srcf = edges2d(edge_index[0])
    dstf = edges2d(edge_index[1])
    srcr = edges2d(edge_index_rev[0])
    dstr = edges2d(edge_index_rev[1])

    pf, sf, pr, sr = _s1_kernel()(h_req_p, h_code_p, asf_p, adf_p, asr_p,
                                  adr_p, srcf, dstf, srcr, dstr,
                                  m_fwd, m_rev)

    def unpack_s(s):
        return s.reshape(NC, NSR * H, LANES)[:, :N, :]

    sf_u = unpack_s(sf)
    sr_u = unpack_s(sr)

    expand = jnp.concatenate(
        [jnp.eye(H, dtype=f32), jnp.zeros((LANES - H, H), f32)], axis=0)
    expand = jnp.repeat(expand, DH, axis=1)

    out_code, c_sum1, c_sum2 = _t2a_call(pf, sf_u, expand)
    out_req, r_sum1, r_sum2 = _t2a_call(pr, sr_u, expand)

    def bn_coeffs(s1, s2):
        mu = s1 / N
        var = s2 / N - mu * mu
        a = bn_w.reshape(1, D) / jnp.sqrt(var + 1e-5)
        b = bn_b.reshape(1, D) - mu * a
        return a, b

    a_r, b_r = bn_coeffs(r_sum1, r_sum2)
    a_c, b_c = bn_coeffs(c_sum1, c_sum2)

    n_req = _bn_apply(out_req, a_r, b_r)
    n_code = _bn_apply(out_code, a_c, b_c)

    eli = jnp.pad(edge_label_index, ((0, 0), (0, EL_PAD - EL)))
    i0 = eli[0].reshape(EL_PAD // GRP, GRP)
    i1 = eli[1].reshape(EL_PAD // GRP, GRP)

    scores = _s2_kernel()(n_req, n_code, i0, i1)
    return scores[:EL]

# --- scband reference (transcript-rebuilt; emitter-appended) ---
"""Pipeline reference for scband-model-34651796144565 (READ-ONLY COPY).

The authoritative reference and input builder live on the scoring server;
editing this copy changes nothing except your own understanding.
"""

import jax, jax.numpy as jnp
import numpy as np

N_REQ = 10000
N_CODE = 10000
E = 320000
EL = 200000
D_IN = 128
D_OUT = 128
H = 8
DH = D_OUT // H


def setup_inputs(seed: int = 0) -> dict:
    key = jax.random.key(seed)
    ks = jax.random.split(key, 16)
    s = 1.0 / np.sqrt(D_IN)
    inp = {}
    inp["x_req"] = jax.random.normal(ks[0], (N_REQ, D_IN), jnp.float32)
    inp["x_code"] = jax.random.normal(ks[1], (N_CODE, D_IN), jnp.float32)
    inp["edge_index"] = jax.random.randint(ks[2], (2, E), 0, N_CODE, dtype=jnp.int32)
    inp["edge_index_rev"] = jax.random.randint(ks[3], (2, E), 0, N_REQ, dtype=jnp.int32)
    inp["edge_label_index"] = jax.random.randint(ks[4], (2, EL), 0, N_REQ, dtype=jnp.int32)
    inp["W_req"] = jax.random.uniform(ks[5], (D_IN, D_OUT), jnp.float32, -s, s)
    inp["b_req"] = jnp.zeros((D_OUT,), jnp.float32)
    inp["W_code"] = jax.random.uniform(ks[6], (D_IN, D_OUT), jnp.float32, -s, s)
    inp["b_code"] = jnp.zeros((D_OUT,), jnp.float32)
    inp["att_src_fwd"] = jax.random.normal(ks[7], (1, H, DH), jnp.float32) * 0.1
    inp["att_dst_fwd"] = jax.random.normal(ks[8], (1, H, DH), jnp.float32) * 0.1
    inp["att_src_rev"] = jax.random.normal(ks[9], (1, H, DH), jnp.float32) * 0.1
    inp["att_dst_rev"] = jax.random.normal(ks[10], (1, H, DH), jnp.float32) * 0.1
    inp["q_sem"] = jax.random.normal(ks[11], (1, D_OUT), jnp.float32) * 0.1
    inp["Wk"] = jax.random.uniform(ks[12], (D_OUT, D_OUT), jnp.float32, -1.0 / np.sqrt(D_OUT), 1.0 / np.sqrt(D_OUT))
    inp["bk"] = jnp.zeros((D_OUT,), jnp.float32)
    inp["bn_w"] = jnp.ones((D_OUT,), jnp.float32)
    inp["bn_b"] = jnp.zeros((D_OUT,), jnp.float32)
    return inp


def _edge_softmax(alpha, dst, num_nodes):
    m = jax.ops.segment_max(alpha, dst, num_segments=num_nodes)
    m = jnp.where(jnp.isfinite(m), m, 0.0)
    a = jnp.exp(alpha - m[dst])
    ssum = jax.ops.segment_sum(a, dst, num_segments=num_nodes)
    return a / (ssum[dst] + 1e-16)


def reference(x_req, x_code, edge_index, edge_index_rev, edge_label_index,
              W_req, b_req, W_code, b_code,
              att_src_fwd, att_dst_fwd, att_src_rev, att_dst_rev,
              q_sem, Wk, bk, bn_w, bn_b):
    # node-type projections (HANConv proj)
    h_req = (x_req @ W_req + b_req).reshape(-1, H, DH)
    h_code = (x_code @ W_code + b_code).reshape(-1, H, DH)

    def conv(h_src, h_dst, ei, att_s, att_d, n_dst):
        a_s = (h_src * att_s).sum(-1)  # [N_src, H]
        a_d = (h_dst * att_d).sum(-1)  # [N_dst, H]
        src, dst = ei[0], ei[1]
        alpha = jax.nn.leaky_relu(a_s[src] + a_d[dst], negative_slope=0.2)
        alpha = _edge_softmax(alpha, dst, n_dst)
        msg = (h_src[src] * alpha[:, :, None]).reshape(-1, H * DH)
        out = jax.ops.segment_sum(msg, dst, num_segments=n_dst)
        return jax.nn.relu(out)

    out_code = conv(h_req, h_code, edge_index, att_src_fwd, att_dst_fwd, N_CODE)
    out_req = conv(h_code, h_req, edge_index_rev, att_src_rev, att_dst_rev, N_REQ)

    def sem_group(out):  # semantic attention over the single edge type per dst
        stk = out[None]  # [1, N, F]
        score = (q_sem * jnp.tanh(stk @ Wk + bk).mean(axis=1)).sum(-1)  # [1]
        attn = jax.nn.softmax(score, axis=0)
        return (attn.reshape(-1, 1, 1) * stk).sum(0)

    out_req = sem_group(out_req)
    out_code = sem_group(out_code)

    def bn(x):  # BatchNorm1d (training-mode batch statistics, biased var)
        mu = x.mean(0)
        var = x.var(0)
        return (x - mu) / jnp.sqrt(var + 1e-5) * bn_w + bn_b

    out_req = bn(out_req)
    out_code = bn(out_code)

    e_r = out_req[edge_label_index[0]]
    e_c = out_code[edge_label_index[1]]
    return jax.nn.sigmoid((e_r * e_c).sum(-1))

if __name__ == "__main__":
    import jax
    _d = setup_inputs()
    print(jax.jit(kernel)(*tuple(_d.values())))

</pallas_src>

<mosaic_0001>
#map = affine_map<(d0, d1) -> (0, 0)>
#map1 = affine_map<(d0, d1) -> (0)>
#map2 = affine_map<(d0, d1) -> (0, 0, 0)>
module attributes {stable_mosaic.version = 14 : i64} {
  func.func @_s1_conv(%arg0: i32, %arg1: i32, %arg2: memref<10008x128xf32, #tpu.memory_space<hbm>>, %arg3: memref<10008x128xf32, #tpu.memory_space<hbm>>, %arg4: memref<10008x128xf32, #tpu.memory_space<hbm>>, %arg5: memref<10008x128xf32, #tpu.memory_space<hbm>>, %arg6: memref<10008x128xf32, #tpu.memory_space<hbm>>, %arg7: memref<10008x128xf32, #tpu.memory_space<hbm>>, %arg8: memref<2560x128xi32, #tpu.memory_space<hbm>>, %arg9: memref<2560x128xi32, #tpu.memory_space<hbm>>, %arg10: memref<2560x128xi32, #tpu.memory_space<hbm>>, %arg11: memref<2560x128xi32, #tpu.memory_space<hbm>>, %arg12: memref<128xf32, #tpu.memory_space<hbm>>, %arg13: memref<128xf32, #tpu.memory_space<hbm>>, %arg14: memref<2x10000x128xf32, #tpu.memory_space<hbm>>, %arg15: memref<2x1280x128xf32, #tpu.memory_space<hbm>>, %arg16: memref<2x10000x128xf32, #tpu.memory_space<hbm>>, %arg17: memref<2x1280x128xf32, #tpu.memory_space<hbm>>, %arg18: memref<10008x128xf32, #tpu.memory_space<vmem_shared>>, %arg19: memref<1280x128xf32, #tpu.memory_space<vmem_shared>>, %arg20: memref<8x128xi32, #tpu.memory_space<vmem>>, %arg21: memref<8x128xi32, #tpu.memory_space<vmem>>, %arg22: memref<4x16x128xf32, #tpu.memory_space<vmem>>, %arg23: memref<4x16x128xf32, #tpu.memory_space<vmem>>, %arg24: memref<4x16x128xf32, #tpu.memory_space<vmem>>, %arg25: memref<128xf32, #tpu.memory_space<vmem>>, %arg26: memref<8x128xf32, #tpu.memory_space<vmem>>, %arg27: memref<4x!tpu.dma_semaphore, #tpu.memory_space<semaphore_mem>>, %arg28: memref<4x!tpu.dma_semaphore, #tpu.memory_space<semaphore_mem>>) attributes {dimension_semantics = [#tpu.dimension_semantics<core_parallel>, #tpu.dimension_semantics<subcore_parallel>], iteration_bounds = array<i64: 2, 16>, scalar_prefetch = 0 : i64, scratch_operands = 11 : i64, tpu.core_type = #tpu.core_type<sc_vector_subcore>, window_params = [{transform_indices = #map}, {transform_indices = #map}, {transform_indices = #map}, {transform_indices = #map}, {transform_indices = #map}, {transform_indices = #map}, {transform_indices = #map}, {transform_indices = #map}, {transform_indices = #map}, {transform_indices = #map}, {transform_indices = #map1}, {transform_indices = #map1}, {transform_indices = #map2}, {transform_indices = #map2}, {transform_indices = #map2}, {transform_indices = #map2}]} {
    %mul3A = arith.constant 2 : i32
    %mul3A_0 = arith.muli %arg1, %mul3A : i32
    %add3A = arith.addi %mul3A_0, %arg0 : i32
    %broadcast_in_dim3A = arith.constant 0.000000e+00 : f32
    %broadcast_in_dim3A_1 = vector.broadcast %broadcast_in_dim3A : f32 to vector<16xf32>
    %iota3A = tpu.iota {dimensions = array<i32: 0>} : vector<16xi32>
    %scan3A = arith.constant 0 : i32
    %scan3A_2 = arith.constant 8 : i32
    %scan3A_3 = arith.addi %scan3A, %scan3A_2 : i32
    %scan3A_4 = arith.constant 1 : i32
    scf.for %scan3A_44 = %scan3A to %scan3A_3 step %scan3A_4  : i32 {
      %mul3A_45 = arith.constant 1 : i32
      %mul3A_46 = arith.muli %scan3A_44, %mul3A_45 : i32
      %add3A_47 = arith.constant 0 : i32
      %add3A_48 = arith.addi %add3A_47, %mul3A_46 : i32
      %scan3A_49 = arith.constant 0 : i32
      %scan3A_50 = arith.constant 8 : i32
      %scan3A_51 = arith.addi %scan3A_49, %scan3A_50 : i32
      %scan3A_52 = arith.constant 1 : i32
      scf.for %scan3A_54 = %scan3A_49 to %scan3A_51 step %scan3A_52  : i32 {
        %mul3A_55 = arith.constant 16 : i32
        %mul3A_56 = arith.muli %scan3A_54, %mul3A_55 : i32
        %add3A_57 = arith.constant 0 : i32
        %add3A_58 = arith.addi %add3A_57, %mul3A_56 : i32
        %swap3A = arith.index_cast %add3A_48 : i32 to index
        %swap3A_59 = arith.index_cast %add3A_58 : i32 to index
        %swap3A_60 = tpu.vector_load %arg26[%swap3A, %swap3A_59] {strides = array<i32>} : memref<8x128xf32, #tpu.memory_space<vmem>>, vector<16xf32>,
        tpu.vector_store %arg26[%swap3A, %swap3A_59], %broadcast_in_dim3A_1 {strides = array<i32>} : memref<8x128xf32, #tpu.memory_space<vmem>>, vector<16xf32>,
      }
      %scan3A_53 = arith.constant 8 : i32
    }
    %scan3A_5 = arith.constant 8 : i32
    %scan3A_6 = arith.constant 0 : i32
    %scan3A_7 = arith.constant 89 : i32
    %scan3A_8 = arith.addi %scan3A_6, %scan3A_7 : i32
    %scan3A_9 = arith.constant 1 : i32
    scf.for %scan3A_44 = %scan3A_6 to %scan3A_8 step %scan3A_9  : i32 {
      %mul3A_45 = arith.constant 1 : i32
      %mul3A_46 = arith.muli %scan3A_44, %mul3A_45 : i32
      %add3A_47 = arith.constant 0 : i32
      %add3A_48 = arith.addi %add3A_47, %mul3A_46 : i32
      %mul3A_49 = arith.constant 16 : i32
      %mul3A_50 = arith.muli %add3A_48, %mul3A_49 : i32
      %add3A_51 = arith.addi %mul3A_50, %arg1 : i32
      %lt3A = arith.constant 1250 : i32
      %lt3A_52 = arith.cmpi slt, %add3A_51, %lt3A : i32
      %convert_element_type3A = arith.extui %lt3A_52 : i1 to i32
      %cond3A = arith.constant 0 : i32
      %cond3A_53 = arith.cmpi ne, %convert_element_type3A, %cond3A : i32
      scf.if %cond3A_53 {
        %mul3A_60 = arith.constant 8 : i32
        %mul3A_61 = arith.muli %add3A_51, %mul3A_60 : i32
        "tpu.region"() ({
          %run_scoped3A = tpu.sem_alloc : memref<!tpu.dma_semaphore, #tpu.memory_space<semaphore_mem>>
          %dma_start3A = arith.constant 0 : i32
          %dma_start3A_62 = tpu.memref_slice %arg18[%mul3A_61, %dma_start3A] : memref<10008x128xf32, #tpu.memory_space<vmem_shared>> -> memref<8x128xf32, #tpu.memory_space<vmem_shared>>
          %dma_start3A_63 = arith.constant 0 : i32
          %dma_start3A_64 = tpu.memref_slice %arg18[%mul3A_61, %dma_start3A_63] : memref<10008x128xf32, #tpu.memory_space<vmem_shared>> -> memref<8x128xf32, #tpu.memory_space<vmem_shared>>
          tpu.enqueue_dma source(%arg26 : memref<8x128xf32, #tpu.memory_space<vmem>>) target(%dma_start3A_64 : memref<8x128xf32, #tpu.memory_space<vmem_shared>>) target_semaphore(%run_scoped3A : memref<!tpu.dma_semaphore, #tpu.memory_space<semaphore_mem>>)
          %dma_wait3A = arith.constant 0 : i32
          %dma_wait3A_65 = tpu.memref_slice %arg18[%mul3A_61, %dma_wait3A] : memref<10008x128xf32, #tpu.memory_space<vmem_shared>> -> memref<8x128xf32, #tpu.memory_space<vmem_shared>>
          %dma_wait3A_66 = arith.constant 0 : i32
          %dma_wait3A_67 = tpu.memref_slice %arg18[%mul3A_61, %dma_wait3A_66] : memref<10008x128xf32, #tpu.memory_space<vmem_shared>> -> memref<8x128xf32, #tpu.memory_space<vmem_shared>>
          tpu.wait_dma2 semaphore(%run_scoped3A : memref<!tpu.dma_semaphore, #tpu.memory_space<semaphore_mem>>) src(%arg26 : memref<8x128xf32, #tpu.memory_space<vmem>>) dst(%dma_wait3A_67 : memref<8x128xf32, #tpu.memory_space<vmem_shared>>)
          tpu.yield
        }) : () -> ()
      } else {
      }
      %ge3A = arith.constant 1250 : i32
      %ge3A_54 = arith.cmpi sge, %add3A_51, %ge3A : i32
      %lt3A_55 = arith.constant 1410 : i32
      %lt3A_56 = arith.cmpi slt, %add3A_51, %lt3A_55 : i32
      %and3A = arith.andi %ge3A_54, %lt3A_56 : i1
      %convert_element_type3A_57 = arith.extui %and3A : i1 to i32
      %cond3A_58 = arith.constant 0 : i32
      %cond3A_59 = arith.cmpi ne, %convert_element_type3A_57, %cond3A_58 : i32
      scf.if %cond3A_59 {
        %sub3A = arith.constant 1250 : i32
        %sub3A_60 = arith.subi %add3A_51, %sub3A : i32
        %mul3A_61 = arith.constant 8 : i32
        %mul3A_62 = arith.muli %sub3A_60, %mul3A_61 : i32
        "tpu.region"() ({
          %run_scoped3A = tpu.sem_alloc : memref<!tpu.dma_semaphore, #tpu.memory_space<semaphore_mem>>
          %dma_start3A = arith.constant 0 : i32
          %dma_start3A_63 = tpu.memref_slice %arg19[%mul3A_62, %dma_start3A] : memref<1280x128xf32, #tpu.memory_space<vmem_shared>> -> memref<8x128xf32, #tpu.memory_space<vmem_shared>>
          %dma_start3A_64 = arith.constant 0 : i32
          %dma_start3A_65 = tpu.memref_slice %arg19[%mul3A_62, %dma_start3A_64] : memref<1280x128xf32, #tpu.memory_space<vmem_shared>> -> memref<8x128xf32, #tpu.memory_space<vmem_shared>>
          tpu.enqueue_dma source(%arg26 : memref<8x128xf32, #tpu.memory_space<vmem>>) target(%dma_start3A_65 : memref<8x128xf32, #tpu.memory_space<vmem_shared>>) target_semaphore(%run_scoped3A : memref<!tpu.dma_semaphore, #tpu.memory_space<semaphore_mem>>)
          %dma_wait3A = arith.constant 0 : i32
          %dma_wait3A_66 = tpu.memref_slice %arg19[%mul3A_62, %dma_wait3A] : memref<1280x128xf32, #tpu.memory_space<vmem_shared>> -> memref<8x128xf32, #tpu.memory_space<vmem_shared>>
          %dma_wait3A_67 = arith.constant 0 : i32
          %dma_wait3A_68 = tpu.memref_slice %arg19[%mul3A_62, %dma_wait3A_67] : memref<1280x128xf32, #tpu.memory_space<vmem_shared>> -> memref<8x128xf32, #tpu.memory_space<vmem_shared>>
          tpu.wait_dma2 semaphore(%run_scoped3A : memref<!tpu.dma_semaphore, #tpu.memory_space<semaphore_mem>>) src(%arg26 : memref<8x128xf32, #tpu.memory_space<vmem>>) dst(%dma_wait3A_68 : memref<8x128xf32, #tpu.memory_space<vmem_shared>>)
          tpu.yield
        }) : () -> ()
      } else {
      }
    }
    %scan3A_10 = arith.constant 89 : i32
    "tpu.region"() ({
      %run_scoped3A = tpu.sem_alloc : memref<!tpu.dma_semaphore, #tpu.memory_space<semaphore_mem>>
      tpu.enqueue_dma source(%arg12 : memref<128xf32, #tpu.memory_space<hbm>>) target(%arg25 : memref<128xf32, #tpu.memory_space<vmem>>) target_semaphore(%run_scoped3A : memref<!tpu.dma_semaphore, #tpu.memory_space<semaphore_mem>>)
      tpu.wait_dma2 semaphore(%run_scoped3A : memref<!tpu.dma_semaphore, #tpu.memory_space<semaphore_mem>>) src(%arg12 : memref<128xf32, #tpu.memory_space<hbm>>) dst(%arg25 : memref<128xf32, #tpu.memory_space<vmem>>)
      tpu.yield
    }) : () -> ()
    %get3A = arith.constant 0 : index
    %get3A_11 = tpu.vector_load %arg25[%get3A] {strides = array<i32>} : memref<128xf32, #tpu.memory_space<vmem>>, vector<16xf32>,
    %barrier3A = arith.constant 0 : index
    tpu.barrier barrier_id(%barrier3A)
    %scan3A_12 = arith.constant 0 : i32
    %scan3A_13 = arith.constant 10 : i32
    %scan3A_14 = arith.addi %scan3A_12, %scan3A_13 : i32
    %scan3A_15 = arith.constant 1 : i32
    scf.for %scan3A_44 = %scan3A_12 to %scan3A_14 step %scan3A_15  : i32 {
      %mul3A_45 = arith.constant 1 : i32
      %mul3A_46 = arith.muli %scan3A_44, %mul3A_45 : i32
      %add3A_47 = arith.constant 0 : i32
      %add3A_48 = arith.addi %add3A_47, %mul3A_46 : i32
      %mul3A_49 = arith.constant 10 : i32
      %mul3A_50 = arith.muli %add3A, %mul3A_49 : i32
      %add3A_51 = arith.addi %mul3A_50, %add3A_48 : i32
      %mul3A_52 = arith.constant 8 : i32
      %mul3A_53 = arith.muli %add3A_51, %mul3A_52 : i32
      "tpu.region"() ({
        %run_scoped3A = tpu.sem_alloc : memref<!tpu.dma_semaphore, #tpu.memory_space<semaphore_mem>>
        %dma_start3A_293 = arith.constant 0 : i32
        %dma_start3A_294 = tpu.memref_slice %arg8[%mul3A_53, %dma_start3A_293] : memref<2560x128xi32, #tpu.memory_space<hbm>> -> memref<8x128xi32, #tpu.memory_space<hbm>>
        %dma_start3A_295 = arith.constant 0 : i32
        %dma_start3A_296 = tpu.memref_slice %arg8[%mul3A_53, %dma_start3A_295] : memref<2560x128xi32, #tpu.memory_space<hbm>> -> memref<8x128xi32, #tpu.memory_space<hbm>>
        tpu.enqueue_dma source(%dma_start3A_296 : memref<8x128xi32, #tpu.memory_space<hbm>>) target(%arg20 : memref<8x128xi32, #tpu.memory_space<vmem>>) target_semaphore(%run_scoped3A : memref<!tpu.dma_semaphore, #tpu.memory_space<semaphore_mem>>)
        %dma_wait3A_297 = arith.constant 0 : i32
        %dma_wait3A_298 = tpu.memref_slice %arg8[%mul3A_53, %dma_wait3A_297] : memref<2560x128xi32, #tpu.memory_space<hbm>> -> memref<8x128xi32, #tpu.memory_space<hbm>>
        %dma_wait3A_299 = arith.constant 0 : i32
        %dma_wait3A_300 = tpu.memref_slice %arg8[%mul3A_53, %dma_wait3A_299] : memref<2560x128xi32, #tpu.memory_space<hbm>> -> memref<8x128xi32, #tpu.memory_space<hbm>>
        tpu.wait_dma2 semaphore(%run_scoped3A : memref<!tpu.dma_semaphore, #tpu.memory_space<semaphore_mem>>) src(%dma_wait3A_300 : memref<8x128xi32, #tpu.memory_space<hbm>>) dst(%arg20 : memref<8x128xi32, #tpu.memory_space<vmem>>)
        tpu.yield
      }) : () -> ()
      "tpu.region"() ({
        %run_scoped3A = tpu.sem_alloc : memref<!tpu.dma_semaphore, #tpu.memory_space<semaphore_mem>>
        %dma_start3A_293 = arith.constant 0 : i32
        %dma_start3A_294 = tpu.memref_slice %arg9[%mul3A_53, %dma_start3A_293] : memref<2560x128xi32, #tpu.memory_space<hbm>> -> memref<8x128xi32, #tpu.memory_space<hbm>>
        %dma_start3A_295 = arith.constant 0 : i32
        %dma_start3A_296 = tpu.memref_slice %arg9[%mul3A_53, %dma_start3A_295] : memref<2560x128xi32, #tpu.memory_space<hbm>> -> memref<8x128xi32, #tpu.memory_space<hbm>>
        tpu.enqueue_dma source(%dma_start3A_296 : memref<8x128xi32, #tpu.memory_space<hbm>>) target(%arg21 : memref<8x128xi32, #tpu.memory_space<vmem>>) target_semaphore(%run_scoped3A : memref<!tpu.dma_semaphore, #tpu.memory_space<semaphore_mem>>)
        %dma_wait3A_297 = arith.constant 0 : i32
        %dma_wait3A_298 = tpu.memref_slice %arg9[%mul3A_53, %dma_wait3A_297] : memref<2560x128xi32, #tpu.memory_space<hbm>> -> memref<8x128xi32, #tpu.memory_space<hbm>>
        %dma_wait3A_299 = arith.constant 0 : i32
        %dma_wait3A_300 = tpu.memref_slice %arg9[%mul3A_53, %dma_wait3A_299] : memref<2560x128xi32, #tpu.memory_space<hbm>> -> memref<8x128xi32, #tpu.memory_space<hbm>>
        tpu.wait_dma2 semaphore(%run_scoped3A : memref<!tpu.dma_semaphore, #tpu.memory_space<semaphore_mem>>) src(%dma_wait3A_300 : memref<8x128xi32, #tpu.memory_space<hbm>>) dst(%arg21 : memref<8x128xi32, #tpu.memory_space<vmem>>)
        tpu.yield
      }) : () -> ()
      %shift_right_logical3A = arith.constant 0 : i32
      %shift_right_logical3A_54 = arith.constant 3 : i32
      %shift_right_logical3A_55 = arith.shrui %shift_right_logical3A, %shift_right_logical3A_54 : i32
      %and3A = arith.constant 0 : i32
      %and3A_56 = arith.constant 7 : i32
      %and3A_57 = arith.andi %and3A, %and3A_56 : i32
      %mul3A_58 = arith.constant 16 : i32
      %mul3A_59 = arith.muli %and3A_57, %mul3A_58 : i32
      %get3A_60 = arith.index_cast %shift_right_logical3A_55 : i32 to index
      %get3A_61 = arith.index_cast %mul3A_59 : i32 to index
      %get3A_62 = tpu.vector_load %arg20[%get3A_60, %get3A_61] {strides = array<i32>} : memref<8x128xi32, #tpu.memory_space<vmem>>, vector<16xi32>,
      %get3A_63 = arith.index_cast %shift_right_logical3A_55 : i32 to index
      %get3A_64 = arith.index_cast %mul3A_59 : i32 to index
      %get3A_65 = tpu.vector_load %arg21[%get3A_63, %get3A_64] {strides = array<i32>} : memref<8x128xi32, #tpu.memory_space<vmem>>, vector<16xi32>,
      %dma_start3A = arith.constant 0 : i32
      %dma_start3A_66 = arith.constant 0 : i32
      %dma_start3A_67 = arith.constant 0 : i32
      %dma_start3A_68 = arith.constant 0 : i32
      %dma_start3A_69 = tpu.memref_slice %arg22[%dma_start3A, %dma_start3A_67, %dma_start3A_68] : memref<4x16x128xf32, #tpu.memory_space<vmem>> -> memref<1x16x128xf32, #tpu.memory_space<vmem>>
      %dma_start3A_70 = tpu.memref_squeeze %dma_start3A_69 : memref<1x16x128xf32, #tpu.memory_space<vmem>> -> memref<16x128xf32, #tpu.memory_space<vmem>>
      %dma_start3A_71 = arith.constant 0 : i32
      %dma_start3A_72 = arith.constant 0 : i32
      %dma_start3A_73 = tpu.memref_slice %arg4[%dma_start3A_71, %dma_start3A_72] : memref<10008x128xf32, #tpu.memory_space<hbm>> -> memref<10008x128xf32, #tpu.memory_space<hbm>>
      %dma_start3A_74 = tpu.memref_slice %arg27[%dma_start3A_66] : memref<4x!tpu.dma_semaphore, #tpu.memory_space<semaphore_mem>> -> memref<1x!tpu.dma_semaphore, #tpu.memory_space<semaphore_mem>>
      %dma_start3A_75 = tpu.memref_squeeze %dma_start3A_74 : memref<1x!tpu.dma_semaphore, #tpu.memory_space<semaphore_mem>> -> memref<!tpu.dma_semaphore, #tpu.memory_space<semaphore_mem>>
      tpu.enqueue_indirect_dma source(%dma_start3A_73 : memref<10008x128xf32, #tpu.memory_space<hbm>>) target(%dma_start3A_70 : memref<16x128xf32, #tpu.memory_space<vmem>>) offsets(%get3A_62 : vector<16xi32>) semaphore(%dma_start3A_75 : memref<!tpu.dma_semaphore, #tpu.memory_space<semaphore_mem>>)
      %dma_start3A_76 = arith.constant 0 : i32
      %dma_start3A_77 = arith.constant 0 : i32
      %dma_start3A_78 = arith.constant 0 : i32
      %dma_start3A_79 = arith.constant 0 : i32
      %dma_start3A_80 = tpu.memref_slice %arg23[%dma_start3A_76, %dma_start3A_78, %dma_start3A_79] : memref<4x16x128xf32, #tpu.memory_space<vmem>> -> memref<1x16x128xf32, #tpu.memory_space<vmem>>
      %dma_start3A_81 = tpu.memref_squeeze %dma_start3A_80 : memref<1x16x128xf32, #tpu.memory_space<vmem>> -> memref<16x128xf32, #tpu.memory_space<vmem>>
      %dma_start3A_82 = arith.constant 0 : i32
      %dma_start3A_83 = arith.constant 0 : i32
      %dma_start3A_84 = tpu.memref_slice %arg5[%dma_start3A_82, %dma_start3A_83] : memref<10008x128xf32, #tpu.memory_space<hbm>> -> memref<10008x128xf32, #tpu.memory_space<hbm>>
      %dma_start3A_85 = tpu.memref_slice %arg27[%dma_start3A_77] : memref<4x!tpu.dma_semaphore, #tpu.memory_space<semaphore_mem>> -> memref<1x!tpu.dma_semaphore, #tpu.memory_space<semaphore_mem>>
      %dma_start3A_86 = tpu.memref_squeeze %dma_start3A_85 : memref<1x!tpu.dma_semaphore, #tpu.memory_space<semaphore_mem>> -> memref<!tpu.dma_semaphore, #tpu.memory_space<semaphore_mem>>
      tpu.enqueue_indirect_dma source(%dma_start3A_84 : memref<10008x128xf32, #tpu.memory_space<hbm>>) target(%dma_start3A_81 : memref<16x128xf32, #tpu.memory_space<vmem>>) offsets(%get3A_65 : vector<16xi32>) semaphore(%dma_start3A_86 : memref<!tpu.dma_semaphore, #tpu.memory_space<semaphore_mem>>)
      %dma_start3A_87 = arith.constant 0 : i32
      %dma_start3A_88 = arith.constant 0 : i32
      %dma_start3A_89 = arith.constant 0 : i32
      %dma_start3A_90 = arith.constant 0 : i32
      %dma_start3A_91 = tpu.memref_slice %arg24[%dma_start3A_87, %dma_start3A_89, %dma_start3A_90] : memref<4x16x128xf32, #tpu.memory_space<vmem>> -> memref<1x16x128xf32, #tpu.memory_space<vmem>>
      %dma_start3A_92 = tpu.memref_squeeze %dma_start3A_91 : memref<1x16x128xf32, #tpu.memory_space<vmem>> -> memref<16x128xf32, #tpu.memory_space<vmem>>
      %dma_start3A_93 = arith.constant 0 : i32
      %dma_start3A_94 = arith.constant 0 : i32
      %dma_start3A_95 = tpu.memref_slice %arg2[%dma_start3A_93, %dma_start3A_94] : memref<10008x128xf32, #tpu.memory_space<hbm>> -> memref<10008x128xf32, #tpu.memory_space<hbm>>
      %dma_start3A_96 = tpu.memref_slice %arg27[%dma_start3A_88] : memref<4x!tpu.dma_semaphore, #tpu.memory_space<semaphore_mem>> -> memref<1x!tpu.dma_semaphore, #tpu.memory_space<semaphore_mem>>
      %dma_start3A_97 = tpu.memref_squeeze %dma_start3A_96 : memref<1x!tpu.dma_semaphore, #tpu.memory_space<semaphore_mem>> -> memref<!tpu.dma_semaphore, #tpu.memory_space<semaphore_mem>>
      tpu.enqueue_indirect_dma source(%dma_start3A_95 : memref<10008x128xf32, #tpu.memory_space<hbm>>) target(%dma_start3A_92 : memref<16x128xf32, #tpu.memory_space<vmem>>) offsets(%get3A_62 : vector<16xi32>) semaphore(%dma_start3A_97 : memref<!tpu.dma_semaphore, #tpu.memory_space<semaphore_mem>>)
      %shift_right_logical3A_98 = arith.constant 1 : i32
      %shift_right_logical3A_99 = arith.constant 3 : i32
      %shift_right_logical3A_100 = arith.shrui %shift_right_logical3A_98, %shift_right_logical3A_99 : i32
      %and3A_101 = arith.constant 1 : i32
      %and3A_102 = arith.constant 7 : i32
      %and3A_103 = arith.andi %and3A_101, %and3A_102 : i32
      %mul3A_104 = arith.constant 16 : i32
      %mul3A_105 = arith.muli %and3A_103, %mul3A_104 : i32
      %get3A_106 = arith.index_cast %shift_right_logical3A_100 : i32 to index
      %get3A_107 = arith.index_cast %mul3A_105 : i32 to index
      %get3A_108 = tpu.vector_load %arg20[%get3A_106, %get3A_107] {strides = array<i32>} : memref<8x128xi32, #tpu.memory_space<vmem>>, vector<16xi32>,
      %get3A_109 = arith.index_cast %shift_right_logical3A_100 : i32 to index
      %get3A_110 = arith.index_cast %mul3A_105 : i32 to index
      %get3A_111 = tpu.vector_load %arg21[%get3A_109, %get3A_110] {strides = array<i32>} : memref<8x128xi32, #tpu.memory_space<vmem>>, vector<16xi32>,
      %dma_start3A_112 = arith.constant 1 : i32
      %dma_start3A_113 = arith.constant 1 : i32
      %dma_start3A_114 = arith.constant 0 : i32
      %dma_start3A_115 = arith.constant 0 : i32
      %dma_start3A_116 = tpu.memref_slice %arg22[%dma_start3A_112, %dma_start3A_114, %dma_start3A_115] : memref<4x16x128xf32, #tpu.memory_space<vmem>> -> memref<1x16x128xf32, #tpu.memory_space<vmem>>
      %dma_start3A_117 = tpu.memref_squeeze %dma_start3A_116 : memref<1x16x128xf32, #tpu.memory_space<vmem>> -> memref<16x128xf32, #tpu.memory_space<vmem>>
      %dma_start3A_118 = arith.constant 0 : i32
      %dma_start3A_119 = arith.constant 0 : i32
      %dma_start3A_120 = tpu.memref_slice %arg4[%dma_start3A_118, %dma_start3A_119] : memref<10008x128xf32, #tpu.memory_space<hbm>> -> memref<10008x128xf32, #tpu.memory_space<hbm>>
      %dma_start3A_121 = tpu.memref_slice %arg27[%dma_start3A_113] : memref<4x!tpu.dma_semaphore, #tpu.memory_space<semaphore_mem>> -> memref<1x!tpu.dma_semaphore, #tpu.memory_space<semaphore_mem>>
      %dma_start3A_122 = tpu.memref_squeeze %dma_start3A_121 : memref<1x!tpu.dma_semaphore, #tpu.memory_space<semaphore_mem>> -> memref<!tpu.dma_semaphore, #tpu.memory_space<semaphore_mem>>
      tpu.enqueue_indirect_dma source(%dma_start3A_120 : memref<10008x128xf32, #tpu.memory_space<hbm>>) target(%dma_start3A_117 : memref<16x128xf32, #tpu.memory_space<vmem>>) offsets(%get3A_108 : vector<16xi32>) semaphore(%dma_start3A_122 : memref<!tpu.dma_semaphore, #tpu.memory_space<semaphore_mem>>)
      %dma_start3A_123 = arith.constant 1 : i32
      %dma_start3A_124 = arith.constant 1 : i32
      %dma_start3A_125 = arith.constant 0 : i32
      %dma_start3A_126 = arith.constant 0 : i32
      %dma_start3A_127 = tpu.memref_slice %arg23[%dma_start3A_123, %dma_start3A_125, %dma_start3A_126] : memref<4x16x128xf32, #tpu.memory_space<vmem>> -> memref<1x16x128xf32, #tpu.memory_space<vmem>>
      %dma_start3A_128 = tpu.memref_squeeze %dma_start3A_127 : memref<1x16x128xf32, #tpu.memory_space<vmem>> -> memref<16x128xf32, #tpu.memory_space<vmem>>
      %dma_start3A_129 = arith.constant 0 : i32
      %dma_start3A_130 = arith.constant 0 : i32
      %dma_start3A_131 = tpu.memref_slice %arg5[%dma_start3A_129, %dma_start3A_130] : memref<10008x128xf32, #tpu.memory_space<hbm>> -> memref<10008x128xf32, #tpu.memory_space<hbm>>
      %dma_start3A_132 = tpu.memref_slice %arg27[%dma_start3A_124] : memref<4x!tpu.dma_semaphore, #tpu.memory_space<semaphore_mem>> -> memref<1x!tpu.dma_semaphore, #tpu.memory_space<semaphore_mem>>
      %dma_start3A_133 = tpu.memref_squeeze %dma_start3A_132 : memref<1x!tpu.dma_semaphore, #tpu.memory_space<semaphore_mem>> -> memref<!tpu.dma_semaphore, #tpu.memory_space<semaphore_mem>>
      tpu.enqueue_indirect_dma source(%dma_start3A_131 : memref<10008x128xf32, #tpu.memory_space<hbm>>) target(%dma_start3A_128 : memref<16x128xf32, #tpu.memory_space<vmem>>) offsets(%get3A_111 : vector<16xi32>) semaphore(%dma_start3A_133 : memref<!tpu.dma_semaphore, #tpu.memory_space<semaphore_mem>>)
      %dma_start3A_134 = arith.constant 1 : i32
      %dma_start3A_135 = arith.constant 1 : i32
      %dma_start3A_136 = arith.constant 0 : i32
      %dma_start3A_137 = arith.constant 0 : i32
      %dma_start3A_138 = tpu.memref_slice %arg24[%dma_start3A_134, %dma_start3A_136, %dma_start3A_137] : memref<4x16x128xf32, #tpu.memory_space<vmem>> -> memref<1x16x128xf32, #tpu.memory_space<vmem>>
      %dma_start3A_139 = tpu.memref_squeeze %dma_start3A_138 : memref<1x16x128xf32, #tpu.memory_space<vmem>> -> memref<16x128xf32, #tpu.memory_space<vmem>>
      %dma_start3A_140 = arith.constant 0 : i32
      %dma_start3A_141 = arith.constant 0 : i32
      %dma_start3A_142 = tpu.memref_slice %arg2[%dma_start3A_140, %dma_start3A_141] : memref<10008x128xf32, #tpu.memory_space<hbm>> -> memref<10008x128xf32, #tpu.memory_space<hbm>>
      %dma_start3A_143 = tpu.memref_slice %arg27[%dma_start3A_135] : memref<4x!tpu.dma_semaphore, #tpu.memory_space<semaphore_mem>> -> memref<1x!tpu.dma_semaphore, #tpu.memory_space<semaphore_mem>>
      %dma_start3A_144 = tpu.memref_squeeze %dma_start3A_143 : memref<1x!tpu.dma_semaphore, #tpu.memory_space<semaphore_mem>> -> memref<!tpu.dma_semaphore, #tpu.memory_space<semaphore_mem>>
      tpu.enqueue_indirect_dma source(%dma_start3A_142 : memref<10008x128xf32, #tpu.memory_space<hbm>>) target(%dma_start3A_139 : memref<16x128xf32, #tpu.memory_space<vmem>>) offsets(%get3A_108 : vector<16xi32>) semaphore(%dma_start3A_144 : memref<!tpu.dma_semaphore, #tpu.memory_space<semaphore_mem>>)
      %scan3A_145 = arith.constant 0 : i32
      %scan3A_146 = arith.constant 64 : i32
      %scan3A_147 = arith.addi %scan3A_145, %scan3A_146 : i32
      %scan3A_148 = arith.constant 1 : i32
      scf.for %scan3A_293 = %scan3A_145 to %scan3A_147 step %scan3A_148  : i32 {
        %mul3A_294 = arith.constant 1 : i32
        %mul3A_295 = arith.muli %scan3A_293, %mul3A_294 : i32
        %add3A_296 = arith.constant 0 : i32
        %add3A_297 = arith.addi %add3A_296, %mul3A_295 : i32
        %rem3A = arith.constant 4 : i32
        %rem3A_298 = arith.remsi %add3A_297, %rem3A : i32
        %add3A_299 = arith.constant 2 : i32
        %add3A_300 = arith.addi %add3A_297, %add3A_299 : i32
        %rem3A_301 = arith.constant 4 : i32
        %rem3A_302 = arith.remsi %add3A_300, %rem3A_301 : i32
        %add3A_303 = arith.constant 2 : i32
        %add3A_304 = arith.addi %add3A_297, %add3A_303 : i32
        %lt3A = arith.constant 64 : i32
        %lt3A_305 = arith.cmpi slt, %add3A_304, %lt3A : i32
        %convert_element_type3A = arith.extui %lt3A_305 : i1 to i32
        %cond3A = arith.constant 0 : i32
        %cond3A_306 = arith.cmpi ne, %convert_element_type3A, %cond3A : i32
        scf.if %cond3A_306 {
          %ge3A = arith.constant 2 : i32
          %ge3A_388 = arith.cmpi sge, %add3A_297, %ge3A : i32
          %convert_element_type3A_389 = arith.extui %ge3A_388 : i1 to i32
          %cond3A_390 = arith.constant 0 : i32
          %cond3A_391 = arith.cmpi ne, %convert_element_type3A_389, %cond3A_390 : i32
          scf.if %cond3A_391 {
            %dma_wait3A_433 = arith.constant 0 : i32
            %dma_wait3A_434 = arith.constant 0 : i32
            %dma_wait3A_435 = tpu.memref_slice %arg24[%rem3A_302, %dma_wait3A_433, %dma_wait3A_434] : memref<4x16x128xf32, #tpu.memory_space<vmem>> -> memref<1x16x128xf32, #tpu.memory_space<vmem>>
            %dma_wait3A_436 = tpu.memref_squeeze %dma_wait3A_435 : memref<1x16x128xf32, #tpu.memory_space<vmem>> -> memref<16x128xf32, #tpu.memory_space<vmem>>
            %dma_wait3A_437 = arith.constant 0 : i32
            %dma_wait3A_438 = arith.constant 0 : i32
            %dma_wait3A_439 = tpu.memref_slice %arg18[%dma_wait3A_437, %dma_wait3A_438] : memref<10008x128xf32, #tpu.memory_space<vmem_shared>> -> memref<16x128xf32, #tpu.memory_space<vmem_shared>>
            %dma_wait3A_440 = tpu.memref_slice %arg28[%rem3A_302] : memref<4x!tpu.dma_semaphore, #tpu.memory_space<semaphore_mem>> -> memref<1x!tpu.dma_semaphore, #tpu.memory_space<semaphore_mem>>
            %dma_wait3A_441 = tpu.memref_squeeze %dma_wait3A_440 : memref<1x!tpu.dma_semaphore, #tpu.memory_space<semaphore_mem>> -> memref<!tpu.dma_semaphore, #tpu.memory_space<semaphore_mem>>
            %dma_wait3A_442 = arith.constant 0 : i32
            %dma_wait3A_443 = arith.constant 0 : i32
            %dma_wait3A_444 = tpu.memref_slice %arg18[%dma_wait3A_442, %dma_wait3A_443] : memref<10008x128xf32, #tpu.memory_space<vmem_shared>> -> memref<16x128xf32, #tpu.memory_space<vmem_shared>>
            %dma_wait3A_445 = arith.constant 0 : i32
            %dma_wait3A_446 = arith.constant 0 : i32
            %dma_wait3A_447 = tpu.memref_slice %arg24[%rem3A_302, %dma_wait3A_445, %dma_wait3A_446] : memref<4x16x128xf32, #tpu.memory_space<vmem>> -> memref<1x16x128xf32, #tpu.memory_space<vmem>>
            %dma_wait3A_448 = tpu.memref_squeeze %dma_wait3A_447 : memref<1x16x128xf32, #tpu.memory_space<vmem>> -> memref<16x128xf32, #tpu.memory_space<vmem>>
            tpu.wait_dma2 semaphore(%dma_wait3A_441 : memref<!tpu.dma_semaphore, #tpu.memory_space<semaphore_mem>>) src(%dma_wait3A_448 : memref<16x128xf32, #tpu.memory_space<vmem>>) dst(%dma_wait3A_444 : memref<16x128xf32, #tpu.memory_space<vmem_shared>>)
            %dma_wait3A_449 = arith.constant 0 : i32
            %dma_wait3A_450 = arith.constant 0 : i32
            %dma_wait3A_451 = tpu.memref_slice %arg23[%rem3A_302, %dma_wait3A_449, %dma_wait3A_450] : memref<4x16x128xf32, #tpu.memory_space<vmem>> -> memref<1x16x128xf32, #tpu.memory_space<vmem>>
            %dma_wait3A_452 = tpu.memref_squeeze %dma_wait3A_451 : memref<1x16x128xf32, #tpu.memory_space<vmem>> -> memref<16x128xf32, #tpu.memory_space<vmem>>
            %dma_wait3A_453 = arith.constant 0 : i32
            %dma_wait3A_454 = arith.constant 0 : i32
            %dma_wait3A_455 = tpu.memref_slice %arg19[%dma_wait3A_453, %dma_wait3A_454] : memref<1280x128xf32, #tpu.memory_space<vmem_shared>> -> memref<16x128xf32, #tpu.memory_space<vmem_shared>>
            %dma_wait3A_456 = tpu.memref_slice %arg28[%rem3A_302] : memref<4x!tpu.dma_semaphore, #tpu.memory_space<semaphore_mem>> -> memref<1x!tpu.dma_semaphore, #tpu.memory_space<semaphore_mem>>
            %dma_wait3A_457 = tpu.memref_squeeze %dma_wait3A_456 : memref<1x!tpu.dma_semaphore, #tpu.memory_space<semaphore_mem>> -> memref<!tpu.dma_semaphore, #tpu.memory_space<semaphore_mem>>
            %dma_wait3A_458 = arith.constant 0 : i32
            %dma_wait3A_459 = arith.constant 0 : i32
            %dma_wait3A_460 = tpu.memref_slice %arg19[%dma_wait3A_458, %dma_wait3A_459] : memref<1280x128xf32, #tpu.memory_space<vmem_shared>> -> memref<16x128xf32, #tpu.memory_space<vmem_shared>>
            %dma_wait3A_461 = arith.constant 0 : i32
            %dma_wait3A_462 = arith.constant 0 : i32
            %dma_wait3A_463 = tpu.memref_slice %arg23[%rem3A_302, %dma_wait3A_461, %dma_wait3A_462] : memref<4x16x128xf32, #tpu.memory_space<vmem>> -> memref<1x16x128xf32, #tpu.memory_space<vmem>>
            %dma_wait3A_464 = tpu.memref_squeeze %dma_wait3A_463 : memref<1x16x128xf32, #tpu.memory_space<vmem>> -> memref<16x128xf32, #tpu.memory_space<vmem>>
            tpu.wait_dma2 semaphore(%dma_wait3A_457 : memref<!tpu.dma_semaphore, #tpu.memory_space<semaphore_mem>>) src(%dma_wait3A_464 : memref<16x128xf32, #tpu.memory_space<vmem>>) dst(%dma_wait3A_460 : memref<16x128xf32, #tpu.memory_space<vmem_shared>>)
          } else {
          }
          %add3A_392 = arith.constant 2 : i32
          %add3A_393 = arith.addi %add3A_297, %add3A_392 : i32
          %shift_right_logical3A_394 = arith.constant 3 : i32
          %shift_right_logical3A_395 = arith.shrui %add3A_393, %shift_right_logical3A_394 : i32
          %and3A_396 = arith.constant 7 : i32
          %and3A_397 = arith.andi %add3A_393, %and3A_396 : i32
          %mul3A_398 = arith.constant 16 : i32
          %mul3A_399 = arith.muli %and3A_397, %mul3A_398 : i32
          %get3A_400 = arith.index_cast %shift_right_logical3A_395 : i32 to index
          %get3A_401 = arith.index_cast %mul3A_399 : i32 to index
          %get3A_402 = tpu.vector_load %arg20[%get3A_400, %get3A_401] {strides = array<i32>} : memref<8x128xi32, #tpu.memory_space<vmem>>, vector<16xi32>,
          %get3A_403 = arith.index_cast %shift_right_logical3A_395 : i32 to index
          %get3A_404 = arith.index_cast %mul3A_399 : i32 to index
          %get3A_405 = tpu.vector_load %arg21[%get3A_403, %get3A_404] {strides = array<i32>} : memref<8x128xi32, #tpu.memory_space<vmem>>, vector<16xi32>,
          %dma_start3A_406 = arith.constant 0 : i32
          %dma_start3A_407 = arith.constant 0 : i32
          %dma_start3A_408 = tpu.memref_slice %arg22[%rem3A_302, %dma_start3A_406, %dma_start3A_407] : memref<4x16x128xf32, #tpu.memory_space<vmem>> -> memref<1x16x128xf32, #tpu.memory_space<vmem>>
          %dma_start3A_409 = tpu.memref_squeeze %dma_start3A_408 : memref<1x16x128xf32, #tpu.memory_space<vmem>> -> memref<16x128xf32, #tpu.memory_space<vmem>>
          %dma_start3A_410 = arith.constant 0 : i32
          %dma_start3A_411 = arith.constant 0 : i32
          %dma_start3A_412 = tpu.memref_slice %arg4[%dma_start3A_410, %dma_start3A_411] : memref<10008x128xf32, #tpu.memory_space<hbm>> -> memref<10008x128xf32, #tpu.memory_space<hbm>>
          %dma_start3A_413 = tpu.memref_slice %arg27[%rem3A_302] : memref<4x!tpu.dma_semaphore, #tpu.memory_space<semaphore_mem>> -> memref<1x!tpu.dma_semaphore, #tpu.memory_space<semaphore_mem>>
          %dma_start3A_414 = tpu.memref_squeeze %dma_start3A_413 : memref<1x!tpu.dma_semaphore, #tpu.memory_space<semaphore_mem>> -> memref<!tpu.dma_semaphore, #tpu.memory_space<semaphore_mem>>
          tpu.enqueue_indirect_dma source(%dma_start3A_412 : memref<10008x128xf32, #tpu.memory_space<hbm>>) target(%dma_start3A_409 : memref<16x128xf32, #tpu.memory_space<vmem>>) offsets(%get3A_402 : vector<16xi32>) semaphore(%dma_start3A_414 : memref<!tpu.dma_semaphore, #tpu.memory_space<semaphore_mem>>)
          %dma_start3A_415 = arith.constant 0 : i32
          %dma_start3A_416 = arith.constant 0 : i32
          %dma_start3A_417 = tpu.memref_slice %arg23[%rem3A_302, %dma_start3A_415, %dma_start3A_416] : memref<4x16x128xf32, #tpu.memory_space<vmem>> -> memref<1x16x128xf32, #tpu.memory_space<vmem>>
          %dma_start3A_418 = tpu.memref_squeeze %dma_start3A_417 : memref<1x16x128xf32, #tpu.memory_space<vmem>> -> memref<16x128xf32, #tpu.memory_space<vmem>>
          %dma_start3A_419 = arith.constant 0 : i32
          %dma_start3A_420 = arith.constant 0 : i32
          %dma_start3A_421 = tpu.memref_slice %arg5[%dma_start3A_419, %dma_start3A_420] : memref<10008x128xf32, #tpu.memory_space<hbm>> -> memref<10008x128xf32, #tpu.memory_space<hbm>>
          %dma_start3A_422 = tpu.memref_slice %arg27[%rem3A_302] : memref<4x!tpu.dma_semaphore, #tpu.memory_space<semaphore_mem>> -> memref<1x!tpu.dma_semaphore, #tpu.memory_space<semaphore_mem>>
          %dma_start3A_423 = tpu.memref_squeeze %dma_start3A_422 : memref<1x!tpu.dma_semaphore, #tpu.memory_space<semaphore_mem>> -> memref<!tpu.dma_semaphore, #tpu.memory_space<semaphore_mem>>
          tpu.enqueue_indirect_dma source(%dma_start3A_421 : memref<10008x128xf32, #tpu.memory_space<hbm>>) target(%dma_start3A_418 : memref<16x128xf32, #tpu.memory_space<vmem>>) offsets(%get3A_405 : vector<16xi32>) semaphore(%dma_start3A_423 : memref<!tpu.dma_semaphore, #tpu.memory_space<semaphore_mem>>)
          %dma_start3A_424 = arith.constant 0 : i32
          %dma_start3A_425 = arith.constant 0 : i32
          %dma_start3A_426 = tpu.memref_slice %arg24[%rem3A_302, %dma_start3A_424, %dma_start3A_425] : memref<4x16x128xf32, #tpu.memory_space<vmem>> -> memref<1x16x128xf32, #tpu.memory_space<vmem>>
          %dma_start3A_427 = tpu.memref_squeeze %dma_start3A_426 : memref<1x16x128xf32, #tpu.memory_space<vmem>> -> memref<16x128xf32, #tpu.memory_space<vmem>>
          %dma_start3A_428 = arith.constant 0 : i32
          %dma_start3A_429 = arith.constant 0 : i32
          %dma_start3A_430 = tpu.memref_slice %arg2[%dma_start3A_428, %dma_start3A_429] : memref<10008x128xf32, #tpu.memory_space<hbm>> -> memref<10008x128xf32, #tpu.memory_space<hbm>>
          %dma_start3A_431 = tpu.memref_slice %arg27[%rem3A_302] : memref<4x!tpu.dma_semaphore, #tpu.memory_space<semaphore_mem>> -> memref<1x!tpu.dma_semaphore, #tpu.memory_space<semaphore_mem>>
          %dma_start3A_432 = tpu.memref_squeeze %dma_start3A_431 : memref<1x!tpu.dma_semaphore, #tpu.memory_space<semaphore_mem>> -> memref<!tpu.dma_semaphore, #tpu.memory_space<semaphore_mem>>
          tpu.enqueue_indirect_dma source(%dma_start3A_430 : memref<10008x128xf32, #tpu.memory_space<hbm>>) target(%dma_start3A_427 : memref<16x128xf32, #tpu.memory_space<vmem>>) offsets(%get3A_402 : vector<16xi32>) semaphore(%dma_start3A_432 : memref<!tpu.dma_semaphore, #tpu.memory_space<semaphore_mem>>)
        } else {
        }
        %shift_right_logical3A_307 = arith.constant 3 : i32
        %shift_right_logical3A_308 = arith.shrui %add3A_297, %shift_right_logical3A_307 : i32
        %and3A_309 = arith.constant 7 : i32
        %and3A_310 = arith.andi %add3A_297, %and3A_309 : i32
        %mul3A_311 = arith.constant 16 : i32
        %mul3A_312 = arith.muli %and3A_310, %mul3A_311 : i32
        %get3A_313 = arith.index_cast %shift_right_logical3A_308 : i32 to index
        %get3A_314 = arith.index_cast %mul3A_312 : i32 to index
        %get3A_315 = tpu.vector_load %arg21[%get3A_313, %get3A_314] {strides = array<i32>} : memref<8x128xi32, #tpu.memory_space<vmem>>, vector<16xi32>,
        %dma_wait3A_316 = arith.constant 0 : i32
        %dma_wait3A_317 = arith.constant 0 : i32
        %dma_wait3A_318 = tpu.memref_slice %arg22[%rem3A_298, %dma_wait3A_316, %dma_wait3A_317] : memref<4x16x128xf32, #tpu.memory_space<vmem>> -> memref<1x16x128xf32, #tpu.memory_space<vmem>>
        %dma_wait3A_319 = tpu.memref_squeeze %dma_wait3A_318 : memref<1x16x128xf32, #tpu.memory_space<vmem>> -> memref<16x128xf32, #tpu.memory_space<vmem>>
        %dma_wait3A_320 = arith.constant 0 : i32
        %dma_wait3A_321 = arith.constant 0 : i32
        %dma_wait3A_322 = tpu.memref_slice %arg4[%dma_wait3A_320, %dma_wait3A_321] : memref<10008x128xf32, #tpu.memory_space<hbm>> -> memref<16x128xf32, #tpu.memory_space<hbm>>
        %dma_wait3A_323 = tpu.memref_slice %arg27[%rem3A_298] : memref<4x!tpu.dma_semaphore, #tpu.memory_space<semaphore_mem>> -> memref<1x!tpu.dma_semaphore, #tpu.memory_space<semaphore_mem>>
        %dma_wait3A_324 = tpu.memref_squeeze %dma_wait3A_323 : memref<1x!tpu.dma_semaphore, #tpu.memory_space<semaphore_mem>> -> memref<!tpu.dma_semaphore, #tpu.memory_space<semaphore_mem>>
        %dma_wait3A_325 = arith.constant 0 : i32
        %dma_wait3A_326 = arith.constant 0 : i32
        %dma_wait3A_327 = tpu.memref_slice %arg22[%rem3A_298, %dma_wait3A_325, %dma_wait3A_326] : memref<4x16x128xf32, #tpu.memory_space<vmem>> -> memref<1x16x128xf32, #tpu.memory_space<vmem>>
        %dma_wait3A_328 = tpu.memref_squeeze %dma_wait3A_327 : memref<1x16x128xf32, #tpu.memory_space<vmem>> -> memref<16x128xf32, #tpu.memory_space<vmem>>
        %dma_wait3A_329 = arith.constant 0 : i32
        %dma_wait3A_330 = arith.constant 0 : i32
        %dma_wait3A_331 = tpu.memref_slice %arg4[%dma_wait3A_329, %dma_wait3A_330] : memref<10008x128xf32, #tpu.memory_space<hbm>> -> memref<16x128xf32, #tpu.memory_space<hbm>>
        tpu.wait_dma2 semaphore(%dma_wait3A_324 : memref<!tpu.dma_semaphore, #tpu.memory_space<semaphore_mem>>) src(%dma_wait3A_331 : memref<16x128xf32, #tpu.memory_space<hbm>>) dst(%dma_wait3A_328 : memref<16x128xf32, #tpu.memory_space<vmem>>)
        %dma_wait3A_332 = arith.constant 0 : i32
        %dma_wait3A_333 = arith.constant 0 : i32
        %dma_wait3A_334 = tpu.memref_slice %arg23[%rem3A_298, %dma_wait3A_332, %dma_wait3A_333] : memref<4x16x128xf32, #tpu.memory_space<vmem>> -> memref<1x16x128xf32, #tpu.memory_space<vmem>>
        %dma_wait3A_335 = tpu.memref_squeeze %dma_wait3A_334 : memref<1x16x128xf32, #tpu.memory_space<vmem>> -> memref<16x128xf32, #tpu.memory_space<vmem>>
        %dma_wait3A_336 = arith.constant 0 : i32
        %dma_wait3A_337 = arith.constant 0 : i32
        %dma_wait3A_338 = tpu.memref_slice %arg5[%dma_wait3A_336, %dma_wait3A_337] : memref<10008x128xf32, #tpu.memory_space<hbm>> -> memref<16x128xf32, #tpu.memory_space<hbm>>
        %dma_wait3A_339 = tpu.memref_slice %arg27[%rem3A_298] : memref<4x!tpu.dma_semaphore, #tpu.memory_space<semaphore_mem>> -> memref<1x!tpu.dma_semaphore, #tpu.memory_space<semaphore_mem>>
        %dma_wait3A_340 = tpu.memref_squeeze %dma_wait3A_339 : memref<1x!tpu.dma_semaphore, #tpu.memory_space<semaphore_mem>> -> memref<!tpu.dma_semaphore, #tpu.memory_space<semaphore_mem>>
        %dma_wait3A_341 = arith.constant 0 : i32
        %dma_wait3A_342 = arith.constant 0 : i32
        %dma_wait3A_343 = tpu.memref_slice %arg23[%rem3A_298, %dma_wait3A_341, %dma_wait3A_342] : memref<4x16x128xf32, #tpu.memory_space<vmem>> -> memref<1x16x128xf32, #tpu.memory_space<vmem>>
        %dma_wait3A_344 = tpu.memref_squeeze %dma_wait3A_343 : memref<1x16x128xf32, #tpu.memory_space<vmem>> -> memref<16x128xf32, #tpu.memory_space<vmem>>
        %dma_wait3A_345 = arith.constant 0 : i32
        %dma_wait3A_346 = arith.constant 0 : i32
        %dma_wait3A_347 = tpu.memref_slice %arg5[%dma_wait3A_345, %dma_wait3A_346] : memref<10008x128xf32, #tpu.memory_space<hbm>> -> memref<16x128xf32, #tpu.memory_space<hbm>>
        tpu.wait_dma2 semaphore(%dma_wait3A_340 : memref<!tpu.dma_semaphore, #tpu.memory_space<semaphore_mem>>) src(%dma_wait3A_347 : memref<16x128xf32, #tpu.memory_space<hbm>>) dst(%dma_wait3A_344 : memref<16x128xf32, #tpu.memory_space<vmem>>)
        %dma_wait3A_348 = arith.constant 0 : i32
        %dma_wait3A_349 = arith.constant 0 : i32
        %dma_wait3A_350 = tpu.memref_slice %arg24[%rem3A_298, %dma_wait3A_348, %dma_wait3A_349] : memref<4x16x128xf32, #tpu.memory_space<vmem>> -> memref<1x16x128xf32, #tpu.memory_space<vmem>>
        %dma_wait3A_351 = tpu.memref_squeeze %dma_wait3A_350 : memref<1x16x128xf32, #tpu.memory_space<vmem>> -> memref<16x128xf32, #tpu.memory_space<vmem>>
        %dma_wait3A_352 = arith.constant 0 : i32
        %dma_wait3A_353 = arith.constant 0 : i32
        %dma_wait3A_354 = tpu.memref_slice %arg2[%dma_wait3A_352, %dma_wait3A_353] : memref<10008x128xf32, #tpu.memory_space<hbm>> -> memref<16x128xf32, #tpu.memory_space<hbm>>
        %dma_wait3A_355 = tpu.memref_slice %arg27[%rem3A_298] : memref<4x!tpu.dma_semaphore, #tpu.memory_space<semaphore_mem>> -> memref<1x!tpu.dma_semaphore, #tpu.memory_space<semaphore_mem>>
        %dma_wait3A_356 = tpu.memref_squeeze %dma_wait3A_355 : memref<1x!tpu.dma_semaphore, #tpu.memory_space<semaphore_mem>> -> memref<!tpu.dma_semaphore, #tpu.memory_space<semaphore_mem>>
        %dma_wait3A_357 = arith.constant 0 : i32
        %dma_wait3A_358 = arith.constant 0 : i32
        %dma_wait3A_359 = tpu.memref_slice %arg24[%rem3A_298, %dma_wait3A_357, %dma_wait3A_358] : memref<4x16x128xf32, #tpu.memory_space<vmem>> -> memref<1x16x128xf32, #tpu.memory_space<vmem>>
        %dma_wait3A_360 = tpu.memref_squeeze %dma_wait3A_359 : memref<1x16x128xf32, #tpu.memory_space<vmem>> -> memref<16x128xf32, #tpu.memory_space<vmem>>
        %dma_wait3A_361 = arith.constant 0 : i32
        %dma_wait3A_362 = arith.constant 0 : i32
        %dma_wait3A_363 = tpu.memref_slice %arg2[%dma_wait3A_361, %dma_wait3A_362] : memref<10008x128xf32, #tpu.memory_space<hbm>> -> memref<16x128xf32, #tpu.memory_space<hbm>>
        tpu.wait_dma2 semaphore(%dma_wait3A_356 : memref<!tpu.dma_semaphore, #tpu.memory_space<semaphore_mem>>) src(%dma_wait3A_363 : memref<16x128xf32, #tpu.memory_space<hbm>>) dst(%dma_wait3A_360 : memref<16x128xf32, #tpu.memory_space<vmem>>)
        %broadcast_in_dim3A_364 = vector.broadcast %rem3A_298 : i32 to vector<16xi32>
        %parallel_loop3A = arith.constant 0 : i32
        %parallel_loop3A_365 = arith.constant 16 : i32
        %parallel_loop3A_366 = arith.constant 1 : i32
        scf.for %parallel_loop3A_388 = %parallel_loop3A to %parallel_loop3A_365 step %parallel_loop3A_366  : i32 {
          %parallel_loop3A_389 = arith.index_cast %rem3A_298 : i32 to index
          %parallel_loop3A_390 = arith.index_cast %parallel_loop3A_388 : i32 to index
          %parallel_loop3A_391 = arith.constant 0 : index
          %parallel_loop3A_392 = tpu.vector_load %arg22[%parallel_loop3A_389, %parallel_loop3A_390, %parallel_loop3A_391] {strides = array<i32>} : memref<4x16x128xf32, #tpu.memory_space<vmem>>, vector<16xf32>,
          %parallel_loop3A_393 = arith.index_cast %rem3A_298 : i32 to index
          %parallel_loop3A_394 = arith.index_cast %parallel_loop3A_388 : i32 to index
          %parallel_loop3A_395 = arith.constant 0 : index
          %parallel_loop3A_396 = tpu.vector_load %arg23[%parallel_loop3A_393, %parallel_loop3A_394, %parallel_loop3A_395] {strides = array<i32>} : memref<4x16x128xf32, #tpu.memory_space<vmem>>, vector<16xf32>,
          %parallel_loop3A_397 = arith.addf %parallel_loop3A_392, %parallel_loop3A_396 : vector<16xf32>
          %parallel_loop3A_398 = arith.constant 0.000000e+00 : f32
          %parallel_loop3A_399 = vector.broadcast %parallel_loop3A_398 : f32 to vector<16xf32>
          %parallel_loop3A_400 = arith.cmpf ogt, %parallel_loop3A_397, %parallel_loop3A_399 : vector<16xf32>
          %parallel_loop3A_401 = arith.constant 2.000000e-01 : f32
          %parallel_loop3A_402 = vector.broadcast %parallel_loop3A_401 : f32 to vector<16xf32>
          %parallel_loop3A_403 = arith.mulf %parallel_loop3A_397, %parallel_loop3A_402 : vector<16xf32>
          %parallel_loop3A_404 = arith.select %parallel_loop3A_400, %parallel_loop3A_397, %parallel_loop3A_403 : vector<16xi1>, vector<16xf32>
          %parallel_loop3A_405 = arith.subf %parallel_loop3A_404, %get3A_11 : vector<16xf32>
          %parallel_loop3A_406 = math.exp %parallel_loop3A_405 : vector<16xf32>
          %parallel_loop3A_407 = vector.broadcast %parallel_loop3A_388 : i32 to vector<16xi32>
          %parallel_loop3A_408 = arith.constant 0 : i32
          %parallel_loop3A_409 = vector.broadcast %parallel_loop3A_408 : i32 to vector<16xi32>
          %parallel_loop3A_410 = arith.cmpi slt, %parallel_loop3A_407, %parallel_loop3A_409 : vector<16xi32>
          %parallel_loop3A_411 = arith.constant 16 : i32
          %parallel_loop3A_412 = vector.broadcast %parallel_loop3A_411 : i32 to vector<16xi32>
          %parallel_loop3A_413 = arith.addi %parallel_loop3A_407, %parallel_loop3A_412 : vector<16xi32>
          %parallel_loop3A_414 = arith.select %parallel_loop3A_410, %parallel_loop3A_413, %parallel_loop3A_407 : vector<16xi1>, vector<16xi32>
          %parallel_loop3A_415 = vector.shape_cast %parallel_loop3A_414 : vector<16xi32> to vector<16x1xi32>
          %parallel_loop3A_416 = vector.shape_cast %parallel_loop3A_415 : vector<16x1xi32> to vector<16xi32>
          %parallel_loop3A_417 = tpu.dynamic_gather %get3A_315[%parallel_loop3A_416] in [0] : vector<16xi32>, vector<16xi32> -> vector<16xi32>
          %parallel_loop3A_418 = arith.constant 7 : i32
          %parallel_loop3A_419 = vector.broadcast %parallel_loop3A_418 : i32 to vector<16xi32>
          %parallel_loop3A_420 = arith.andi %parallel_loop3A_417, %parallel_loop3A_419 : vector<16xi32>
          %parallel_loop3A_421 = arith.constant 16 : i32
          %parallel_loop3A_422 = vector.broadcast %parallel_loop3A_421 : i32 to vector<16xi32>
          %parallel_loop3A_423 = arith.muli %parallel_loop3A_420, %parallel_loop3A_422 : vector<16xi32>
          %parallel_loop3A_424 = arith.addi %parallel_loop3A_423, %iota3A : vector<16xi32>
          %parallel_loop3A_425 = arith.index_cast %rem3A_298 : i32 to index
          %parallel_loop3A_426 = arith.index_cast %parallel_loop3A_388 : i32 to index
          %parallel_loop3A_427 = arith.constant 0 : index
          %parallel_loop3A_428 = tpu.vector_load %arg23[%parallel_loop3A_425, %parallel_loop3A_426, %parallel_loop3A_427] {strides = array<i32>} : memref<4x16x128xf32, #tpu.memory_space<vmem>>, vector<16xf32>,
          tpu.vector_store %arg23[%parallel_loop3A_425, %parallel_loop3A_426, %parallel_loop3A_427], %broadcast_in_dim3A_1 {strides = array<i32>} : memref<4x16x128xf32, #tpu.memory_space<vmem>>, vector<16xf32>,
          %parallel_loop3A_429 = arith.index_cast %rem3A_298 : i32 to index
          %parallel_loop3A_430 = arith.index_cast %parallel_loop3A_388 : i32 to index
          %parallel_loop3A_431 = arith.constant 16 : index
          %parallel_loop3A_432 = tpu.vector_load %arg23[%parallel_loop3A_429, %parallel_loop3A_430, %parallel_loop3A_431] {strides = array<i32>} : memref<4x16x128xf32, #tpu.memory_space<vmem>>, vector<16xf32>,
          tpu.vector_store %arg23[%parallel_loop3A_429, %parallel_loop3A_430, %parallel_loop3A_431], %broadcast_in_dim3A_1 {strides = array<i32>} : memref<4x16x128xf32, #tpu.memory_space<vmem>>, vector<16xf32>,
          %parallel_loop3A_433 = arith.index_cast %rem3A_298 : i32 to index
          %parallel_loop3A_434 = arith.index_cast %parallel_loop3A_388 : i32 to index
          %parallel_loop3A_435 = arith.constant 32 : index
          %parallel_loop3A_436 = tpu.vector_load %arg23[%parallel_loop3A_433, %parallel_loop3A_434, %parallel_loop3A_435] {strides = array<i32>} : memref<4x16x128xf32, #tpu.memory_space<vmem>>, vector<16xf32>,
          tpu.vector_store %arg23[%parallel_loop3A_433, %parallel_loop3A_434, %parallel_loop3A_435], %broadcast_in_dim3A_1 {strides = array<i32>} : memref<4x16x128xf32, #tpu.memory_space<vmem>>, vector<16xf32>,
          %parallel_loop3A_437 = arith.index_cast %rem3A_298 : i32 to index
          %parallel_loop3A_438 = arith.index_cast %parallel_loop3A_388 : i32 to index
          %parallel_loop3A_439 = arith.constant 48 : index
          %parallel_loop3A_440 = tpu.vector_load %arg23[%parallel_loop3A_437, %parallel_loop3A_438, %parallel_loop3A_439] {strides = array<i32>} : memref<4x16x128xf32, #tpu.memory_space<vmem>>, vector<16xf32>,
          tpu.vector_store %arg23[%parallel_loop3A_437, %parallel_loop3A_438, %parallel_loop3A_439], %broadcast_in_dim3A_1 {strides = array<i32>} : memref<4x16x128xf32, #tpu.memory_space<vmem>>, vector<16xf32>,
          %parallel_loop3A_441 = arith.index_cast %rem3A_298 : i32 to index
          %parallel_loop3A_442 = arith.index_cast %parallel_loop3A_388 : i32 to index
          %parallel_loop3A_443 = arith.constant 64 : index
          %parallel_loop3A_444 = tpu.vector_load %arg23[%parallel_loop3A_441, %parallel_loop3A_442, %parallel_loop3A_443] {strides = array<i32>} : memref<4x16x128xf32, #tpu.memory_space<vmem>>, vector<16xf32>,
          tpu.vector_store %arg23[%parallel_loop3A_441, %parallel_loop3A_442, %parallel_loop3A_443], %broadcast_in_dim3A_1 {strides = array<i32>} : memref<4x16x128xf32, #tpu.memory_space<vmem>>, vector<16xf32>,
          %parallel_loop3A_445 = arith.index_cast %rem3A_298 : i32 to index
          %parallel_loop3A_446 = arith.index_cast %parallel_loop3A_388 : i32 to index
          %parallel_loop3A_447 = arith.constant 80 : index
          %parallel_loop3A_448 = tpu.vector_load %arg23[%parallel_loop3A_445, %parallel_loop3A_446, %parallel_loop3A_447] {strides = array<i32>} : memref<4x16x128xf32, #tpu.memory_space<vmem>>, vector<16xf32>,
          tpu.vector_store %arg23[%parallel_loop3A_445, %parallel_loop3A_446, %parallel_loop3A_447], %broadcast_in_dim3A_1 {strides = array<i32>} : memref<4x16x128xf32, #tpu.memory_space<vmem>>, vector<16xf32>,
          %parallel_loop3A_449 = arith.index_cast %rem3A_298 : i32 to index
          %parallel_loop3A_450 = arith.index_cast %parallel_loop3A_388 : i32 to index
          %parallel_loop3A_451 = arith.constant 96 : index
          %parallel_loop3A_452 = tpu.vector_load %arg23[%parallel_loop3A_449, %parallel_loop3A_450, %parallel_loop3A_451] {strides = array<i32>} : memref<4x16x128xf32, #tpu.memory_space<vmem>>, vector<16xf32>,
          tpu.vector_store %arg23[%parallel_loop3A_449, %parallel_loop3A_450, %parallel_loop3A_451], %broadcast_in_dim3A_1 {strides = array<i32>} : memref<4x16x128xf32, #tpu.memory_space<vmem>>, vector<16xf32>,
          %parallel_loop3A_453 = arith.index_cast %rem3A_298 : i32 to index
          %parallel_loop3A_454 = arith.index_cast %parallel_loop3A_388 : i32 to index
          %parallel_loop3A_455 = arith.constant 112 : index
          %parallel_loop3A_456 = tpu.vector_load %arg23[%parallel_loop3A_453, %parallel_loop3A_454, %parallel_loop3A_455] {strides = array<i32>} : memref<4x16x128xf32, #tpu.memory_space<vmem>>, vector<16xf32>,
          tpu.vector_store %arg23[%parallel_loop3A_453, %parallel_loop3A_454, %parallel_loop3A_455], %broadcast_in_dim3A_1 {strides = array<i32>} : memref<4x16x128xf32, #tpu.memory_space<vmem>>, vector<16xf32>,
          tpu.vector_store_idx %arg23[%broadcast_in_dim3A_364, %parallel_loop3A_407, %parallel_loop3A_424], %parallel_loop3A_406 : memref<4x16x128xf32, #tpu.memory_space<vmem>>[vector<16xi32>, vector<16xi32>, vector<16xi32>], vector<16xf32>,
          %parallel_loop3A_457 = arith.constant 0 : i32
          %parallel_loop3A_458 = vector.broadcast %parallel_loop3A_457 : i32 to vector<16xi32>
          %parallel_loop3A_459 = arith.constant 0 : i32
          %parallel_loop3A_460 = vector.broadcast %parallel_loop3A_459 : i32 to vector<16xi32>
          %parallel_loop3A_461 = arith.cmpi slt, %parallel_loop3A_458, %parallel_loop3A_460 : vector<16xi32>
          %parallel_loop3A_462 = arith.constant 16 : i32
          %parallel_loop3A_463 = vector.broadcast %parallel_loop3A_462 : i32 to vector<16xi32>
          %parallel_loop3A_464 = arith.addi %parallel_loop3A_458, %parallel_loop3A_463 : vector<16xi32>
          %parallel_loop3A_465 = arith.select %parallel_loop3A_461, %parallel_loop3A_464, %parallel_loop3A_458 : vector<16xi1>, vector<16xi32>
          %parallel_loop3A_466 = vector.shape_cast %parallel_loop3A_465 : vector<16xi32> to vector<16x1xi32>
          %parallel_loop3A_467 = vector.shape_cast %parallel_loop3A_466 : vector<16x1xi32> to vector<16xi32>
          %parallel_loop3A_468 = tpu.dynamic_gather %parallel_loop3A_406[%parallel_loop3A_467] in [0] : vector<16xf32>, vector<16xi32> -> vector<16xf32>
          %parallel_loop3A_469 = arith.index_cast %rem3A_298 : i32 to index
          %parallel_loop3A_470 = arith.index_cast %parallel_loop3A_388 : i32 to index
          %parallel_loop3A_471 = arith.constant 0 : index
          %parallel_loop3A_472 = tpu.vector_load %arg24[%parallel_loop3A_469, %parallel_loop3A_470, %parallel_loop3A_471] {strides = array<i32>} : memref<4x16x128xf32, #tpu.memory_space<vmem>>, vector<16xf32>,
          %parallel_loop3A_473 = arith.mulf %parallel_loop3A_472, %parallel_loop3A_468 : vector<16xf32>
          %parallel_loop3A_474 = arith.index_cast %rem3A_298 : i32 to index
          %parallel_loop3A_475 = arith.index_cast %parallel_loop3A_388 : i32 to index
          %parallel_loop3A_476 = arith.constant 0 : index
          %parallel_loop3A_477 = tpu.vector_load %arg24[%parallel_loop3A_474, %parallel_loop3A_475, %parallel_loop3A_476] {strides = array<i32>} : memref<4x16x128xf32, #tpu.memory_space<vmem>>, vector<16xf32>,
          tpu.vector_store %arg24[%parallel_loop3A_474, %parallel_loop3A_475, %parallel_loop3A_476], %parallel_loop3A_473 {strides = array<i32>} : memref<4x16x128xf32, #tpu.memory_space<vmem>>, vector<16xf32>,
          %parallel_loop3A_478 = arith.constant 1 : i32
          %parallel_loop3A_479 = vector.broadcast %parallel_loop3A_478 : i32 to vector<16xi32>
          %parallel_loop3A_480 = arith.constant 0 : i32
          %parallel_loop3A_481 = vector.broadcast %parallel_loop3A_480 : i32 to vector<16xi32>
          %parallel_loop3A_482 = arith.cmpi slt, %parallel_loop3A_479, %parallel_loop3A_481 : vector<16xi32>
          %parallel_loop3A_483 = arith.constant 16 : i32
          %parallel_loop3A_484 = vector.broadcast %parallel_loop3A_483 : i32 to vector<16xi32>
          %parallel_loop3A_485 = arith.addi %parallel_loop3A_479, %parallel_loop3A_484 : vector<16xi32>
          %parallel_loop3A_486 = arith.select %parallel_loop3A_482, %parallel_loop3A_485, %parallel_loop3A_479 : vector<16xi1>, vector<16xi32>
          %parallel_loop3A_487 = vector.shape_cast %parallel_loop3A_486 : vector<16xi32> to vector<16x1xi32>
          %parallel_loop3A_488 = vector.shape_cast %parallel_loop3A_487 : vector<16x1xi32> to vector<16xi32>
          %parallel_loop3A_489 = tpu.dynamic_gather %parallel_loop3A_406[%parallel_loop3A_488] in [0] : vector<16xf32>, vector<16xi32> -> vector<16xf32>
          %parallel_loop3A_490 = arith.index_cast %rem3A_298 : i32 to index
          %parallel_loop3A_491 = arith.index_cast %parallel_loop3A_388 : i32 to index
          %parallel_loop3A_492 = arith.constant 16 : index
          %parallel_loop3A_493 = tpu.vector_load %arg24[%parallel_loop3A_490, %parallel_loop3A_491, %parallel_loop3A_492] {strides = array<i32>} : memref<4x16x128xf32, #tpu.memory_space<vmem>>, vector<16xf32>,
          %parallel_loop3A_494 = arith.mulf %parallel_loop3A_493, %parallel_loop3A_489 : vector<16xf32>
          %parallel_loop3A_495 = arith.index_cast %rem3A_298 : i32 to index
          %parallel_loop3A_496 = arith.index_cast %parallel_loop3A_388 : i32 to index
          %parallel_loop3A_497 = arith.constant 16 : index
          %parallel_loop3A_498 = tpu.vector_load %arg24[%parallel_loop3A_495, %parallel_loop3A_496, %parallel_loop3A_497] {strides = array<i32>} : memref<4x16x128xf32, #tpu.memory_space<vmem>>, vector<16xf32>,
          tpu.vector_store %arg24[%parallel_loop3A_495, %parallel_loop3A_496, %parallel_loop3A_497], %parallel_loop3A_494 {strides = array<i32>} : memref<4x16x128xf32, #tpu.memory_space<vmem>>, vector<16xf32>,
          %parallel_loop3A_499 = arith.constant 2 : i32
          %parallel_loop3A_500 = vector.broadcast %parallel_loop3A_499 : i32 to vector<16xi32>
          %parallel_loop3A_501 = arith.constant 0 : i32
          %parallel_loop3A_502 = vector.broadcast %parallel_loop3A_501 : i32 to vector<16xi32>
          %parallel_loop3A_503 = arith.cmpi slt, %parallel_loop3A_500, %parallel_loop3A_502 : vector<16xi32>
          %parallel_loop3A_504 = arith.constant 16 : i32
          %parallel_loop3A_505 = vector.broadcast %parallel_loop3A_504 : i32 to vector<16xi32>
          %parallel_loop3A_506 = arith.addi %parallel_loop3A_500, %parallel_loop3A_505 : vector<16xi32>
          %parallel_loop3A_507 = arith.select %parallel_loop3A_503, %parallel_loop3A_506, %parallel_loop3A_500 : vector<16xi1>, vector<16xi32>
          %parallel_loop3A_508 = vector.shape_cast %parallel_loop3A_507 : vector<16xi32> to vector<16x1xi32>
          %parallel_loop3A_509 = vector.shape_cast %parallel_loop3A_508 : vector<16x1xi32> to vector<16xi32>
          %parallel_loop3A_510 = tpu.dynamic_gather %parallel_loop3A_406[%parallel_loop3A_509] in [0] : vector<16xf32>, vector<16xi32> -> vector<16xf32>
          %parallel_loop3A_511 = arith.index_cast %rem3A_298 : i32 to index
          %parallel_loop3A_512 = arith.index_cast %parallel_loop3A_388 : i32 to index
          %parallel_loop3A_513 = arith.constant 32 : index
          %parallel_loop3A_514 = tpu.vector_load %arg24[%parallel_loop3A_511, %parallel_loop3A_512, %parallel_loop3A_513] {strides = array<i32>} : memref<4x16x128xf32, #tpu.memory_space<vmem>>, vector<16xf32>,
          %parallel_loop3A_515 = arith.mulf %parallel_loop3A_514, %parallel_loop3A_510 : vector<16xf32>
          %parallel_loop3A_516 = arith.index_cast %rem3A_298 : i32 to index
          %parallel_loop3A_517 = arith.index_cast %parallel_loop3A_388 : i32 to index
          %parallel_loop3A_518 = arith.constant 32 : index
          %parallel_loop3A_519 = tpu.vector_load %arg24[%parallel_loop3A_516, %parallel_loop3A_517, %parallel_loop3A_518] {strides = array<i32>} : memref<4x16x128xf32, #tpu.memory_space<vmem>>, vector<16xf32>,
          tpu.vector_store %arg24[%parallel_loop3A_516, %parallel_loop3A_517, %parallel_loop3A_518], %parallel_loop3A_515 {strides = array<i32>} : memref<4x16x128xf32, #tpu.memory_space<vmem>>, vector<16xf32>,
          %parallel_loop3A_520 = arith.constant 3 : i32
          %parallel_loop3A_521 = vector.broadcast %parallel_loop3A_520 : i32 to vector<16xi32>
          %parallel_loop3A_522 = arith.constant 0 : i32
          %parallel_loop3A_523 = vector.broadcast %parallel_loop3A_522 : i32 to vector<16xi32>
          %parallel_loop3A_524 = arith.cmpi slt, %parallel_loop3A_521, %parallel_loop3A_523 : vector<16xi32>
          %parallel_loop3A_525 = arith.constant 16 : i32
          %parallel_loop3A_526 = vector.broadcast %parallel_loop3A_525 : i32 to vector<16xi32>
          %parallel_loop3A_527 = arith.addi %parallel_loop3A_521, %parallel_loop3A_526 : vector<16xi32>
          %parallel_loop3A_528 = arith.select %parallel_loop3A_524, %parallel_loop3A_527, %parallel_loop3A_521 : vector<16xi1>, vector<16xi32>
          %parallel_loop3A_529 = vector.shape_cast %parallel_loop3A_528 : vector<16xi32> to vector<16x1xi32>
          %parallel_loop3A_530 = vector.shape_cast %parallel_loop3A_529 : vector<16x1xi32> to vector<16xi32>
          %parallel_loop3A_531 = tpu.dynamic_gather %parallel_loop3A_406[%parallel_loop3A_530] in [0] : vector<16xf32>, vector<16xi32> -> vector<16xf32>
          %parallel_loop3A_532 = arith.index_cast %rem3A_298 : i32 to index
          %parallel_loop3A_533 = arith.index_cast %parallel_loop3A_388 : i32 to index
          %parallel_loop3A_534 = arith.constant 48 : index
          %parallel_loop3A_535 = tpu.vector_load %arg24[%parallel_loop3A_532, %parallel_loop3A_533, %parallel_loop3A_534] {strides = array<i32>} : memref<4x16x128xf32, #tpu.memory_space<vmem>>, vector<16xf32>,
          %parallel_loop3A_536 = arith.mulf %parallel_loop3A_535, %parallel_loop3A_531 : vector<16xf32>
          %parallel_loop3A_537 = arith.index_cast %rem3A_298 : i32 to index
          %parallel_loop3A_538 = arith.index_cast %parallel_loop3A_388 : i32 to index
          %parallel_loop3A_539 = arith.constant 48 : index
          %parallel_loop3A_540 = tpu.vector_load %arg24[%parallel_loop3A_537, %parallel_loop3A_538, %parallel_loop3A_539] {strides = array<i32>} : memref<4x16x128xf32, #tpu.memory_space<vmem>>, vector<16xf32>,
          tpu.vector_store %arg24[%parallel_loop3A_537, %parallel_loop3A_538, %parallel_loop3A_539], %parallel_loop3A_536 {strides = array<i32>} : memref<4x16x128xf32, #tpu.memory_space<vmem>>, vector<16xf32>,
          %parallel_loop3A_541 = arith.constant 4 : i32
          %parallel_loop3A_542 = vector.broadcast %parallel_loop3A_541 : i32 to vector<16xi32>
          %parallel_loop3A_543 = arith.constant 0 : i32
          %parallel_loop3A_544 = vector.broadcast %parallel_loop3A_543 : i32 to vector<16xi32>
          %parallel_loop3A_545 = arith.cmpi slt, %parallel_loop3A_542, %parallel_loop3A_544 : vector<16xi32>
          %parallel_loop3A_546 = arith.constant 16 : i32
          %parallel_loop3A_547 = vector.broadcast %parallel_loop3A_546 : i32 to vector<16xi32>
          %parallel_loop3A_548 = arith.addi %parallel_loop3A_542, %parallel_loop3A_547 : vector<16xi32>
          %parallel_loop3A_549 = arith.select %parallel_loop3A_545, %parallel_loop3A_548, %parallel_loop3A_542 : vector<16xi1>, vector<16xi32>
          %parallel_loop3A_550 = vector.shape_cast %parallel_loop3A_549 : vector<16xi32> to vector<16x1xi32>
          %parallel_loop3A_551 = vector.shape_cast %parallel_loop3A_550 : vector<16x1xi32> to vector<16xi32>
          %parallel_loop3A_552 = tpu.dynamic_gather %parallel_loop3A_406[%parallel_loop3A_551] in [0] : vector<16xf32>, vector<16xi32> -> vector<16xf32>
          %parallel_loop3A_553 = arith.index_cast %rem3A_298 : i32 to index
          %parallel_loop3A_554 = arith.index_cast %parallel_loop3A_388 : i32 to index
          %parallel_loop3A_555 = arith.constant 64 : index
          %parallel_loop3A_556 = tpu.vector_load %arg24[%parallel_loop3A_553, %parallel_loop3A_554, %parallel_loop3A_555] {strides = array<i32>} : memref<4x16x128xf32, #tpu.memory_space<vmem>>, vector<16xf32>,
          %parallel_loop3A_557 = arith.mulf %parallel_loop3A_556, %parallel_loop3A_552 : vector<16xf32>
          %parallel_loop3A_558 = arith.index_cast %rem3A_298 : i32 to index
          %parallel_loop3A_559 = arith.index_cast %parallel_loop3A_388 : i32 to index
          %parallel_loop3A_560 = arith.constant 64 : index
          %parallel_loop3A_561 = tpu.vector_load %arg24[%parallel_loop3A_558, %parallel_loop3A_559, %parallel_loop3A_560] {strides = array<i32>} : memref<4x16x128xf32, #tpu.memory_space<vmem>>, vector<16xf32>,
          tpu.vector_store %arg24[%parallel_loop3A_558, %parallel_loop3A_559, %parallel_loop3A_560], %parallel_loop3A_557 {strides = array<i32>} : memref<4x16x128xf32, #tpu.memory_space<vmem>>, vector<16xf32>,
          %parallel_loop3A_562 = arith.constant 5 : i32
          %parallel_loop3A_563 = vector.broadcast %parallel_loop3A_562 : i32 to vector<16xi32>
          %parallel_loop3A_564 = arith.constant 0 : i32
          %parallel_loop3A_565 = vector.broadcast %parallel_loop3A_564 : i32 to vector<16xi32>
          %parallel_loop3A_566 = arith.cmpi slt, %parallel_loop3A_563, %parallel_loop3A_565 : vector<16xi32>
          %parallel_loop3A_567 = arith.constant 16 : i32
          %parallel_loop3A_568 = vector.broadcast %parallel_loop3A_567 : i32 to vector<16xi32>
          %parallel_loop3A_569 = arith.addi %parallel_loop3A_563, %parallel_loop3A_568 : vector<16xi32>
          %parallel_loop3A_570 = arith.select %parallel_loop3A_566, %parallel_loop3A_569, %parallel_loop3A_563 : vector<16xi1>, vector<16xi32>
          %parallel_loop3A_571 = vector.shape_cast %parallel_loop3A_570 : vector<16xi32> to vector<16x1xi32>
          %parallel_loop3A_572 = vector.shape_cast %parallel_loop3A_571 : vector<16x1xi32> to vector<16xi32>
          %parallel_loop3A_573 = tpu.dynamic_gather %parallel_loop3A_406[%parallel_loop3A_572] in [0] : vector<16xf32>, vector<16xi32> -> vector<16xf32>
          %parallel_loop3A_574 = arith.index_cast %rem3A_298 : i32 to index
          %parallel_loop3A_575 = arith.index_cast %parallel_loop3A_388 : i32 to index
          %parallel_loop3A_576 = arith.constant 80 : index
          %parallel_loop3A_577 = tpu.vector_load %arg24[%parallel_loop3A_574, %parallel_loop3A_575, %parallel_loop3A_576] {strides = array<i32>} : memref<4x16x128xf32, #tpu.memory_space<vmem>>, vector<16xf32>,
          %parallel_loop3A_578 = arith.mulf %parallel_loop3A_577, %parallel_loop3A_573 : vector<16xf32>
          %parallel_loop3A_579 = arith.index_cast %rem3A_298 : i32 to index
          %parallel_loop3A_580 = arith.index_cast %parallel_loop3A_388 : i32 to index
          %parallel_loop3A_581 = arith.constant 80 : index
          %parallel_loop3A_582 = tpu.vector_load %arg24[%parallel_loop3A_579, %parallel_loop3A_580, %parallel_loop3A_581] {strides = array<i32>} : memref<4x16x128xf32, #tpu.memory_space<vmem>>, vector<16xf32>,
          tpu.vector_store %arg24[%parallel_loop3A_579, %parallel_loop3A_580, %parallel_loop3A_581], %parallel_loop3A_578 {strides = array<i32>} : memref<4x16x128xf32, #tpu.memory_space<vmem>>, vector<16xf32>,
          %parallel_loop3A_583 = arith.constant 6 : i32
          %parallel_loop3A_584 = vector.broadcast %parallel_loop3A_583 : i32 to vector<16xi32>
          %parallel_loop3A_585 = arith.constant 0 : i32
          %parallel_loop3A_586 = vector.broadcast %parallel_loop3A_585 : i32 to vector<16xi32>
          %parallel_loop3A_587 = arith.cmpi slt, %parallel_loop3A_584, %parallel_loop3A_586 : vector<16xi32>
          %parallel_loop3A_588 = arith.constant 16 : i32
          %parallel_loop3A_589 = vector.broadcast %parallel_loop3A_588 : i32 to vector<16xi32>
          %parallel_loop3A_590 = arith.addi %parallel_loop3A_584, %parallel_loop3A_589 : vector<16xi32>
          %parallel_loop3A_591 = arith.select %parallel_loop3A_587, %parallel_loop3A_590, %parallel_loop3A_584 : vector<16xi1>, vector<16xi32>
          %parallel_loop3A_592 = vector.shape_cast %parallel_loop3A_591 : vector<16xi32> to vector<16x1xi32>
          %parallel_loop3A_593 = vector.shape_cast %parallel_loop3A_592 : vector<16x1xi32> to vector<16xi32>
          %parallel_loop3A_594 = tpu.dynamic_gather %parallel_loop3A_406[%parallel_loop3A_593] in [0] : vector<16xf32>, vector<16xi32> -> vector<16xf32>
          %parallel_loop3A_595 = arith.index_cast %rem3A_298 : i32 to index
          %parallel_loop3A_596 = arith.index_cast %parallel_loop3A_388 : i32 to index
          %parallel_loop3A_597 = arith.constant 96 : index
          %parallel_loop3A_598 = tpu.vector_load %arg24[%parallel_loop3A_595, %parallel_loop3A_596, %parallel_loop3A_597] {strides = array<i32>} : memref<4x16x128xf32, #tpu.memory_space<vmem>>, vector<16xf32>,
          %parallel_loop3A_599 = arith.mulf %parallel_loop3A_598, %parallel_loop3A_594 : vector<16xf32>
          %parallel_loop3A_600 = arith.index_cast %rem3A_298 : i32 to index
          %parallel_loop3A_601 = arith.index_cast %parallel_loop3A_388 : i32 to index
          %parallel_loop3A_602 = arith.constant 96 : index
          %parallel_loop3A_603 = tpu.vector_load %arg24[%parallel_loop3A_600, %parallel_loop3A_601, %parallel_loop3A_602] {strides = array<i32>} : memref<4x16x128xf32, #tpu.memory_space<vmem>>, vector<16xf32>,
          tpu.vector_store %arg24[%parallel_loop3A_600, %parallel_loop3A_601, %parallel_loop3A_602], %parallel_loop3A_599 {strides = array<i32>} : memref<4x16x128xf32, #tpu.memory_space<vmem>>, vector<16xf32>,
          %parallel_loop3A_604 = arith.constant 7 : i32
          %parallel_loop3A_605 = vector.broadcast %parallel_loop3A_604 : i32 to vector<16xi32>
          %parallel_loop3A_606 = arith.constant 0 : i32
          %parallel_loop3A_607 = vector.broadcast %parallel_loop3A_606 : i32 to vector<16xi32>
          %parallel_loop3A_608 = arith.cmpi slt, %parallel_loop3A_605, %parallel_loop3A_607 : vector<16xi32>
          %parallel_loop3A_609 = arith.constant 16 : i32
          %parallel_loop3A_610 = vector.broadcast %parallel_loop3A_609 : i32 to vector<16xi32>
          %parallel_loop3A_611 = arith.addi %parallel_loop3A_605, %parallel_loop3A_610 : vector<16xi32>
          %parallel_loop3A_612 = arith.select %parallel_loop3A_608, %parallel_loop3A_611, %parallel_loop3A_605 : vector<16xi1>, vector<16xi32>
          %parallel_loop3A_613 = vector.shape_cast %parallel_loop3A_612 : vector<16xi32> to vector<16x1xi32>
          %parallel_loop3A_614 = vector.shape_cast %parallel_loop3A_613 : vector<16x1xi32> to vector<16xi32>
          %parallel_loop3A_615 = tpu.dynamic_gather %parallel_loop3A_406[%parallel_loop3A_614] in [0] : vector<16xf32>, vector<16xi32> -> vector<16xf32>
          %parallel_loop3A_616 = arith.index_cast %rem3A_298 : i32 to index
          %parallel_loop3A_617 = arith.index_cast %parallel_loop3A_388 : i32 to index
          %parallel_loop3A_618 = arith.constant 112 : index
          %parallel_loop3A_619 = tpu.vector_load %arg24[%parallel_loop3A_616, %parallel_loop3A_617, %parallel_loop3A_618] {strides = array<i32>} : memref<4x16x128xf32, #tpu.memory_space<vmem>>, vector<16xf32>,
          %parallel_loop3A_620 = arith.mulf %parallel_loop3A_619, %parallel_loop3A_615 : vector<16xf32>
          %parallel_loop3A_621 = arith.index_cast %rem3A_298 : i32 to index
          %parallel_loop3A_622 = arith.index_cast %parallel_loop3A_388 : i32 to index
          %parallel_loop3A_623 = arith.constant 112 : index
          %parallel_loop3A_624 = tpu.vector_load %arg24[%parallel_loop3A_621, %parallel_loop3A_622, %parallel_loop3A_623] {strides = array<i32>} : memref<4x16x128xf32, #tpu.memory_space<vmem>>, vector<16xf32>,
          tpu.vector_store %arg24[%parallel_loop3A_621, %parallel_loop3A_622, %parallel_loop3A_623], %parallel_loop3A_620 {strides = array<i32>} : memref<4x16x128xf32, #tpu.memory_space<vmem>>, vector<16xf32>,
        } {sc.loop_unroll_factor = 4 : i64, sc.parallel_access}
        %shift_right_logical3A_367 = arith.constant 3 : i32
        %shift_right_logical3A_368 = vector.broadcast %shift_right_logical3A_367 : i32 to vector<16xi32>
        %shift_right_logical3A_369 = arith.shrui %get3A_315, %shift_right_logical3A_368 : vector<16xi32>
        %dma_start3A_370 = arith.constant 0 : i32
        %dma_start3A_371 = arith.constant 0 : i32
        %dma_start3A_372 = tpu.memref_slice %arg24[%rem3A_298, %dma_start3A_370, %dma_start3A_371] : memref<4x16x128xf32, #tpu.memory_space<vmem>> -> memref<1x16x128xf32, #tpu.memory_space<vmem>>
        %dma_start3A_373 = tpu.memref_squeeze %dma_start3A_372 : memref<1x16x128xf32, #tpu.memory_space<vmem>> -> memref<16x128xf32, #tpu.memory_space<vmem>>
        %dma_start3A_374 = arith.constant 0 : i32
        %dma_start3A_375 = arith.constant 0 : i32
        %dma_start3A_376 = tpu.memref_slice %arg18[%dma_start3A_374, %dma_start3A_375] : memref<10008x128xf32, #tpu.memory_space<vmem_shared>> -> memref<10008x128xf32, #tpu.memory_space<vmem_shared>>
        %dma_start3A_377 = tpu.memref_slice %arg28[%rem3A_298] : memref<4x!tpu.dma_semaphore, #tpu.memory_space<semaphore_mem>> -> memref<1x!tpu.dma_semaphore, #tpu.memory_space<semaphore_mem>>
        %dma_start3A_378 = tpu.memref_squeeze %dma_start3A_377 : memref<1x!tpu.dma_semaphore, #tpu.memory_space<semaphore_mem>> -> memref<!tpu.dma_semaphore, #tpu.memory_space<semaphore_mem>>
        tpu.enqueue_indirect_dma source(%dma_start3A_373 : memref<16x128xf32, #tpu.memory_space<vmem>>) target(%dma_start3A_376 : memref<10008x128xf32, #tpu.memory_space<vmem_shared>>) offsets(%get3A_315 : vector<16xi32>) semaphore(%dma_start3A_378 : memref<!tpu.dma_semaphore, #tpu.memory_space<semaphore_mem>>) {add = true}
        %dma_start3A_379 = arith.constant 0 : i32
        %dma_start3A_380 = arith.constant 0 : i32
        %dma_start3A_381 = tpu.memref_slice %arg23[%rem3A_298, %dma_start3A_379, %dma_start3A_380] : memref<4x16x128xf32, #tpu.memory_space<vmem>> -> memref<1x16x128xf32, #tpu.memory_space<vmem>>
        %dma_start3A_382 = tpu.memref_squeeze %dma_start3A_381 : memref<1x16x128xf32, #tpu.memory_space<vmem>> -> memref<16x128xf32, #tpu.memory_space<vmem>>
        %dma_start3A_383 = arith.constant 0 : i32
        %dma_start3A_384 = arith.constant 0 : i32
        %dma_start3A_385 = tpu.memref_slice %arg19[%dma_start3A_383, %dma_start3A_384] : memref<1280x128xf32, #tpu.memory_space<vmem_shared>> -> memref<1280x128xf32, #tpu.memory_space<vmem_shared>>
        %dma_start3A_386 = tpu.memref_slice %arg28[%rem3A_298] : memref<4x!tpu.dma_semaphore, #tpu.memory_space<semaphore_mem>> -> memref<1x!tpu.dma_semaphore, #tpu.memory_space<semaphore_mem>>
        %dma_start3A_387 = tpu.memref_squeeze %dma_start3A_386 : memref<1x!tpu.dma_semaphore, #tpu.memory_space<semaphore_mem>> -> memref<!tpu.dma_semaphore, #tpu.memory_space<semaphore_mem>>
        tpu.enqueue_indirect_dma source(%dma_start3A_382 : memref<16x128xf32, #tpu.memory_space<vmem>>) target(%dma_start3A_385 : memref<1280x128xf32, #tpu.memory_space<vmem_shared>>) offsets(%shift_right_logical3A_369 : vector<16xi32>) semaphore(%dma_start3A_387 : memref<!tpu.dma_semaphore, #tpu.memory_space<semaphore_mem>>) {add = true}
      }
      %scan3A_149 = arith.constant 64 : i32
      %dma_wait3A = arith.constant 0 : i32
      %dma_wait3A_150 = arith.constant 0 : i32
      %dma_wait3A_151 = arith.constant 0 : i32
      %dma_wait3A_152 = arith.constant 0 : i32
      %dma_wait3A_153 = tpu.memref_slice %arg24[%dma_wait3A, %dma_wait3A_151, %dma_wait3A_152] : memref<4x16x128xf32, #tpu.memory_space<vmem>> -> memref<1x16x128xf32, #tpu.memory_space<vmem>>
      %dma_wait3A_154 = tpu.memref_squeeze %dma_wait3A_153 : memref<1x16x128xf32, #tpu.memory_space<vmem>> -> memref<16x128xf32, #tpu.memory_space<vmem>>
      %dma_wait3A_155 = arith.constant 0 : i32
      %dma_wait3A_156 = arith.constant 0 : i32
      %dma_wait3A_157 = tpu.memref_slice %arg18[%dma_wait3A_155, %dma_wait3A_156] : memref<10008x128xf32, #tpu.memory_space<vmem_shared>> -> memref<16x128xf32, #tpu.memory_space<vmem_shared>>
      %dma_wait3A_158 = tpu.memref_slice %arg28[%dma_wait3A_150] : memref<4x!tpu.dma_semaphore, #tpu.memory_space<semaphore_mem>> -> memref<1x!tpu.dma_semaphore, #tpu.memory_space<semaphore_mem>>
      %dma_wait3A_159 = tpu.memref_squeeze %dma_wait3A_158 : memref<1x!tpu.dma_semaphore, #tpu.memory_space<semaphore_mem>> -> memref<!tpu.dma_semaphore, #tpu.memory_space<semaphore_mem>>
      %dma_wait3A_160 = arith.constant 0 : i32
      %dma_wait3A_161 = arith.constant 0 : i32
      %dma_wait3A_162 = tpu.memref_slice %arg18[%dma_wait3A_160, %dma_wait3A_161] : memref<10008x128xf32, #tpu.memory_space<vmem_shared>> -> memref<16x128xf32, #tpu.memory_space<vmem_shared>>
      %dma_wait3A_163 = arith.constant 0 : i32
      %dma_wait3A_164 = arith.constant 0 : i32
      %dma_wait3A_165 = tpu.memref_slice %arg24[%dma_wait3A, %dma_wait3A_163, %dma_wait3A_164] : memref<4x16x128xf32, #tpu.memory_space<vmem>> -> memref<1x16x128xf32, #tpu.memory_space<vmem>>
      %dma_wait3A_166 = tpu.memref_squeeze %dma_wait3A_165 : memref<1x16x128xf32, #tpu.memory_space<vmem>> -> memref<16x128xf32, #tpu.memory_space<vmem>>
      tpu.wait_dma2 semaphore(%dma_wait3A_159 : memref<!tpu.dma_semaphore, #tpu.memory_space<semaphore_mem>>) src(%dma_wait3A_166 : memref<16x128xf32, #tpu.memory_space<vmem>>) dst(%dma_wait3A_162 : memref<16x128xf32, #tpu.memory_space<vmem_shared>>)
      %dma_wait3A_167 = arith.constant 0 : i32
      %dma_wait3A_168 = arith.constant 0 : i32
      %dma_wait3A_169 = arith.constant 0 : i32
      %dma_wait3A_170 = arith.constant 0 : i32
      %dma_wait3A_171 = tpu.memref_slice %arg23[%dma_wait3A_167, %dma_wait3A_169, %dma_wait3A_170] : memref<4x16x128xf32, #tpu.memory_space<vmem>> -> memref<1x16x128xf32, #tpu.memory_space<vmem>>
      %dma_wait3A_172 = tpu.memref_squeeze %dma_wait3A_171 : memref<1x16x128xf32, #tpu.memory_space<vmem>> -> memref<16x128xf32, #tpu.memory_space<vmem>>
      %dma_wait3A_173 = arith.constant 0 : i32
      %dma_wait3A_174 = arith.constant 0 : i32
      %dma_wait3A_175 = tpu.memref_slice %arg19[%dma_wait3A_173, %dma_wait3A_174] : memref<1280x128xf32, #tpu.memory_space<vmem_shared>> -> memref<16x128xf32, #tpu.memory_space<vmem_shared>>
      %dma_wait3A_176 = tpu.memref_slice %arg28[%dma_wait3A_168] : memref<4x!tpu.dma_semaphore, #tpu.memory_space<semaphore_mem>> -> memref<1x!tpu.dma_semaphore, #tpu.memory_space<semaphore_mem>>
      %dma_wait3A_177 = tpu.memref_squeeze %dma_wait3A_176 : memref<1x!tpu.dma_semaphore, #tpu.memory_space<semaphore_mem>> -> memref<!tpu.dma_semaphore, #tpu.memory_space<semaphore_mem>>
      %dma_wait3A_178 = arith.constant 0 : i32
      %dma_wait3A_179 = arith.constant 0 : i32
      %dma_wait3A_180 = tpu.memref_slice %arg19[%dma_wait3A_178, %dma_wait3A_179] : memref<1280x128xf32, #tpu.memory_space<vmem_shared>> -> memref<16x128xf32, #tpu.memory_space<vmem_shared>>
      %dma_wait3A_181 = arith.constant 0 : i32
      %dma_wait3A_182 = arith.constant 0 : i32
      %dma_wait3A_183 = tpu.memref_slice %arg23[%dma_wait3A_167, %dma_wait3A_181, %dma_wait3A_182] : memref<4x16x128xf32, #tpu.memory_space<vmem>> -> memref<1x16x128xf32, #tpu.memory_space<vmem>>
      %dma_wait3A_184 = tpu.memref_squeeze %dma_wait3A_183 : memref<1x16x128xf32, #tpu.memory_space<vmem>> -> memref<16x128xf32, #tpu.memory_space<vmem>>
      tpu.wait_dma2 semaphore(%dma_wait3A_177 : memref<!tpu.dma_semaphore, #tpu.memory_space<semaphore_mem>>) src(%dma_wait3A_184 : memref<16x128xf32, #tpu.memory_space<vmem>>) dst(%dma_wait3A_180 : memref<16x128xf32, #tpu.memory_space<vmem_shared>>)
      %dma_wait3A_185 = arith.constant 1 : i32
      %dma_wait3A_186 = arith.constant 1 : i32
      %dma_wait3A_187 = arith.constant 0 : i32
      %dma_wait3A_188 = arith.constant 0 : i32
      %dma_wait3A_189 = tpu.memref_slice %arg24[%dma_wait3A_185, %dma_wait3A_187, %dma_wait3A_188] : memref<4x16x128xf32, #tpu.memory_space<vmem>> -> memref<1x16x128xf32, #tpu.memory_space<vmem>>
      %dma_wait3A_190 = tpu.memref_squeeze %dma_wait3A_189 : memref<1x16x128xf32, #tpu.memory_space<vmem>> -> memref<16x128xf32, #tpu.memory_space<vmem>>
      %dma_wait3A_191 = arith.constant 0 : i32
      %dma_wait3A_192 = arith.constant 0 : i32
      %dma_wait3A_193 = tpu.memref_slice %arg18[%dma_wait3A_191, %dma_wait3A_192] : memref<10008x128xf32, #tpu.memory_space<vmem_shared>> -> memref<16x128xf32, #tpu.memory_space<vmem_shared>>
      %dma_wait3A_194 = tpu.memref_slice %arg28[%dma_wait3A_186] : memref<4x!tpu.dma_semaphore, #tpu.memory_space<semaphore_mem>> -> memref<1x!tpu.dma_semaphore, #tpu.memory_space<semaphore_mem>>
      %dma_wait3A_195 = tpu.memref_squeeze %dma_wait3A_194 : memref<1x!tpu.dma_semaphore, #tpu.memory_space<semaphore_mem>> -> memref<!tpu.dma_semaphore, #tpu.memory_space<semaphore_mem>>
      %dma_wait3A_196 = arith.constant 0 : i32
      %dma_wait3A_197 = arith.constant 0 : i32
      %dma_wait3A_198 = tpu.memref_slice %arg18[%dma_wait3A_196, %dma_wait3A_197] : memref<10008x128xf32, #tpu.memory_space<vmem_shared>> -> memref<16x128xf32, #tpu.memory_space<vmem_shared>>
      %dma_wait3A_199 = arith.constant 0 : i32
      %dma_wait3A_200 = arith.constant 0 : i32
      %dma_wait3A_201 = tpu.memref_slice %arg24[%dma_wait3A_185, %dma_wait3A_199, %dma_wait3A_200] : memref<4x16x128xf32, #tpu.memory_space<vmem>> -> memref<1x16x128xf32, #tpu.memory_space<vmem>>
      %dma_wait3A_202 = tpu.memref_squeeze %dma_wait3A_201 : memref<1x16x128xf32, #tpu.memory_space<vmem>> -> memref<16x128xf32, #tpu.memory_space<vmem>>
      tpu.wait_dma2 semaphore(%dma_wait3A_195 : memref<!tpu.dma_semaphore, #tpu.memory_space<semaphore_mem>>) src(%dma_wait3A_202 : memref<16x128xf32, #tpu.memory_space<vmem>>) dst(%dma_wait3A_198 : memref<16x128xf32, #tpu.memory_space<vmem_shared>>)
      %dma_wait3A_203 = arith.constant 1 : i32
      %dma_wait3A_204 = arith.constant 1 : i32
      %dma_wait3A_205 = arith.constant 0 : i32
      %dma_wait3A_206 = arith.constant 0 : i32
      %dma_wait3A_207 = tpu.memref_slice %arg23[%dma_wait3A_203, %dma_wait3A_205, %dma_wait3A_206] : memref<4x16x128xf32, #tpu.memory_space<vmem>> -> memref<1x16x128xf32, #tpu.memory_space<vmem>>
      %dma_wait3A_208 = tpu.memref_squeeze %dma_wait3A_207 : memref<1x16x128xf32, #tpu.memory_space<vmem>> -> memref<16x128xf32, #tpu.memory_space<vmem>>
      %dma_wait3A_209 = arith.constant 0 : i32
      %dma_wait3A_210 = arith.constant 0 : i32
      %dma_wait3A_211 = tpu.memref_slice %arg19[%dma_wait3A_209, %dma_wait3A_210] : memref<1280x128xf32, #tpu.memory_space<vmem_shared>> -> memref<16x128xf32, #tpu.memory_space<vmem_shared>>
      %dma_wait3A_212 = tpu.memref_slice %arg28[%dma_wait3A_204] : memref<4x!tpu.dma_semaphore, #tpu.memory_space<semaphore_mem>> -> memref<1x!tpu.dma_semaphore, #tpu.memory_space<semaphore_mem>>
      %dma_wait3A_213 = tpu.memref_squeeze %dma_wait3A_212 : memref<1x!tpu.dma_semaphore, #tpu.memory_space<semaphore_mem>> -> memref<!tpu.dma_semaphore, #tpu.memory_space<semaphore_mem>>
      %dma_wait3A_214 = arith.constant 0 : i32
      %dma_wait3A_215 = arith.constant 0 : i32
      %dma_wait3A_216 = tpu.memref_slice %arg19[%dma_wait3A_214, %dma_wait3A_215] : memref<1280x128xf32, #tpu.memory_space<vmem_shared>> -> memref<16x128xf32, #tpu.memory_space<vmem_shared>>
      %dma_wait3A_217 = arith.constant 0 : i32
      %dma_wait3A_218 = arith.constant 0 : i32
      %dma_wait3A_219 = tpu.memref_slice %arg23[%dma_wait3A_203, %dma_wait3A_217, %dma_wait3A_218] : memref<4x16x128xf32, #tpu.memory_space<vmem>> -> memref<1x16x128xf32, #tpu.memory_space<vmem>>
      %dma_wait3A_220 = tpu.memref_squeeze %dma_wait3A_219 : memref<1x16x128xf32, #tpu.memory_space<vmem>> -> memref<16x128xf32, #tpu.memory_space<vmem>>
      tpu.wait_dma2 semaphore(%dma_wait3A_213 : memref<!tpu.dma_semaphore, #tpu.memory_space<semaphore_mem>>) src(%dma_wait3A_220 : memref<16x128xf32, #tpu.memory_space<vmem>>) dst(%dma_wait3A_216 : memref<16x128xf32, #tpu.memory_space<vmem_shared>>)
      %dma_wait3A_221 = arith.constant 2 : i32
      %dma_wait3A_222 = arith.constant 2 : i32
      %dma_wait3A_223 = arith.constant 0 : i32
      %dma_wait3A_224 = arith.constant 0 : i32
      %dma_wait3A_225 = tpu.memref_slice %arg24[%dma_wait3A_221, %dma_wait3A_223, %dma_wait3A_224] : memref<4x16x128xf32, #tpu.memory_space<vmem>> -> memref<1x16x128xf32, #tpu.memory_space<vmem>>
      %dma_wait3A_226 = tpu.memref_squeeze %dma_wait3A_225 : memref<1x16x128xf32, #tpu.memory_space<vmem>> -> memref<16x128xf32, #tpu.memory_space<vmem>>
      %dma_wait3A_227 = arith.constant 0 : i32
      %dma_wait3A_228 = arith.constant 0 : i32
      %dma_wait3A_229 = tpu.memref_slice %arg18[%dma_wait3A_227, %dma_wait3A_228] : memref<10008x128xf32, #tpu.memory_space<vmem_shared>> -> memref<16x128xf32, #tpu.memory_space<vmem_shared>>
      %dma_wait3A_230 = tpu.memref_slice %arg28[%dma_wait3A_222] : memref<4x!tpu.dma_semaphore, #tpu.memory_space<semaphore_mem>> -> memref<1x!tpu.dma_semaphore, #tpu.memory_space<semaphore_mem>>
      %dma_wait3A_231 = tpu.memref_squeeze %dma_wait3A_230 : memref<1x!tpu.dma_semaphore, #tpu.memory_space<semaphore_mem>> -> memref<!tpu.dma_semaphore, #tpu.memory_space<semaphore_mem>>
      %dma_wait3A_232 = arith.constant 0 : i32
      %dma_wait3A_233 = arith.constant 0 : i32
      %dma_wait3A_234 = tpu.memref_slice %arg18[%dma_wait3A_232, %dma_wait3A_233] : memref<10008x128xf32, #tpu.memory_space<vmem_shared>> -> memref<16x128xf32, #tpu.memory_space<vmem_shared>>
      %dma_wait3A_235 = arith.constant 0 : i32
      %dma_wait3A_236 = arith.constant 0 : i32
      %dma_wait3A_237 = tpu.memref_slice %arg24[%dma_wait3A_221, %dma_wait3A_235, %dma_wait3A_236] : memref<4x16x128xf32, #tpu.memory_space<vmem>> -> memref<1x16x128xf32, #tpu.memory_space<vmem>>
      %dma_wait3A_238 = tpu.memref_squeeze %dma_wait3A_237 : memref<1x16x128xf32, #tpu.memory_space<vmem>> -> memref<16x128xf32, #tpu.memory_space<vmem>>
      tpu.wait_dma2 semaphore(%dma_wait3A_231 : memref<!tpu.dma_semaphore, #tpu.memory_space<semaphore_mem>>) src(%dma_wait3A_238 : memref<16x128xf32, #tpu.memory_space<vmem>>) dst(%dma_wait3A_234 : memref<16x128xf32, #tpu.memory_space<vmem_shared>>)
      %dma_wait3A_239 = arith.constant 2 : i32
      %dma_wait3A_240 = arith.constant 2 : i32
      %dma_wait3A_241 = arith.constant 0 : i32
      %dma_wait3A_242 = arith.constant 0 : i32
      %dma_wait3A_243 = tpu.memref_slice %arg23[%dma_wait3A_239, %dma_wait3A_241, %dma_wait3A_242] : memref<4x16x128xf32, #tpu.memory_space<vmem>> -> memref<1x16x128xf32, #tpu.memory_space<vmem>>
      %dma_wait3A_244 = tpu.memref_squeeze %dma_wait3A_243 : memref<1x16x128xf32, #tpu.memory_space<vmem>> -> memref<16x128xf32, #tpu.memory_space<vmem>>
      %dma_wait3A_245 = arith.constant 0 : i32
      %dma_wait3A_246 = arith.constant 0 : i32
      %dma_wait3A_247 = tpu.memref_slice %arg19[%dma_wait3A_245, %dma_wait3A_246] : memref<1280x128xf32, #tpu.memory_space<vmem_shared>> -> memref<16x128xf32, #tpu.memory_space<vmem_shared>>
      %dma_wait3A_248 = tpu.memref_slice %arg28[%dma_wait3A_240] : memref<4x!tpu.dma_semaphore, #tpu.memory_space<semaphore_mem>> -> memref<1x!tpu.dma_semaphore, #tpu.memory_space<semaphore_mem>>
      %dma_wait3A_249 = tpu.memref_squeeze %dma_wait3A_248 : memref<1x!tpu.dma_semaphore, #tpu.memory_space<semaphore_mem>> -> memref<!tpu.dma_semaphore, #tpu.memory_space<semaphore_mem>>
      %dma_wait3A_250 = arith.constant 0 : i32
      %dma_wait3A_251 = arith.constant 0 : i32
      %dma_wait3A_252 = tpu.memref_slice %arg19[%dma_wait3A_250, %dma_wait3A_251] : memref<1280x128xf32, #tpu.memory_space<vmem_shared>> -> memref<16x128xf32, #tpu.memory_space<vmem_shared>>
      %dma_wait3A_253 = arith.constant 0 : i32
      %dma_wait3A_254 = arith.constant 0 : i32
      %dma_wait3A_255 = tpu.memref_slice %arg23[%dma_wait3A_239, %dma_wait3A_253, %dma_wait3A_254] : memref<4x16x128xf32, #tpu.memory_space<vmem>> -> memref<1x16x128xf32, #tpu.memory_space<vmem>>
      %dma_wait3A_256 = tpu.memref_squeeze %dma_wait3A_255 : memref<1x16x128xf32, #tpu.memory_space<vmem>> -> memref<16x128xf32, #tpu.memory_space<vmem>>
      tpu.wait_dma2 semaphore(%dma_wait3A_249 : memref<!tpu.dma_semaphore, #tpu.memory_space<semaphore_mem>>) src(%dma_wait3A_256 : memref<16x128xf32, #tpu.memory_space<vmem>>) dst(%dma_wait3A_252 : memref<16x128xf32, #tpu.memory_space<vmem_shared>>)
      %dma_wait3A_257 = arith.constant 3 : i32
      %dma_wait3A_258 = arith.constant 3 : i32
      %dma_wait3A_259 = arith.constant 0 : i32
      %dma_wait3A_260 = arith.constant 0 : i32
      %dma_wait3A_261 = tpu.memref_slice %arg24[%dma_wait3A_257, %dma_wait3A_259, %dma_wait3A_260] : memref<4x16x128xf32, #tpu.memory_space<vmem>> -> memref<1x16x128xf32, #tpu.memory_space<vmem>>
      %dma_wait3A_262 = tpu.memref_squeeze %dma_wait3A_261 : memref<1x16x128xf32, #tpu.memory_space<vmem>> -> memref<16x128xf32, #tpu.memory_space<vmem>>
      %dma_wait3A_263 = arith.constant 0 : i32
      %dma_wait3A_264 = arith.constant 0 : i32
      %dma_wait3A_265 = tpu.memref_slice %arg18[%dma_wait3A_263, %dma_wait3A_264] : memref<10008x128xf32, #tpu.memory_space<vmem_shared>> -> memref<16x128xf32, #tpu.memory_space<vmem_shared>>
      %dma_wait3A_266 = tpu.memref_slice %arg28[%dma_wait3A_258] : memref<4x!tpu.dma_semaphore, #tpu.memory_space<semaphore_mem>> -> memref<1x!tpu.dma_semaphore, #tpu.memory_space<semaphore_mem>>
      %dma_wait3A_267 = tpu.memref_squeeze %dma_wait3A_266 : memref<1x!tpu.dma_semaphore, #tpu.memory_space<semaphore_mem>> -> memref<!tpu.dma_semaphore, #tpu.memory_space<semaphore_mem>>
      %dma_wait3A_268 = arith.constant 0 : i32
      %dma_wait3A_269 = arith.constant 0 : i32
      %dma_wait3A_270 = tpu.memref_slice %arg18[%dma_wait3A_268, %dma_wait3A_269] : memref<10008x128xf32, #tpu.memory_space<vmem_shared>> -> memref<16x128xf32, #tpu.memory_space<vmem_shared>>
      %dma_wait3A_271 = arith.constant 0 : i32
      %dma_wait3A_272 = arith.constant 0 : i32
      %dma_wait3A_273 = tpu.memref_slice %arg24[%dma_wait3A_257, %dma_wait3A_271, %dma_wait3A_272] : memref<4x16x128xf32, #tpu.memory_space<vmem>> -> memref<1x16x128xf32, #tpu.memory_space<vmem>>
      %dma_wait3A_274 = tpu.memref_squeeze %dma_wait3A_273 : memref<1x16x128xf32, #tpu.memory_space<vmem>> -> memref<16x128xf32, #tpu.memory_space<vmem>>
      tpu.wait_dma2 semaphore(%dma_wait3A_267 : memref<!tpu.dma_semaphore, #tpu.memory_space<semaphore_mem>>) src(%dma_wait3A_274 : memref<16x128xf32, #tpu.memory_space<vmem>>) dst(%dma_wait3A_270 : memref<16x128xf32, #tpu.memory_space<vmem_shared>>)
      %dma_wait3A_275 = arith.constant 3 : i32
      %dma_wait3A_276 = arith.constant 3 : i32
      %dma_wait3A_277 = arith.constant 0 : i32
      %dma_wait3A_278 = arith.constant 0 : i32
      %dma_wait3A_279 = tpu.memref_slice %arg23[%dma_wait3A_275, %dma_wait3A_277, %dma_wait3A_278] : memref<4x16x128xf32, #tpu.memory_space<vmem>> -> memref<1x16x128xf32, #tpu.memory_space<vmem>>
      %dma_wait3A_280 = tpu.memref_squeeze %dma_wait3A_279 : memref<1x16x128xf32, #tpu.memory_space<vmem>> -> memref<16x128xf32, #tpu.memory_space<vmem>>
      %dma_wait3A_281 = arith.constant 0 : i32
      %dma_wait3A_282 = arith.constant 0 : i32
      %dma_wait3A_283 = tpu.memref_slice %arg19[%dma_wait3A_281, %dma_wait3A_282] : memref<1280x128xf32, #tpu.memory_space<vmem_shared>> -> memref<16x128xf32, #tpu.memory_space<vmem_shared>>
      %dma_wait3A_284 = tpu.memref_slice %arg28[%dma_wait3A_276] : memref<4x!tpu.dma_semaphore, #tpu.memory_space<semaphore_mem>> -> memref<1x!tpu.dma_semaphore, #tpu.memory_space<semaphore_mem>>
      %dma_wait3A_285 = tpu.memref_squeeze %dma_wait3A_284 : memref<1x!tpu.dma_semaphore, #tpu.memory_space<semaphore_mem>> -> memref<!tpu.dma_semaphore, #tpu.memory_space<semaphore_mem>>
      %dma_wait3A_286 = arith.constant 0 : i32
      %dma_wait3A_287 = arith.constant 0 : i32
      %dma_wait3A_288 = tpu.memref_slice %arg19[%dma_wait3A_286, %dma_wait3A_287] : memref<1280x128xf32, #tpu.memory_space<vmem_shared>> -> memref<16x128xf32, #tpu.memory_space<vmem_shared>>
      %dma_wait3A_289 = arith.constant 0 : i32
      %dma_wait3A_290 = arith.constant 0 : i32
      %dma_wait3A_291 = tpu.memref_slice %arg23[%dma_wait3A_275, %dma_wait3A_289, %dma_wait3A_290] : memref<4x16x128xf32, #tpu.memory_space<vmem>> -> memref<1x16x128xf32, #tpu.memory_space<vmem>>
      %dma_wait3A_292 = tpu.memref_squeeze %dma_wait3A_291 : memref<1x16x128xf32, #tpu.memory_space<vmem>> -> memref<16x128xf32, #tpu.memory_space<vmem>>
      tpu.wait_dma2 semaphore(%dma_wait3A_285 : memref<!tpu.dma_semaphore, #tpu.memory_space<semaphore_mem>>) src(%dma_wait3A_292 : memref<16x128xf32, #tpu.memory_space<vmem>>) dst(%dma_wait3A_288 : memref<16x128xf32, #tpu.memory_space<vmem_shared>>)
    }
    %scan3A_16 = arith.constant 10 : i32
    %barrier3A_17 = arith.constant 0 : index
    tpu.barrier barrier_id(%barrier3A_17)
    %scan3A_18 = arith.constant 0 : i32
    %scan3A_19 = arith.constant 9 : i32
    %scan3A_20 = arith.addi %scan3A_18, %scan3A_19 : i32
    %scan3A_21 = arith.constant 1 : i32
    scf.for %scan3A_44 = %scan3A_18 to %scan3A_20 step %scan3A_21  : i32 {
      %mul3A_45 = arith.constant 1 : i32
      %mul3A_46 = arith.muli %scan3A_44, %mul3A_45 : i32
      %add3A_47 = arith.constant 0 : i32
      %add3A_48 = arith.addi %add3A_47, %mul3A_46 : i32
      %mul3A_49 = arith.constant 16 : i32
      %mul3A_50 = arith.muli %add3A_48, %mul3A_49 : i32
      %add3A_51 = arith.addi %mul3A_50, %arg1 : i32
      %lt3A = arith.constant 125 : i32
      %lt3A_52 = arith.cmpi slt, %add3A_51, %lt3A : i32
      %convert_element_type3A = arith.extui %lt3A_52 : i1 to i32
      %cond3A = arith.constant 0 : i32
      %cond3A_53 = arith.cmpi ne, %convert_element_type3A, %cond3A : i32
      scf.if %cond3A_53 {
        %mul3A_60 = arith.constant 80 : i32
        %mul3A_61 = arith.muli %add3A_51, %mul3A_60 : i32
        "tpu.region"() ({
          %run_scoped3A = tpu.sem_alloc : memref<!tpu.dma_semaphore, #tpu.memory_space<semaphore_mem>>
          %dma_start3A = arith.constant 0 : i32
          %dma_start3A_62 = tpu.memref_slice %arg14[%arg0, %mul3A_61, %dma_start3A] : memref<2x10000x128xf32, #tpu.memory_space<hbm>> -> memref<1x80x128xf32, #tpu.memory_space<hbm>>
          %dma_start3A_63 = tpu.memref_squeeze %dma_start3A_62 : memref<1x80x128xf32, #tpu.memory_space<hbm>> -> memref<80x128xf32, #tpu.memory_space<hbm>>
          %dma_start3A_64 = arith.constant 0 : i32
          %dma_start3A_65 = tpu.memref_slice %arg18[%mul3A_61, %dma_start3A_64] : memref<10008x128xf32, #tpu.memory_space<vmem_shared>> -> memref<80x128xf32, #tpu.memory_space<vmem_shared>>
          tpu.enqueue_dma source(%dma_start3A_65 : memref<80x128xf32, #tpu.memory_space<vmem_shared>>) target(%dma_start3A_63 : memref<80x128xf32, #tpu.memory_space<hbm>>) target_semaphore(%run_scoped3A : memref<!tpu.dma_semaphore, #tpu.memory_space<semaphore_mem>>)
          %dma_wait3A = arith.constant 0 : i32
          %dma_wait3A_66 = tpu.memref_slice %arg14[%arg0, %mul3A_61, %dma_wait3A] : memref<2x10000x128xf32, #tpu.memory_space<hbm>> -> memref<1x80x128xf32, #tpu.memory_space<hbm>>
          %dma_wait3A_67 = tpu.memref_squeeze %dma_wait3A_66 : memref<1x80x128xf32, #tpu.memory_space<hbm>> -> memref<80x128xf32, #tpu.memory_space<hbm>>
          %dma_wait3A_68 = arith.constant 0 : i32
          %dma_wait3A_69 = tpu.memref_slice %arg18[%mul3A_61, %dma_wait3A_68] : memref<10008x128xf32, #tpu.memory_space<vmem_shared>> -> memref<80x128xf32, #tpu.memory_space<vmem_shared>>
          tpu.wait_dma2 semaphore(%run_scoped3A : memref<!tpu.dma_semaphore, #tpu.memory_space<semaphore_mem>>) src(%dma_wait3A_69 : memref<80x128xf32, #tpu.memory_space<vmem_shared>>) dst(%dma_wait3A_67 : memref<80x128xf32, #tpu.memory_space<hbm>>)
          tpu.yield
        }) : () -> ()
      } else {
      }
      %ge3A = arith.constant 125 : i32
      %ge3A_54 = arith.cmpi sge, %add3A_51, %ge3A : i32
      %lt3A_55 = arith.constant 141 : i32
      %lt3A_56 = arith.cmpi slt, %add3A_51, %lt3A_55 : i32
      %and3A = arith.andi %ge3A_54, %lt3A_56 : i1
      %convert_element_type3A_57 = arith.extui %and3A : i1 to i32
      %cond3A_58 = arith.constant 0 : i32
      %cond3A_59 = arith.cmpi ne, %convert_element_type3A_57, %cond3A_58 : i32
      scf.if %cond3A_59 {
        %sub3A = arith.constant 125 : i32
        %sub3A_60 = arith.subi %add3A_51, %sub3A : i32
        %mul3A_61 = arith.constant 80 : i32
        %mul3A_62 = arith.muli %sub3A_60, %mul3A_61 : i32
        "tpu.region"() ({
          %run_scoped3A = tpu.sem_alloc : memref<!tpu.dma_semaphore, #tpu.memory_space<semaphore_mem>>
          %dma_start3A = arith.constant 0 : i32
          %dma_start3A_63 = tpu.memref_slice %arg15[%arg0, %mul3A_62, %dma_start3A] : memref<2x1280x128xf32, #tpu.memory_space<hbm>> -> memref<1x80x128xf32, #tpu.memory_space<hbm>>
          %dma_start3A_64 = tpu.memref_squeeze %dma_start3A_63 : memref<1x80x128xf32, #tpu.memory_space<hbm>> -> memref<80x128xf32, #tpu.memory_space<hbm>>
          %dma_start3A_65 = arith.constant 0 : i32
          %dma_start3A_66 = tpu.memref_slice %arg19[%mul3A_62, %dma_start3A_65] : memref<1280x128xf32, #tpu.memory_space<vmem_shared>> -> memref<80x128xf32, #tpu.memory_space<vmem_shared>>
          tpu.enqueue_dma source(%dma_start3A_66 : memref<80x128xf32, #tpu.memory_space<vmem_shared>>) target(%dma_start3A_64 : memref<80x128xf32, #tpu.memory_space<hbm>>) target_semaphore(%run_scoped3A : memref<!tpu.dma_semaphore, #tpu.memory_space<semaphore_mem>>)
          %dma_wait3A = arith.constant 0 : i32
          %dma_wait3A_67 = tpu.memref_slice %arg15[%arg0, %mul3A_62, %dma_wait3A] : memref<2x1280x128xf32, #tpu.memory_space<hbm>> -> memref<1x80x128xf32, #tpu.memory_space<hbm>>
          %dma_wait3A_68 = tpu.memref_squeeze %dma_wait3A_67 : memref<1x80x128xf32, #tpu.memory_space<hbm>> -> memref<80x128xf32, #tpu.memory_space<hbm>>
          %dma_wait3A_69 = arith.constant 0 : i32
          %dma_wait3A_70 = tpu.memref_slice %arg19[%mul3A_62, %dma_wait3A_69] : memref<1280x128xf32, #tpu.memory_space<vmem_shared>> -> memref<80x128xf32, #tpu.memory_space<vmem_shared>>
          tpu.wait_dma2 semaphore(%run_scoped3A : memref<!tpu.dma_semaphore, #tpu.memory_space<semaphore_mem>>) src(%dma_wait3A_70 : memref<80x128xf32, #tpu.memory_space<vmem_shared>>) dst(%dma_wait3A_68 : memref<80x128xf32, #tpu.memory_space<hbm>>)
          tpu.yield
        }) : () -> ()
      } else {
      }
    }
    %scan3A_22 = arith.constant 9 : i32
    %barrier3A_23 = arith.constant 0 : index
    tpu.barrier barrier_id(%barrier3A_23)
    %scan3A_24 = arith.constant 0 : i32
    %scan3A_25 = arith.constant 89 : i32
    %scan3A_26 = arith.addi %scan3A_24, %scan3A_25 : i32
    %scan3A_27 = arith.constant 1 : i32
    scf.for %scan3A_44 = %scan3A_24 to %scan3A_26 step %scan3A_27  : i32 {
      %mul3A_45 = arith.constant 1 : i32
      %mul3A_46 = arith.muli %scan3A_44, %mul3A_45 : i32
      %add3A_47 = arith.constant 0 : i32
      %add3A_48 = arith.addi %add3A_47, %mul3A_46 : i32
      %mul3A_49 = arith.constant 16 : i32
      %mul3A_50 = arith.muli %add3A_48, %mul3A_49 : i32
      %add3A_51 = arith.addi %mul3A_50, %arg1 : i32
      %lt3A = arith.constant 1250 : i32
      %lt3A_52 = arith.cmpi slt, %add3A_51, %lt3A : i32
      %convert_element_type3A = arith.extui %lt3A_52 : i1 to i32
      %cond3A = arith.constant 0 : i32
      %cond3A_53 = arith.cmpi ne, %convert_element_type3A, %cond3A : i32
      scf.if %cond3A_53 {
        %mul3A_60 = arith.constant 8 : i32
        %mul3A_61 = arith.muli %add3A_51, %mul3A_60 : i32
        "tpu.region"() ({
          %run_scoped3A = tpu.sem_alloc : memref<!tpu.dma_semaphore, #tpu.memory_space<semaphore_mem>>
          %dma_start3A = arith.constant 0 : i32
          %dma_start3A_62 = tpu.memref_slice %arg18[%mul3A_61, %dma_start3A] : memref<10008x128xf32, #tpu.memory_space<vmem_shared>> -> memref<8x128xf32, #tpu.memory_space<vmem_shared>>
          %dma_start3A_63 = arith.constant 0 : i32
          %dma_start3A_64 = tpu.memref_slice %arg18[%mul3A_61, %dma_start3A_63] : memref<10008x128xf32, #tpu.memory_space<vmem_shared>> -> memref<8x128xf32, #tpu.memory_space<vmem_shared>>
          tpu.enqueue_dma source(%arg26 : memref<8x128xf32, #tpu.memory_space<vmem>>) target(%dma_start3A_64 : memref<8x128xf32, #tpu.memory_space<vmem_shared>>) target_semaphore(%run_scoped3A : memref<!tpu.dma_semaphore, #tpu.memory_space<semaphore_mem>>)
          %dma_wait3A = arith.constant 0 : i32
          %dma_wait3A_65 = tpu.memref_slice %arg18[%mul3A_61, %dma_wait3A] : memref<10008x128xf32, #tpu.memory_space<vmem_shared>> -> memref<8x128xf32, #tpu.memory_space<vmem_shared>>
          %dma_wait3A_66 = arith.constant 0 : i32
          %dma_wait3A_67 = tpu.memref_slice %arg18[%mul3A_61, %dma_wait3A_66] : memref<10008x128xf32, #tpu.memory_space<vmem_shared>> -> memref<8x128xf32, #tpu.memory_space<vmem_shared>>
          tpu.wait_dma2 semaphore(%run_scoped3A : memref<!tpu.dma_semaphore, #tpu.memory_space<semaphore_mem>>) src(%arg26 : memref<8x128xf32, #tpu.memory_space<vmem>>) dst(%dma_wait3A_67 : memref<8x128xf32, #tpu.memory_space<vmem_shared>>)
          tpu.yield
        }) : () -> ()
      } else {
      }
      %ge3A = arith.constant 1250 : i32
      %ge3A_54 = arith.cmpi sge, %add3A_51, %ge3A : i32
      %lt3A_55 = arith.constant 1410 : i32
      %lt3A_56 = arith.cmpi slt, %add3A_51, %lt3A_55 : i32
      %and3A = arith.andi %ge3A_54, %lt3A_56 : i1
      %convert_element_type3A_57 = arith.extui %and3A : i1 to i32
      %cond3A_58 = arith.constant 0 : i32
      %cond3A_59 = arith.cmpi ne, %convert_element_type3A_57, %cond3A_58 : i32
      scf.if %cond3A_59 {
        %sub3A = arith.constant 1250 : i32
        %sub3A_60 = arith.subi %add3A_51, %sub3A : i32
        %mul3A_61 = arith.constant 8 : i32
        %mul3A_62 = arith.muli %sub3A_60, %mul3A_61 : i32
        "tpu.region"() ({
          %run_scoped3A = tpu.sem_alloc : memref<!tpu.dma_semaphore, #tpu.memory_space<semaphore_mem>>
          %dma_start3A = arith.constant 0 : i32
          %dma_start3A_63 = tpu.memref_slice %arg19[%mul3A_62, %dma_start3A] : memref<1280x128xf32, #tpu.memory_space<vmem_shared>> -> memref<8x128xf32, #tpu.memory_space<vmem_shared>>
          %dma_start3A_64 = arith.constant 0 : i32
          %dma_start3A_65 = tpu.memref_slice %arg19[%mul3A_62, %dma_start3A_64] : memref<1280x128xf32, #tpu.memory_space<vmem_shared>> -> memref<8x128xf32, #tpu.memory_space<vmem_shared>>
          tpu.enqueue_dma source(%arg26 : memref<8x128xf32, #tpu.memory_space<vmem>>) target(%dma_start3A_65 : memref<8x128xf32, #tpu.memory_space<vmem_shared>>) target_semaphore(%run_scoped3A : memref<!tpu.dma_semaphore, #tpu.memory_space<semaphore_mem>>)
          %dma_wait3A = arith.constant 0 : i32
          %dma_wait3A_66 = tpu.memref_slice %arg19[%mul3A_62, %dma_wait3A] : memref<1280x128xf32, #tpu.memory_space<vmem_shared>> -> memref<8x128xf32, #tpu.memory_space<vmem_shared>>
          %dma_wait3A_67 = arith.constant 0 : i32
          %dma_wait3A_68 = tpu.memref_slice %arg19[%mul3A_62, %dma_wait3A_67] : memref<1280x128xf32, #tpu.memory_space<vmem_shared>> -> memref<8x128xf32, #tpu.memory_space<vmem_shared>>
          tpu.wait_dma2 semaphore(%run_scoped3A : memref<!tpu.dma_semaphore, #tpu.memory_space<semaphore_mem>>) src(%arg26 : memref<8x128xf32, #tpu.memory_space<vmem>>) dst(%dma_wait3A_68 : memref<8x128xf32, #tpu.memory_space<vmem_shared>>)
          tpu.yield
        }) : () -> ()
      } else {
      }
    }
    %scan3A_28 = arith.constant 89 : i32
    "tpu.region"() ({
      %run_scoped3A = tpu.sem_alloc : memref<!tpu.dma_semaphore, #tpu.memory_space<semaphore_mem>>
      tpu.enqueue_dma source(%arg13 : memref<128xf32, #tpu.memory_space<hbm>>) target(%arg25 : memref<128xf32, #tpu.memory_space<vmem>>) target_semaphore(%run_scoped3A : memref<!tpu.dma_semaphore, #tpu.memory_space<semaphore_mem>>)
      tpu.wait_dma2 semaphore(%run_scoped3A : memref<!tpu.dma_semaphore, #tpu.memory_space<semaphore_mem>>) src(%arg13 : memref<128xf32, #tpu.memory_space<hbm>>) dst(%arg25 : memref<128xf32, #tpu.memory_space<vmem>>)
      tpu.yield
    }) : () -> ()
    %get3A_29 = arith.constant 0 : index
    %get3A_30 = tpu.vector_load %arg25[%get3A_29] {strides = array<i32>} : memref<128xf32, #tpu.memory_space<vmem>>, vector<16xf32>,
    %barrier3A_31 = arith.constant 0 : index
    tpu.barrier barrier_id(%barrier3A_31)
    %scan3A_32 = arith.constant 0 : i32
    %scan3A_33 = arith.constant 10 : i32
    %scan3A_34 = arith.addi %scan3A_32, %scan3A_33 : i32
    %scan3A_35 = arith.constant 1 : i32
    scf.for %scan3A_44 = %scan3A_32 to %scan3A_34 step %scan3A_35  : i32 {
      %mul3A_45 = arith.constant 1 : i32
      %mul3A_46 = arith.muli %scan3A_44, %mul3A_45 : i32
      %add3A_47 = arith.constant 0 : i32
      %add3A_48 = arith.addi %add3A_47, %mul3A_46 : i32
      %mul3A_49 = arith.constant 10 : i32
      %mul3A_50 = arith.muli %add3A, %mul3A_49 : i32
      %add3A_51 = arith.addi %mul3A_50, %add3A_48 : i32
      %mul3A_52 = arith.constant 8 : i32
      %mul3A_53 = arith.muli %add3A_51, %mul3A_52 : i32
      "tpu.region"() ({
        %run_scoped3A = tpu.sem_alloc : memref<!tpu.dma_semaphore, #tpu.memory_space<semaphore_mem>>
        %dma_start3A_293 = arith.constant 0 : i32
        %dma_start3A_294 = tpu.memref_slice %arg10[%mul3A_53, %dma_start3A_293] : memref<2560x128xi32, #tpu.memory_space<hbm>> -> memref<8x128xi32, #tpu.memory_space<hbm>>
        %dma_start3A_295 = arith.constant 0 : i32
        %dma_start3A_296 = tpu.memref_slice %arg10[%mul3A_53, %dma_start3A_295] : memref<2560x128xi32, #tpu.memory_space<hbm>> -> memref<8x128xi32, #tpu.memory_space<hbm>>
        tpu.enqueue_dma source(%dma_start3A_296 : memref<8x128xi32, #tpu.memory_space<hbm>>) target(%arg20 : memref<8x128xi32, #tpu.memory_space<vmem>>) target_semaphore(%run_scoped3A : memref<!tpu.dma_semaphore, #tpu.memory_space<semaphore_mem>>)
        %dma_wait3A_297 = arith.constant 0 : i32
        %dma_wait3A_298 = tpu.memref_slice %arg10[%mul3A_53, %dma_wait3A_297] : memref<2560x128xi32, #tpu.memory_space<hbm>> -> memref<8x128xi32, #tpu.memory_space<hbm>>
        %dma_wait3A_299 = arith.constant 0 : i32
        %dma_wait3A_300 = tpu.memref_slice %arg10[%mul3A_53, %dma_wait3A_299] : memref<2560x128xi32, #tpu.memory_space<hbm>> -> memref<8x128xi32, #tpu.memory_space<hbm>>
        tpu.wait_dma2 semaphore(%run_scoped3A : memref<!tpu.dma_semaphore, #tpu.memory_space<semaphore_mem>>) src(%dma_wait3A_300 : memref<8x128xi32, #tpu.memory_space<hbm>>) dst(%arg20 : memref<8x128xi32, #tpu.memory_space<vmem>>)
        tpu.yield
      }) : () -> ()
      "tpu.region"() ({
        %run_scoped3A = tpu.sem_alloc : memref<!tpu.dma_semaphore, #tpu.memory_space<semaphore_mem>>
        %dma_start3A_293 = arith.constant 0 : i32
        %dma_start3A_294 = tpu.memref_slice %arg11[%mul3A_53, %dma_start3A_293] : memref<2560x128xi32, #tpu.memory_space<hbm>> -> memref<8x128xi32, #tpu.memory_space<hbm>>
        %dma_start3A_295 = arith.constant 0 : i32
        %dma_start3A_296 = tpu.memref_slice %arg11[%mul3A_53, %dma_start3A_295] : memref<2560x128xi32, #tpu.memory_space<hbm>> -> memref<8x128xi32, #tpu.memory_space<hbm>>
        tpu.enqueue_dma source(%dma_start3A_296 : memref<8x128xi32, #tpu.memory_space<hbm>>) target(%arg21 : memref<8x128xi32, #tpu.memory_space<vmem>>) target_semaphore(%run_scoped3A : memref<!tpu.dma_semaphore, #tpu.memory_space<semaphore_mem>>)
        %dma_wait3A_297 = arith.constant 0 : i32
        %dma_wait3A_298 = tpu.memref_slice %arg11[%mul3A_53, %dma_wait3A_297] : memref<2560x128xi32, #tpu.memory_space<hbm>> -> memref<8x128xi32, #tpu.memory_space<hbm>>
        %dma_wait3A_299 = arith.constant 0 : i32
        %dma_wait3A_300 = tpu.memref_slice %arg11[%mul3A_53, %dma_wait3A_299] : memref<2560x128xi32, #tpu.memory_space<hbm>> -> memref<8x128xi32, #tpu.memory_space<hbm>>
        tpu.wait_dma2 semaphore(%run_scoped3A : memref<!tpu.dma_semaphore, #tpu.memory_space<semaphore_mem>>) src(%dma_wait3A_300 : memref<8x128xi32, #tpu.memory_space<hbm>>) dst(%arg21 : memref<8x128xi32, #tpu.memory_space<vmem>>)
        tpu.yield
      }) : () -> ()
      %shift_right_logical3A = arith.constant 0 : i32
      %shift_right_logical3A_54 = arith.constant 3 : i32
      %shift_right_logical3A_55 = arith.shrui %shift_right_logical3A, %shift_right_logical3A_54 : i32
      %and3A = arith.constant 0 : i32
      %and3A_56 = arith.constant 7 : i32
      %and3A_57 = arith.andi %and3A, %and3A_56 : i32
      %mul3A_58 = arith.constant 16 : i32
      %mul3A_59 = arith.muli %and3A_57, %mul3A_58 : i32
      %get3A_60 = arith.index_cast %shift_right_logical3A_55 : i32 to index
      %get3A_61 = arith.index_cast %mul3A_59 : i32 to index
      %get3A_62 = tpu.vector_load %arg20[%get3A_60, %get3A_61] {strides = array<i32>} : memref<8x128xi32, #tpu.memory_space<vmem>>, vector<16xi32>,
      %get3A_63 = arith.index_cast %shift_right_logical3A_55 : i32 to index
      %get3A_64 = arith.index_cast %mul3A_59 : i32 to index
      %get3A_65 = tpu.vector_load %arg21[%get3A_63, %get3A_64] {strides = array<i32>} : memref<8x128xi32, #tpu.memory_space<vmem>>, vector<16xi32>,
      %dma_start3A = arith.constant 0 : i32
      %dma_start3A_66 = arith.constant 0 : i32
      %dma_start3A_67 = arith.constant 0 : i32
      %dma_start3A_68 = arith.constant 0 : i32
      %dma_start3A_69 = tpu.memref_slice %arg22[%dma_start3A, %dma_start3A_67, %dma_start3A_68] : memref<4x16x128xf32, #tpu.memory_space<vmem>> -> memref<1x16x128xf32, #tpu.memory_space<vmem>>
      %dma_start3A_70 = tpu.memref_squeeze %dma_start3A_69 : memref<1x16x128xf32, #tpu.memory_space<vmem>> -> memref<16x128xf32, #tpu.memory_space<vmem>>
      %dma_start3A_71 = arith.constant 0 : i32
      %dma_start3A_72 = arith.constant 0 : i32
      %dma_start3A_73 = tpu.memref_slice %arg6[%dma_start3A_71, %dma_start3A_72] : memref<10008x128xf32, #tpu.memory_space<hbm>> -> memref<10008x128xf32, #tpu.memory_space<hbm>>
      %dma_start3A_74 = tpu.memref_slice %arg27[%dma_start3A_66] : memref<4x!tpu.dma_semaphore, #tpu.memory_space<semaphore_mem>> -> memref<1x!tpu.dma_semaphore, #tpu.memory_space<semaphore_mem>>
      %dma_start3A_75 = tpu.memref_squeeze %dma_start3A_74 : memref<1x!tpu.dma_semaphore, #tpu.memory_space<semaphore_mem>> -> memref<!tpu.dma_semaphore, #tpu.memory_space<semaphore_mem>>
      tpu.enqueue_indirect_dma source(%dma_start3A_73 : memref<10008x128xf32, #tpu.memory_space<hbm>>) target(%dma_start3A_70 : memref<16x128xf32, #tpu.memory_space<vmem>>) offsets(%get3A_62 : vector<16xi32>) semaphore(%dma_start3A_75 : memref<!tpu.dma_semaphore, #tpu.memory_space<semaphore_mem>>)
      %dma_start3A_76 = arith.constant 0 : i32
      %dma_start3A_77 = arith.constant 0 : i32
      %dma_start3A_78 = arith.constant 0 : i32
      %dma_start3A_79 = arith.constant 0 : i32
      %dma_start3A_80 = tpu.memref_slice %arg23[%dma_start3A_76, %dma_start3A_78, %dma_start3A_79] : memref<4x16x128xf32, #tpu.memory_space<vmem>> -> memref<1x16x128xf32, #tpu.memory_space<vmem>>
      %dma_start3A_81 = tpu.memref_squeeze %dma_start3A_80 : memref<1x16x128xf32, #tpu.memory_space<vmem>> -> memref<16x128xf32, #tpu.memory_space<vmem>>
      %dma_start3A_82 = arith.constant 0 : i32
      %dma_start3A_83 = arith.constant 0 : i32
      %dma_start3A_84 = tpu.memref_slice %arg7[%dma_start3A_82, %dma_start3A_83] : memref<10008x128xf32, #tpu.memory_space<hbm>> -> memref<10008x128xf32, #tpu.memory_space<hbm>>
      %dma_start3A_85 = tpu.memref_slice %arg27[%dma_start3A_77] : memref<4x!tpu.dma_semaphore, #tpu.memory_space<semaphore_mem>> -> memref<1x!tpu.dma_semaphore, #tpu.memory_space<semaphore_mem>>
      %dma_start3A_86 = tpu.memref_squeeze %dma_start3A_85 : memref<1x!tpu.dma_semaphore, #tpu.memory_space<semaphore_mem>> -> memref<!tpu.dma_semaphore, #tpu.memory_space<semaphore_mem>>
      tpu.enqueue_indirect_dma source(%dma_start3A_84 : memref<10008x128xf32, #tpu.memory_space<hbm>>) target(%dma_start3A_81 : memref<16x128xf32, #tpu.memory_space<vmem>>) offsets(%get3A_65 : vector<16xi32>) semaphore(%dma_start3A_86 : memref<!tpu.dma_semaphore, #tpu.memory_space<semaphore_mem>>)
      %dma_start3A_87 = arith.constant 0 : i32
      %dma_start3A_88 = arith.constant 0 : i32
      %dma_start3A_89 = arith.constant 0 : i32
      %dma_start3A_90 = arith.constant 0 : i32
      %dma_start3A_91 = tpu.memref_slice %arg24[%dma_start3A_87, %dma_start3A_89, %dma_start3A_90] : memref<4x16x128xf32, #tpu.memory_space<vmem>> -> memref<1x16x128xf32, #tpu.memory_space<vmem>>
      %dma_start3A_92 = tpu.memref_squeeze %dma_start3A_91 : memref<1x16x128xf32, #tpu.memory_space<vmem>> -> memref<16x128xf32, #tpu.memory_space<vmem>>
      %dma_start3A_93 = arith.constant 0 : i32
      %dma_start3A_94 = arith.constant 0 : i32
      %dma_start3A_95 = tpu.memref_slice %arg3[%dma_start3A_93, %dma_start3A_94] : memref<10008x128xf32, #tpu.memory_space<hbm>> -> memref<10008x128xf32, #tpu.memory_space<hbm>>
      %dma_start3A_96 = tpu.memref_slice %arg27[%dma_start3A_88] : memref<4x!tpu.dma_semaphore, #tpu.memory_space<semaphore_mem>> -> memref<1x!tpu.dma_semaphore, #tpu.memory_space<semaphore_mem>>
      %dma_start3A_97 = tpu.memref_squeeze %dma_start3A_96 : memref<1x!tpu.dma_semaphore, #tpu.memory_space<semaphore_mem>> -> memref<!tpu.dma_semaphore, #tpu.memory_space<semaphore_mem>>
      tpu.enqueue_indirect_dma source(%dma_start3A_95 : memref<10008x128xf32, #tpu.memory_space<hbm>>) target(%dma_start3A_92 : memref<16x128xf32, #tpu.memory_space<vmem>>) offsets(%get3A_62 : vector<16xi32>) semaphore(%dma_start3A_97 : memref<!tpu.dma_semaphore, #tpu.memory_space<semaphore_mem>>)
      %shift_right_logical3A_98 = arith.constant 1 : i32
      %shift_right_logical3A_99 = arith.constant 3 : i32
      %shift_right_logical3A_100 = arith.shrui %shift_right_logical3A_98, %shift_right_logical3A_99 : i32
      %and3A_101 = arith.constant 1 : i32
      %and3A_102 = arith.constant 7 : i32
      %and3A_103 = arith.andi %and3A_101, %and3A_102 : i32
      %mul3A_104 = arith.constant 16 : i32
      %mul3A_105 = arith.muli %and3A_103, %mul3A_104 : i32
      %get3A_106 = arith.index_cast %shift_right_logical3A_100 : i32 to index
      %get3A_107 = arith.index_cast %mul3A_105 : i32 to index
      %get3A_108 = tpu.vector_load %arg20[%get3A_106, %get3A_107] {strides = array<i32>} : memref<8x128xi32, #tpu.memory_space<vmem>>, vector<16xi32>,
      %get3A_109 = arith.index_cast %shift_right_logical3A_100 : i32 to index
      %get3A_110 = arith.index_cast %mul3A_105 : i32 to index
      %get3A_111 = tpu.vector_load %arg21[%get3A_109, %get3A_110] {strides = array<i32>} : memref<8x128xi32, #tpu.memory_space<vmem>>, vector<16xi32>,
      %dma_start3A_112 = arith.constant 1 : i32
      %dma_start3A_113 = arith.constant 1 : i32
      %dma_start3A_114 = arith.constant 0 : i32
      %dma_start3A_115 = arith.constant 0 : i32
      %dma_start3A_116 = tpu.memref_slice %arg22[%dma_start3A_112, %dma_start3A_114, %dma_start3A_115] : memref<4x16x128xf32, #tpu.memory_space<vmem>> -> memref<1x16x128xf32, #tpu.memory_space<vmem>>
      %dma_start3A_117 = tpu.memref_squeeze %dma_start3A_116 : memref<1x16x128xf32, #tpu.memory_space<vmem>> -> memref<16x128xf32, #tpu.memory_space<vmem>>
      %dma_start3A_118 = arith.constant 0 : i32
      %dma_start3A_119 = arith.constant 0 : i32
      %dma_start3A_120 = tpu.memref_slice %arg6[%dma_start3A_118, %dma_start3A_119] : memref<10008x128xf32, #tpu.memory_space<hbm>> -> memref<10008x128xf32, #tpu.memory_space<hbm>>
      %dma_start3A_121 = tpu.memref_slice %arg27[%dma_start3A_113] : memref<4x!tpu.dma_semaphore, #tpu.memory_space<semaphore_mem>> -> memref<1x!tpu.dma_semaphore, #tpu.memory_space<semaphore_mem>>
      %dma_start3A_122 = tpu.memref_squeeze %dma_start3A_121 : memref<1x!tpu.dma_semaphore, #tpu.memory_space<semaphore_mem>> -> memref<!tpu.dma_semaphore, #tpu.memory_space<semaphore_mem>>
      tpu.enqueue_indirect_dma source(%dma_start3A_120 : memref<10008x128xf32, #tpu.memory_space<hbm>>) target(%dma_start3A_117 : memref<16x128xf32, #tpu.memory_space<vmem>>) offsets(%get3A_108 : vector<16xi32>) semaphore(%dma_start3A_122 : memref<!tpu.dma_semaphore, #tpu.memory_space<semaphore_mem>>)
      %dma_start3A_123 = arith.constant 1 : i32
      %dma_start3A_124 = arith.constant 1 : i32
      %dma_start3A_125 = arith.constant 0 : i32
      %dma_start3A_126 = arith.constant 0 : i32
      %dma_start3A_127 = tpu.memref_slice %arg23[%dma_start3A_123, %dma_start3A_125, %dma_start3A_126] : memref<4x16x128xf32, #tpu.memory_space<vmem>> -> memref<1x16x128xf32, #tpu.memory_space<vmem>>
      %dma_start3A_128 = tpu.memref_squeeze %dma_start3A_127 : memref<1x16x128xf32, #tpu.memory_space<vmem>> -> memref<16x128xf32, #tpu.memory_space<vmem>>
      %dma_start3A_129 = arith.constant 0 : i32
      %dma_start3A_130 = arith.constant 0 : i32
      %dma_start3A_131 = tpu.memref_slice %arg7[%dma_start3A_129, %dma_start3A_130] : memref<10008x128xf32, #tpu.memory_space<hbm>> -> memref<10008x128xf32, #tpu.memory_space<hbm>>
      %dma_start3A_132 = tpu.memref_slice %arg27[%dma_start3A_124] : memref<4x!tpu.dma_semaphore, #tpu.memory_space<semaphore_mem>> -> memref<1x!tpu.dma_semaphore, #tpu.memory_space<semaphore_mem>>
      %dma_start3A_133 = tpu.memref_squeeze %dma_start3A_132 : memref<1x!tpu.dma_semaphore, #tpu.memory_space<semaphore_mem>> -> memref<!tpu.dma_semaphore, #tpu.memory_space<semaphore_mem>>
      tpu.enqueue_indirect_dma source(%dma_start3A_131 : memref<10008x128xf32, #tpu.memory_space<hbm>>) target(%dma_start3A_128 : memref<16x128xf32, #tpu.memory_space<vmem>>) offsets(%get3A_111 : vector<16xi32>) semaphore(%dma_start3A_133 : memref<!tpu.dma_semaphore, #tpu.memory_space<semaphore_mem>>)
      %dma_start3A_134 = arith.constant 1 : i32
      %dma_start3A_135 = arith.constant 1 : i32
      %dma_start3A_136 = arith.constant 0 : i32
      %dma_start3A_137 = arith.constant 0 : i32
      %dma_start3A_138 = tpu.memref_slice %arg24[%dma_start3A_134, %dma_start3A_136, %dma_start3A_137] : memref<4x16x128xf32, #tpu.memory_space<vmem>> -> memref<1x16x128xf32, #tpu.memory_space<vmem>>
      %dma_start3A_139 = tpu.memref_squeeze %dma_start3A_138 : memref<1x16x128xf32, #tpu.memory_space<vmem>> -> memref<16x128xf32, #tpu.memory_space<vmem>>
      %dma_start3A_140 = arith.constant 0 : i32
      %dma_start3A_141 = arith.constant 0 : i32
      %dma_start3A_142 = tpu.memref_slice %arg3[%dma_start3A_140, %dma_start3A_141] : memref<10008x128xf32, #tpu.memory_space<hbm>> -> memref<10008x128xf32, #tpu.memory_space<hbm>>
      %dma_start3A_143 = tpu.memref_slice %arg27[%dma_start3A_135] : memref<4x!tpu.dma_semaphore, #tpu.memory_space<semaphore_mem>> -> memref<1x!tpu.dma_semaphore, #tpu.memory_space<semaphore_mem>>
      %dma_start3A_144 = tpu.memref_squeeze %dma_start3A_143 : memref<1x!tpu.dma_semaphore, #tpu.memory_space<semaphore_mem>> -> memref<!tpu.dma_semaphore, #tpu.memory_space<semaphore_mem>>
      tpu.enqueue_indirect_dma source(%dma_start3A_142 : memref<10008x128xf32, #tpu.memory_space<hbm>>) target(%dma_start3A_139 : memref<16x128xf32, #tpu.memory_space<vmem>>) offsets(%get3A_108 : vector<16xi32>) semaphore(%dma_start3A_144 : memref<!tpu.dma_semaphore, #tpu.memory_space<semaphore_mem>>)
      %scan3A_145 = arith.constant 0 : i32
      %scan3A_146 = arith.constant 64 : i32
      %scan3A_147 = arith.addi %scan3A_145, %scan3A_146 : i32
      %scan3A_148 = arith.constant 1 : i32
      scf.for %scan3A_293 = %scan3A_145 to %scan3A_147 step %scan3A_148  : i32 {
        %mul3A_294 = arith.constant 1 : i32
        %mul3A_295 = arith.muli %scan3A_293, %mul3A_294 : i32
        %add3A_296 = arith.constant 0 : i32
        %add3A_297 = arith.addi %add3A_296, %mul3A_295 : i32
        %rem3A = arith.constant 4 : i32
        %rem3A_298 = arith.remsi %add3A_297, %rem3A : i32
        %add3A_299 = arith.constant 2 : i32
        %add3A_300 = arith.addi %add3A_297, %add3A_299 : i32
        %rem3A_301 = arith.constant 4 : i32
        %rem3A_302 = arith.remsi %add3A_300, %rem3A_301 : i32
        %add3A_303 = arith.constant 2 : i32
        %add3A_304 = arith.addi %add3A_297, %add3A_303 : i32
        %lt3A = arith.constant 64 : i32
        %lt3A_305 = arith.cmpi slt, %add3A_304, %lt3A : i32
        %convert_element_type3A = arith.extui %lt3A_305 : i1 to i32
        %cond3A = arith.constant 0 : i32
        %cond3A_306 = arith.cmpi ne, %convert_element_type3A, %cond3A : i32
        scf.if %cond3A_306 {
          %ge3A = arith.constant 2 : i32
          %ge3A_388 = arith.cmpi sge, %add3A_297, %ge3A : i32
          %convert_element_type3A_389 = arith.extui %ge3A_388 : i1 to i32
          %cond3A_390 = arith.constant 0 : i32
          %cond3A_391 = arith.cmpi ne, %convert_element_type3A_389, %cond3A_390 : i32
          scf.if %cond3A_391 {
            %dma_wait3A_433 = arith.constant 0 : i32
            %dma_wait3A_434 = arith.constant 0 : i32
            %dma_wait3A_435 = tpu.memref_slice %arg24[%rem3A_302, %dma_wait3A_433, %dma_wait3A_434] : memref<4x16x128xf32, #tpu.memory_space<vmem>> -> memref<1x16x128xf32, #tpu.memory_space<vmem>>
            %dma_wait3A_436 = tpu.memref_squeeze %dma_wait3A_435 : memref<1x16x128xf32, #tpu.memory_space<vmem>> -> memref<16x128xf32, #tpu.memory_space<vmem>>
            %dma_wait3A_437 = arith.constant 0 : i32
            %dma_wait3A_438 = arith.constant 0 : i32
            %dma_wait3A_439 = tpu.memref_slice %arg18[%dma_wait3A_437, %dma_wait3A_438] : memref<10008x128xf32, #tpu.memory_space<vmem_shared>> -> memref<16x128xf32, #tpu.memory_space<vmem_shared>>
            %dma_wait3A_440 = tpu.memref_slice %arg28[%rem3A_302] : memref<4x!tpu.dma_semaphore, #tpu.memory_space<semaphore_mem>> -> memref<1x!tpu.dma_semaphore, #tpu.memory_space<semaphore_mem>>
            %dma_wait3A_441 = tpu.memref_squeeze %dma_wait3A_440 : memref<1x!tpu.dma_semaphore, #tpu.memory_space<semaphore_mem>> -> memref<!tpu.dma_semaphore, #tpu.memory_space<semaphore_mem>>
            %dma_wait3A_442 = arith.constant 0 : i32
            %dma_wait3A_443 = arith.constant 0 : i32
            %dma_wait3A_444 = tpu.memref_slice %arg18[%dma_wait3A_442, %dma_wait3A_443] : memref<10008x128xf32, #tpu.memory_space<vmem_shared>> -> memref<16x128xf32, #tpu.memory_space<vmem_shared>>
            %dma_wait3A_445 = arith.constant 0 : i32
            %dma_wait3A_446 = arith.constant 0 : i32
            %dma_wait3A_447 = tpu.memref_slice %arg24[%rem3A_302, %dma_wait3A_445, %dma_wait3A_446] : memref<4x16x128xf32, #tpu.memory_space<vmem>> -> memref<1x16x128xf32, #tpu.memory_space<vmem>>
            %dma_wait3A_448 = tpu.memref_squeeze %dma_wait3A_447 : memref<1x16x128xf32, #tpu.memory_space<vmem>> -> memref<16x128xf32, #tpu.memory_space<vmem>>
            tpu.wait_dma2 semaphore(%dma_wait3A_441 : memref<!tpu.dma_semaphore, #tpu.memory_space<semaphore_mem>>) src(%dma_wait3A_448 : memref<16x128xf32, #tpu.memory_space<vmem>>) dst(%dma_wait3A_444 : memref<16x128xf32, #tpu.memory_space<vmem_shared>>)
            %dma_wait3A_449 = arith.constant 0 : i32
            %dma_wait3A_450 = arith.constant 0 : i32
            %dma_wait3A_451 = tpu.memref_slice %arg23[%rem3A_302, %dma_wait3A_449, %dma_wait3A_450] : memref<4x16x128xf32, #tpu.memory_space<vmem>> -> memref<1x16x128xf32, #tpu.memory_space<vmem>>
            %dma_wait3A_452 = tpu.memref_squeeze %dma_wait3A_451 : memref<1x16x128xf32, #tpu.memory_space<vmem>> -> memref<16x128xf32, #tpu.memory_space<vmem>>
            %dma_wait3A_453 = arith.constant 0 : i32
            %dma_wait3A_454 = arith.constant 0 : i32
            %dma_wait3A_455 = tpu.memref_slice %arg19[%dma_wait3A_453, %dma_wait3A_454] : memref<1280x128xf32, #tpu.memory_space<vmem_shared>> -> memref<16x128xf32, #tpu.memory_space<vmem_shared>>
            %dma_wait3A_456 = tpu.memref_slice %arg28[%rem3A_302] : memref<4x!tpu.dma_semaphore, #tpu.memory_space<semaphore_mem>> -> memref<1x!tpu.dma_semaphore, #tpu.memory_space<semaphore_mem>>
            %dma_wait3A_457 = tpu.memref_squeeze %dma_wait3A_456 : memref<1x!tpu.dma_semaphore, #tpu.memory_space<semaphore_mem>> -> memref<!tpu.dma_semaphore, #tpu.memory_space<semaphore_mem>>
            %dma_wait3A_458 = arith.constant 0 : i32
            %dma_wait3A_459 = arith.constant 0 : i32
            %dma_wait3A_460 = tpu.memref_slice %arg19[%dma_wait3A_458, %dma_wait3A_459] : memref<1280x128xf32, #tpu.memory_space<vmem_shared>> -> memref<16x128xf32, #tpu.memory_space<vmem_shared>>
            %dma_wait3A_461 = arith.constant 0 : i32
            %dma_wait3A_462 = arith.constant 0 : i32
            %dma_wait3A_463 = tpu.memref_slice %arg23[%rem3A_302, %dma_wait3A_461, %dma_wait3A_462] : memref<4x16x128xf32, #tpu.memory_space<vmem>> -> memref<1x16x128xf32, #tpu.memory_space<vmem>>
            %dma_wait3A_464 = tpu.memref_squeeze %dma_wait3A_463 : memref<1x16x128xf32, #tpu.memory_space<vmem>> -> memref<16x128xf32, #tpu.memory_space<vmem>>
            tpu.wait_dma2 semaphore(%dma_wait3A_457 : memref<!tpu.dma_semaphore, #tpu.memory_space<semaphore_mem>>) src(%dma_wait3A_464 : memref<16x128xf32, #tpu.memory_space<vmem>>) dst(%dma_wait3A_460 : memref<16x128xf32, #tpu.memory_space<vmem_shared>>)
          } else {
          }
          %add3A_392 = arith.constant 2 : i32
          %add3A_393 = arith.addi %add3A_297, %add3A_392 : i32
          %shift_right_logical3A_394 = arith.constant 3 : i32
          %shift_right_logical3A_395 = arith.shrui %add3A_393, %shift_right_logical3A_394 : i32
          %and3A_396 = arith.constant 7 : i32
          %and3A_397 = arith.andi %add3A_393, %and3A_396 : i32
          %mul3A_398 = arith.constant 16 : i32
          %mul3A_399 = arith.muli %and3A_397, %mul3A_398 : i32
          %get3A_400 = arith.index_cast %shift_right_logical3A_395 : i32 to index
          %get3A_401 = arith.index_cast %mul3A_399 : i32 to index
          %get3A_402 = tpu.vector_load %arg20[%get3A_400, %get3A_401] {strides = array<i32>} : memref<8x128xi32, #tpu.memory_space<vmem>>, vector<16xi32>,
          %get3A_403 = arith.index_cast %shift_right_logical3A_395 : i32 to index
          %get3A_404 = arith.index_cast %mul3A_399 : i32 to index
          %get3A_405 = tpu.vector_load %arg21[%get3A_403, %get3A_404] {strides = array<i32>} : memref<8x128xi32, #tpu.memory_space<vmem>>, vector<16xi32>,
          %dma_start3A_406 = arith.constant 0 : i32
          %dma_start3A_407 = arith.constant 0 : i32
          %dma_start3A_408 = tpu.memref_slice %arg22[%rem3A_302, %dma_start3A_406, %dma_start3A_407] : memref<4x16x128xf32, #tpu.memory_space<vmem>> -> memref<1x16x128xf32, #tpu.memory_space<vmem>>
          %dma_start3A_409 = tpu.memref_squeeze %dma_start3A_408 : memref<1x16x128xf32, #tpu.memory_space<vmem>> -> memref<16x128xf32, #tpu.memory_space<vmem>>
          %dma_start3A_410 = arith.constant 0 : i32
          %dma_start3A_411 = arith.constant 0 : i32
          %dma_start3A_412 = tpu.memref_slice %arg6[%dma_start3A_410, %dma_start3A_411] : memref<10008x128xf32, #tpu.memory_space<hbm>> -> memref<10008x128xf32, #tpu.memory_space<hbm>>
          %dma_start3A_413 = tpu.memref_slice %arg27[%rem3A_302] : memref<4x!tpu.dma_semaphore, #tpu.memory_space<semaphore_mem>> -> memref<1x!tpu.dma_semaphore, #tpu.memory_space<semaphore_mem>>
          %dma_start3A_414 = tpu.memref_squeeze %dma_start3A_413 : memref<1x!tpu.dma_semaphore, #tpu.memory_space<semaphore_mem>> -> memref<!tpu.dma_semaphore, #tpu.memory_space<semaphore_mem>>
          tpu.enqueue_indirect_dma source(%dma_start3A_412 : memref<10008x128xf32, #tpu.memory_space<hbm>>) target(%dma_start3A_409 : memref<16x128xf32, #tpu.memory_space<vmem>>) offsets(%get3A_402 : vector<16xi32>) semaphore(%dma_start3A_414 : memref<!tpu.dma_semaphore, #tpu.memory_space<semaphore_mem>>)
          %dma_start3A_415 = arith.constant 0 : i32
          %dma_start3A_416 = arith.constant 0 : i32
          %dma_start3A_417 = tpu.memref_slice %arg23[%rem3A_302, %dma_start3A_415, %dma_start3A_416] : memref<4x16x128xf32, #tpu.memory_space<vmem>> -> memref<1x16x128xf32, #tpu.memory_space<vmem>>
          %dma_start3A_418 = tpu.memref_squeeze %dma_start3A_417 : memref<1x16x128xf32, #tpu.memory_space<vmem>> -> memref<16x128xf32, #tpu.memory_space<vmem>>
          %dma_start3A_419 = arith.constant 0 : i32
          %dma_start3A_420 = arith.constant 0 : i32
          %dma_start3A_421 = tpu.memref_slice %arg7[%dma_start3A_419, %dma_start3A_420] : memref<10008x128xf32, #tpu.memory_space<hbm>> -> memref<10008x128xf32, #tpu.memory_space<hbm>>
          %dma_start3A_422 = tpu.memref_slice %arg27[%rem3A_302] : memref<4x!tpu.dma_semaphore, #tpu.memory_space<semaphore_mem>> -> memref<1x!tpu.dma_semaphore, #tpu.memory_space<semaphore_mem>>
          %dma_start3A_423 = tpu.memref_squeeze %dma_start3A_422 : memref<1x!tpu.dma_semaphore, #tpu.memory_space<semaphore_mem>> -> memref<!tpu.dma_semaphore, #tpu.memory_space<semaphore_mem>>
          tpu.enqueue_indirect_dma source(%dma_start3A_421 : memref<10008x128xf32, #tpu.memory_space<hbm>>) target(%dma_start3A_418 : memref<16x128xf32, #tpu.memory_space<vmem>>) offsets(%get3A_405 : vector<16xi32>) semaphore(%dma_start3A_423 : memref<!tpu.dma_semaphore, #tpu.memory_space<semaphore_mem>>)
          %dma_start3A_424 = arith.constant 0 : i32
          %dma_start3A_425 = arith.constant 0 : i32
          %dma_start3A_426 = tpu.memref_slice %arg24[%rem3A_302, %dma_start3A_424, %dma_start3A_425] : memref<4x16x128xf32, #tpu.memory_space<vmem>> -> memref<1x16x128xf32, #tpu.memory_space<vmem>>
          %dma_start3A_427 = tpu.memref_squeeze %dma_start3A_426 : memref<1x16x128xf32, #tpu.memory_space<vmem>> -> memref<16x128xf32, #tpu.memory_space<vmem>>
          %dma_start3A_428 = arith.constant 0 : i32
          %dma_start3A_429 = arith.constant 0 : i32
          %dma_start3A_430 = tpu.memref_slice %arg3[%dma_start3A_428, %dma_start3A_429] : memref<10008x128xf32, #tpu.memory_space<hbm>> -> memref<10008x128xf32, #tpu.memory_space<hbm>>
          %dma_start3A_431 = tpu.memref_slice %arg27[%rem3A_302] : memref<4x!tpu.dma_semaphore, #tpu.memory_space<semaphore_mem>> -> memref<1x!tpu.dma_semaphore, #tpu.memory_space<semaphore_mem>>
          %dma_start3A_432 = tpu.memref_squeeze %dma_start3A_431 : memref<1x!tpu.dma_semaphore, #tpu.memory_space<semaphore_mem>> -> memref<!tpu.dma_semaphore, #tpu.memory_space<semaphore_mem>>
          tpu.enqueue_indirect_dma source(%dma_start3A_430 : memref<10008x128xf32, #tpu.memory_space<hbm>>) target(%dma_start3A_427 : memref<16x128xf32, #tpu.memory_space<vmem>>) offsets(%get3A_402 : vector<16xi32>) semaphore(%dma_start3A_432 : memref<!tpu.dma_semaphore, #tpu.memory_space<semaphore_mem>>)
        } else {
        }
        %shift_right_logical3A_307 = arith.constant 3 : i32
        %shift_right_logical3A_308 = arith.shrui %add3A_297, %shift_right_logical3A_307 : i32
        %and3A_309 = arith.constant 7 : i32
        %and3A_310 = arith.andi %add3A_297, %and3A_309 : i32
        %mul3A_311 = arith.constant 16 : i32
        %mul3A_312 = arith.muli %and3A_310, %mul3A_311 : i32
        %get3A_313 = arith.index_cast %shift_right_logical3A_308 : i32 to index
        %get3A_314 = arith.index_cast %mul3A_312 : i32 to index
        %get3A_315 = tpu.vector_load %arg21[%get3A_313, %get3A_314] {strides = array<i32>} : memref<8x128xi32, #tpu.memory_space<vmem>>, vector<16xi32>,
        %dma_wait3A_316 = arith.constant 0 : i32
        %dma_wait3A_317 = arith.constant 0 : i32
        %dma_wait3A_318 = tpu.memref_slice %arg22[%rem3A_298, %dma_wait3A_316, %dma_wait3A_317] : memref<4x16x128xf32, #tpu.memory_space<vmem>> -> memref<1x16x128xf32, #tpu.memory_space<vmem>>
        %dma_wait3A_319 = tpu.memref_squeeze %dma_wait3A_318 : memref<1x16x128xf32, #tpu.memory_space<vmem>> -> memref<16x128xf32, #tpu.memory_space<vmem>>
        %dma_wait3A_320 = arith.constant 0 : i32
        %dma_wait3A_321 = arith.constant 0 : i32
        %dma_wait3A_322 = tpu.memref_slice %arg6[%dma_wait3A_320, %dma_wait3A_321] : memref<10008x128xf32, #tpu.memory_space<hbm>> -> memref<16x128xf32, #tpu.memory_space<hbm>>
        %dma_wait3A_323 = tpu.memref_slice %arg27[%rem3A_298] : memref<4x!tpu.dma_semaphore, #tpu.memory_space<semaphore_mem>> -> memref<1x!tpu.dma_semaphore, #tpu.memory_space<semaphore_mem>>
        %dma_wait3A_324 = tpu.memref_squeeze %dma_wait3A_323 : memref<1x!tpu.dma_semaphore, #tpu.memory_space<semaphore_mem>> -> memref<!tpu.dma_semaphore, #tpu.memory_space<semaphore_mem>>
        %dma_wait3A_325 = arith.constant 0 : i32
        %dma_wait3A_326 = arith.constant 0 : i32
        %dma_wait3A_327 = tpu.memref_slice %arg22[%rem3A_298, %dma_wait3A_325, %dma_wait3A_326] : memref<4x16x128xf32, #tpu.memory_space<vmem>> -> memref<1x16x128xf32, #tpu.memory_space<vmem>>
        %dma_wait3A_328 = tpu.memref_squeeze %dma_wait3A_327 : memref<1x16x128xf32, #tpu.memory_space<vmem>> -> memref<16x128xf32, #tpu.memory_space<vmem>>
        %dma_wait3A_329 = arith.constant 0 : i32
        %dma_wait3A_330 = arith.constant 0 : i32
        %dma_wait3A_331 = tpu.memref_slice %arg6[%dma_wait3A_329, %dma_wait3A_330] : memref<10008x128xf32, #tpu.memory_space<hbm>> -> memref<16x128xf32, #tpu.memory_space<hbm>>
        tpu.wait_dma2 semaphore(%dma_wait3A_324 : memref<!tpu.dma_semaphore, #tpu.memory_space<semaphore_mem>>) src(%dma_wait3A_331 : memref<16x128xf32, #tpu.memory_space<hbm>>) dst(%dma_wait3A_328 : memref<16x128xf32, #tpu.memory_space<vmem>>)
        %dma_wait3A_332 = arith.constant 0 : i32
        %dma_wait3A_333 = arith.constant 0 : i32
        %dma_wait3A_334 = tpu.memref_slice %arg23[%rem3A_298, %dma_wait3A_332, %dma_wait3A_333] : memref<4x16x128xf32, #tpu.memory_space<vmem>> -> memref<1x16x128xf32, #tpu.memory_space<vmem>>
        %dma_wait3A_335 = tpu.memref_squeeze %dma_wait3A_334 : memref<1x16x128xf32, #tpu.memory_space<vmem>> -> memref<16x128xf32, #tpu.memory_space<vmem>>
        %dma_wait3A_336 = arith.constant 0 : i32
        %dma_wait3A_337 = arith.constant 0 : i32
        %dma_wait3A_338 = tpu.memref_slice %arg7[%dma_wait3A_336, %dma_wait3A_337] : memref<10008x128xf32, #tpu.memory_space<hbm>> -> memref<16x128xf32, #tpu.memory_space<hbm>>
        %dma_wait3A_339 = tpu.memref_slice %arg27[%rem3A_298] : memref<4x!tpu.dma_semaphore, #tpu.memory_space<semaphore_mem>> -> memref<1x!tpu.dma_semaphore, #tpu.memory_space<semaphore_mem>>
        %dma_wait3A_340 = tpu.memref_squeeze %dma_wait3A_339 : memref<1x!tpu.dma_semaphore, #tpu.memory_space<semaphore_mem>> -> memref<!tpu.dma_semaphore, #tpu.memory_space<semaphore_mem>>
        %dma_wait3A_341 = arith.constant 0 : i32
        %dma_wait3A_342 = arith.constant 0 : i32
        %dma_wait3A_343 = tpu.memref_slice %arg23[%rem3A_298, %dma_wait3A_341, %dma_wait3A_342] : memref<4x16x128xf32, #tpu.memory_space<vmem>> -> memref<1x16x128xf32, #tpu.memory_space<vmem>>
        %dma_wait3A_344 = tpu.memref_squeeze %dma_wait3A_343 : memref<1x16x128xf32, #tpu.memory_space<vmem>> -> memref<16x128xf32, #tpu.memory_space<vmem>>
        %dma_wait3A_345 = arith.constant 0 : i32
        %dma_wait3A_346 = arith.constant 0 : i32
        %dma_wait3A_347 = tpu.memref_slice %arg7[%dma_wait3A_345, %dma_wait3A_346] : memref<10008x128xf32, #tpu.memory_space<hbm>> -> memref<16x128xf32, #tpu.memory_space<hbm>>
        tpu.wait_dma2 semaphore(%dma_wait3A_340 : memref<!tpu.dma_semaphore, #tpu.memory_space<semaphore_mem>>) src(%dma_wait3A_347 : memref<16x128xf32, #tpu.memory_space<hbm>>) dst(%dma_wait3A_344 : memref<16x128xf32, #tpu.memory_space<vmem>>)
        %dma_wait3A_348 = arith.constant 0 : i32
        %dma_wait3A_349 = arith.constant 0 : i32
        %dma_wait3A_350 = tpu.memref_slice %arg24[%rem3A_298, %dma_wait3A_348, %dma_wait3A_349] : memref<4x16x128xf32, #tpu.memory_space<vmem>> -> memref<1x16x128xf32, #tpu.memory_space<vmem>>
        %dma_wait3A_351 = tpu.memref_squeeze %dma_wait3A_350 : memref<1x16x128xf32, #tpu.memory_space<vmem>> -> memref<16x128xf32, #tpu.memory_space<vmem>>
        %dma_wait3A_352 = arith.constant 0 : i32
        %dma_wait3A_353 = arith.constant 0 : i32
        %dma_wait3A_354 = tpu.memref_slice %arg3[%dma_wait3A_352, %dma_wait3A_353] : memref<10008x128xf32, #tpu.memory_space<hbm>> -> memref<16x128xf32, #tpu.memory_space<hbm>>
        %dma_wait3A_355 = tpu.memref_slice %arg27[%rem3A_298] : memref<4x!tpu.dma_semaphore, #tpu.memory_space<semaphore_mem>> -> memref<1x!tpu.dma_semaphore, #tpu.memory_space<semaphore_mem>>
        %dma_wait3A_356 = tpu.memref_squeeze %dma_wait3A_355 : memref<1x!tpu.dma_semaphore, #tpu.memory_space<semaphore_mem>> -> memref<!tpu.dma_semaphore, #tpu.memory_space<semaphore_mem>>
        %dma_wait3A_357 = arith.constant 0 : i32
        %dma_wait3A_358 = arith.constant 0 : i32
        %dma_wait3A_359 = tpu.memref_slice %arg24[%rem3A_298, %dma_wait3A_357, %dma_wait3A_358] : memref<4x16x128xf32, #tpu.memory_space<vmem>> -> memref<1x16x128xf32, #tpu.memory_space<vmem>>
        %dma_wait3A_360 = tpu.memref_squeeze %dma_wait3A_359 : memref<1x16x128xf32, #tpu.memory_space<vmem>> -> memref<16x128xf32, #tpu.memory_space<vmem>>
        %dma_wait3A_361 = arith.constant 0 : i32
        %dma_wait3A_362 = arith.constant 0 : i32
        %dma_wait3A_363 = tpu.memref_slice %arg3[%dma_wait3A_361, %dma_wait3A_362] : memref<10008x128xf32, #tpu.memory_space<hbm>> -> memref<16x128xf32, #tpu.memory_space<hbm>>
        tpu.wait_dma2 semaphore(%dma_wait3A_356 : memref<!tpu.dma_semaphore, #tpu.memory_space<semaphore_mem>>) src(%dma_wait3A_363 : memref<16x128xf32, #tpu.memory_space<hbm>>) dst(%dma_wait3A_360 : memref<16x128xf32, #tpu.memory_space<vmem>>)
        %broadcast_in_dim3A_364 = vector.broadcast %rem3A_298 : i32 to vector<16xi32>
        %parallel_loop3A = arith.constant 0 : i32
        %parallel_loop3A_365 = arith.constant 16 : i32
        %parallel_loop3A_366 = arith.constant 1 : i32
        scf.for %parallel_loop3A_388 = %parallel_loop3A to %parallel_loop3A_365 step %parallel_loop3A_366  : i32 {
          %parallel_loop3A_389 = arith.index_cast %rem3A_298 : i32 to index
          %parallel_loop3A_390 = arith.index_cast %parallel_loop3A_388 : i32 to index
          %parallel_loop3A_391 = arith.constant 0 : index
          %parallel_loop3A_392 = tpu.vector_load %arg22[%parallel_loop3A_389, %parallel_loop3A_390, %parallel_loop3A_391] {strides = array<i32>} : memref<4x16x128xf32, #tpu.memory_space<vmem>>, vector<16xf32>,
          %parallel_loop3A_393 = arith.index_cast %rem3A_298 : i32 to index
          %parallel_loop3A_394 = arith.index_cast %parallel_loop3A_388 : i32 to index
          %parallel_loop3A_395 = arith.constant 0 : index
          %parallel_loop3A_396 = tpu.vector_load %arg23[%parallel_loop3A_393, %parallel_loop3A_394, %parallel_loop3A_395] {strides = array<i32>} : memref<4x16x128xf32, #tpu.memory_space<vmem>>, vector<16xf32>,
          %parallel_loop3A_397 = arith.addf %parallel_loop3A_392, %parallel_loop3A_396 : vector<16xf32>
          %parallel_loop3A_398 = arith.constant 0.000000e+00 : f32
          %parallel_loop3A_399 = vector.broadcast %parallel_loop3A_398 : f32 to vector<16xf32>
          %parallel_loop3A_400 = arith.cmpf ogt, %parallel_loop3A_397, %parallel_loop3A_399 : vector<16xf32>
          %parallel_loop3A_401 = arith.constant 2.000000e-01 : f32
          %parallel_loop3A_402 = vector.broadcast %parallel_loop3A_401 : f32 to vector<16xf32>
          %parallel_loop3A_403 = arith.mulf %parallel_loop3A_397, %parallel_loop3A_402 : vector<16xf32>
          %parallel_loop3A_404 = arith.select %parallel_loop3A_400, %parallel_loop3A_397, %parallel_loop3A_403 : vector<16xi1>, vector<16xf32>
          %parallel_loop3A_405 = arith.subf %parallel_loop3A_404, %get3A_30 : vector<16xf32>
          %parallel_loop3A_406 = math.exp %parallel_loop3A_405 : vector<16xf32>
          %parallel_loop3A_407 = vector.broadcast %parallel_loop3A_388 : i32 to vector<16xi32>
          %parallel_loop3A_408 = arith.constant 0 : i32
          %parallel_loop3A_409 = vector.broadcast %parallel_loop3A_408 : i32 to vector<16xi32>
          %parallel_loop3A_410 = arith.cmpi slt, %parallel_loop3A_407, %parallel_loop3A_409 : vector<16xi32>
          %parallel_loop3A_411 = arith.constant 16 : i32
          %parallel_loop3A_412 = vector.broadcast %parallel_loop3A_411 : i32 to vector<16xi32>
          %parallel_loop3A_413 = arith.addi %parallel_loop3A_407, %parallel_loop3A_412 : vector<16xi32>
          %parallel_loop3A_414 = arith.select %parallel_loop3A_410, %parallel_loop3A_413, %parallel_loop3A_407 : vector<16xi1>, vector<16xi32>
          %parallel_loop3A_415 = vector.shape_cast %parallel_loop3A_414 : vector<16xi32> to vector<16x1xi32>
          %parallel_loop3A_416 = vector.shape_cast %parallel_loop3A_415 : vector<16x1xi32> to vector<16xi32>
          %parallel_loop3A_417 = tpu.dynamic_gather %get3A_315[%parallel_loop3A_416] in [0] : vector<16xi32>, vector<16xi32> -> vector<16xi32>
          %parallel_loop3A_418 = arith.constant 7 : i32
          %parallel_loop3A_419 = vector.broadcast %parallel_loop3A_418 : i32 to vector<16xi32>
          %parallel_loop3A_420 = arith.andi %parallel_loop3A_417, %parallel_loop3A_419 : vector<16xi32>
          %parallel_loop3A_421 = arith.constant 16 : i32
          %parallel_loop3A_422 = vector.broadcast %parallel_loop3A_421 : i32 to vector<16xi32>
          %parallel_loop3A_423 = arith.muli %parallel_loop3A_420, %parallel_loop3A_422 : vector<16xi32>
          %parallel_loop3A_424 = arith.addi %parallel_loop3A_423, %iota3A : vector<16xi32>
          %parallel_loop3A_425 = arith.index_cast %rem3A_298 : i32 to index
          %parallel_loop3A_426 = arith.index_cast %parallel_loop3A_388 : i32 to index
          %parallel_loop3A_427 = arith.constant 0 : index
          %parallel_loop3A_428 = tpu.vector_load %arg23[%parallel_loop3A_425, %parallel_loop3A_426, %parallel_loop3A_427] {strides = array<i32>} : memref<4x16x128xf32, #tpu.memory_space<vmem>>, vector<16xf32>,
          tpu.vector_store %arg23[%parallel_loop3A_425, %parallel_loop3A_426, %parallel_loop3A_427], %broadcast_in_dim3A_1 {strides = array<i32>} : memref<4x16x128xf32, #tpu.memory_space<vmem>>, vector<16xf32>,
          %parallel_loop3A_429 = arith.index_cast %rem3A_298 : i32 to index
          %parallel_loop3A_430 = arith.index_cast %parallel_loop3A_388 : i32 to index
          %parallel_loop3A_431 = arith.constant 16 : index
          %parallel_loop3A_432 = tpu.vector_load %arg23[%parallel_loop3A_429, %parallel_loop3A_430, %parallel_loop3A_431] {strides = array<i32>} : memref<4x16x128xf32, #tpu.memory_space<vmem>>, vector<16xf32>,
          tpu.vector_store %arg23[%parallel_loop3A_429, %parallel_loop3A_430, %parallel_loop3A_431], %broadcast_in_dim3A_1 {strides = array<i32>} : memref<4x16x128xf32, #tpu.memory_space<vmem>>, vector<16xf32>,
          %parallel_loop3A_433 = arith.index_cast %rem3A_298 : i32 to index
          %parallel_loop3A_434 = arith.index_cast %parallel_loop3A_388 : i32 to index
          %parallel_loop3A_435 = arith.constant 32 : index
          %parallel_loop3A_436 = tpu.vector_load %arg23[%parallel_loop3A_433, %parallel_loop3A_434, %parallel_loop3A_435] {strides = array<i32>} : memref<4x16x128xf32, #tpu.memory_space<vmem>>, vector<16xf32>,
          tpu.vector_store %arg23[%parallel_loop3A_433, %parallel_loop3A_434, %parallel_loop3A_435], %broadcast_in_dim3A_1 {strides = array<i32>} : memref<4x16x128xf32, #tpu.memory_space<vmem>>, vector<16xf32>,
          %parallel_loop3A_437 = arith.index_cast %rem3A_298 : i32 to index
          %parallel_loop3A_438 = arith.index_cast %parallel_loop3A_388 : i32 to index
          %parallel_loop3A_439 = arith.constant 48 : index
          %parallel_loop3A_440 = tpu.vector_load %arg23[%parallel_loop3A_437, %parallel_loop3A_438, %parallel_loop3A_439] {strides = array<i32>} : memref<4x16x128xf32, #tpu.memory_space<vmem>>, vector<16xf32>,
          tpu.vector_store %arg23[%parallel_loop3A_437, %parallel_loop3A_438, %parallel_loop3A_439], %broadcast_in_dim3A_1 {strides = array<i32>} : memref<4x16x128xf32, #tpu.memory_space<vmem>>, vector<16xf32>,
          %parallel_loop3A_441 = arith.index_cast %rem3A_298 : i32 to index
          %parallel_loop3A_442 = arith.index_cast %parallel_loop3A_388 : i32 to index
          %parallel_loop3A_443 = arith.constant 64 : index
          %parallel_loop3A_444 = tpu.vector_load %arg23[%parallel_loop3A_441, %parallel_loop3A_442, %parallel_loop3A_443] {strides = array<i32>} : memref<4x16x128xf32, #tpu.memory_space<vmem>>, vector<16xf32>,
          tpu.vector_store %arg23[%parallel_loop3A_441, %parallel_loop3A_442, %parallel_loop3A_443], %broadcast_in_dim3A_1 {strides = array<i32>} : memref<4x16x128xf32, #tpu.memory_space<vmem>>, vector<16xf32>,
          %parallel_loop3A_445 = arith.index_cast %rem3A_298 : i32 to index
          %parallel_loop3A_446 = arith.index_cast %parallel_loop3A_388 : i32 to index
          %parallel_loop3A_447 = arith.constant 80 : index
          %parallel_loop3A_448 = tpu.vector_load %arg23[%parallel_loop3A_445, %parallel_loop3A_446, %parallel_loop3A_447] {strides = array<i32>} : memref<4x16x128xf32, #tpu.memory_space<vmem>>, vector<16xf32>,
          tpu.vector_store %arg23[%parallel_loop3A_445, %parallel_loop3A_446, %parallel_loop3A_447], %broadcast_in_dim3A_1 {strides = array<i32>} : memref<4x16x128xf32, #tpu.memory_space<vmem>>, vector<16xf32>,
          %parallel_loop3A_449 = arith.index_cast %rem3A_298 : i32 to index
          %parallel_loop3A_450 = arith.index_cast %parallel_loop3A_388 : i32 to index
          %parallel_loop3A_451 = arith.constant 96 : index
          %parallel_loop3A_452 = tpu.vector_load %arg23[%parallel_loop3A_449, %parallel_loop3A_450, %parallel_loop3A_451] {strides = array<i32>} : memref<4x16x128xf32, #tpu.memory_space<vmem>>, vector<16xf32>,
          tpu.vector_store %arg23[%parallel_loop3A_449, %parallel_loop3A_450, %parallel_loop3A_451], %broadcast_in_dim3A_1 {strides = array<i32>} : memref<4x16x128xf32, #tpu.memory_space<vmem>>, vector<16xf32>,
          %parallel_loop3A_453 = arith.index_cast %rem3A_298 : i32 to index
          %parallel_loop3A_454 = arith.index_cast %parallel_loop3A_388 : i32 to index
          %parallel_loop3A_455 = arith.constant 112 : index
          %parallel_loop3A_456 = tpu.vector_load %arg23[%parallel_loop3A_453, %parallel_loop3A_454, %parallel_loop3A_455] {strides = array<i32>} : memref<4x16x128xf32, #tpu.memory_space<vmem>>, vector<16xf32>,
          tpu.vector_store %arg23[%parallel_loop3A_453, %parallel_loop3A_454, %parallel_loop3A_455], %broadcast_in_dim3A_1 {strides = array<i32>} : memref<4x16x128xf32, #tpu.memory_space<vmem>>, vector<16xf32>,
          tpu.vector_store_idx %arg23[%broadcast_in_dim3A_364, %parallel_loop3A_407, %parallel_loop3A_424], %parallel_loop3A_406 : memref<4x16x128xf32, #tpu.memory_space<vmem>>[vector<16xi32>, vector<16xi32>, vector<16xi32>], vector<16xf32>,
          %parallel_loop3A_457 = arith.constant 0 : i32
          %parallel_loop3A_458 = vector.broadcast %parallel_loop3A_457 : i32 to vector<16xi32>
          %parallel_loop3A_459 = arith.constant 0 : i32
          %parallel_loop3A_460 = vector.broadcast %parallel_loop3A_459 : i32 to vector<16xi32>
          %parallel_loop3A_461 = arith.cmpi slt, %parallel_loop3A_458, %parallel_loop3A_460 : vector<16xi32>
          %parallel_loop3A_462 = arith.constant 16 : i32
          %parallel_loop3A_463 = vector.broadcast %parallel_loop3A_462 : i32 to vector<16xi32>
          %parallel_loop3A_464 = arith.addi %parallel_loop3A_458, %parallel_loop3A_463 : vector<16xi32>
          %parallel_loop3A_465 = arith.select %parallel_loop3A_461, %parallel_loop3A_464, %parallel_loop3A_458 : vector<16xi1>, vector<16xi32>
          %parallel_loop3A_466 = vector.shape_cast %parallel_loop3A_465 : vector<16xi32> to vector<16x1xi32>
          %parallel_loop3A_467 = vector.shape_cast %parallel_loop3A_466 : vector<16x1xi32> to vector<16xi32>
          %parallel_loop3A_468 = tpu.dynamic_gather %parallel_loop3A_406[%parallel_loop3A_467] in [0] : vector<16xf32>, vector<16xi32> -> vector<16xf32>
          %parallel_loop3A_469 = arith.index_cast %rem3A_298 : i32 to index
          %parallel_loop3A_470 = arith.index_cast %parallel_loop3A_388 : i32 to index
          %parallel_loop3A_471 = arith.constant 0 : index
          %parallel_loop3A_472 = tpu.vector_load %arg24[%parallel_loop3A_469, %parallel_loop3A_470, %parallel_loop3A_471] {strides = array<i32>} : memref<4x16x128xf32, #tpu.memory_space<vmem>>, vector<16xf32>,
          %parallel_loop3A_473 = arith.mulf %parallel_loop3A_472, %parallel_loop3A_468 : vector<16xf32>
          %parallel_loop3A_474 = arith.index_cast %rem3A_298 : i32 to index
          %parallel_loop3A_475 = arith.index_cast %parallel_loop3A_388 : i32 to index
          %parallel_loop3A_476 = arith.constant 0 : index
          %parallel_loop3A_477 = tpu.vector_load %arg24[%parallel_loop3A_474, %parallel_loop3A_475, %parallel_loop3A_476] {strides = array<i32>} : memref<4x16x128xf32, #tpu.memory_space<vmem>>, vector<16xf32>,
          tpu.vector_store %arg24[%parallel_loop3A_474, %parallel_loop3A_475, %parallel_loop3A_476], %parallel_loop3A_473 {strides = array<i32>} : memref<4x16x128xf32, #tpu.memory_space<vmem>>, vector<16xf32>,
          %parallel_loop3A_478 = arith.constant 1 : i32
          %parallel_loop3A_479 = vector.broadcast %parallel_loop3A_478 : i32 to vector<16xi32>
          %parallel_loop3A_480 = arith.constant 0 : i32
          %parallel_loop3A_481 = vector.broadcast %parallel_loop3A_480 : i32 to vector<16xi32>
          %parallel_loop3A_482 = arith.cmpi slt, %parallel_loop3A_479, %parallel_loop3A_481 : vector<16xi32>
          %parallel_loop3A_483 = arith.constant 16 : i32
          %parallel_loop3A_484 = vector.broadcast %parallel_loop3A_483 : i32 to vector<16xi32>
          %parallel_loop3A_485 = arith.addi %parallel_loop3A_479, %parallel_loop3A_484 : vector<16xi32>
          %parallel_loop3A_486 = arith.select %parallel_loop3A_482, %parallel_loop3A_485, %parallel_loop3A_479 : vector<16xi1>, vector<16xi32>
          %parallel_loop3A_487 = vector.shape_cast %parallel_loop3A_486 : vector<16xi32> to vector<16x1xi32>
          %parallel_loop3A_488 = vector.shape_cast %parallel_loop3A_487 : vector<16x1xi32> to vector<16xi32>
          %parallel_loop3A_489 = tpu.dynamic_gather %parallel_loop3A_406[%parallel_loop3A_488] in [0] : vector<16xf32>, vector<16xi32> -> vector<16xf32>
          %parallel_loop3A_490 = arith.index_cast %rem3A_298 : i32 to index
          %parallel_loop3A_491 = arith.index_cast %parallel_loop3A_388 : i32 to index
          %parallel_loop3A_492 = arith.constant 16 : index
          %parallel_loop3A_493 = tpu.vector_load %arg24[%parallel_loop3A_490, %parallel_loop3A_491, %parallel_loop3A_492] {strides = array<i32>} : memref<4x16x128xf32, #tpu.memory_space<vmem>>, vector<16xf32>,
          %parallel_loop3A_494 = arith.mulf %parallel_loop3A_493, %parallel_loop3A_489 : vector<16xf32>
          %parallel_loop3A_495 = arith.index_cast %rem3A_298 : i32 to index
          %parallel_loop3A_496 = arith.index_cast %parallel_loop3A_388 : i32 to index
          %parallel_loop3A_497 = arith.constant 16 : index
          %parallel_loop3A_498 = tpu.vector_load %arg24[%parallel_loop3A_495, %parallel_loop3A_496, %parallel_loop3A_497] {strides = array<i32>} : memref<4x16x128xf32, #tpu.memory_space<vmem>>, vector<16xf32>,
          tpu.vector_store %arg24[%parallel_loop3A_495, %parallel_loop3A_496, %parallel_loop3A_497], %parallel_loop3A_494 {strides = array<i32>} : memref<4x16x128xf32, #tpu.memory_space<vmem>>, vector<16xf32>,
          %parallel_loop3A_499 = arith.constant 2 : i32
          %parallel_loop3A_500 = vector.broadcast %parallel_loop3A_499 : i32 to vector<16xi32>
          %parallel_loop3A_501 = arith.constant 0 : i32
          %parallel_loop3A_502 = vector.broadcast %parallel_loop3A_501 : i32 to vector<16xi32>
          %parallel_loop3A_503 = arith.cmpi slt, %parallel_loop3A_500, %parallel_loop3A_502 : vector<16xi32>
          %parallel_loop3A_504 = arith.constant 16 : i32
          %parallel_loop3A_505 = vector.broadcast %parallel_loop3A_504 : i32 to vector<16xi32>
          %parallel_loop3A_506 = arith.addi %parallel_loop3A_500, %parallel_loop3A_505 : vector<16xi32>
          %parallel_loop3A_507 = arith.select %parallel_loop3A_503, %parallel_loop3A_506, %parallel_loop3A_500 : vector<16xi1>, vector<16xi32>
          %parallel_loop3A_508 = vector.shape_cast %parallel_loop3A_507 : vector<16xi32> to vector<16x1xi32>
          %parallel_loop3A_509 = vector.shape_cast %parallel_loop3A_508 : vector<16x1xi32> to vector<16xi32>
          %parallel_loop3A_510 = tpu.dynamic_gather %parallel_loop3A_406[%parallel_loop3A_509] in [0] : vector<16xf32>, vector<16xi32> -> vector<16xf32>
          %parallel_loop3A_511 = arith.index_cast %rem3A_298 : i32 to index
          %parallel_loop3A_512 = arith.index_cast %parallel_loop3A_388 : i32 to index
          %parallel_loop3A_513 = arith.constant 32 : index
          %parallel_loop3A_514 = tpu.vector_load %arg24[%parallel_loop3A_511, %parallel_loop3A_512, %parallel_loop3A_513] {strides = array<i32>} : memref<4x16x128xf32, #tpu.memory_space<vmem>>, vector<16xf32>,
          %parallel_loop3A_515 = arith.mulf %parallel_loop3A_514, %parallel_loop3A_510 : vector<16xf32>
          %parallel_loop3A_516 = arith.index_cast %rem3A_298 : i32 to index
          %parallel_loop3A_517 = arith.index_cast %parallel_loop3A_388 : i32 to index
          %parallel_loop3A_518 = arith.constant 32 : index
          %parallel_loop3A_519 = tpu.vector_load %arg24[%parallel_loop3A_516, %parallel_loop3A_517, %parallel_loop3A_518] {strides = array<i32>} : memref<4x16x128xf32, #tpu.memory_space<vmem>>, vector<16xf32>,
          tpu.vector_store %arg24[%parallel_loop3A_516, %parallel_loop3A_517, %parallel_loop3A_518], %parallel_loop3A_515 {strides = array<i32>} : memref<4x16x128xf32, #tpu.memory_space<vmem>>, vector<16xf32>,
          %parallel_loop3A_520 = arith.constant 3 : i32
          %parallel_loop3A_521 = vector.broadcast %parallel_loop3A_520 : i32 to vector<16xi32>
          %parallel_loop3A_522 = arith.constant 0 : i32
          %parallel_loop3A_523 = vector.broadcast %parallel_loop3A_522 : i32 to vector<16xi32>
          %parallel_loop3A_524 = arith.cmpi slt, %parallel_loop3A_521, %parallel_loop3A_523 : vector<16xi32>
          %parallel_loop3A_525 = arith.constant 16 : i32
          %parallel_loop3A_526 = vector.broadcast %parallel_loop3A_525 : i32 to vector<16xi32>
          %parallel_loop3A_527 = arith.addi %parallel_loop3A_521, %parallel_loop3A_526 : vector<16xi32>
          %parallel_loop3A_528 = arith.select %parallel_loop3A_524, %parallel_loop3A_527, %parallel_loop3A_521 : vector<16xi1>, vector<16xi32>
          %parallel_loop3A_529 = vector.shape_cast %parallel_loop3A_528 : vector<16xi32> to vector<16x1xi32>
          %parallel_loop3A_530 = vector.shape_cast %parallel_loop3A_529 : vector<16x1xi32> to vector<16xi32>
          %parallel_loop3A_531 = tpu.dynamic_gather %parallel_loop3A_406[%parallel_loop3A_530] in [0] : vector<16xf32>, vector<16xi32> -> vector<16xf32>
          %parallel_loop3A_532 = arith.index_cast %rem3A_298 : i32 to index
          %parallel_loop3A_533 = arith.index_cast %parallel_loop3A_388 : i32 to index
          %parallel_loop3A_534 = arith.constant 48 : index
          %parallel_loop3A_535 = tpu.vector_load %arg24[%parallel_loop3A_532, %parallel_loop3A_533, %parallel_loop3A_534] {strides = array<i32>} : memref<4x16x128xf32, #tpu.memory_space<vmem>>, vector<16xf32>,
          %parallel_loop3A_536 = arith.mulf %parallel_loop3A_535, %parallel_loop3A_531 : vector<16xf32>
          %parallel_loop3A_537 = arith.index_cast %rem3A_298 : i32 to index
          %parallel_loop3A_538 = arith.index_cast %parallel_loop3A_388 : i32 to index
          %parallel_loop3A_539 = arith.constant 48 : index
          %parallel_loop3A_540 = tpu.vector_load %arg24[%parallel_loop3A_537, %parallel_loop3A_538, %parallel_loop3A_539] {strides = array<i32>} : memref<4x16x128xf32, #tpu.memory_space<vmem>>, vector<16xf32>,
          tpu.vector_store %arg24[%parallel_loop3A_537, %parallel_loop3A_538, %parallel_loop3A_539], %parallel_loop3A_536 {strides = array<i32>} : memref<4x16x128xf32, #tpu.memory_space<vmem>>, vector<16xf32>,
          %parallel_loop3A_541 = arith.constant 4 : i32
          %parallel_loop3A_542 = vector.broadcast %parallel_loop3A_541 : i32 to vector<16xi32>
          %parallel_loop3A_543 = arith.constant 0 : i32
          %parallel_loop3A_544 = vector.broadcast %parallel_loop3A_543 : i32 to vector<16xi32>
          %parallel_loop3A_545 = arith.cmpi slt, %parallel_loop3A_542, %parallel_loop3A_544 : vector<16xi32>
          %parallel_loop3A_546 = arith.constant 16 : i32
          %parallel_loop3A_547 = vector.broadcast %parallel_loop3A_546 : i32 to vector<16xi32>
          %parallel_loop3A_548 = arith.addi %parallel_loop3A_542, %parallel_loop3A_547 : vector<16xi32>
          %parallel_loop3A_549 = arith.select %parallel_loop3A_545, %parallel_loop3A_548, %parallel_loop3A_542 : vector<16xi1>, vector<16xi32>
          %parallel_loop3A_550 = vector.shape_cast %parallel_loop3A_549 : vector<16xi32> to vector<16x1xi32>
          %parallel_loop3A_551 = vector.shape_cast %parallel_loop3A_550 : vector<16x1xi32> to vector<16xi32>
          %parallel_loop3A_552 = tpu.dynamic_gather %parallel_loop3A_406[%parallel_loop3A_551] in [0] : vector<16xf32>, vector<16xi32> -> vector<16xf32>
          %parallel_loop3A_553 = arith.index_cast %rem3A_298 : i32 to index
          %parallel_loop3A_554 = arith.index_cast %parallel_loop3A_388 : i32 to index
          %parallel_loop3A_555 = arith.constant 64 : index
          %parallel_loop3A_556 = tpu.vector_load %arg24[%parallel_loop3A_553, %parallel_loop3A_554, %parallel_loop3A_555] {strides = array<i32>} : memref<4x16x128xf32, #tpu.memory_space<vmem>>, vector<16xf32>,
          %parallel_loop3A_557 = arith.mulf %parallel_loop3A_556, %parallel_loop3A_552 : vector<16xf32>
          %parallel_loop3A_558 = arith.index_cast %rem3A_298 : i32 to index
          %parallel_loop3A_559 = arith.index_cast %parallel_loop3A_388 : i32 to index
          %parallel_loop3A_560 = arith.constant 64 : index
          %parallel_loop3A_561 = tpu.vector_load %arg24[%parallel_loop3A_558, %parallel_loop3A_559, %parallel_loop3A_560] {strides = array<i32>} : memref<4x16x128xf32, #tpu.memory_space<vmem>>, vector<16xf32>,
          tpu.vector_store %arg24[%parallel_loop3A_558, %parallel_loop3A_559, %parallel_loop3A_560], %parallel_loop3A_557 {strides = array<i32>} : memref<4x16x128xf32, #tpu.memory_space<vmem>>, vector<16xf32>,
          %parallel_loop3A_562 = arith.constant 5 : i32
          %parallel_loop3A_563 = vector.broadcast %parallel_loop3A_562 : i32 to vector<16xi32>
          %parallel_loop3A_564 = arith.constant 0 : i32
          %parallel_loop3A_565 = vector.broadcast %parallel_loop3A_564 : i32 to vector<16xi32>
          %parallel_loop3A_566 = arith.cmpi slt, %parallel_loop3A_563, %parallel_loop3A_565 : vector<16xi32>
          %parallel_loop3A_567 = arith.constant 16 : i32
          %parallel_loop3A_568 = vector.broadcast %parallel_loop3A_567 : i32 to vector<16xi32>
          %parallel_loop3A_569 = arith.addi %parallel_loop3A_563, %parallel_loop3A_568 : vector<16xi32>
          %parallel_loop3A_570 = arith.select %parallel_loop3A_566, %parallel_loop3A_569, %parallel_loop3A_563 : vector<16xi1>, vector<16xi32>
          %parallel_loop3A_571 = vector.shape_cast %parallel_loop3A_570 : vector<16xi32> to vector<16x1xi32>
          %parallel_loop3A_572 = vector.shape_cast %parallel_loop3A_571 : vector<16x1xi32> to vector<16xi32>
          %parallel_loop3A_573 = tpu.dynamic_gather %parallel_loop3A_406[%parallel_loop3A_572] in [0] : vector<16xf32>, vector<16xi32> -> vector<16xf32>
          %parallel_loop3A_574 = arith.index_cast %rem3A_298 : i32 to index
          %parallel_loop3A_575 = arith.index_cast %parallel_loop3A_388 : i32 to index
          %parallel_loop3A_576 = arith.constant 80 : index
          %parallel_loop3A_577 = tpu.vector_load %arg24[%parallel_loop3A_574, %parallel_loop3A_575, %parallel_loop3A_576] {strides = array<i32>} : memref<4x16x128xf32, #tpu.memory_space<vmem>>, vector<16xf32>,
          %parallel_loop3A_578 = arith.mulf %parallel_loop3A_577, %parallel_loop3A_573 : vector<16xf32>
          %parallel_loop3A_579 = arith.index_cast %rem3A_298 : i32 to index
          %parallel_loop3A_580 = arith.index_cast %parallel_loop3A_388 : i32 to index
          %parallel_loop3A_581 = arith.constant 80 : index
          %parallel_loop3A_582 = tpu.vector_load %arg24[%parallel_loop3A_579, %parallel_loop3A_580, %parallel_loop3A_581] {strides = array<i32>} : memref<4x16x128xf32, #tpu.memory_space<vmem>>, vector<16xf32>,
          tpu.vector_store %arg24[%parallel_loop3A_579, %parallel_loop3A_580, %parallel_loop3A_581], %parallel_loop3A_578 {strides = array<i32>} : memref<4x16x128xf32, #tpu.memory_space<vmem>>, vector<16xf32>,
          %parallel_loop3A_583 = arith.constant 6 : i32
          %parallel_loop3A_584 = vector.broadcast %parallel_loop3A_583 : i32 to vector<16xi32>
          %parallel_loop3A_585 = arith.constant 0 : i32
          %parallel_loop3A_586 = vector.broadcast %parallel_loop3A_585 : i32 to vector<16xi32>
          %parallel_loop3A_587 = arith.cmpi slt, %parallel_loop3A_584, %parallel_loop3A_586 : vector<16xi32>
          %parallel_loop3A_588 = arith.constant 16 : i32
          %parallel_loop3A_589 = vector.broadcast %parallel_loop3A_588 : i32 to vector<16xi32>
          %parallel_loop3A_590 = arith.addi %parallel_loop3A_584, %parallel_loop3A_589 : vector<16xi32>
          %parallel_loop3A_591 = arith.select %parallel_loop3A_587, %parallel_loop3A_590, %parallel_loop3A_584 : vector<16xi1>, vector<16xi32>
          %parallel_loop3A_592 = vector.shape_cast %parallel_loop3A_591 : vector<16xi32> to vector<16x1xi32>
          %parallel_loop3A_593 = vector.shape_cast %parallel_loop3A_592 : vector<16x1xi32> to vector<16xi32>
          %parallel_loop3A_594 = tpu.dynamic_gather %parallel_loop3A_406[%parallel_loop3A_593] in [0] : vector<16xf32>, vector<16xi32> -> vector<16xf32>
          %parallel_loop3A_595 = arith.index_cast %rem3A_298 : i32 to index
          %parallel_loop3A_596 = arith.index_cast %parallel_loop3A_388 : i32 to index
          %parallel_loop3A_597 = arith.constant 96 : index
          %parallel_loop3A_598 = tpu.vector_load %arg24[%parallel_loop3A_595, %parallel_loop3A_596, %parallel_loop3A_597] {strides = array<i32>} : memref<4x16x128xf32, #tpu.memory_space<vmem>>, vector<16xf32>,
          %parallel_loop3A_599 = arith.mulf %parallel_loop3A_598, %parallel_loop3A_594 : vector<16xf32>
          %parallel_loop3A_600 = arith.index_cast %rem3A_298 : i32 to index
          %parallel_loop3A_601 = arith.index_cast %parallel_loop3A_388 : i32 to index
          %parallel_loop3A_602 = arith.constant 96 : index
          %parallel_loop3A_603 = tpu.vector_load %arg24[%parallel_loop3A_600, %parallel_loop3A_601, %parallel_loop3A_602] {strides = array<i32>} : memref<4x16x128xf32, #tpu.memory_space<vmem>>, vector<16xf32>,
          tpu.vector_store %arg24[%parallel_loop3A_600, %parallel_loop3A_601, %parallel_loop3A_602], %parallel_loop3A_599 {strides = array<i32>} : memref<4x16x128xf32, #tpu.memory_space<vmem>>, vector<16xf32>,
          %parallel_loop3A_604 = arith.constant 7 : i32
          %parallel_loop3A_605 = vector.broadcast %parallel_loop3A_604 : i32 to vector<16xi32>
          %parallel_loop3A_606 = arith.constant 0 : i32
          %parallel_loop3A_607 = vector.broadcast %parallel_loop3A_606 : i32 to vector<16xi32>
          %parallel_loop3A_608 = arith.cmpi slt, %parallel_loop3A_605, %parallel_loop3A_607 : vector<16xi32>
          %parallel_loop3A_609 = arith.constant 16 : i32
          %parallel_loop3A_610 = vector.broadcast %parallel_loop3A_609 : i32 to vector<16xi32>
          %parallel_loop3A_611 = arith.addi %parallel_loop3A_605, %parallel_loop3A_610 : vector<16xi32>
          %parallel_loop3A_612 = arith.select %parallel_loop3A_608, %parallel_loop3A_611, %parallel_loop3A_605 : vector<16xi1>, vector<16xi32>
          %parallel_loop3A_613 = vector.shape_cast %parallel_loop3A_612 : vector<16xi32> to vector<16x1xi32>
          %parallel_loop3A_614 = vector.shape_cast %parallel_loop3A_613 : vector<16x1xi32> to vector<16xi32>
          %parallel_loop3A_615 = tpu.dynamic_gather %parallel_loop3A_406[%parallel_loop3A_614] in [0] : vector<16xf32>, vector<16xi32> -> vector<16xf32>
          %parallel_loop3A_616 = arith.index_cast %rem3A_298 : i32 to index
          %parallel_loop3A_617 = arith.index_cast %parallel_loop3A_388 : i32 to index
          %parallel_loop3A_618 = arith.constant 112 : index
          %parallel_loop3A_619 = tpu.vector_load %arg24[%parallel_loop3A_616, %parallel_loop3A_617, %parallel_loop3A_618] {strides = array<i32>} : memref<4x16x128xf32, #tpu.memory_space<vmem>>, vector<16xf32>,
          %parallel_loop3A_620 = arith.mulf %parallel_loop3A_619, %parallel_loop3A_615 : vector<16xf32>
          %parallel_loop3A_621 = arith.index_cast %rem3A_298 : i32 to index
          %parallel_loop3A_622 = arith.index_cast %parallel_loop3A_388 : i32 to index
          %parallel_loop3A_623 = arith.constant 112 : index
          %parallel_loop3A_624 = tpu.vector_load %arg24[%parallel_loop3A_621, %parallel_loop3A_622, %parallel_loop3A_623] {strides = array<i32>} : memref<4x16x128xf32, #tpu.memory_space<vmem>>, vector<16xf32>,
          tpu.vector_store %arg24[%parallel_loop3A_621, %parallel_loop3A_622, %parallel_loop3A_623], %parallel_loop3A_620 {strides = array<i32>} : memref<4x16x128xf32, #tpu.memory_space<vmem>>, vector<16xf32>,
        } {sc.loop_unroll_factor = 4 : i64, sc.parallel_access}
        %shift_right_logical3A_367 = arith.constant 3 : i32
        %shift_right_logical3A_368 = vector.broadcast %shift_right_logical3A_367 : i32 to vector<16xi32>
        %shift_right_logical3A_369 = arith.shrui %get3A_315, %shift_right_logical3A_368 : vector<16xi32>
        %dma_start3A_370 = arith.constant 0 : i32
        %dma_start3A_371 = arith.constant 0 : i32
        %dma_start3A_372 = tpu.memref_slice %arg24[%rem3A_298, %dma_start3A_370, %dma_start3A_371] : memref<4x16x128xf32, #tpu.memory_space<vmem>> -> memref<1x16x128xf32, #tpu.memory_space<vmem>>
        %dma_start3A_373 = tpu.memref_squeeze %dma_start3A_372 : memref<1x16x128xf32, #tpu.memory_space<vmem>> -> memref<16x128xf32, #tpu.memory_space<vmem>>
        %dma_start3A_374 = arith.constant 0 : i32
        %dma_start3A_375 = arith.constant 0 : i32
        %dma_start3A_376 = tpu.memref_slice %arg18[%dma_start3A_374, %dma_start3A_375] : memref<10008x128xf32, #tpu.memory_space<vmem_shared>> -> memref<10008x128xf32, #tpu.memory_space<vmem_shared>>
        %dma_start3A_377 = tpu.memref_slice %arg28[%rem3A_298] : memref<4x!tpu.dma_semaphore, #tpu.memory_space<semaphore_mem>> -> memref<1x!tpu.dma_semaphore, #tpu.memory_space<semaphore_mem>>
        %dma_start3A_378 = tpu.memref_squeeze %dma_start3A_377 : memref<1x!tpu.dma_semaphore, #tpu.memory_space<semaphore_mem>> -> memref<!tpu.dma_semaphore, #tpu.memory_space<semaphore_mem>>
        tpu.enqueue_indirect_dma source(%dma_start3A_373 : memref<16x128xf32, #tpu.memory_space<vmem>>) target(%dma_start3A_376 : memref<10008x128xf32, #tpu.memory_space<vmem_shared>>) offsets(%get3A_315 : vector<16xi32>) semaphore(%dma_start3A_378 : memref<!tpu.dma_semaphore, #tpu.memory_space<semaphore_mem>>) {add = true}
        %dma_start3A_379 = arith.constant 0 : i32
        %dma_start3A_380 = arith.constant 0 : i32
        %dma_start3A_381 = tpu.memref_slice %arg23[%rem3A_298, %dma_start3A_379, %dma_start3A_380] : memref<4x16x128xf32, #tpu.memory_space<vmem>> -> memref<1x16x128xf32, #tpu.memory_space<vmem>>
        %dma_start3A_382 = tpu.memref_squeeze %dma_start3A_381 : memref<1x16x128xf32, #tpu.memory_space<vmem>> -> memref<16x128xf32, #tpu.memory_space<vmem>>
        %dma_start3A_383 = arith.constant 0 : i32
        %dma_start3A_384 = arith.constant 0 : i32
        %dma_start3A_385 = tpu.memref_slice %arg19[%dma_start3A_383, %dma_start3A_384] : memref<1280x128xf32, #tpu.memory_space<vmem_shared>> -> memref<1280x128xf32, #tpu.memory_space<vmem_shared>>
        %dma_start3A_386 = tpu.memref_slice %arg28[%rem3A_298] : memref<4x!tpu.dma_semaphore, #tpu.memory_space<semaphore_mem>> -> memref<1x!tpu.dma_semaphore, #tpu.memory_space<semaphore_mem>>
        %dma_start3A_387 = tpu.memref_squeeze %dma_start3A_386 : memref<1x!tpu.dma_semaphore, #tpu.memory_space<semaphore_mem>> -> memref<!tpu.dma_semaphore, #tpu.memory_space<semaphore_mem>>
        tpu.enqueue_indirect_dma source(%dma_start3A_382 : memref<16x128xf32, #tpu.memory_space<vmem>>) target(%dma_start3A_385 : memref<1280x128xf32, #tpu.memory_space<vmem_shared>>) offsets(%shift_right_logical3A_369 : vector<16xi32>) semaphore(%dma_start3A_387 : memref<!tpu.dma_semaphore, #tpu.memory_space<semaphore_mem>>) {add = true}
      }
      %scan3A_149 = arith.constant 64 : i32
      %dma_wait3A = arith.constant 0 : i32
      %dma_wait3A_150 = arith.constant 0 : i32
      %dma_wait3A_151 = arith.constant 0 : i32
      %dma_wait3A_152 = arith.constant 0 : i32
      %dma_wait3A_153 = tpu.memref_slice %arg24[%dma_wait3A, %dma_wait3A_151, %dma_wait3A_152] : memref<4x16x128xf32, #tpu.memory_space<vmem>> -> memref<1x16x128xf32, #tpu.memory_space<vmem>>
      %dma_wait3A_154 = tpu.memref_squeeze %dma_wait3A_153 : memref<1x16x128xf32, #tpu.memory_space<vmem>> -> memref<16x128xf32, #tpu.memory_space<vmem>>
      %dma_wait3A_155 = arith.constant 0 : i32
      %dma_wait3A_156 = arith.constant 0 : i32
      %dma_wait3A_157 = tpu.memref_slice %arg18[%dma_wait3A_155, %dma_wait3A_156] : memref<10008x128xf32, #tpu.memory_space<vmem_shared>> -> memref<16x128xf32, #tpu.memory_space<vmem_shared>>
      %dma_wait3A_158 = tpu.memref_slice %arg28[%dma_wait3A_150] : memref<4x!tpu.dma_semaphore, #tpu.memory_space<semaphore_mem>> -> memref<1x!tpu.dma_semaphore, #tpu.memory_space<semaphore_mem>>
      %dma_wait3A_159 = tpu.memref_squeeze %dma_wait3A_158 : memref<1x!tpu.dma_semaphore, #tpu.memory_space<semaphore_mem>> -> memref<!tpu.dma_semaphore, #tpu.memory_space<semaphore_mem>>
      %dma_wait3A_160 = arith.constant 0 : i32
      %dma_wait3A_161 = arith.constant 0 : i32
      %dma_wait3A_162 = tpu.memref_slice %arg18[%dma_wait3A_160, %dma_wait3A_161] : memref<10008x128xf32, #tpu.memory_space<vmem_shared>> -> memref<16x128xf32, #tpu.memory_space<vmem_shared>>
      %dma_wait3A_163 = arith.constant 0 : i32
      %dma_wait3A_164 = arith.constant 0 : i32
      %dma_wait3A_165 = tpu.memref_slice %arg24[%dma_wait3A, %dma_wait3A_163, %dma_wait3A_164] : memref<4x16x128xf32, #tpu.memory_space<vmem>> -> memref<1x16x128xf32, #tpu.memory_space<vmem>>
      %dma_wait3A_166 = tpu.memref_squeeze %dma_wait3A_165 : memref<1x16x128xf32, #tpu.memory_space<vmem>> -> memref<16x128xf32, #tpu.memory_space<vmem>>
      tpu.wait_dma2 semaphore(%dma_wait3A_159 : memref<!tpu.dma_semaphore, #tpu.memory_space<semaphore_mem>>) src(%dma_wait3A_166 : memref<16x128xf32, #tpu.memory_space<vmem>>) dst(%dma_wait3A_162 : memref<16x128xf32, #tpu.memory_space<vmem_shared>>)
      %dma_wait3A_167 = arith.constant 0 : i32
      %dma_wait3A_168 = arith.constant 0 : i32
      %dma_wait3A_169 = arith.constant 0 : i32
      %dma_wait3A_170 = arith.constant 0 : i32
      %dma_wait3A_171 = tpu.memref_slice %arg23[%dma_wait3A_167, %dma_wait3A_169, %dma_wait3A_170] : memref<4x16x128xf32, #tpu.memory_space<vmem>> -> memref<1x16x128xf32, #tpu.memory_space<vmem>>
      %dma_wait3A_172 = tpu.memref_squeeze %dma_wait3A_171 : memref<1x16x128xf32, #tpu.memory_space<vmem>> -> memref<16x128xf32, #tpu.memory_space<vmem>>
      %dma_wait3A_173 = arith.constant 0 : i32
      %dma_wait3A_174 = arith.constant 0 : i32
      %dma_wait3A_175 = tpu.memref_slice %arg19[%dma_wait3A_173, %dma_wait3A_174] : memref<1280x128xf32, #tpu.memory_space<vmem_shared>> -> memref<16x128xf32, #tpu.memory_space<vmem_shared>>
      %dma_wait3A_176 = tpu.memref_slice %arg28[%dma_wait3A_168] : memref<4x!tpu.dma_semaphore, #tpu.memory_space<semaphore_mem>> -> memref<1x!tpu.dma_semaphore, #tpu.memory_space<semaphore_mem>>
      %dma_wait3A_177 = tpu.memref_squeeze %dma_wait3A_176 : memref<1x!tpu.dma_semaphore, #tpu.memory_space<semaphore_mem>> -> memref<!tpu.dma_semaphore, #tpu.memory_space<semaphore_mem>>
      %dma_wait3A_178 = arith.constant 0 : i32
      %dma_wait3A_179 = arith.constant 0 : i32
      %dma_wait3A_180 = tpu.memref_slice %arg19[%dma_wait3A_178, %dma_wait3A_179] : memref<1280x128xf32, #tpu.memory_space<vmem_shared>> -> memref<16x128xf32, #tpu.memory_space<vmem_shared>>
      %dma_wait3A_181 = arith.constant 0 : i32
      %dma_wait3A_182 = arith.constant 0 : i32
      %dma_wait3A_183 = tpu.memref_slice %arg23[%dma_wait3A_167, %dma_wait3A_181, %dma_wait3A_182] : memref<4x16x128xf32, #tpu.memory_space<vmem>> -> memref<1x16x128xf32, #tpu.memory_space<vmem>>
      %dma_wait3A_184 = tpu.memref_squeeze %dma_wait3A_183 : memref<1x16x128xf32, #tpu.memory_space<vmem>> -> memref<16x128xf32, #tpu.memory_space<vmem>>
      tpu.wait_dma2 semaphore(%dma_wait3A_177 : memref<!tpu.dma_semaphore, #tpu.memory_space<semaphore_mem>>) src(%dma_wait3A_184 : memref<16x128xf32, #tpu.memory_space<vmem>>) dst(%dma_wait3A_180 : memref<16x128xf32, #tpu.memory_space<vmem_shared>>)
      %dma_wait3A_185 = arith.constant 1 : i32
      %dma_wait3A_186 = arith.constant 1 : i32
      %dma_wait3A_187 = arith.constant 0 : i32
      %dma_wait3A_188 = arith.constant 0 : i32
      %dma_wait3A_189 = tpu.memref_slice %arg24[%dma_wait3A_185, %dma_wait3A_187, %dma_wait3A_188] : memref<4x16x128xf32, #tpu.memory_space<vmem>> -> memref<1x16x128xf32, #tpu.memory_space<vmem>>
      %dma_wait3A_190 = tpu.memref_squeeze %dma_wait3A_189 : memref<1x16x128xf32, #tpu.memory_space<vmem>> -> memref<16x128xf32, #tpu.memory_space<vmem>>
      %dma_wait3A_191 = arith.constant 0 : i32
      %dma_wait3A_192 = arith.constant 0 : i32
      %dma_wait3A_193 = tpu.memref_slice %arg18[%dma_wait3A_191, %dma_wait3A_192] : memref<10008x128xf32, #tpu.memory_space<vmem_shared>> -> memref<16x128xf32, #tpu.memory_space<vmem_shared>>
      %dma_wait3A_194 = tpu.memref_slice %arg28[%dma_wait3A_186] : memref<4x!tpu.dma_semaphore, #tpu.memory_space<semaphore_mem>> -> memref<1x!tpu.dma_semaphore, #tpu.memory_space<semaphore_mem>>
      %dma_wait3A_195 = tpu.memref_squeeze %dma_wait3A_194 : memref<1x!tpu.dma_semaphore, #tpu.memory_space<semaphore_mem>> -> memref<!tpu.dma_semaphore, #tpu.memory_space<semaphore_mem>>
      %dma_wait3A_196 = arith.constant 0 : i32
      %dma_wait3A_197 = arith.constant 0 : i32
      %dma_wait3A_198 = tpu.memref_slice %arg18[%dma_wait3A_196, %dma_wait3A_197] : memref<10008x128xf32, #tpu.memory_space<vmem_shared>> -> memref<16x128xf32, #tpu.memory_space<vmem_shared>>
      %dma_wait3A_199 = arith.constant 0 : i32
      %dma_wait3A_200 = arith.constant 0 : i32
      %dma_wait3A_201 = tpu.memref_slice %arg24[%dma_wait3A_185, %dma_wait3A_199, %dma_wait3A_200] : memref<4x16x128xf32, #tpu.memory_space<vmem>> -> memref<1x16x128xf32, #tpu.memory_space<vmem>>
      %dma_wait3A_202 = tpu.memref_squeeze %dma_wait3A_201 : memref<1x16x128xf32, #tpu.memory_space<vmem>> -> memref<16x128xf32, #tpu.memory_space<vmem>>
      tpu.wait_dma2 semaphore(%dma_wait3A_195 : memref<!tpu.dma_semaphore, #tpu.memory_space<semaphore_mem>>) src(%dma_wait3A_202 : memref<16x128xf32, #tpu.memory_space<vmem>>) dst(%dma_wait3A_198 : memref<16x128xf32, #tpu.memory_space<vmem_shared>>)
      %dma_wait3A_203 = arith.constant 1 : i32
      %dma_wait3A_204 = arith.constant 1 : i32
      %dma_wait3A_205 = arith.constant 0 : i32
      %dma_wait3A_206 = arith.constant 0 : i32
      %dma_wait3A_207 = tpu.memref_slice %arg23[%dma_wait3A_203, %dma_wait3A_205, %dma_wait3A_206] : memref<4x16x128xf32, #tpu.memory_space<vmem>> -> memref<1x16x128xf32, #tpu.memory_space<vmem>>
      %dma_wait3A_208 = tpu.memref_squeeze %dma_wait3A_207 : memref<1x16x128xf32, #tpu.memory_space<vmem>> -> memref<16x128xf32, #tpu.memory_space<vmem>>
      %dma_wait3A_209 = arith.constant 0 : i32
      %dma_wait3A_210 = arith.constant 0 : i32
      %dma_wait3A_211 = tpu.memref_slice %arg19[%dma_wait3A_209, %dma_wait3A_210] : memref<1280x128xf32, #tpu.memory_space<vmem_shared>> -> memref<16x128xf32, #tpu.memory_space<vmem_shared>>
      %dma_wait3A_212 = tpu.memref_slice %arg28[%dma_wait3A_204] : memref<4x!tpu.dma_semaphore, #tpu.memory_space<semaphore_mem>> -> memref<1x!tpu.dma_semaphore, #tpu.memory_space<semaphore_mem>>
      %dma_wait3A_213 = tpu.memref_squeeze %dma_wait3A_212 : memref<1x!tpu.dma_semaphore, #tpu.memory_space<semaphore_mem>> -> memref<!tpu.dma_semaphore, #tpu.memory_space<semaphore_mem>>
      %dma_wait3A_214 = arith.constant 0 : i32
      %dma_wait3A_215 = arith.constant 0 : i32
      %dma_wait3A_216 = tpu.memref_slice %arg19[%dma_wait3A_214, %dma_wait3A_215] : memref<1280x128xf32, #tpu.memory_space<vmem_shared>> -> memref<16x128xf32, #tpu.memory_space<vmem_shared>>
      %dma_wait3A_217 = arith.constant 0 : i32
      %dma_wait3A_218 = arith.constant 0 : i32
      %dma_wait3A_219 = tpu.memref_slice %arg23[%dma_wait3A_203, %dma_wait3A_217, %dma_wait3A_218] : memref<4x16x128xf32, #tpu.memory_space<vmem>> -> memref<1x16x128xf32, #tpu.memory_space<vmem>>
      %dma_wait3A_220 = tpu.memref_squeeze %dma_wait3A_219 : memref<1x16x128xf32, #tpu.memory_space<vmem>> -> memref<16x128xf32, #tpu.memory_space<vmem>>
      tpu.wait_dma2 semaphore(%dma_wait3A_213 : memref<!tpu.dma_semaphore, #tpu.memory_space<semaphore_mem>>) src(%dma_wait3A_220 : memref<16x128xf32, #tpu.memory_space<vmem>>) dst(%dma_wait3A_216 : memref<16x128xf32, #tpu.memory_space<vmem_shared>>)
      %dma_wait3A_221 = arith.constant 2 : i32
      %dma_wait3A_222 = arith.constant 2 : i32
      %dma_wait3A_223 = arith.constant 0 : i32
      %dma_wait3A_224 = arith.constant 0 : i32
      %dma_wait3A_225 = tpu.memref_slice %arg24[%dma_wait3A_221, %dma_wait3A_223, %dma_wait3A_224] : memref<4x16x128xf32, #tpu.memory_space<vmem>> -> memref<1x16x128xf32, #tpu.memory_space<vmem>>
      %dma_wait3A_226 = tpu.memref_squeeze %dma_wait3A_225 : memref<1x16x128xf32, #tpu.memory_space<vmem>> -> memref<16x128xf32, #tpu.memory_space<vmem>>
      %dma_wait3A_227 = arith.constant 0 : i32
      %dma_wait3A_228 = arith.constant 0 : i32
      %dma_wait3A_229 = tpu.memref_slice %arg18[%dma_wait3A_227, %dma_wait3A_228] : memref<10008x128xf32, #tpu.memory_space<vmem_shared>> -> memref<16x128xf32, #tpu.memory_space<vmem_shared>>
      %dma_wait3A_230 = tpu.memref_slice %arg28[%dma_wait3A_222] : memref<4x!tpu.dma_semaphore, #tpu.memory_space<semaphore_mem>> -> memref<1x!tpu.dma_semaphore, #tpu.memory_space<semaphore_mem>>
      %dma_wait3A_231 = tpu.memref_squeeze %dma_wait3A_230 : memref<1x!tpu.dma_semaphore, #tpu.memory_space<semaphore_mem>> -> memref<!tpu.dma_semaphore, #tpu.memory_space<semaphore_mem>>
      %dma_wait3A_232 = arith.constant 0 : i32
      %dma_wait3A_233 = arith.constant 0 : i32
      %dma_wait3A_234 = tpu.memref_slice %arg18[%dma_wait3A_232, %dma_wait3A_233] : memref<10008x128xf32, #tpu.memory_space<vmem_shared>> -> memref<16x128xf32, #tpu.memory_space<vmem_shared>>
      %dma_wait3A_235 = arith.constant 0 : i32
      %dma_wait3A_236 = arith.constant 0 : i32
      %dma_wait3A_237 = tpu.memref_slice %arg24[%dma_wait3A_221, %dma_wait3A_235, %dma_wait3A_236] : memref<4x16x128xf32, #tpu.memory_space<vmem>> -> memref<1x16x128xf32, #tpu.memory_space<vmem>>
      %dma_wait3A_238 = tpu.memref_squeeze %dma_wait3A_237 : memref<1x16x128xf32, #tpu.memory_space<vmem>> -> memref<16x128xf32, #tpu.memory_space<vmem>>
      tpu.wait_dma2 semaphore(%dma_wait3A_231 : memref<!tpu.dma_semaphore, #tpu.memory_space<semaphore_mem>>) src(%dma_wait3A_238 : memref<16x128xf32, #tpu.memory_space<vmem>>) dst(%dma_wait3A_234 : memref<16x128xf32, #tpu.memory_space<vmem_shared>>)
      %dma_wait3A_239 = arith.constant 2 : i32
      %dma_wait3A_240 = arith.constant 2 : i32
      %dma_wait3A_241 = arith.constant 0 : i32
      %dma_wait3A_242 = arith.constant 0 : i32
      %dma_wait3A_243 = tpu.memref_slice %arg23[%dma_wait3A_239, %dma_wait3A_241, %dma_wait3A_242] : memref<4x16x128xf32, #tpu.memory_space<vmem>> -> memref<1x16x128xf32, #tpu.memory_space<vmem>>
      %dma_wait3A_244 = tpu.memref_squeeze %dma_wait3A_243 : memref<1x16x128xf32, #tpu.memory_space<vmem>> -> memref<16x128xf32, #tpu.memory_space<vmem>>
      %dma_wait3A_245 = arith.constant 0 : i32
      %dma_wait3A_246 = arith.constant 0 : i32
      %dma_wait3A_247 = tpu.memref_slice %arg19[%dma_wait3A_245, %dma_wait3A_246] : memref<1280x128xf32, #tpu.memory_space<vmem_shared>> -> memref<16x128xf32, #tpu.memory_space<vmem_shared>>
      %dma_wait3A_248 = tpu.memref_slice %arg28[%dma_wait3A_240] : memref<4x!tpu.dma_semaphore, #tpu.memory_space<semaphore_mem>> -> memref<1x!tpu.dma_semaphore, #tpu.memory_space<semaphore_mem>>
      %dma_wait3A_249 = tpu.memref_squeeze %dma_wait3A_248 : memref<1x!tpu.dma_semaphore, #tpu.memory_space<semaphore_mem>> -> memref<!tpu.dma_semaphore, #tpu.memory_space<semaphore_mem>>
      %dma_wait3A_250 = arith.constant 0 : i32
      %dma_wait3A_251 = arith.constant 0 : i32
      %dma_wait3A_252 = tpu.memref_slice %arg19[%dma_wait3A_250, %dma_wait3A_251] : memref<1280x128xf32, #tpu.memory_space<vmem_shared>> -> memref<16x128xf32, #tpu.memory_space<vmem_shared>>
      %dma_wait3A_253 = arith.constant 0 : i32
      %dma_wait3A_254 = arith.constant 0 : i32
      %dma_wait3A_255 = tpu.memref_slice %arg23[%dma_wait3A_239, %dma_wait3A_253, %dma_wait3A_254] : memref<4x16x128xf32, #tpu.memory_space<vmem>> -> memref<1x16x128xf32, #tpu.memory_space<vmem>>
      %dma_wait3A_256 = tpu.memref_squeeze %dma_wait3A_255 : memref<1x16x128xf32, #tpu.memory_space<vmem>> -> memref<16x128xf32, #tpu.memory_space<vmem>>
      tpu.wait_dma2 semaphore(%dma_wait3A_249 : memref<!tpu.dma_semaphore, #tpu.memory_space<semaphore_mem>>) src(%dma_wait3A_256 : memref<16x128xf32, #tpu.memory_space<vmem>>) dst(%dma_wait3A_252 : memref<16x128xf32, #tpu.memory_space<vmem_shared>>)
      %dma_wait3A_257 = arith.constant 3 : i32
      %dma_wait3A_258 = arith.constant 3 : i32
      %dma_wait3A_259 = arith.constant 0 : i32
      %dma_wait3A_260 = arith.constant 0 : i32
      %dma_wait3A_261 = tpu.memref_slice %arg24[%dma_wait3A_257, %dma_wait3A_259, %dma_wait3A_260] : memref<4x16x128xf32, #tpu.memory_space<vmem>> -> memref<1x16x128xf32, #tpu.memory_space<vmem>>
      %dma_wait3A_262 = tpu.memref_squeeze %dma_wait3A_261 : memref<1x16x128xf32, #tpu.memory_space<vmem>> -> memref<16x128xf32, #tpu.memory_space<vmem>>
      %dma_wait3A_263 = arith.constant 0 : i32
      %dma_wait3A_264 = arith.constant 0 : i32
      %dma_wait3A_265 = tpu.memref_slice %arg18[%dma_wait3A_263, %dma_wait3A_264] : memref<10008x128xf32, #tpu.memory_space<vmem_shared>> -> memref<16x128xf32, #tpu.memory_space<vmem_shared>>
      %dma_wait3A_266 = tpu.memref_slice %arg28[%dma_wait3A_258] : memref<4x!tpu.dma_semaphore, #tpu.memory_space<semaphore_mem>> -> memref<1x!tpu.dma_semaphore, #tpu.memory_space<semaphore_mem>>
      %dma_wait3A_267 = tpu.memref_squeeze %dma_wait3A_266 : memref<1x!tpu.dma_semaphore, #tpu.memory_space<semaphore_mem>> -> memref<!tpu.dma_semaphore, #tpu.memory_space<semaphore_mem>>
      %dma_wait3A_268 = arith.constant 0 : i32
      %dma_wait3A_269 = arith.constant 0 : i32
      %dma_wait3A_270 = tpu.memref_slice %arg18[%dma_wait3A_268, %dma_wait3A_269] : memref<10008x128xf32, #tpu.memory_space<vmem_shared>> -> memref<16x128xf32, #tpu.memory_space<vmem_shared>>
      %dma_wait3A_271 = arith.constant 0 : i32
      %dma_wait3A_272 = arith.constant 0 : i32
      %dma_wait3A_273 = tpu.memref_slice %arg24[%dma_wait3A_257, %dma_wait3A_271, %dma_wait3A_272] : memref<4x16x128xf32, #tpu.memory_space<vmem>> -> memref<1x16x128xf32, #tpu.memory_space<vmem>>
      %dma_wait3A_274 = tpu.memref_squeeze %dma_wait3A_273 : memref<1x16x128xf32, #tpu.memory_space<vmem>> -> memref<16x128xf32, #tpu.memory_space<vmem>>
      tpu.wait_dma2 semaphore(%dma_wait3A_267 : memref<!tpu.dma_semaphore, #tpu.memory_space<semaphore_mem>>) src(%dma_wait3A_274 : memref<16x128xf32, #tpu.memory_space<vmem>>) dst(%dma_wait3A_270 : memref<16x128xf32, #tpu.memory_space<vmem_shared>>)
      %dma_wait3A_275 = arith.constant 3 : i32
      %dma_wait3A_276 = arith.constant 3 : i32
      %dma_wait3A_277 = arith.constant 0 : i32
      %dma_wait3A_278 = arith.constant 0 : i32
      %dma_wait3A_279 = tpu.memref_slice %arg23[%dma_wait3A_275, %dma_wait3A_277, %dma_wait3A_278] : memref<4x16x128xf32, #tpu.memory_space<vmem>> -> memref<1x16x128xf32, #tpu.memory_space<vmem>>
      %dma_wait3A_280 = tpu.memref_squeeze %dma_wait3A_279 : memref<1x16x128xf32, #tpu.memory_space<vmem>> -> memref<16x128xf32, #tpu.memory_space<vmem>>
      %dma_wait3A_281 = arith.constant 0 : i32
      %dma_wait3A_282 = arith.constant 0 : i32
      %dma_wait3A_283 = tpu.memref_slice %arg19[%dma_wait3A_281, %dma_wait3A_282] : memref<1280x128xf32, #tpu.memory_space<vmem_shared>> -> memref<16x128xf32, #tpu.memory_space<vmem_shared>>
      %dma_wait3A_284 = tpu.memref_slice %arg28[%dma_wait3A_276] : memref<4x!tpu.dma_semaphore, #tpu.memory_space<semaphore_mem>> -> memref<1x!tpu.dma_semaphore, #tpu.memory_space<semaphore_mem>>
      %dma_wait3A_285 = tpu.memref_squeeze %dma_wait3A_284 : memref<1x!tpu.dma_semaphore, #tpu.memory_space<semaphore_mem>> -> memref<!tpu.dma_semaphore, #tpu.memory_space<semaphore_mem>>
      %dma_wait3A_286 = arith.constant 0 : i32
      %dma_wait3A_287 = arith.constant 0 : i32
      %dma_wait3A_288 = tpu.memref_slice %arg19[%dma_wait3A_286, %dma_wait3A_287] : memref<1280x128xf32, #tpu.memory_space<vmem_shared>> -> memref<16x128xf32, #tpu.memory_space<vmem_shared>>
      %dma_wait3A_289 = arith.constant 0 : i32
      %dma_wait3A_290 = arith.constant 0 : i32
      %dma_wait3A_291 = tpu.memref_slice %arg23[%dma_wait3A_275, %dma_wait3A_289, %dma_wait3A_290] : memref<4x16x128xf32, #tpu.memory_space<vmem>> -> memref<1x16x128xf32, #tpu.memory_space<vmem>>
      %dma_wait3A_292 = tpu.memref_squeeze %dma_wait3A_291 : memref<1x16x128xf32, #tpu.memory_space<vmem>> -> memref<16x128xf32, #tpu.memory_space<vmem>>
      tpu.wait_dma2 semaphore(%dma_wait3A_285 : memref<!tpu.dma_semaphore, #tpu.memory_space<semaphore_mem>>) src(%dma_wait3A_292 : memref<16x128xf32, #tpu.memory_space<vmem>>) dst(%dma_wait3A_288 : memref<16x128xf32, #tpu.memory_space<vmem_shared>>)
    }
    %scan3A_36 = arith.constant 10 : i32
    %barrier3A_37 = arith.constant 0 : index
    tpu.barrier barrier_id(%barrier3A_37)
    %scan3A_38 = arith.constant 0 : i32
    %scan3A_39 = arith.constant 9 : i32
    %scan3A_40 = arith.addi %scan3A_38, %scan3A_39 : i32
    %scan3A_41 = arith.constant 1 : i32
    scf.for %scan3A_44 = %scan3A_38 to %scan3A_40 step %scan3A_41  : i32 {
      %mul3A_45 = arith.constant 1 : i32
      %mul3A_46 = arith.muli %scan3A_44, %mul3A_45 : i32
      %add3A_47 = arith.constant 0 : i32
      %add3A_48 = arith.addi %add3A_47, %mul3A_46 : i32
      %mul3A_49 = arith.constant 16 : i32
      %mul3A_50 = arith.muli %add3A_48, %mul3A_49 : i32
      %add3A_51 = arith.addi %mul3A_50, %arg1 : i32
      %lt3A = arith.constant 125 : i32
      %lt3A_52 = arith.cmpi slt, %add3A_51, %lt3A : i32
      %convert_element_type3A = arith.extui %lt3A_52 : i1 to i32
      %cond3A = arith.constant 0 : i32
      %cond3A_53 = arith.cmpi ne, %convert_element_type3A, %cond3A : i32
      scf.if %cond3A_53 {
        %mul3A_60 = arith.constant 80 : i32
        %mul3A_61 = arith.muli %add3A_51, %mul3A_60 : i32
        "tpu.region"() ({
          %run_scoped3A = tpu.sem_alloc : memref<!tpu.dma_semaphore, #tpu.memory_space<semaphore_mem>>
          %dma_start3A = arith.constant 0 : i32
          %dma_start3A_62 = tpu.memref_slice %arg16[%arg0, %mul3A_61, %dma_start3A] : memref<2x10000x128xf32, #tpu.memory_space<hbm>> -> memref<1x80x128xf32, #tpu.memory_space<hbm>>
          %dma_start3A_63 = tpu.memref_squeeze %dma_start3A_62 : memref<1x80x128xf32, #tpu.memory_space<hbm>> -> memref<80x128xf32, #tpu.memory_space<hbm>>
          %dma_start3A_64 = arith.constant 0 : i32
          %dma_start3A_65 = tpu.memref_slice %arg18[%mul3A_61, %dma_start3A_64] : memref<10008x128xf32, #tpu.memory_space<vmem_shared>> -> memref<80x128xf32, #tpu.memory_space<vmem_shared>>
          tpu.enqueue_dma source(%dma_start3A_65 : memref<80x128xf32, #tpu.memory_space<vmem_shared>>) target(%dma_start3A_63 : memref<80x128xf32, #tpu.memory_space<hbm>>) target_semaphore(%run_scoped3A : memref<!tpu.dma_semaphore, #tpu.memory_space<semaphore_mem>>)
          %dma_wait3A = arith.constant 0 : i32
          %dma_wait3A_66 = tpu.memref_slice %arg16[%arg0, %mul3A_61, %dma_wait3A] : memref<2x10000x128xf32, #tpu.memory_space<hbm>> -> memref<1x80x128xf32, #tpu.memory_space<hbm>>
          %dma_wait3A_67 = tpu.memref_squeeze %dma_wait3A_66 : memref<1x80x128xf32, #tpu.memory_space<hbm>> -> memref<80x128xf32, #tpu.memory_space<hbm>>
          %dma_wait3A_68 = arith.constant 0 : i32
          %dma_wait3A_69 = tpu.memref_slice %arg18[%mul3A_61, %dma_wait3A_68] : memref<10008x128xf32, #tpu.memory_space<vmem_shared>> -> memref<80x128xf32, #tpu.memory_space<vmem_shared>>
          tpu.wait_dma2 semaphore(%run_scoped3A : memref<!tpu.dma_semaphore, #tpu.memory_space<semaphore_mem>>) src(%dma_wait3A_69 : memref<80x128xf32, #tpu.memory_space<vmem_shared>>) dst(%dma_wait3A_67 : memref<80x128xf32, #tpu.memory_space<hbm>>)
          tpu.yield
        }) : () -> ()
      } else {
      }
      %ge3A = arith.constant 125 : i32
      %ge3A_54 = arith.cmpi sge, %add3A_51, %ge3A : i32
      %lt3A_55 = arith.constant 141 : i32
      %lt3A_56 = arith.cmpi slt, %add3A_51, %lt3A_55 : i32
      %and3A = arith.andi %ge3A_54, %lt3A_56 : i1
      %convert_element_type3A_57 = arith.extui %and3A : i1 to i32
      %cond3A_58 = arith.constant 0 : i32
      %cond3A_59 = arith.cmpi ne, %convert_element_type3A_57, %cond3A_58 : i32
      scf.if %cond3A_59 {
        %sub3A = arith.constant 125 : i32
        %sub3A_60 = arith.subi %add3A_51, %sub3A : i32
        %mul3A_61 = arith.constant 80 : i32
        %mul3A_62 = arith.muli %sub3A_60, %mul3A_61 : i32
        "tpu.region"() ({
          %run_scoped3A = tpu.sem_alloc : memref<!tpu.dma_semaphore, #tpu.memory_space<semaphore_mem>>
          %dma_start3A = arith.constant 0 : i32
          %dma_start3A_63 = tpu.memref_slice %arg17[%arg0, %mul3A_62, %dma_start3A] : memref<2x1280x128xf32, #tpu.memory_space<hbm>> -> memref<1x80x128xf32, #tpu.memory_space<hbm>>
          %dma_start3A_64 = tpu.memref_squeeze %dma_start3A_63 : memref<1x80x128xf32, #tpu.memory_space<hbm>> -> memref<80x128xf32, #tpu.memory_space<hbm>>
          %dma_start3A_65 = arith.constant 0 : i32
          %dma_start3A_66 = tpu.memref_slice %arg19[%mul3A_62, %dma_start3A_65] : memref<1280x128xf32, #tpu.memory_space<vmem_shared>> -> memref<80x128xf32, #tpu.memory_space<vmem_shared>>
          tpu.enqueue_dma source(%dma_start3A_66 : memref<80x128xf32, #tpu.memory_space<vmem_shared>>) target(%dma_start3A_64 : memref<80x128xf32, #tpu.memory_space<hbm>>) target_semaphore(%run_scoped3A : memref<!tpu.dma_semaphore, #tpu.memory_space<semaphore_mem>>)
          %dma_wait3A = arith.constant 0 : i32
          %dma_wait3A_67 = tpu.memref_slice %arg17[%arg0, %mul3A_62, %dma_wait3A] : memref<2x1280x128xf32, #tpu.memory_space<hbm>> -> memref<1x80x128xf32, #tpu.memory_space<hbm>>
          %dma_wait3A_68 = tpu.memref_squeeze %dma_wait3A_67 : memref<1x80x128xf32, #tpu.memory_space<hbm>> -> memref<80x128xf32, #tpu.memory_space<hbm>>
          %dma_wait3A_69 = arith.constant 0 : i32
          %dma_wait3A_70 = tpu.memref_slice %arg19[%mul3A_62, %dma_wait3A_69] : memref<1280x128xf32, #tpu.memory_space<vmem_shared>> -> memref<80x128xf32, #tpu.memory_space<vmem_shared>>
          tpu.wait_dma2 semaphore(%run_scoped3A : memref<!tpu.dma_semaphore, #tpu.memory_space<semaphore_mem>>) src(%dma_wait3A_70 : memref<80x128xf32, #tpu.memory_space<vmem_shared>>) dst(%dma_wait3A_68 : memref<80x128xf32, #tpu.memory_space<hbm>>)
          tpu.yield
        }) : () -> ()
      } else {
      }
    }
    %scan3A_42 = arith.constant 9 : i32
    %barrier3A_43 = arith.constant 0 : index
    tpu.barrier barrier_id(%barrier3A_43)
    return
  }
}

#map = affine_map<(d0, d1) -> (0, 0)>
#map1 = affine_map<(d0, d1) -> (0)>
module attributes {stable_mosaic.version = 14 : i64} {
  func.func @_s2_score(%arg0: i32, %arg1: i32, %arg2: memref<10000x128xf32, #tpu.memory_space<hbm>>, %arg3: memref<10000x128xf32, #tpu.memory_space<hbm>>, %arg4: memref<1568x128xi32, #tpu.memory_space<hbm>>, %arg5: memref<1568x128xi32, #tpu.memory_space<hbm>>, %arg6: memref<200704xf32, #tpu.memory_space<hbm>>, %arg7: memref<8x128xi32, #tpu.memory_space<vmem>>, %arg8: memref<8x128xi32, #tpu.memory_space<vmem>>, %arg9: memref<2x128x128xf32, #tpu.memory_space<vmem>>, %arg10: memref<2x128x128xf32, #tpu.memory_space<vmem>>, %arg11: memref<128x16xf32, #tpu.memory_space<vmem>>, %arg12: memref<128xf32, #tpu.memory_space<vmem>>, %arg13: memref<2x!tpu.dma_semaphore, #tpu.memory_space<semaphore_mem>>) attributes {dimension_semantics = [#tpu.dimension_semantics<core_parallel>, #tpu.dimension_semantics<subcore_parallel>], iteration_bounds = array<i64: 2, 16>, scalar_prefetch = 0 : i64, scratch_operands = 7 : i64, tpu.core_type = #tpu.core_type<sc_vector_subcore>, window_params = [{transform_indices = #map}, {transform_indices = #map}, {transform_indices = #map}, {transform_indices = #map}, {transform_indices = #map1}]} {
    %mul3A = arith.constant 2 : i32
    %mul3A_0 = arith.muli %arg1, %mul3A : i32
    %add3A = arith.addi %mul3A_0, %arg0 : i32
    %iota3A = tpu.iota {dimensions = array<i32: 0>} : vector<16xi32>
    %scan3A = arith.constant 0 : i32
    %scan3A_1 = arith.constant 7 : i32
    %scan3A_2 = arith.addi %scan3A, %scan3A_1 : i32
    %scan3A_3 = arith.constant 1 : i32
    scf.for %scan3A_5 = %scan3A to %scan3A_2 step %scan3A_3  : i32 {
      %mul3A_6 = arith.constant 1 : i32
      %mul3A_7 = arith.muli %scan3A_5, %mul3A_6 : i32
      %add3A_8 = arith.constant 0 : i32
      %add3A_9 = arith.addi %add3A_8, %mul3A_7 : i32
      %mul3A_10 = arith.constant 32 : i32
      %mul3A_11 = arith.muli %add3A_9, %mul3A_10 : i32
      %add3A_12 = arith.addi %mul3A_11, %add3A : i32
      %lt3A = arith.constant 196 : i32
      %lt3A_13 = arith.cmpi slt, %add3A_12, %lt3A : i32
      %convert_element_type3A = arith.extui %lt3A_13 : i1 to i32
      %cond3A = arith.constant 0 : i32
      %cond3A_14 = arith.cmpi ne, %convert_element_type3A, %cond3A : i32
      scf.if %cond3A_14 {
        %mul3A_15 = arith.constant 8 : i32
        %mul3A_16 = arith.muli %add3A_12, %mul3A_15 : i32
        "tpu.region"() ({
          %run_scoped3A = tpu.sem_alloc : memref<!tpu.dma_semaphore, #tpu.memory_space<semaphore_mem>>
          %dma_start3A_260 = arith.constant 0 : i32
          %dma_start3A_261 = tpu.memref_slice %arg4[%mul3A_16, %dma_start3A_260] : memref<1568x128xi32, #tpu.memory_space<hbm>> -> memref<8x128xi32, #tpu.memory_space<hbm>>
          %dma_start3A_262 = arith.constant 0 : i32
          %dma_start3A_263 = tpu.memref_slice %arg4[%mul3A_16, %dma_start3A_262] : memref<1568x128xi32, #tpu.memory_space<hbm>> -> memref<8x128xi32, #tpu.memory_space<hbm>>
          tpu.enqueue_dma source(%dma_start3A_263 : memref<8x128xi32, #tpu.memory_space<hbm>>) target(%arg7 : memref<8x128xi32, #tpu.memory_space<vmem>>) target_semaphore(%run_scoped3A : memref<!tpu.dma_semaphore, #tpu.memory_space<semaphore_mem>>)
          %dma_wait3A = arith.constant 0 : i32
          %dma_wait3A_264 = tpu.memref_slice %arg4[%mul3A_16, %dma_wait3A] : memref<1568x128xi32, #tpu.memory_space<hbm>> -> memref<8x128xi32, #tpu.memory_space<hbm>>
          %dma_wait3A_265 = arith.constant 0 : i32
          %dma_wait3A_266 = tpu.memref_slice %arg4[%mul3A_16, %dma_wait3A_265] : memref<1568x128xi32, #tpu.memory_space<hbm>> -> memref<8x128xi32, #tpu.memory_space<hbm>>
          tpu.wait_dma2 semaphore(%run_scoped3A : memref<!tpu.dma_semaphore, #tpu.memory_space<semaphore_mem>>) src(%dma_wait3A_266 : memref<8x128xi32, #tpu.memory_space<hbm>>) dst(%arg7 : memref<8x128xi32, #tpu.memory_space<vmem>>)
          tpu.yield
        }) : () -> ()
        "tpu.region"() ({
          %run_scoped3A = tpu.sem_alloc : memref<!tpu.dma_semaphore, #tpu.memory_space<semaphore_mem>>
          %dma_start3A_260 = arith.constant 0 : i32
          %dma_start3A_261 = tpu.memref_slice %arg5[%mul3A_16, %dma_start3A_260] : memref<1568x128xi32, #tpu.memory_space<hbm>> -> memref<8x128xi32, #tpu.memory_space<hbm>>
          %dma_start3A_262 = arith.constant 0 : i32
          %dma_start3A_263 = tpu.memref_slice %arg5[%mul3A_16, %dma_start3A_262] : memref<1568x128xi32, #tpu.memory_space<hbm>> -> memref<8x128xi32, #tpu.memory_space<hbm>>
          tpu.enqueue_dma source(%dma_start3A_263 : memref<8x128xi32, #tpu.memory_space<hbm>>) target(%arg8 : memref<8x128xi32, #tpu.memory_space<vmem>>) target_semaphore(%run_scoped3A : memref<!tpu.dma_semaphore, #tpu.memory_space<semaphore_mem>>)
          %dma_wait3A = arith.constant 0 : i32
          %dma_wait3A_264 = tpu.memref_slice %arg5[%mul3A_16, %dma_wait3A] : memref<1568x128xi32, #tpu.memory_space<hbm>> -> memref<8x128xi32, #tpu.memory_space<hbm>>
          %dma_wait3A_265 = arith.constant 0 : i32
          %dma_wait3A_266 = tpu.memref_slice %arg5[%mul3A_16, %dma_wait3A_265] : memref<1568x128xi32, #tpu.memory_space<hbm>> -> memref<8x128xi32, #tpu.memory_space<hbm>>
          tpu.wait_dma2 semaphore(%run_scoped3A : memref<!tpu.dma_semaphore, #tpu.memory_space<semaphore_mem>>) src(%dma_wait3A_266 : memref<8x128xi32, #tpu.memory_space<hbm>>) dst(%arg8 : memref<8x128xi32, #tpu.memory_space<vmem>>)
          tpu.yield
        }) : () -> ()
        %get3A = arith.constant 0 : i32
        %get3A_17 = arith.index_cast %get3A : i32 to index
        %get3A_18 = arith.constant 0 : index
        %get3A_19 = tpu.vector_load %arg7[%get3A_17, %get3A_18] {strides = array<i32>} : memref<8x128xi32, #tpu.memory_space<vmem>>, vector<16xi32>,
        %get3A_20 = arith.constant 0 : i32
        %get3A_21 = arith.index_cast %get3A_20 : i32 to index
        %get3A_22 = arith.constant 0 : index
        %get3A_23 = tpu.vector_load %arg8[%get3A_21, %get3A_22] {strides = array<i32>} : memref<8x128xi32, #tpu.memory_space<vmem>>, vector<16xi32>,
        %dma_start3A = arith.constant 0 : i32
        %dma_start3A_24 = arith.constant 0 : i32
        %dma_start3A_25 = arith.constant 0 : i32
        %dma_start3A_26 = arith.constant 0 : i32
        %dma_start3A_27 = tpu.memref_slice %arg9[%dma_start3A, %dma_start3A_25, %dma_start3A_26] : memref<2x128x128xf32, #tpu.memory_space<vmem>> -> memref<1x16x128xf32, #tpu.memory_space<vmem>>
        %dma_start3A_28 = tpu.memref_squeeze %dma_start3A_27 : memref<1x16x128xf32, #tpu.memory_space<vmem>> -> memref<16x128xf32, #tpu.memory_space<vmem>>
        %dma_start3A_29 = arith.constant 0 : i32
        %dma_start3A_30 = arith.constant 0 : i32
        %dma_start3A_31 = tpu.memref_slice %arg2[%dma_start3A_29, %dma_start3A_30] : memref<10000x128xf32, #tpu.memory_space<hbm>> -> memref<10000x128xf32, #tpu.memory_space<hbm>>
        %dma_start3A_32 = tpu.memref_slice %arg13[%dma_start3A_24] : memref<2x!tpu.dma_semaphore, #tpu.memory_space<semaphore_mem>> -> memref<1x!tpu.dma_semaphore, #tpu.memory_space<semaphore_mem>>
        %dma_start3A_33 = tpu.memref_squeeze %dma_start3A_32 : memref<1x!tpu.dma_semaphore, #tpu.memory_space<semaphore_mem>> -> memref<!tpu.dma_semaphore, #tpu.memory_space<semaphore_mem>>
        tpu.enqueue_indirect_dma source(%dma_start3A_31 : memref<10000x128xf32, #tpu.memory_space<hbm>>) target(%dma_start3A_28 : memref<16x128xf32, #tpu.memory_space<vmem>>) offsets(%get3A_19 : vector<16xi32>) semaphore(%dma_start3A_33 : memref<!tpu.dma_semaphore, #tpu.memory_space<semaphore_mem>>)
        %dma_start3A_34 = arith.constant 0 : i32
        %dma_start3A_35 = arith.constant 0 : i32
        %dma_start3A_36 = arith.constant 0 : i32
        %dma_start3A_37 = arith.constant 0 : i32
        %dma_start3A_38 = tpu.memref_slice %arg10[%dma_start3A_34, %dma_start3A_36, %dma_start3A_37] : memref<2x128x128xf32, #tpu.memory_space<vmem>> -> memref<1x16x128xf32, #tpu.memory_space<vmem>>
        %dma_start3A_39 = tpu.memref_squeeze %dma_start3A_38 : memref<1x16x128xf32, #tpu.memory_space<vmem>> -> memref<16x128xf32, #tpu.memory_space<vmem>>
        %dma_start3A_40 = arith.constant 0 : i32
        %dma_start3A_41 = arith.constant 0 : i32
        %dma_start3A_42 = tpu.memref_slice %arg3[%dma_start3A_40, %dma_start3A_41] : memref<10000x128xf32, #tpu.memory_space<hbm>> -> memref<10000x128xf32, #tpu.memory_space<hbm>>
        %dma_start3A_43 = tpu.memref_slice %arg13[%dma_start3A_35] : memref<2x!tpu.dma_semaphore, #tpu.memory_space<semaphore_mem>> -> memref<1x!tpu.dma_semaphore, #tpu.memory_space<semaphore_mem>>
        %dma_start3A_44 = tpu.memref_squeeze %dma_start3A_43 : memref<1x!tpu.dma_semaphore, #tpu.memory_space<semaphore_mem>> -> memref<!tpu.dma_semaphore, #tpu.memory_space<semaphore_mem>>
        tpu.enqueue_indirect_dma source(%dma_start3A_42 : memref<10000x128xf32, #tpu.memory_space<hbm>>) target(%dma_start3A_39 : memref<16x128xf32, #tpu.memory_space<vmem>>) offsets(%get3A_23 : vector<16xi32>) semaphore(%dma_start3A_44 : memref<!tpu.dma_semaphore, #tpu.memory_space<semaphore_mem>>)
        %get3A_45 = arith.constant 0 : i32
        %get3A_46 = arith.index_cast %get3A_45 : i32 to index
        %get3A_47 = arith.constant 16 : index
        %get3A_48 = tpu.vector_load %arg7[%get3A_46, %get3A_47] {strides = array<i32>} : memref<8x128xi32, #tpu.memory_space<vmem>>, vector<16xi32>,
        %get3A_49 = arith.constant 0 : i32
        %get3A_50 = arith.index_cast %get3A_49 : i32 to index
        %get3A_51 = arith.constant 16 : index
        %get3A_52 = tpu.vector_load %arg8[%get3A_50, %get3A_51] {strides = array<i32>} : memref<8x128xi32, #tpu.memory_space<vmem>>, vector<16xi32>,
        %dma_start3A_53 = arith.constant 0 : i32
        %dma_start3A_54 = arith.constant 0 : i32
        %dma_start3A_55 = arith.constant 16 : i32
        %dma_start3A_56 = arith.constant 0 : i32
        %dma_start3A_57 = tpu.memref_slice %arg9[%dma_start3A_53, %dma_start3A_55, %dma_start3A_56] : memref<2x128x128xf32, #tpu.memory_space<vmem>> -> memref<1x16x128xf32, #tpu.memory_space<vmem>>
        %dma_start3A_58 = tpu.memref_squeeze %dma_start3A_57 : memref<1x16x128xf32, #tpu.memory_space<vmem>> -> memref<16x128xf32, #tpu.memory_space<vmem>>
        %dma_start3A_59 = arith.constant 0 : i32
        %dma_start3A_60 = arith.constant 0 : i32
        %dma_start3A_61 = tpu.memref_slice %arg2[%dma_start3A_59, %dma_start3A_60] : memref<10000x128xf32, #tpu.memory_space<hbm>> -> memref<10000x128xf32, #tpu.memory_space<hbm>>
        %dma_start3A_62 = tpu.memref_slice %arg13[%dma_start3A_54] : memref<2x!tpu.dma_semaphore, #tpu.memory_space<semaphore_mem>> -> memref<1x!tpu.dma_semaphore, #tpu.memory_space<semaphore_mem>>
        %dma_start3A_63 = tpu.memref_squeeze %dma_start3A_62 : memref<1x!tpu.dma_semaphore, #tpu.memory_space<semaphore_mem>> -> memref<!tpu.dma_semaphore, #tpu.memory_space<semaphore_mem>>
        tpu.enqueue_indirect_dma source(%dma_start3A_61 : memref<10000x128xf32, #tpu.memory_space<hbm>>) target(%dma_start3A_58 : memref<16x128xf32, #tpu.memory_space<vmem>>) offsets(%get3A_48 : vector<16xi32>) semaphore(%dma_start3A_63 : memref<!tpu.dma_semaphore, #tpu.memory_space<semaphore_mem>>)
        %dma_start3A_64 = arith.constant 0 : i32
        %dma_start3A_65 = arith.constant 0 : i32
        %dma_start3A_66 = arith.constant 16 : i32
        %dma_start3A_67 = arith.constant 0 : i32
        %dma_start3A_68 = tpu.memref_slice %arg10[%dma_start3A_64, %dma_start3A_66, %dma_start3A_67] : memref<2x128x128xf32, #tpu.memory_space<vmem>> -> memref<1x16x128xf32, #tpu.memory_space<vmem>>
        %dma_start3A_69 = tpu.memref_squeeze %dma_start3A_68 : memref<1x16x128xf32, #tpu.memory_space<vmem>> -> memref<16x128xf32, #tpu.memory_space<vmem>>
        %dma_start3A_70 = arith.constant 0 : i32
        %dma_start3A_71 = arith.constant 0 : i32
        %dma_start3A_72 = tpu.memref_slice %arg3[%dma_start3A_70, %dma_start3A_71] : memref<10000x128xf32, #tpu.memory_space<hbm>> -> memref<10000x128xf32, #tpu.memory_space<hbm>>
        %dma_start3A_73 = tpu.memref_slice %arg13[%dma_start3A_65] : memref<2x!tpu.dma_semaphore, #tpu.memory_space<semaphore_mem>> -> memref<1x!tpu.dma_semaphore, #tpu.memory_space<semaphore_mem>>
        %dma_start3A_74 = tpu.memref_squeeze %dma_start3A_73 : memref<1x!tpu.dma_semaphore, #tpu.memory_space<semaphore_mem>> -> memref<!tpu.dma_semaphore, #tpu.memory_space<semaphore_mem>>
        tpu.enqueue_indirect_dma source(%dma_start3A_72 : memref<10000x128xf32, #tpu.memory_space<hbm>>) target(%dma_start3A_69 : memref<16x128xf32, #tpu.memory_space<vmem>>) offsets(%get3A_52 : vector<16xi32>) semaphore(%dma_start3A_74 : memref<!tpu.dma_semaphore, #tpu.memory_space<semaphore_mem>>)
        %get3A_75 = arith.constant 0 : i32
        %get3A_76 = arith.index_cast %get3A_75 : i32 to index
        %get3A_77 = arith.constant 32 : index
        %get3A_78 = tpu.vector_load %arg7[%get3A_76, %get3A_77] {strides = array<i32>} : memref<8x128xi32, #tpu.memory_space<vmem>>, vector<16xi32>,
        %get3A_79 = arith.constant 0 : i32
        %get3A_80 = arith.index_cast %get3A_79 : i32 to index
        %get3A_81 = arith.constant 32 : index
        %get3A_82 = tpu.vector_load %arg8[%get3A_80, %get3A_81] {strides = array<i32>} : memref<8x128xi32, #tpu.memory_space<vmem>>, vector<16xi32>,
        %dma_start3A_83 = arith.constant 0 : i32
        %dma_start3A_84 = arith.constant 0 : i32
        %dma_start3A_85 = arith.constant 32 : i32
        %dma_start3A_86 = arith.constant 0 : i32
        %dma_start3A_87 = tpu.memref_slice %arg9[%dma_start3A_83, %dma_start3A_85, %dma_start3A_86] : memref<2x128x128xf32, #tpu.memory_space<vmem>> -> memref<1x16x128xf32, #tpu.memory_space<vmem>>
        %dma_start3A_88 = tpu.memref_squeeze %dma_start3A_87 : memref<1x16x128xf32, #tpu.memory_space<vmem>> -> memref<16x128xf32, #tpu.memory_space<vmem>>
        %dma_start3A_89 = arith.constant 0 : i32
        %dma_start3A_90 = arith.constant 0 : i32
        %dma_start3A_91 = tpu.memref_slice %arg2[%dma_start3A_89, %dma_start3A_90] : memref<10000x128xf32, #tpu.memory_space<hbm>> -> memref<10000x128xf32, #tpu.memory_space<hbm>>
        %dma_start3A_92 = tpu.memref_slice %arg13[%dma_start3A_84] : memref<2x!tpu.dma_semaphore, #tpu.memory_space<semaphore_mem>> -> memref<1x!tpu.dma_semaphore, #tpu.memory_space<semaphore_mem>>
        %dma_start3A_93 = tpu.memref_squeeze %dma_start3A_92 : memref<1x!tpu.dma_semaphore, #tpu.memory_space<semaphore_mem>> -> memref<!tpu.dma_semaphore, #tpu.memory_space<semaphore_mem>>
        tpu.enqueue_indirect_dma source(%dma_start3A_91 : memref<10000x128xf32, #tpu.memory_space<hbm>>) target(%dma_start3A_88 : memref<16x128xf32, #tpu.memory_space<vmem>>) offsets(%get3A_78 : vector<16xi32>) semaphore(%dma_start3A_93 : memref<!tpu.dma_semaphore, #tpu.memory_space<semaphore_mem>>)
        %dma_start3A_94 = arith.constant 0 : i32
        %dma_start3A_95 = arith.constant 0 : i32
        %dma_start3A_96 = arith.constant 32 : i32
        %dma_start3A_97 = arith.constant 0 : i32
        %dma_start3A_98 = tpu.memref_slice %arg10[%dma_start3A_94, %dma_start3A_96, %dma_start3A_97] : memref<2x128x128xf32, #tpu.memory_space<vmem>> -> memref<1x16x128xf32, #tpu.memory_space<vmem>>
        %dma_start3A_99 = tpu.memref_squeeze %dma_start3A_98 : memref<1x16x128xf32, #tpu.memory_space<vmem>> -> memref<16x128xf32, #tpu.memory_space<vmem>>
        %dma_start3A_100 = arith.constant 0 : i32
        %dma_start3A_101 = arith.constant 0 : i32
        %dma_start3A_102 = tpu.memref_slice %arg3[%dma_start3A_100, %dma_start3A_101] : memref<10000x128xf32, #tpu.memory_space<hbm>> -> memref<10000x128xf32, #tpu.memory_space<hbm>>
        %dma_start3A_103 = tpu.memref_slice %arg13[%dma_start3A_95] : memref<2x!tpu.dma_semaphore, #tpu.memory_space<semaphore_mem>> -> memref<1x!tpu.dma_semaphore, #tpu.memory_space<semaphore_mem>>
        %dma_start3A_104 = tpu.memref_squeeze %dma_start3A_103 : memref<1x!tpu.dma_semaphore, #tpu.memory_space<semaphore_mem>> -> memref<!tpu.dma_semaphore, #tpu.memory_space<semaphore_mem>>
        tpu.enqueue_indirect_dma source(%dma_start3A_102 : memref<10000x128xf32, #tpu.memory_space<hbm>>) target(%dma_start3A_99 : memref<16x128xf32, #tpu.memory_space<vmem>>) offsets(%get3A_82 : vector<16xi32>) semaphore(%dma_start3A_104 : memref<!tpu.dma_semaphore, #tpu.memory_space<semaphore_mem>>)
        %get3A_105 = arith.constant 0 : i32
        %get3A_106 = arith.index_cast %get3A_105 : i32 to index
        %get3A_107 = arith.constant 48 : index
        %get3A_108 = tpu.vector_load %arg7[%get3A_106, %get3A_107] {strides = array<i32>} : memref<8x128xi32, #tpu.memory_space<vmem>>, vector<16xi32>,
        %get3A_109 = arith.constant 0 : i32
        %get3A_110 = arith.index_cast %get3A_109 : i32 to index
        %get3A_111 = arith.constant 48 : index
        %get3A_112 = tpu.vector_load %arg8[%get3A_110, %get3A_111] {strides = array<i32>} : memref<8x128xi32, #tpu.memory_space<vmem>>, vector<16xi32>,
        %dma_start3A_113 = arith.constant 0 : i32
        %dma_start3A_114 = arith.constant 0 : i32
        %dma_start3A_115 = arith.constant 48 : i32
        %dma_start3A_116 = arith.constant 0 : i32
        %dma_start3A_117 = tpu.memref_slice %arg9[%dma_start3A_113, %dma_start3A_115, %dma_start3A_116] : memref<2x128x128xf32, #tpu.memory_space<vmem>> -> memref<1x16x128xf32, #tpu.memory_space<vmem>>
        %dma_start3A_118 = tpu.memref_squeeze %dma_start3A_117 : memref<1x16x128xf32, #tpu.memory_space<vmem>> -> memref<16x128xf32, #tpu.memory_space<vmem>>
        %dma_start3A_119 = arith.constant 0 : i32
        %dma_start3A_120 = arith.constant 0 : i32
        %dma_start3A_121 = tpu.memref_slice %arg2[%dma_start3A_119, %dma_start3A_120] : memref<10000x128xf32, #tpu.memory_space<hbm>> -> memref<10000x128xf32, #tpu.memory_space<hbm>>
        %dma_start3A_122 = tpu.memref_slice %arg13[%dma_start3A_114] : memref<2x!tpu.dma_semaphore, #tpu.memory_space<semaphore_mem>> -> memref<1x!tpu.dma_semaphore, #tpu.memory_space<semaphore_mem>>
        %dma_start3A_123 = tpu.memref_squeeze %dma_start3A_122 : memref<1x!tpu.dma_semaphore, #tpu.memory_space<semaphore_mem>> -> memref<!tpu.dma_semaphore, #tpu.memory_space<semaphore_mem>>
        tpu.enqueue_indirect_dma source(%dma_start3A_121 : memref<10000x128xf32, #tpu.memory_space<hbm>>) target(%dma_start3A_118 : memref<16x128xf32, #tpu.memory_space<vmem>>) offsets(%get3A_108 : vector<16xi32>) semaphore(%dma_start3A_123 : memref<!tpu.dma_semaphore, #tpu.memory_space<semaphore_mem>>)
        %dma_start3A_124 = arith.constant 0 : i32
        %dma_start3A_125 = arith.constant 0 : i32
        %dma_start3A_126 = arith.constant 48 : i32
        %dma_start3A_127 = arith.constant 0 : i32
        %dma_start3A_128 = tpu.memref_slice %arg10[%dma_start3A_124, %dma_start3A_126, %dma_start3A_127] : memref<2x128x128xf32, #tpu.memory_space<vmem>> -> memref<1x16x128xf32, #tpu.memory_space<vmem>>
        %dma_start3A_129 = tpu.memref_squeeze %dma_start3A_128 : memref<1x16x128xf32, #tpu.memory_space<vmem>> -> memref<16x128xf32, #tpu.memory_space<vmem>>
        %dma_start3A_130 = arith.constant 0 : i32
        %dma_start3A_131 = arith.constant 0 : i32
        %dma_start3A_132 = tpu.memref_slice %arg3[%dma_start3A_130, %dma_start3A_131] : memref<10000x128xf32, #tpu.memory_space<hbm>> -> memref<10000x128xf32, #tpu.memory_space<hbm>>
        %dma_start3A_133 = tpu.memref_slice %arg13[%dma_start3A_125] : memref<2x!tpu.dma_semaphore, #tpu.memory_space<semaphore_mem>> -> memref<1x!tpu.dma_semaphore, #tpu.memory_space<semaphore_mem>>
        %dma_start3A_134 = tpu.memref_squeeze %dma_start3A_133 : memref<1x!tpu.dma_semaphore, #tpu.memory_space<semaphore_mem>> -> memref<!tpu.dma_semaphore, #tpu.memory_space<semaphore_mem>>
        tpu.enqueue_indirect_dma source(%dma_start3A_132 : memref<10000x128xf32, #tpu.memory_space<hbm>>) target(%dma_start3A_129 : memref<16x128xf32, #tpu.memory_space<vmem>>) offsets(%get3A_112 : vector<16xi32>) semaphore(%dma_start3A_134 : memref<!tpu.dma_semaphore, #tpu.memory_space<semaphore_mem>>)
        %get3A_135 = arith.constant 0 : i32
        %get3A_136 = arith.index_cast %get3A_135 : i32 to index
        %get3A_137 = arith.constant 64 : index
        %get3A_138 = tpu.vector_load %arg7[%get3A_136, %get3A_137] {strides = array<i32>} : memref<8x128xi32, #tpu.memory_space<vmem>>, vector<16xi32>,
        %get3A_139 = arith.constant 0 : i32
        %get3A_140 = arith.index_cast %get3A_139 : i32 to index
        %get3A_141 = arith.constant 64 : index
        %get3A_142 = tpu.vector_load %arg8[%get3A_140, %get3A_141] {strides = array<i32>} : memref<8x128xi32, #tpu.memory_space<vmem>>, vector<16xi32>,
        %dma_start3A_143 = arith.constant 0 : i32
        %dma_start3A_144 = arith.constant 0 : i32
        %dma_start3A_145 = arith.constant 64 : i32
        %dma_start3A_146 = arith.constant 0 : i32
        %dma_start3A_147 = tpu.memref_slice %arg9[%dma_start3A_143, %dma_start3A_145, %dma_start3A_146] : memref<2x128x128xf32, #tpu.memory_space<vmem>> -> memref<1x16x128xf32, #tpu.memory_space<vmem>>
        %dma_start3A_148 = tpu.memref_squeeze %dma_start3A_147 : memref<1x16x128xf32, #tpu.memory_space<vmem>> -> memref<16x128xf32, #tpu.memory_space<vmem>>
        %dma_start3A_149 = arith.constant 0 : i32
        %dma_start3A_150 = arith.constant 0 : i32
        %dma_start3A_151 = tpu.memref_slice %arg2[%dma_start3A_149, %dma_start3A_150] : memref<10000x128xf32, #tpu.memory_space<hbm>> -> memref<10000x128xf32, #tpu.memory_space<hbm>>
        %dma_start3A_152 = tpu.memref_slice %arg13[%dma_start3A_144] : memref<2x!tpu.dma_semaphore, #tpu.memory_space<semaphore_mem>> -> memref<1x!tpu.dma_semaphore, #tpu.memory_space<semaphore_mem>>
        %dma_start3A_153 = tpu.memref_squeeze %dma_start3A_152 : memref<1x!tpu.dma_semaphore, #tpu.memory_space<semaphore_mem>> -> memref<!tpu.dma_semaphore, #tpu.memory_space<semaphore_mem>>
        tpu.enqueue_indirect_dma source(%dma_start3A_151 : memref<10000x128xf32, #tpu.memory_space<hbm>>) target(%dma_start3A_148 : memref<16x128xf32, #tpu.memory_space<vmem>>) offsets(%get3A_138 : vector<16xi32>) semaphore(%dma_start3A_153 : memref<!tpu.dma_semaphore, #tpu.memory_space<semaphore_mem>>)
        %dma_start3A_154 = arith.constant 0 : i32
        %dma_start3A_155 = arith.constant 0 : i32
        %dma_start3A_156 = arith.constant 64 : i32
        %dma_start3A_157 = arith.constant 0 : i32
        %dma_start3A_158 = tpu.memref_slice %arg10[%dma_start3A_154, %dma_start3A_156, %dma_start3A_157] : memref<2x128x128xf32, #tpu.memory_space<vmem>> -> memref<1x16x128xf32, #tpu.memory_space<vmem>>
        %dma_start3A_159 = tpu.memref_squeeze %dma_start3A_158 : memref<1x16x128xf32, #tpu.memory_space<vmem>> -> memref<16x128xf32, #tpu.memory_space<vmem>>
        %dma_start3A_160 = arith.constant 0 : i32
        %dma_start3A_161 = arith.constant 0 : i32
        %dma_start3A_162 = tpu.memref_slice %arg3[%dma_start3A_160, %dma_start3A_161] : memref<10000x128xf32, #tpu.memory_space<hbm>> -> memref<10000x128xf32, #tpu.memory_space<hbm>>
        %dma_start3A_163 = tpu.memref_slice %arg13[%dma_start3A_155] : memref<2x!tpu.dma_semaphore, #tpu.memory_space<semaphore_mem>> -> memref<1x!tpu.dma_semaphore, #tpu.memory_space<semaphore_mem>>
        %dma_start3A_164 = tpu.memref_squeeze %dma_start3A_163 : memref<1x!tpu.dma_semaphore, #tpu.memory_space<semaphore_mem>> -> memref<!tpu.dma_semaphore, #tpu.memory_space<semaphore_mem>>
        tpu.enqueue_indirect_dma source(%dma_start3A_162 : memref<10000x128xf32, #tpu.memory_space<hbm>>) target(%dma_start3A_159 : memref<16x128xf32, #tpu.memory_space<vmem>>) offsets(%get3A_142 : vector<16xi32>) semaphore(%dma_start3A_164 : memref<!tpu.dma_semaphore, #tpu.memory_space<semaphore_mem>>)
        %get3A_165 = arith.constant 0 : i32
        %get3A_166 = arith.index_cast %get3A_165 : i32 to index
        %get3A_167 = arith.constant 80 : index
        %get3A_168 = tpu.vector_load %arg7[%get3A_166, %get3A_167] {strides = array<i32>} : memref<8x128xi32, #tpu.memory_space<vmem>>, vector<16xi32>,
        %get3A_169 = arith.constant 0 : i32
        %get3A_170 = arith.index_cast %get3A_169 : i32 to index
        %get3A_171 = arith.constant 80 : index
        %get3A_172 = tpu.vector_load %arg8[%get3A_170, %get3A_171] {strides = array<i32>} : memref<8x128xi32, #tpu.memory_space<vmem>>, vector<16xi32>,
        %dma_start3A_173 = arith.constant 0 : i32
        %dma_start3A_174 = arith.constant 0 : i32
        %dma_start3A_175 = arith.constant 80 : i32
        %dma_start3A_176 = arith.constant 0 : i32
        %dma_start3A_177 = tpu.memref_slice %arg9[%dma_start3A_173, %dma_start3A_175, %dma_start3A_176] : memref<2x128x128xf32, #tpu.memory_space<vmem>> -> memref<1x16x128xf32, #tpu.memory_space<vmem>>
        %dma_start3A_178 = tpu.memref_squeeze %dma_start3A_177 : memref<1x16x128xf32, #tpu.memory_space<vmem>> -> memref<16x128xf32, #tpu.memory_space<vmem>>
        %dma_start3A_179 = arith.constant 0 : i32
        %dma_start3A_180 = arith.constant 0 : i32
        %dma_start3A_181 = tpu.memref_slice %arg2[%dma_start3A_179, %dma_start3A_180] : memref<10000x128xf32, #tpu.memory_space<hbm>> -> memref<10000x128xf32, #tpu.memory_space<hbm>>
        %dma_start3A_182 = tpu.memref_slice %arg13[%dma_start3A_174] : memref<2x!tpu.dma_semaphore, #tpu.memory_space<semaphore_mem>> -> memref<1x!tpu.dma_semaphore, #tpu.memory_space<semaphore_mem>>
        %dma_start3A_183 = tpu.memref_squeeze %dma_start3A_182 : memref<1x!tpu.dma_semaphore, #tpu.memory_space<semaphore_mem>> -> memref<!tpu.dma_semaphore, #tpu.memory_space<semaphore_mem>>
        tpu.enqueue_indirect_dma source(%dma_start3A_181 : memref<10000x128xf32, #tpu.memory_space<hbm>>) target(%dma_start3A_178 : memref<16x128xf32, #tpu.memory_space<vmem>>) offsets(%get3A_168 : vector<16xi32>) semaphore(%dma_start3A_183 : memref<!tpu.dma_semaphore, #tpu.memory_space<semaphore_mem>>)
        %dma_start3A_184 = arith.constant 0 : i32
        %dma_start3A_185 = arith.constant 0 : i32
        %dma_start3A_186 = arith.constant 80 : i32
        %dma_start3A_187 = arith.constant 0 : i32
        %dma_start3A_188 = tpu.memref_slice %arg10[%dma_start3A_184, %dma_start3A_186, %dma_start3A_187] : memref<2x128x128xf32, #tpu.memory_space<vmem>> -> memref<1x16x128xf32, #tpu.memory_space<vmem>>
        %dma_start3A_189 = tpu.memref_squeeze %dma_start3A_188 : memref<1x16x128xf32, #tpu.memory_space<vmem>> -> memref<16x128xf32, #tpu.memory_space<vmem>>
        %dma_start3A_190 = arith.constant 0 : i32
        %dma_start3A_191 = arith.constant 0 : i32
        %dma_start3A_192 = tpu.memref_slice %arg3[%dma_start3A_190, %dma_start3A_191] : memref<10000x128xf32, #tpu.memory_space<hbm>> -> memref<10000x128xf32, #tpu.memory_space<hbm>>
        %dma_start3A_193 = tpu.memref_slice %arg13[%dma_start3A_185] : memref<2x!tpu.dma_semaphore, #tpu.memory_space<semaphore_mem>> -> memref<1x!tpu.dma_semaphore, #tpu.memory_space<semaphore_mem>>
        %dma_start3A_194 = tpu.memref_squeeze %dma_start3A_193 : memref<1x!tpu.dma_semaphore, #tpu.memory_space<semaphore_mem>> -> memref<!tpu.dma_semaphore, #tpu.memory_space<semaphore_mem>>
        tpu.enqueue_indirect_dma source(%dma_start3A_192 : memref<10000x128xf32, #tpu.memory_space<hbm>>) target(%dma_start3A_189 : memref<16x128xf32, #tpu.memory_space<vmem>>) offsets(%get3A_172 : vector<16xi32>) semaphore(%dma_start3A_194 : memref<!tpu.dma_semaphore, #tpu.memory_space<semaphore_mem>>)
        %get3A_195 = arith.constant 0 : i32
        %get3A_196 = arith.index_cast %get3A_195 : i32 to index
        %get3A_197 = arith.constant 96 : index
        %get3A_198 = tpu.vector_load %arg7[%get3A_196, %get3A_197] {strides = array<i32>} : memref<8x128xi32, #tpu.memory_space<vmem>>, vector<16xi32>,
        %get3A_199 = arith.constant 0 : i32
        %get3A_200 = arith.index_cast %get3A_199 : i32 to index
        %get3A_201 = arith.constant 96 : index
        %get3A_202 = tpu.vector_load %arg8[%get3A_200, %get3A_201] {strides = array<i32>} : memref<8x128xi32, #tpu.memory_space<vmem>>, vector<16xi32>,
        %dma_start3A_203 = arith.constant 0 : i32
        %dma_start3A_204 = arith.constant 0 : i32
        %dma_start3A_205 = arith.constant 96 : i32
        %dma_start3A_206 = arith.constant 0 : i32
        %dma_start3A_207 = tpu.memref_slice %arg9[%dma_start3A_203, %dma_start3A_205, %dma_start3A_206] : memref<2x128x128xf32, #tpu.memory_space<vmem>> -> memref<1x16x128xf32, #tpu.memory_space<vmem>>
        %dma_start3A_208 = tpu.memref_squeeze %dma_start3A_207 : memref<1x16x128xf32, #tpu.memory_space<vmem>> -> memref<16x128xf32, #tpu.memory_space<vmem>>
        %dma_start3A_209 = arith.constant 0 : i32
        %dma_start3A_210 = arith.constant 0 : i32
        %dma_start3A_211 = tpu.memref_slice %arg2[%dma_start3A_209, %dma_start3A_210] : memref<10000x128xf32, #tpu.memory_space<hbm>> -> memref<10000x128xf32, #tpu.memory_space<hbm>>
        %dma_start3A_212 = tpu.memref_slice %arg13[%dma_start3A_204] : memref<2x!tpu.dma_semaphore, #tpu.memory_space<semaphore_mem>> -> memref<1x!tpu.dma_semaphore, #tpu.memory_space<semaphore_mem>>
        %dma_start3A_213 = tpu.memref_squeeze %dma_start3A_212 : memref<1x!tpu.dma_semaphore, #tpu.memory_space<semaphore_mem>> -> memref<!tpu.dma_semaphore, #tpu.memory_space<semaphore_mem>>
        tpu.enqueue_indirect_dma source(%dma_start3A_211 : memref<10000x128xf32, #tpu.memory_space<hbm>>) target(%dma_start3A_208 : memref<16x128xf32, #tpu.memory_space<vmem>>) offsets(%get3A_198 : vector<16xi32>) semaphore(%dma_start3A_213 : memref<!tpu.dma_semaphore, #tpu.memory_space<semaphore_mem>>)
        %dma_start3A_214 = arith.constant 0 : i32
        %dma_start3A_215 = arith.constant 0 : i32
        %dma_start3A_216 = arith.constant 96 : i32
        %dma_start3A_217 = arith.constant 0 : i32
        %dma_start3A_218 = tpu.memref_slice %arg10[%dma_start3A_214, %dma_start3A_216, %dma_start3A_217] : memref<2x128x128xf32, #tpu.memory_space<vmem>> -> memref<1x16x128xf32, #tpu.memory_space<vmem>>
        %dma_start3A_219 = tpu.memref_squeeze %dma_start3A_218 : memref<1x16x128xf32, #tpu.memory_space<vmem>> -> memref<16x128xf32, #tpu.memory_space<vmem>>
        %dma_start3A_220 = arith.constant 0 : i32
        %dma_start3A_221 = arith.constant 0 : i32
        %dma_start3A_222 = tpu.memref_slice %arg3[%dma_start3A_220, %dma_start3A_221] : memref<10000x128xf32, #tpu.memory_space<hbm>> -> memref<10000x128xf32, #tpu.memory_space<hbm>>
        %dma_start3A_223 = tpu.memref_slice %arg13[%dma_start3A_215] : memref<2x!tpu.dma_semaphore, #tpu.memory_space<semaphore_mem>> -> memref<1x!tpu.dma_semaphore, #tpu.memory_space<semaphore_mem>>
        %dma_start3A_224 = tpu.memref_squeeze %dma_start3A_223 : memref<1x!tpu.dma_semaphore, #tpu.memory_space<semaphore_mem>> -> memref<!tpu.dma_semaphore, #tpu.memory_space<semaphore_mem>>
        tpu.enqueue_indirect_dma source(%dma_start3A_222 : memref<10000x128xf32, #tpu.memory_space<hbm>>) target(%dma_start3A_219 : memref<16x128xf32, #tpu.memory_space<vmem>>) offsets(%get3A_202 : vector<16xi32>) semaphore(%dma_start3A_224 : memref<!tpu.dma_semaphore, #tpu.memory_space<semaphore_mem>>)
        %get3A_225 = arith.constant 0 : i32
        %get3A_226 = arith.index_cast %get3A_225 : i32 to index
        %get3A_227 = arith.constant 112 : index
        %get3A_228 = tpu.vector_load %arg7[%get3A_226, %get3A_227] {strides = array<i32>} : memref<8x128xi32, #tpu.memory_space<vmem>>, vector<16xi32>,
        %get3A_229 = arith.constant 0 : i32
        %get3A_230 = arith.index_cast %get3A_229 : i32 to index
        %get3A_231 = arith.constant 112 : index
        %get3A_232 = tpu.vector_load %arg8[%get3A_230, %get3A_231] {strides = array<i32>} : memref<8x128xi32, #tpu.memory_space<vmem>>, vector<16xi32>,
        %dma_start3A_233 = arith.constant 0 : i32
        %dma_start3A_234 = arith.constant 0 : i32
        %dma_start3A_235 = arith.constant 112 : i32
        %dma_start3A_236 = arith.constant 0 : i32
        %dma_start3A_237 = tpu.memref_slice %arg9[%dma_start3A_233, %dma_start3A_235, %dma_start3A_236] : memref<2x128x128xf32, #tpu.memory_space<vmem>> -> memref<1x16x128xf32, #tpu.memory_space<vmem>>
        %dma_start3A_238 = tpu.memref_squeeze %dma_start3A_237 : memref<1x16x128xf32, #tpu.memory_space<vmem>> -> memref<16x128xf32, #tpu.memory_space<vmem>>
        %dma_start3A_239 = arith.constant 0 : i32
        %dma_start3A_240 = arith.constant 0 : i32
        %dma_start3A_241 = tpu.memref_slice %arg2[%dma_start3A_239, %dma_start3A_240] : memref<10000x128xf32, #tpu.memory_space<hbm>> -> memref<10000x128xf32, #tpu.memory_space<hbm>>
        %dma_start3A_242 = tpu.memref_slice %arg13[%dma_start3A_234] : memref<2x!tpu.dma_semaphore, #tpu.memory_space<semaphore_mem>> -> memref<1x!tpu.dma_semaphore, #tpu.memory_space<semaphore_mem>>
        %dma_start3A_243 = tpu.memref_squeeze %dma_start3A_242 : memref<1x!tpu.dma_semaphore, #tpu.memory_space<semaphore_mem>> -> memref<!tpu.dma_semaphore, #tpu.memory_space<semaphore_mem>>
        tpu.enqueue_indirect_dma source(%dma_start3A_241 : memref<10000x128xf32, #tpu.memory_space<hbm>>) target(%dma_start3A_238 : memref<16x128xf32, #tpu.memory_space<vmem>>) offsets(%get3A_228 : vector<16xi32>) semaphore(%dma_start3A_243 : memref<!tpu.dma_semaphore, #tpu.memory_space<semaphore_mem>>)
        %dma_start3A_244 = arith.constant 0 : i32
        %dma_start3A_245 = arith.constant 0 : i32
        %dma_start3A_246 = arith.constant 112 : i32
        %dma_start3A_247 = arith.constant 0 : i32
        %dma_start3A_248 = tpu.memref_slice %arg10[%dma_start3A_244, %dma_start3A_246, %dma_start3A_247] : memref<2x128x128xf32, #tpu.memory_space<vmem>> -> memref<1x16x128xf32, #tpu.memory_space<vmem>>
        %dma_start3A_249 = tpu.memref_squeeze %dma_start3A_248 : memref<1x16x128xf32, #tpu.memory_space<vmem>> -> memref<16x128xf32, #tpu.memory_space<vmem>>
        %dma_start3A_250 = arith.constant 0 : i32
        %dma_start3A_251 = arith.constant 0 : i32
        %dma_start3A_252 = tpu.memref_slice %arg3[%dma_start3A_250, %dma_start3A_251] : memref<10000x128xf32, #tpu.memory_space<hbm>> -> memref<10000x128xf32, #tpu.memory_space<hbm>>
        %dma_start3A_253 = tpu.memref_slice %arg13[%dma_start3A_245] : memref<2x!tpu.dma_semaphore, #tpu.memory_space<semaphore_mem>> -> memref<1x!tpu.dma_semaphore, #tpu.memory_space<semaphore_mem>>
        %dma_start3A_254 = tpu.memref_squeeze %dma_start3A_253 : memref<1x!tpu.dma_semaphore, #tpu.memory_space<semaphore_mem>> -> memref<!tpu.dma_semaphore, #tpu.memory_space<semaphore_mem>>
        tpu.enqueue_indirect_dma source(%dma_start3A_252 : memref<10000x128xf32, #tpu.memory_space<hbm>>) target(%dma_start3A_249 : memref<16x128xf32, #tpu.memory_space<vmem>>) offsets(%get3A_232 : vector<16xi32>) semaphore(%dma_start3A_254 : memref<!tpu.dma_semaphore, #tpu.memory_space<semaphore_mem>>)
        %scan3A_255 = arith.constant 0 : i32
        %scan3A_256 = arith.constant 8 : i32
        %scan3A_257 = arith.addi %scan3A_255, %scan3A_256 : i32
        %scan3A_258 = arith.constant 1 : i32
        scf.for %scan3A_260 = %scan3A_255 to %scan3A_257 step %scan3A_258  : i32 {
          %mul3A_261 = arith.constant 1 : i32
          %mul3A_262 = arith.muli %scan3A_260, %mul3A_261 : i32
          %add3A_263 = arith.constant 0 : i32
          %add3A_264 = arith.addi %add3A_263, %mul3A_262 : i32
          %rem3A = arith.constant 2 : i32
          %rem3A_265 = arith.remsi %add3A_264, %rem3A : i32
          %dma_wait3A = arith.constant 0 : i32
          %dma_wait3A_266 = arith.constant 0 : i32
          %dma_wait3A_267 = tpu.memref_slice %arg9[%rem3A_265, %dma_wait3A, %dma_wait3A_266] : memref<2x128x128xf32, #tpu.memory_space<vmem>> -> memref<1x128x128xf32, #tpu.memory_space<vmem>>
          %dma_wait3A_268 = tpu.memref_squeeze %dma_wait3A_267 : memref<1x128x128xf32, #tpu.memory_space<vmem>> -> memref<128x128xf32, #tpu.memory_space<vmem>>
          %dma_wait3A_269 = arith.constant 0 : i32
          %dma_wait3A_270 = arith.constant 0 : i32
          %dma_wait3A_271 = tpu.memref_slice %arg2[%dma_wait3A_269, %dma_wait3A_270] : memref<10000x128xf32, #tpu.memory_space<hbm>> -> memref<128x128xf32, #tpu.memory_space<hbm>>
          %dma_wait3A_272 = tpu.memref_slice %arg13[%rem3A_265] : memref<2x!tpu.dma_semaphore, #tpu.memory_space<semaphore_mem>> -> memref<1x!tpu.dma_semaphore, #tpu.memory_space<semaphore_mem>>
          %dma_wait3A_273 = tpu.memref_squeeze %dma_wait3A_272 : memref<1x!tpu.dma_semaphore, #tpu.memory_space<semaphore_mem>> -> memref<!tpu.dma_semaphore, #tpu.memory_space<semaphore_mem>>
          %dma_wait3A_274 = arith.constant 0 : i32
          %dma_wait3A_275 = arith.constant 0 : i32
          %dma_wait3A_276 = tpu.memref_slice %arg9[%rem3A_265, %dma_wait3A_274, %dma_wait3A_275] : memref<2x128x128xf32, #tpu.memory_space<vmem>> -> memref<1x128x128xf32, #tpu.memory_space<vmem>>
          %dma_wait3A_277 = tpu.memref_squeeze %dma_wait3A_276 : memref<1x128x128xf32, #tpu.memory_space<vmem>> -> memref<128x128xf32, #tpu.memory_space<vmem>>
          %dma_wait3A_278 = arith.constant 0 : i32
          %dma_wait3A_279 = arith.constant 0 : i32
          %dma_wait3A_280 = tpu.memref_slice %arg2[%dma_wait3A_278, %dma_wait3A_279] : memref<10000x128xf32, #tpu.memory_space<hbm>> -> memref<128x128xf32, #tpu.memory_space<hbm>>
          tpu.wait_dma2 semaphore(%dma_wait3A_273 : memref<!tpu.dma_semaphore, #tpu.memory_space<semaphore_mem>>) src(%dma_wait3A_280 : memref<128x128xf32, #tpu.memory_space<hbm>>) dst(%dma_wait3A_277 : memref<128x128xf32, #tpu.memory_space<vmem>>)
          %dma_wait3A_281 = arith.constant 0 : i32
          %dma_wait3A_282 = arith.constant 0 : i32
          %dma_wait3A_283 = tpu.memref_slice %arg10[%rem3A_265, %dma_wait3A_281, %dma_wait3A_282] : memref<2x128x128xf32, #tpu.memory_space<vmem>> -> memref<1x128x128xf32, #tpu.memory_space<vmem>>
          %dma_wait3A_284 = tpu.memref_squeeze %dma_wait3A_283 : memref<1x128x128xf32, #tpu.memory_space<vmem>> -> memref<128x128xf32, #tpu.memory_space<vmem>>
          %dma_wait3A_285 = arith.constant 0 : i32
          %dma_wait3A_286 = arith.constant 0 : i32
          %dma_wait3A_287 = tpu.memref_slice %arg3[%dma_wait3A_285, %dma_wait3A_286] : memref<10000x128xf32, #tpu.memory_space<hbm>> -> memref<128x128xf32, #tpu.memory_space<hbm>>
          %dma_wait3A_288 = tpu.memref_slice %arg13[%rem3A_265] : memref<2x!tpu.dma_semaphore, #tpu.memory_space<semaphore_mem>> -> memref<1x!tpu.dma_semaphore, #tpu.memory_space<semaphore_mem>>
          %dma_wait3A_289 = tpu.memref_squeeze %dma_wait3A_288 : memref<1x!tpu.dma_semaphore, #tpu.memory_space<semaphore_mem>> -> memref<!tpu.dma_semaphore, #tpu.memory_space<semaphore_mem>>
          %dma_wait3A_290 = arith.constant 0 : i32
          %dma_wait3A_291 = arith.constant 0 : i32
          %dma_wait3A_292 = tpu.memref_slice %arg10[%rem3A_265, %dma_wait3A_290, %dma_wait3A_291] : memref<2x128x128xf32, #tpu.memory_space<vmem>> -> memref<1x128x128xf32, #tpu.memory_space<vmem>>
          %dma_wait3A_293 = tpu.memref_squeeze %dma_wait3A_292 : memref<1x128x128xf32, #tpu.memory_space<vmem>> -> memref<128x128xf32, #tpu.memory_space<vmem>>
          %dma_wait3A_294 = arith.constant 0 : i32
          %dma_wait3A_295 = arith.constant 0 : i32
          %dma_wait3A_296 = tpu.memref_slice %arg3[%dma_wait3A_294, %dma_wait3A_295] : memref<10000x128xf32, #tpu.memory_space<hbm>> -> memref<128x128xf32, #tpu.memory_space<hbm>>
          tpu.wait_dma2 semaphore(%dma_wait3A_289 : memref<!tpu.dma_semaphore, #tpu.memory_space<semaphore_mem>>) src(%dma_wait3A_296 : memref<128x128xf32, #tpu.memory_space<hbm>>) dst(%dma_wait3A_293 : memref<128x128xf32, #tpu.memory_space<vmem>>)
          %add3A_297 = arith.constant 1 : i32
          %add3A_298 = arith.addi %add3A_264, %add3A_297 : i32
          %lt3A_299 = arith.constant 8 : i32
          %lt3A_300 = arith.cmpi slt, %add3A_298, %lt3A_299 : i32
          %convert_element_type3A_301 = arith.extui %lt3A_300 : i1 to i32
          %cond3A_302 = arith.constant 0 : i32
          %cond3A_303 = arith.cmpi ne, %convert_element_type3A_301, %cond3A_302 : i32
          scf.if %cond3A_303 {
            %add3A_314 = arith.constant 1 : i32
            %add3A_315 = arith.addi %add3A_264, %add3A_314 : i32
            %add3A_316 = arith.constant 1 : i32
            %add3A_317 = arith.addi %add3A_264, %add3A_316 : i32
            %rem3A_318 = arith.constant 2 : i32
            %rem3A_319 = arith.remsi %add3A_317, %rem3A_318 : i32
            %get3A_320 = arith.index_cast %add3A_315 : i32 to index
            %get3A_321 = arith.constant 0 : index
            %get3A_322 = tpu.vector_load %arg7[%get3A_320, %get3A_321] {strides = array<i32>} : memref<8x128xi32, #tpu.memory_space<vmem>>, vector<16xi32>,
            %get3A_323 = arith.index_cast %add3A_315 : i32 to index
            %get3A_324 = arith.constant 0 : index
            %get3A_325 = tpu.vector_load %arg8[%get3A_323, %get3A_324] {strides = array<i32>} : memref<8x128xi32, #tpu.memory_space<vmem>>, vector<16xi32>,
            %dma_start3A_326 = arith.constant 0 : i32
            %dma_start3A_327 = arith.constant 0 : i32
            %dma_start3A_328 = tpu.memref_slice %arg9[%rem3A_319, %dma_start3A_326, %dma_start3A_327] : memref<2x128x128xf32, #tpu.memory_space<vmem>> -> memref<1x16x128xf32, #tpu.memory_space<vmem>>
            %dma_start3A_329 = tpu.memref_squeeze %dma_start3A_328 : memref<1x16x128xf32, #tpu.memory_space<vmem>> -> memref<16x128xf32, #tpu.memory_space<vmem>>
            %dma_start3A_330 = arith.constant 0 : i32
            %dma_start3A_331 = arith.constant 0 : i32
            %dma_start3A_332 = tpu.memref_slice %arg2[%dma_start3A_330, %dma_start3A_331] : memref<10000x128xf32, #tpu.memory_space<hbm>> -> memref<10000x128xf32, #tpu.memory_space<hbm>>
            %dma_start3A_333 = tpu.memref_slice %arg13[%rem3A_319] : memref<2x!tpu.dma_semaphore, #tpu.memory_space<semaphore_mem>> -> memref<1x!tpu.dma_semaphore, #tpu.memory_space<semaphore_mem>>
            %dma_start3A_334 = tpu.memref_squeeze %dma_start3A_333 : memref<1x!tpu.dma_semaphore, #tpu.memory_space<semaphore_mem>> -> memref<!tpu.dma_semaphore, #tpu.memory_space<semaphore_mem>>
            tpu.enqueue_indirect_dma source(%dma_start3A_332 : memref<10000x128xf32, #tpu.memory_space<hbm>>) target(%dma_start3A_329 : memref<16x128xf32, #tpu.memory_space<vmem>>) offsets(%get3A_322 : vector<16xi32>) semaphore(%dma_start3A_334 : memref<!tpu.dma_semaphore, #tpu.memory_space<semaphore_mem>>)
            %dma_start3A_335 = arith.constant 0 : i32
            %dma_start3A_336 = arith.constant 0 : i32
            %dma_start3A_337 = tpu.memref_slice %arg10[%rem3A_319, %dma_start3A_335, %dma_start3A_336] : memref<2x128x128xf32, #tpu.memory_space<vmem>> -> memref<1x16x128xf32, #tpu.memory_space<vmem>>
            %dma_start3A_338 = tpu.memref_squeeze %dma_start3A_337 : memref<1x16x128xf32, #tpu.memory_space<vmem>> -> memref<16x128xf32, #tpu.memory_space<vmem>>
            %dma_start3A_339 = arith.constant 0 : i32
            %dma_start3A_340 = arith.constant 0 : i32
            %dma_start3A_341 = tpu.memref_slice %arg3[%dma_start3A_339, %dma_start3A_340] : memref<10000x128xf32, #tpu.memory_space<hbm>> -> memref<10000x128xf32, #tpu.memory_space<hbm>>
            %dma_start3A_342 = tpu.memref_slice %arg13[%rem3A_319] : memref<2x!tpu.dma_semaphore, #tpu.memory_space<semaphore_mem>> -> memref<1x!tpu.dma_semaphore, #tpu.memory_space<semaphore_mem>>
            %dma_start3A_343 = tpu.memref_squeeze %dma_start3A_342 : memref<1x!tpu.dma_semaphore, #tpu.memory_space<semaphore_mem>> -> memref<!tpu.dma_semaphore, #tpu.memory_space<semaphore_mem>>
            tpu.enqueue_indirect_dma source(%dma_start3A_341 : memref<10000x128xf32, #tpu.memory_space<hbm>>) target(%dma_start3A_338 : memref<16x128xf32, #tpu.memory_space<vmem>>) offsets(%get3A_325 : vector<16xi32>) semaphore(%dma_start3A_343 : memref<!tpu.dma_semaphore, #tpu.memory_space<semaphore_mem>>)
            %get3A_344 = arith.index_cast %add3A_315 : i32 to index
            %get3A_345 = arith.constant 16 : index
            %get3A_346 = tpu.vector_load %arg7[%get3A_344, %get3A_345] {strides = array<i32>} : memref<8x128xi32, #tpu.memory_space<vmem>>, vector<16xi32>,
            %get3A_347 = arith.index_cast %add3A_315 : i32 to index
            %get3A_348 = arith.constant 16 : index
            %get3A_349 = tpu.vector_load %arg8[%get3A_347, %get3A_348] {strides = array<i32>} : memref<8x128xi32, #tpu.memory_space<vmem>>, vector<16xi32>,
            %dma_start3A_350 = arith.constant 16 : i32
            %dma_start3A_351 = arith.constant 0 : i32
            %dma_start3A_352 = tpu.memref_slice %arg9[%rem3A_319, %dma_start3A_350, %dma_start3A_351] : memref<2x128x128xf32, #tpu.memory_space<vmem>> -> memref<1x16x128xf32, #tpu.memory_space<vmem>>
            %dma_start3A_353 = tpu.memref_squeeze %dma_start3A_352 : memref<1x16x128xf32, #tpu.memory_space<vmem>> -> memref<16x128xf32, #tpu.memory_space<vmem>>
            %dma_start3A_354 = arith.constant 0 : i32
            %dma_start3A_355 = arith.constant 0 : i32
            %dma_start3A_356 = tpu.memref_slice %arg2[%dma_start3A_354, %dma_start3A_355] : memref<10000x128xf32, #tpu.memory_space<hbm>> -> memref<10000x128xf32, #tpu.memory_space<hbm>>
            %dma_start3A_357 = tpu.memref_slice %arg13[%rem3A_319] : memref<2x!tpu.dma_semaphore, #tpu.memory_space<semaphore_mem>> -> memref<1x!tpu.dma_semaphore, #tpu.memory_space<semaphore_mem>>
            %dma_start3A_358 = tpu.memref_squeeze %dma_start3A_357 : memref<1x!tpu.dma_semaphore, #tpu.memory_space<semaphore_mem>> -> memref<!tpu.dma_semaphore, #tpu.memory_space<semaphore_mem>>
            tpu.enqueue_indirect_dma source(%dma_start3A_356 : memref<10000x128xf32, #tpu.memory_space<hbm>>) target(%dma_start3A_353 : memref<16x128xf32, #tpu.memory_space<vmem>>) offsets(%get3A_346 : vector<16xi32>) semaphore(%dma_start3A_358 : memref<!tpu.dma_semaphore, #tpu.memory_space<semaphore_mem>>)
            %dma_start3A_359 = arith.constant 16 : i32
            %dma_start3A_360 = arith.constant 0 : i32
            %dma_start3A_361 = tpu.memref_slice %arg10[%rem3A_319, %dma_start3A_359, %dma_start3A_360] : memref<2x128x128xf32, #tpu.memory_space<vmem>> -> memref<1x16x128xf32, #tpu.memory_space<vmem>>
            %dma_start3A_362 = tpu.memref_squeeze %dma_start3A_361 : memref<1x16x128xf32, #tpu.memory_space<vmem>> -> memref<16x128xf32, #tpu.memory_space<vmem>>
            %dma_start3A_363 = arith.constant 0 : i32
            %dma_start3A_364 = arith.constant 0 : i32
            %dma_start3A_365 = tpu.memref_slice %arg3[%dma_start3A_363, %dma_start3A_364] : memref<10000x128xf32, #tpu.memory_space<hbm>> -> memref<10000x128xf32, #tpu.memory_space<hbm>>
            %dma_start3A_366 = tpu.memref_slice %arg13[%rem3A_319] : memref<2x!tpu.dma_semaphore, #tpu.memory_space<semaphore_mem>> -> memref<1x!tpu.dma_semaphore, #tpu.memory_space<semaphore_mem>>
            %dma_start3A_367 = tpu.memref_squeeze %dma_start3A_366 : memref<1x!tpu.dma_semaphore, #tpu.memory_space<semaphore_mem>> -> memref<!tpu.dma_semaphore, #tpu.memory_space<semaphore_mem>>
            tpu.enqueue_indirect_dma source(%dma_start3A_365 : memref<10000x128xf32, #tpu.memory_space<hbm>>) target(%dma_start3A_362 : memref<16x128xf32, #tpu.memory_space<vmem>>) offsets(%get3A_349 : vector<16xi32>) semaphore(%dma_start3A_367 : memref<!tpu.dma_semaphore, #tpu.memory_space<semaphore_mem>>)
            %get3A_368 = arith.index_cast %add3A_315 : i32 to index
            %get3A_369 = arith.constant 32 : index
            %get3A_370 = tpu.vector_load %arg7[%get3A_368, %get3A_369] {strides = array<i32>} : memref<8x128xi32, #tpu.memory_space<vmem>>, vector<16xi32>,
            %get3A_371 = arith.index_cast %add3A_315 : i32 to index
            %get3A_372 = arith.constant 32 : index
            %get3A_373 = tpu.vector_load %arg8[%get3A_371, %get3A_372] {strides = array<i32>} : memref<8x128xi32, #tpu.memory_space<vmem>>, vector<16xi32>,
            %dma_start3A_374 = arith.constant 32 : i32
            %dma_start3A_375 = arith.constant 0 : i32
            %dma_start3A_376 = tpu.memref_slice %arg9[%rem3A_319, %dma_start3A_374, %dma_start3A_375] : memref<2x128x128xf32, #tpu.memory_space<vmem>> -> memref<1x16x128xf32, #tpu.memory_space<vmem>>
            %dma_start3A_377 = tpu.memref_squeeze %dma_start3A_376 : memref<1x16x128xf32, #tpu.memory_space<vmem>> -> memref<16x128xf32, #tpu.memory_space<vmem>>
            %dma_start3A_378 = arith.constant 0 : i32
            %dma_start3A_379 = arith.constant 0 : i32
            %dma_start3A_380 = tpu.memref_slice %arg2[%dma_start3A_378, %dma_start3A_379] : memref<10000x128xf32, #tpu.memory_space<hbm>> -> memref<10000x128xf32, #tpu.memory_space<hbm>>
            %dma_start3A_381 = tpu.memref_slice %arg13[%rem3A_319] : memref<2x!tpu.dma_semaphore, #tpu.memory_space<semaphore_mem>> -> memref<1x!tpu.dma_semaphore, #tpu.memory_space<semaphore_mem>>
            %dma_start3A_382 = tpu.memref_squeeze %dma_start3A_381 : memref<1x!tpu.dma_semaphore, #tpu.memory_space<semaphore_mem>> -> memref<!tpu.dma_semaphore, #tpu.memory_space<semaphore_mem>>
            tpu.enqueue_indirect_dma source(%dma_start3A_380 : memref<10000x128xf32, #tpu.memory_space<hbm>>) target(%dma_start3A_377 : memref<16x128xf32, #tpu.memory_space<vmem>>) offsets(%get3A_370 : vector<16xi32>) semaphore(%dma_start3A_382 : memref<!tpu.dma_semaphore, #tpu.memory_space<semaphore_mem>>)
            %dma_start3A_383 = arith.constant 32 : i32
            %dma_start3A_384 = arith.constant 0 : i32
            %dma_start3A_385 = tpu.memref_slice %arg10[%rem3A_319, %dma_start3A_383, %dma_start3A_384] : memref<2x128x128xf32, #tpu.memory_space<vmem>> -> memref<1x16x128xf32, #tpu.memory_space<vmem>>
            %dma_start3A_386 = tpu.memref_squeeze %dma_start3A_385 : memref<1x16x128xf32, #tpu.memory_space<vmem>> -> memref<16x128xf32, #tpu.memory_space<vmem>>
            %dma_start3A_387 = arith.constant 0 : i32
            %dma_start3A_388 = arith.constant 0 : i32
            %dma_start3A_389 = tpu.memref_slice %arg3[%dma_start3A_387, %dma_start3A_388] : memref<10000x128xf32, #tpu.memory_space<hbm>> -> memref<10000x128xf32, #tpu.memory_space<hbm>>
            %dma_start3A_390 = tpu.memref_slice %arg13[%rem3A_319] : memref<2x!tpu.dma_semaphore, #tpu.memory_space<semaphore_mem>> -> memref<1x!tpu.dma_semaphore, #tpu.memory_space<semaphore_mem>>
            %dma_start3A_391 = tpu.memref_squeeze %dma_start3A_390 : memref<1x!tpu.dma_semaphore, #tpu.memory_space<semaphore_mem>> -> memref<!tpu.dma_semaphore, #tpu.memory_space<semaphore_mem>>
            tpu.enqueue_indirect_dma source(%dma_start3A_389 : memref<10000x128xf32, #tpu.memory_space<hbm>>) target(%dma_start3A_386 : memref<16x128xf32, #tpu.memory_space<vmem>>) offsets(%get3A_373 : vector<16xi32>) semaphore(%dma_start3A_391 : memref<!tpu.dma_semaphore, #tpu.memory_space<semaphore_mem>>)
            %get3A_392 = arith.index_cast %add3A_315 : i32 to index
            %get3A_393 = arith.constant 48 : index
            %get3A_394 = tpu.vector_load %arg7[%get3A_392, %get3A_393] {strides = array<i32>} : memref<8x128xi32, #tpu.memory_space<vmem>>, vector<16xi32>,
            %get3A_395 = arith.index_cast %add3A_315 : i32 to index
            %get3A_396 = arith.constant 48 : index
            %get3A_397 = tpu.vector_load %arg8[%get3A_395, %get3A_396] {strides = array<i32>} : memref<8x128xi32, #tpu.memory_space<vmem>>, vector<16xi32>,
            %dma_start3A_398 = arith.constant 48 : i32
            %dma_start3A_399 = arith.constant 0 : i32
            %dma_start3A_400 = tpu.memref_slice %arg9[%rem3A_319, %dma_start3A_398, %dma_start3A_399] : memref<2x128x128xf32, #tpu.memory_space<vmem>> -> memref<1x16x128xf32, #tpu.memory_space<vmem>>
            %dma_start3A_401 = tpu.memref_squeeze %dma_start3A_400 : memref<1x16x128xf32, #tpu.memory_space<vmem>> -> memref<16x128xf32, #tpu.memory_space<vmem>>
            %dma_start3A_402 = arith.constant 0 : i32
            %dma_start3A_403 = arith.constant 0 : i32
            %dma_start3A_404 = tpu.memref_slice %arg2[%dma_start3A_402, %dma_start3A_403] : memref<10000x128xf32, #tpu.memory_space<hbm>> -> memref<10000x128xf32, #tpu.memory_space<hbm>>
            %dma_start3A_405 = tpu.memref_slice %arg13[%rem3A_319] : memref<2x!tpu.dma_semaphore, #tpu.memory_space<semaphore_mem>> -> memref<1x!tpu.dma_semaphore, #tpu.memory_space<semaphore_mem>>
            %dma_start3A_406 = tpu.memref_squeeze %dma_start3A_405 : memref<1x!tpu.dma_semaphore, #tpu.memory_space<semaphore_mem>> -> memref<!tpu.dma_semaphore, #tpu.memory_space<semaphore_mem>>
            tpu.enqueue_indirect_dma source(%dma_start3A_404 : memref<10000x128xf32, #tpu.memory_space<hbm>>) target(%dma_start3A_401 : memref<16x128xf32, #tpu.memory_space<vmem>>) offsets(%get3A_394 : vector<16xi32>) semaphore(%dma_start3A_406 : memref<!tpu.dma_semaphore, #tpu.memory_space<semaphore_mem>>)
            %dma_start3A_407 = arith.constant 48 : i32
            %dma_start3A_408 = arith.constant 0 : i32
            %dma_start3A_409 = tpu.memref_slice %arg10[%rem3A_319, %dma_start3A_407, %dma_start3A_408] : memref<2x128x128xf32, #tpu.memory_space<vmem>> -> memref<1x16x128xf32, #tpu.memory_space<vmem>>
            %dma_start3A_410 = tpu.memref_squeeze %dma_start3A_409 : memref<1x16x128xf32, #tpu.memory_space<vmem>> -> memref<16x128xf32, #tpu.memory_space<vmem>>
            %dma_start3A_411 = arith.constant 0 : i32
            %dma_start3A_412 = arith.constant 0 : i32
            %dma_start3A_413 = tpu.memref_slice %arg3[%dma_start3A_411, %dma_start3A_412] : memref<10000x128xf32, #tpu.memory_space<hbm>> -> memref<10000x128xf32, #tpu.memory_space<hbm>>
            %dma_start3A_414 = tpu.memref_slice %arg13[%rem3A_319] : memref<2x!tpu.dma_semaphore, #tpu.memory_space<semaphore_mem>> -> memref<1x!tpu.dma_semaphore, #tpu.memory_space<semaphore_mem>>
            %dma_start3A_415 = tpu.memref_squeeze %dma_start3A_414 : memref<1x!tpu.dma_semaphore, #tpu.memory_space<semaphore_mem>> -> memref<!tpu.dma_semaphore, #tpu.memory_space<semaphore_mem>>
            tpu.enqueue_indirect_dma source(%dma_start3A_413 : memref<10000x128xf32, #tpu.memory_space<hbm>>) target(%dma_start3A_410 : memref<16x128xf32, #tpu.memory_space<vmem>>) offsets(%get3A_397 : vector<16xi32>) semaphore(%dma_start3A_415 : memref<!tpu.dma_semaphore, #tpu.memory_space<semaphore_mem>>)
            %get3A_416 = arith.index_cast %add3A_315 : i32 to index
            %get3A_417 = arith.constant 64 : index
            %get3A_418 = tpu.vector_load %arg7[%get3A_416, %get3A_417] {strides = array<i32>} : memref<8x128xi32, #tpu.memory_space<vmem>>, vector<16xi32>,
            %get3A_419 = arith.index_cast %add3A_315 : i32 to index
            %get3A_420 = arith.constant 64 : index
            %get3A_421 = tpu.vector_load %arg8[%get3A_419, %get3A_420] {strides = array<i32>} : memref<8x128xi32, #tpu.memory_space<vmem>>, vector<16xi32>,
            %dma_start3A_422 = arith.constant 64 : i32
            %dma_start3A_423 = arith.constant 0 : i32
            %dma_start3A_424 = tpu.memref_slice %arg9[%rem3A_319, %dma_start3A_422, %dma_start3A_423] : memref<2x128x128xf32, #tpu.memory_space<vmem>> -> memref<1x16x128xf32, #tpu.memory_space<vmem>>
            %dma_start3A_425 = tpu.memref_squeeze %dma_start3A_424 : memref<1x16x128xf32, #tpu.memory_space<vmem>> -> memref<16x128xf32, #tpu.memory_space<vmem>>
            %dma_start3A_426 = arith.constant 0 : i32
            %dma_start3A_427 = arith.constant 0 : i32
            %dma_start3A_428 = tpu.memref_slice %arg2[%dma_start3A_426, %dma_start3A_427] : memref<10000x128xf32, #tpu.memory_space<hbm>> -> memref<10000x128xf32, #tpu.memory_space<hbm>>
            %dma_start3A_429 = tpu.memref_slice %arg13[%rem3A_319] : memref<2x!tpu.dma_semaphore, #tpu.memory_space<semaphore_mem>> -> memref<1x!tpu.dma_semaphore, #tpu.memory_space<semaphore_mem>>
            %dma_start3A_430 = tpu.memref_squeeze %dma_start3A_429 : memref<1x!tpu.dma_semaphore, #tpu.memory_space<semaphore_mem>> -> memref<!tpu.dma_semaphore, #tpu.memory_space<semaphore_mem>>
            tpu.enqueue_indirect_dma source(%dma_start3A_428 : memref<10000x128xf32, #tpu.memory_space<hbm>>) target(%dma_start3A_425 : memref<16x128xf32, #tpu.memory_space<vmem>>) offsets(%get3A_418 : vector<16xi32>) semaphore(%dma_start3A_430 : memref<!tpu.dma_semaphore, #tpu.memory_space<semaphore_mem>>)
            %dma_start3A_431 = arith.constant 64 : i32
            %dma_start3A_432 = arith.constant 0 : i32
            %dma_start3A_433 = tpu.memref_slice %arg10[%rem3A_319, %dma_start3A_431, %dma_start3A_432] : memref<2x128x128xf32, #tpu.memory_space<vmem>> -> memref<1x16x128xf32, #tpu.memory_space<vmem>>
            %dma_start3A_434 = tpu.memref_squeeze %dma_start3A_433 : memref<1x16x128xf32, #tpu.memory_space<vmem>> -> memref<16x128xf32, #tpu.memory_space<vmem>>
            %dma_start3A_435 = arith.constant 0 : i32
            %dma_start3A_436 = arith.constant 0 : i32
            %dma_start3A_437 = tpu.memref_slice %arg3[%dma_start3A_435, %dma_start3A_436] : memref<10000x128xf32, #tpu.memory_space<hbm>> -> memref<10000x128xf32, #tpu.memory_space<hbm>>
            %dma_start3A_438 = tpu.memref_slice %arg13[%rem3A_319] : memref<2x!tpu.dma_semaphore, #tpu.memory_space<semaphore_mem>> -> memref<1x!tpu.dma_semaphore, #tpu.memory_space<semaphore_mem>>
            %dma_start3A_439 = tpu.memref_squeeze %dma_start3A_438 : memref<1x!tpu.dma_semaphore, #tpu.memory_space<semaphore_mem>> -> memref<!tpu.dma_semaphore, #tpu.memory_space<semaphore_mem>>
            tpu.enqueue_indirect_dma source(%dma_start3A_437 : memref<10000x128xf32, #tpu.memory_space<hbm>>) target(%dma_start3A_434 : memref<16x128xf32, #tpu.memory_space<vmem>>) offsets(%get3A_421 : vector<16xi32>) semaphore(%dma_start3A_439 : memref<!tpu.dma_semaphore, #tpu.memory_space<semaphore_mem>>)
            %get3A_440 = arith.index_cast %add3A_315 : i32 to index
            %get3A_441 = arith.constant 80 : index
            %get3A_442 = tpu.vector_load %arg7[%get3A_440, %get3A_441] {strides = array<i32>} : memref<8x128xi32, #tpu.memory_space<vmem>>, vector<16xi32>,
            %get3A_443 = arith.index_cast %add3A_315 : i32 to index
            %get3A_444 = arith.constant 80 : index
            %get3A_445 = tpu.vector_load %arg8[%get3A_443, %get3A_444] {strides = array<i32>} : memref<8x128xi32, #tpu.memory_space<vmem>>, vector<16xi32>,
            %dma_start3A_446 = arith.constant 80 : i32
            %dma_start3A_447 = arith.constant 0 : i32
            %dma_start3A_448 = tpu.memref_slice %arg9[%rem3A_319, %dma_start3A_446, %dma_start3A_447] : memref<2x128x128xf32, #tpu.memory_space<vmem>> -> memref<1x16x128xf32, #tpu.memory_space<vmem>>
            %dma_start3A_449 = tpu.memref_squeeze %dma_start3A_448 : memref<1x16x128xf32, #tpu.memory_space<vmem>> -> memref<16x128xf32, #tpu.memory_space<vmem>>
            %dma_start3A_450 = arith.constant 0 : i32
            %dma_start3A_451 = arith.constant 0 : i32
            %dma_start3A_452 = tpu.memref_slice %arg2[%dma_start3A_450, %dma_start3A_451] : memref<10000x128xf32, #tpu.memory_space<hbm>> -> memref<10000x128xf32, #tpu.memory_space<hbm>>
            %dma_start3A_453 = tpu.memref_slice %arg13[%rem3A_319] : memref<2x!tpu.dma_semaphore, #tpu.memory_space<semaphore_mem>> -> memref<1x!tpu.dma_semaphore, #tpu.memory_space<semaphore_mem>>
            %dma_start3A_454 = tpu.memref_squeeze %dma_start3A_453 : memref<1x!tpu.dma_semaphore, #tpu.memory_space<semaphore_mem>> -> memref<!tpu.dma_semaphore, #tpu.memory_space<semaphore_mem>>
            tpu.enqueue_indirect_dma source(%dma_start3A_452 : memref<10000x128xf32, #tpu.memory_space<hbm>>) target(%dma_start3A_449 : memref<16x128xf32, #tpu.memory_space<vmem>>) offsets(%get3A_442 : vector<16xi32>) semaphore(%dma_start3A_454 : memref<!tpu.dma_semaphore, #tpu.memory_space<semaphore_mem>>)
            %dma_start3A_455 = arith.constant 80 : i32
            %dma_start3A_456 = arith.constant 0 : i32
            %dma_start3A_457 = tpu.memref_slice %arg10[%rem3A_319, %dma_start3A_455, %dma_start3A_456] : memref<2x128x128xf32, #tpu.memory_space<vmem>> -> memref<1x16x128xf32, #tpu.memory_space<vmem>>
            %dma_start3A_458 = tpu.memref_squeeze %dma_start3A_457 : memref<1x16x128xf32, #tpu.memory_space<vmem>> -> memref<16x128xf32, #tpu.memory_space<vmem>>
            %dma_start3A_459 = arith.constant 0 : i32
            %dma_start3A_460 = arith.constant 0 : i32
            %dma_start3A_461 = tpu.memref_slice %arg3[%dma_start3A_459, %dma_start3A_460] : memref<10000x128xf32, #tpu.memory_space<hbm>> -> memref<10000x128xf32, #tpu.memory_space<hbm>>
            %dma_start3A_462 = tpu.memref_slice %arg13[%rem3A_319] : memref<2x!tpu.dma_semaphore, #tpu.memory_space<semaphore_mem>> -> memref<1x!tpu.dma_semaphore, #tpu.memory_space<semaphore_mem>>
            %dma_start3A_463 = tpu.memref_squeeze %dma_start3A_462 : memref<1x!tpu.dma_semaphore, #tpu.memory_space<semaphore_mem>> -> memref<!tpu.dma_semaphore, #tpu.memory_space<semaphore_mem>>
            tpu.enqueue_indirect_dma source(%dma_start3A_461 : memref<10000x128xf32, #tpu.memory_space<hbm>>) target(%dma_start3A_458 : memref<16x128xf32, #tpu.memory_space<vmem>>) offsets(%get3A_445 : vector<16xi32>) semaphore(%dma_start3A_463 : memref<!tpu.dma_semaphore, #tpu.memory_space<semaphore_mem>>)
            %get3A_464 = arith.index_cast %add3A_315 : i32 to index
            %get3A_465 = arith.constant 96 : index
            %get3A_466 = tpu.vector_load %arg7[%get3A_464, %get3A_465] {strides = array<i32>} : memref<8x128xi32, #tpu.memory_space<vmem>>, vector<16xi32>,
            %get3A_467 = arith.index_cast %add3A_315 : i32 to index
            %get3A_468 = arith.constant 96 : index
            %get3A_469 = tpu.vector_load %arg8[%get3A_467, %get3A_468] {strides = array<i32>} : memref<8x128xi32, #tpu.memory_space<vmem>>, vector<16xi32>,
            %dma_start3A_470 = arith.constant 96 : i32
            %dma_start3A_471 = arith.constant 0 : i32
            %dma_start3A_472 = tpu.memref_slice %arg9[%rem3A_319, %dma_start3A_470, %dma_start3A_471] : memref<2x128x128xf32, #tpu.memory_space<vmem>> -> memref<1x16x128xf32, #tpu.memory_space<vmem>>
            %dma_start3A_473 = tpu.memref_squeeze %dma_start3A_472 : memref<1x16x128xf32, #tpu.memory_space<vmem>> -> memref<16x128xf32, #tpu.memory_space<vmem>>
            %dma_start3A_474 = arith.constant 0 : i32
            %dma_start3A_475 = arith.constant 0 : i32
            %dma_start3A_476 = tpu.memref_slice %arg2[%dma_start3A_474, %dma_start3A_475] : memref<10000x128xf32, #tpu.memory_space<hbm>> -> memref<10000x128xf32, #tpu.memory_space<hbm>>
            %dma_start3A_477 = tpu.memref_slice %arg13[%rem3A_319] : memref<2x!tpu.dma_semaphore, #tpu.memory_space<semaphore_mem>> -> memref<1x!tpu.dma_semaphore, #tpu.memory_space<semaphore_mem>>
            %dma_start3A_478 = tpu.memref_squeeze %dma_start3A_477 : memref<1x!tpu.dma_semaphore, #tpu.memory_space<semaphore_mem>> -> memref<!tpu.dma_semaphore, #tpu.memory_space<semaphore_mem>>
            tpu.enqueue_indirect_dma source(%dma_start3A_476 : memref<10000x128xf32, #tpu.memory_space<hbm>>) target(%dma_start3A_473 : memref<16x128xf32, #tpu.memory_space<vmem>>) offsets(%get3A_466 : vector<16xi32>) semaphore(%dma_start3A_478 : memref<!tpu.dma_semaphore, #tpu.memory_space<semaphore_mem>>)
            %dma_start3A_479 = arith.constant 96 : i32
            %dma_start3A_480 = arith.constant 0 : i32
            %dma_start3A_481 = tpu.memref_slice %arg10[%rem3A_319, %dma_start3A_479, %dma_start3A_480] : memref<2x128x128xf32, #tpu.memory_space<vmem>> -> memref<1x16x128xf32, #tpu.memory_space<vmem>>
            %dma_start3A_482 = tpu.memref_squeeze %dma_start3A_481 : memref<1x16x128xf32, #tpu.memory_space<vmem>> -> memref<16x128xf32, #tpu.memory_space<vmem>>
            %dma_start3A_483 = arith.constant 0 : i32
            %dma_start3A_484 = arith.constant 0 : i32
            %dma_start3A_485 = tpu.memref_slice %arg3[%dma_start3A_483, %dma_start3A_484] : memref<10000x128xf32, #tpu.memory_space<hbm>> -> memref<10000x128xf32, #tpu.memory_space<hbm>>
            %dma_start3A_486 = tpu.memref_slice %arg13[%rem3A_319] : memref<2x!tpu.dma_semaphore, #tpu.memory_space<semaphore_mem>> -> memref<1x!tpu.dma_semaphore, #tpu.memory_space<semaphore_mem>>
            %dma_start3A_487 = tpu.memref_squeeze %dma_start3A_486 : memref<1x!tpu.dma_semaphore, #tpu.memory_space<semaphore_mem>> -> memref<!tpu.dma_semaphore, #tpu.memory_space<semaphore_mem>>
            tpu.enqueue_indirect_dma source(%dma_start3A_485 : memref<10000x128xf32, #tpu.memory_space<hbm>>) target(%dma_start3A_482 : memref<16x128xf32, #tpu.memory_space<vmem>>) offsets(%get3A_469 : vector<16xi32>) semaphore(%dma_start3A_487 : memref<!tpu.dma_semaphore, #tpu.memory_space<semaphore_mem>>)
            %get3A_488 = arith.index_cast %add3A_315 : i32 to index
            %get3A_489 = arith.constant 112 : index
            %get3A_490 = tpu.vector_load %arg7[%get3A_488, %get3A_489] {strides = array<i32>} : memref<8x128xi32, #tpu.memory_space<vmem>>, vector<16xi32>,
            %get3A_491 = arith.index_cast %add3A_315 : i32 to index
            %get3A_492 = arith.constant 112 : index
            %get3A_493 = tpu.vector_load %arg8[%get3A_491, %get3A_492] {strides = array<i32>} : memref<8x128xi32, #tpu.memory_space<vmem>>, vector<16xi32>,
            %dma_start3A_494 = arith.constant 112 : i32
            %dma_start3A_495 = arith.constant 0 : i32
            %dma_start3A_496 = tpu.memref_slice %arg9[%rem3A_319, %dma_start3A_494, %dma_start3A_495] : memref<2x128x128xf32, #tpu.memory_space<vmem>> -> memref<1x16x128xf32, #tpu.memory_space<vmem>>
            %dma_start3A_497 = tpu.memref_squeeze %dma_start3A_496 : memref<1x16x128xf32, #tpu.memory_space<vmem>> -> memref<16x128xf32, #tpu.memory_space<vmem>>
            %dma_start3A_498 = arith.constant 0 : i32
            %dma_start3A_499 = arith.constant 0 : i32
            %dma_start3A_500 = tpu.memref_slice %arg2[%dma_start3A_498, %dma_start3A_499] : memref<10000x128xf32, #tpu.memory_space<hbm>> -> memref<10000x128xf32, #tpu.memory_space<hbm>>
            %dma_start3A_501 = tpu.memref_slice %arg13[%rem3A_319] : memref<2x!tpu.dma_semaphore, #tpu.memory_space<semaphore_mem>> -> memref<1x!tpu.dma_semaphore, #tpu.memory_space<semaphore_mem>>
            %dma_start3A_502 = tpu.memref_squeeze %dma_start3A_501 : memref<1x!tpu.dma_semaphore, #tpu.memory_space<semaphore_mem>> -> memref<!tpu.dma_semaphore, #tpu.memory_space<semaphore_mem>>
            tpu.enqueue_indirect_dma source(%dma_start3A_500 : memref<10000x128xf32, #tpu.memory_space<hbm>>) target(%dma_start3A_497 : memref<16x128xf32, #tpu.memory_space<vmem>>) offsets(%get3A_490 : vector<16xi32>) semaphore(%dma_start3A_502 : memref<!tpu.dma_semaphore, #tpu.memory_space<semaphore_mem>>)
            %dma_start3A_503 = arith.constant 112 : i32
            %dma_start3A_504 = arith.constant 0 : i32
            %dma_start3A_505 = tpu.memref_slice %arg10[%rem3A_319, %dma_start3A_503, %dma_start3A_504] : memref<2x128x128xf32, #tpu.memory_space<vmem>> -> memref<1x16x128xf32, #tpu.memory_space<vmem>>
            %dma_start3A_506 = tpu.memref_squeeze %dma_start3A_505 : memref<1x16x128xf32, #tpu.memory_space<vmem>> -> memref<16x128xf32, #tpu.memory_space<vmem>>
            %dma_start3A_507 = arith.constant 0 : i32
            %dma_start3A_508 = arith.constant 0 : i32
            %dma_start3A_509 = tpu.memref_slice %arg3[%dma_start3A_507, %dma_start3A_508] : memref<10000x128xf32, #tpu.memory_space<hbm>> -> memref<10000x128xf32, #tpu.memory_space<hbm>>
            %dma_start3A_510 = tpu.memref_slice %arg13[%rem3A_319] : memref<2x!tpu.dma_semaphore, #tpu.memory_space<semaphore_mem>> -> memref<1x!tpu.dma_semaphore, #tpu.memory_space<semaphore_mem>>
            %dma_start3A_511 = tpu.memref_squeeze %dma_start3A_510 : memref<1x!tpu.dma_semaphore, #tpu.memory_space<semaphore_mem>> -> memref<!tpu.dma_semaphore, #tpu.memory_space<semaphore_mem>>
            tpu.enqueue_indirect_dma source(%dma_start3A_509 : memref<10000x128xf32, #tpu.memory_space<hbm>>) target(%dma_start3A_506 : memref<16x128xf32, #tpu.memory_space<vmem>>) offsets(%get3A_493 : vector<16xi32>) semaphore(%dma_start3A_511 : memref<!tpu.dma_semaphore, #tpu.memory_space<semaphore_mem>>)
          } else {
          }
          %parallel_loop3A = arith.constant 0 : i32
          %parallel_loop3A_304 = arith.constant 128 : i32
          %parallel_loop3A_305 = arith.constant 1 : i32
          scf.for %parallel_loop3A_314 = %parallel_loop3A to %parallel_loop3A_304 step %parallel_loop3A_305  : i32 {
            %parallel_loop3A_315 = arith.index_cast %rem3A_265 : i32 to index
            %parallel_loop3A_316 = arith.index_cast %parallel_loop3A_314 : i32 to index
            %parallel_loop3A_317 = arith.constant 0 : index
            %parallel_loop3A_318 = tpu.vector_load %arg9[%parallel_loop3A_315, %parallel_loop3A_316, %parallel_loop3A_317] {strides = array<i32>} : memref<2x128x128xf32, #tpu.memory_space<vmem>>, vector<16xf32>,
            %parallel_loop3A_319 = arith.index_cast %rem3A_265 : i32 to index
            %parallel_loop3A_320 = arith.index_cast %parallel_loop3A_314 : i32 to index
            %parallel_loop3A_321 = arith.constant 0 : index
            %parallel_loop3A_322 = tpu.vector_load %arg10[%parallel_loop3A_319, %parallel_loop3A_320, %parallel_loop3A_321] {strides = array<i32>} : memref<2x128x128xf32, #tpu.memory_space<vmem>>, vector<16xf32>,
            %parallel_loop3A_323 = arith.mulf %parallel_loop3A_318, %parallel_loop3A_322 : vector<16xf32>
            %parallel_loop3A_324 = arith.index_cast %rem3A_265 : i32 to index
            %parallel_loop3A_325 = arith.index_cast %parallel_loop3A_314 : i32 to index
            %parallel_loop3A_326 = arith.constant 16 : index
            %parallel_loop3A_327 = tpu.vector_load %arg9[%parallel_loop3A_324, %parallel_loop3A_325, %parallel_loop3A_326] {strides = array<i32>} : memref<2x128x128xf32, #tpu.memory_space<vmem>>, vector<16xf32>,
            %parallel_loop3A_328 = arith.index_cast %rem3A_265 : i32 to index
            %parallel_loop3A_329 = arith.index_cast %parallel_loop3A_314 : i32 to index
            %parallel_loop3A_330 = arith.constant 16 : index
            %parallel_loop3A_331 = tpu.vector_load %arg10[%parallel_loop3A_328, %parallel_loop3A_329, %parallel_loop3A_330] {strides = array<i32>} : memref<2x128x128xf32, #tpu.memory_space<vmem>>, vector<16xf32>,
            %parallel_loop3A_332 = arith.mulf %parallel_loop3A_327, %parallel_loop3A_331 : vector<16xf32>
            %parallel_loop3A_333 = arith.addf %parallel_loop3A_323, %parallel_loop3A_332 : vector<16xf32>
            %parallel_loop3A_334 = arith.index_cast %rem3A_265 : i32 to index
            %parallel_loop3A_335 = arith.index_cast %parallel_loop3A_314 : i32 to index
            %parallel_loop3A_336 = arith.constant 32 : index
            %parallel_loop3A_337 = tpu.vector_load %arg9[%parallel_loop3A_334, %parallel_loop3A_335, %parallel_loop3A_336] {strides = array<i32>} : memref<2x128x128xf32, #tpu.memory_space<vmem>>, vector<16xf32>,
            %parallel_loop3A_338 = arith.index_cast %rem3A_265 : i32 to index
            %parallel_loop3A_339 = arith.index_cast %parallel_loop3A_314 : i32 to index
            %parallel_loop3A_340 = arith.constant 32 : index
            %parallel_loop3A_341 = tpu.vector_load %arg10[%parallel_loop3A_338, %parallel_loop3A_339, %parallel_loop3A_340] {strides = array<i32>} : memref<2x128x128xf32, #tpu.memory_space<vmem>>, vector<16xf32>,
            %parallel_loop3A_342 = arith.mulf %parallel_loop3A_337, %parallel_loop3A_341 : vector<16xf32>
            %parallel_loop3A_343 = arith.addf %parallel_loop3A_333, %parallel_loop3A_342 : vector<16xf32>
            %parallel_loop3A_344 = arith.index_cast %rem3A_265 : i32 to index
            %parallel_loop3A_345 = arith.index_cast %parallel_loop3A_314 : i32 to index
            %parallel_loop3A_346 = arith.constant 48 : index
            %parallel_loop3A_347 = tpu.vector_load %arg9[%parallel_loop3A_344, %parallel_loop3A_345, %parallel_loop3A_346] {strides = array<i32>} : memref<2x128x128xf32, #tpu.memory_space<vmem>>, vector<16xf32>,
            %parallel_loop3A_348 = arith.index_cast %rem3A_265 : i32 to index
            %parallel_loop3A_349 = arith.index_cast %parallel_loop3A_314 : i32 to index
            %parallel_loop3A_350 = arith.constant 48 : index
            %parallel_loop3A_351 = tpu.vector_load %arg10[%parallel_loop3A_348, %parallel_loop3A_349, %parallel_loop3A_350] {strides = array<i32>} : memref<2x128x128xf32, #tpu.memory_space<vmem>>, vector<16xf32>,
            %parallel_loop3A_352 = arith.mulf %parallel_loop3A_347, %parallel_loop3A_351 : vector<16xf32>
            %parallel_loop3A_353 = arith.addf %parallel_loop3A_343, %parallel_loop3A_352 : vector<16xf32>
            %parallel_loop3A_354 = arith.index_cast %rem3A_265 : i32 to index
            %parallel_loop3A_355 = arith.index_cast %parallel_loop3A_314 : i32 to index
            %parallel_loop3A_356 = arith.constant 64 : index
            %parallel_loop3A_357 = tpu.vector_load %arg9[%parallel_loop3A_354, %parallel_loop3A_355, %parallel_loop3A_356] {strides = array<i32>} : memref<2x128x128xf32, #tpu.memory_space<vmem>>, vector<16xf32>,
            %parallel_loop3A_358 = arith.index_cast %rem3A_265 : i32 to index
            %parallel_loop3A_359 = arith.index_cast %parallel_loop3A_314 : i32 to index
            %parallel_loop3A_360 = arith.constant 64 : index
            %parallel_loop3A_361 = tpu.vector_load %arg10[%parallel_loop3A_358, %parallel_loop3A_359, %parallel_loop3A_360] {strides = array<i32>} : memref<2x128x128xf32, #tpu.memory_space<vmem>>, vector<16xf32>,
            %parallel_loop3A_362 = arith.mulf %parallel_loop3A_357, %parallel_loop3A_361 : vector<16xf32>
            %parallel_loop3A_363 = arith.addf %parallel_loop3A_353, %parallel_loop3A_362 : vector<16xf32>
            %parallel_loop3A_364 = arith.index_cast %rem3A_265 : i32 to index
            %parallel_loop3A_365 = arith.index_cast %parallel_loop3A_314 : i32 to index
            %parallel_loop3A_366 = arith.constant 80 : index
            %parallel_loop3A_367 = tpu.vector_load %arg9[%parallel_loop3A_364, %parallel_loop3A_365, %parallel_loop3A_366] {strides = array<i32>} : memref<2x128x128xf32, #tpu.memory_space<vmem>>, vector<16xf32>,
            %parallel_loop3A_368 = arith.index_cast %rem3A_265 : i32 to index
            %parallel_loop3A_369 = arith.index_cast %parallel_loop3A_314 : i32 to index
            %parallel_loop3A_370 = arith.constant 80 : index
            %parallel_loop3A_371 = tpu.vector_load %arg10[%parallel_loop3A_368, %parallel_loop3A_369, %parallel_loop3A_370] {strides = array<i32>} : memref<2x128x128xf32, #tpu.memory_space<vmem>>, vector<16xf32>,
            %parallel_loop3A_372 = arith.mulf %parallel_loop3A_367, %parallel_loop3A_371 : vector<16xf32>
            %parallel_loop3A_373 = arith.addf %parallel_loop3A_363, %parallel_loop3A_372 : vector<16xf32>
            %parallel_loop3A_374 = arith.index_cast %rem3A_265 : i32 to index
            %parallel_loop3A_375 = arith.index_cast %parallel_loop3A_314 : i32 to index
            %parallel_loop3A_376 = arith.constant 96 : index
            %parallel_loop3A_377 = tpu.vector_load %arg9[%parallel_loop3A_374, %parallel_loop3A_375, %parallel_loop3A_376] {strides = array<i32>} : memref<2x128x128xf32, #tpu.memory_space<vmem>>, vector<16xf32>,
            %parallel_loop3A_378 = arith.index_cast %rem3A_265 : i32 to index
            %parallel_loop3A_379 = arith.index_cast %parallel_loop3A_314 : i32 to index
            %parallel_loop3A_380 = arith.constant 96 : index
            %parallel_loop3A_381 = tpu.vector_load %arg10[%parallel_loop3A_378, %parallel_loop3A_379, %parallel_loop3A_380] {strides = array<i32>} : memref<2x128x128xf32, #tpu.memory_space<vmem>>, vector<16xf32>,
            %parallel_loop3A_382 = arith.mulf %parallel_loop3A_377, %parallel_loop3A_381 : vector<16xf32>
            %parallel_loop3A_383 = arith.addf %parallel_loop3A_373, %parallel_loop3A_382 : vector<16xf32>
            %parallel_loop3A_384 = arith.index_cast %rem3A_265 : i32 to index
            %parallel_loop3A_385 = arith.index_cast %parallel_loop3A_314 : i32 to index
            %parallel_loop3A_386 = arith.constant 112 : index
            %parallel_loop3A_387 = tpu.vector_load %arg9[%parallel_loop3A_384, %parallel_loop3A_385, %parallel_loop3A_386] {strides = array<i32>} : memref<2x128x128xf32, #tpu.memory_space<vmem>>, vector<16xf32>,
            %parallel_loop3A_388 = arith.index_cast %rem3A_265 : i32 to index
            %parallel_loop3A_389 = arith.index_cast %parallel_loop3A_314 : i32 to index
            %parallel_loop3A_390 = arith.constant 112 : index
            %parallel_loop3A_391 = tpu.vector_load %arg10[%parallel_loop3A_388, %parallel_loop3A_389, %parallel_loop3A_390] {strides = array<i32>} : memref<2x128x128xf32, #tpu.memory_space<vmem>>, vector<16xf32>,
            %parallel_loop3A_392 = arith.mulf %parallel_loop3A_387, %parallel_loop3A_391 : vector<16xf32>
            %parallel_loop3A_393 = arith.addf %parallel_loop3A_383, %parallel_loop3A_392 : vector<16xf32>
            %parallel_loop3A_394 = arith.index_cast %parallel_loop3A_314 : i32 to index
            %parallel_loop3A_395 = arith.constant 0 : index
            %parallel_loop3A_396 = tpu.vector_load %arg11[%parallel_loop3A_394, %parallel_loop3A_395] {strides = array<i32>} : memref<128x16xf32, #tpu.memory_space<vmem>>, vector<16xf32>,
            tpu.vector_store %arg11[%parallel_loop3A_394, %parallel_loop3A_395], %parallel_loop3A_393 {strides = array<i32>} : memref<128x16xf32, #tpu.memory_space<vmem>>, vector<16xf32>,
          } {sc.loop_unroll_factor = 4 : i64, sc.parallel_access}
          %parallel_loop3A_306 = arith.constant 0 : i32
          %parallel_loop3A_307 = arith.constant 128 : i32
          %parallel_loop3A_308 = arith.constant 16 : i32
          scf.for %parallel_loop3A_314 = %parallel_loop3A_306 to %parallel_loop3A_307 step %parallel_loop3A_308  : i32 {
            %parallel_loop3A_315 = vector.broadcast %parallel_loop3A_314 : i32 to vector<16xi32>
            %parallel_loop3A_316 = arith.addi %iota3A, %parallel_loop3A_315 : vector<16xi32>
            %parallel_loop3A_317 = arith.constant 0 : i32
            %parallel_loop3A_318 = vector.broadcast %parallel_loop3A_317 : i32 to vector<16xi32>
            %parallel_loop3A_319 = tpu.vector_load_idx %arg11[%parallel_loop3A_316, %parallel_loop3A_318] : memref<128x16xf32, #tpu.memory_space<vmem>>[vector<16xi32>, vector<16xi32>], vector<16xf32>,
            %parallel_loop3A_320 = arith.constant 1 : i32
            %parallel_loop3A_321 = vector.broadcast %parallel_loop3A_320 : i32 to vector<16xi32>
            %parallel_loop3A_322 = tpu.vector_load_idx %arg11[%parallel_loop3A_316, %parallel_loop3A_321] : memref<128x16xf32, #tpu.memory_space<vmem>>[vector<16xi32>, vector<16xi32>], vector<16xf32>,
            %parallel_loop3A_323 = arith.addf %parallel_loop3A_319, %parallel_loop3A_322 : vector<16xf32>
            %parallel_loop3A_324 = arith.constant 2 : i32
            %parallel_loop3A_325 = vector.broadcast %parallel_loop3A_324 : i32 to vector<16xi32>
            %parallel_loop3A_326 = tpu.vector_load_idx %arg11[%parallel_loop3A_316, %parallel_loop3A_325] : memref<128x16xf32, #tpu.memory_space<vmem>>[vector<16xi32>, vector<16xi32>], vector<16xf32>,
            %parallel_loop3A_327 = arith.addf %parallel_loop3A_323, %parallel_loop3A_326 : vector<16xf32>
            %parallel_loop3A_328 = arith.constant 3 : i32
            %parallel_loop3A_329 = vector.broadcast %parallel_loop3A_328 : i32 to vector<16xi32>
            %parallel_loop3A_330 = tpu.vector_load_idx %arg11[%parallel_loop3A_316, %parallel_loop3A_329] : memref<128x16xf32, #tpu.memory_space<vmem>>[vector<16xi32>, vector<16xi32>], vector<16xf32>,
            %parallel_loop3A_331 = arith.addf %parallel_loop3A_327, %parallel_loop3A_330 : vector<16xf32>
            %parallel_loop3A_332 = arith.constant 4 : i32
            %parallel_loop3A_333 = vector.broadcast %parallel_loop3A_332 : i32 to vector<16xi32>
            %parallel_loop3A_334 = tpu.vector_load_idx %arg11[%parallel_loop3A_316, %parallel_loop3A_333] : memref<128x16xf32, #tpu.memory_space<vmem>>[vector<16xi32>, vector<16xi32>], vector<16xf32>,
            %parallel_loop3A_335 = arith.addf %parallel_loop3A_331, %parallel_loop3A_334 : vector<16xf32>
            %parallel_loop3A_336 = arith.constant 5 : i32
            %parallel_loop3A_337 = vector.broadcast %parallel_loop3A_336 : i32 to vector<16xi32>
            %parallel_loop3A_338 = tpu.vector_load_idx %arg11[%parallel_loop3A_316, %parallel_loop3A_337] : memref<128x16xf32, #tpu.memory_space<vmem>>[vector<16xi32>, vector<16xi32>], vector<16xf32>,
            %parallel_loop3A_339 = arith.addf %parallel_loop3A_335, %parallel_loop3A_338 : vector<16xf32>
            %parallel_loop3A_340 = arith.constant 6 : i32
            %parallel_loop3A_341 = vector.broadcast %parallel_loop3A_340 : i32 to vector<16xi32>
            %parallel_loop3A_342 = tpu.vector_load_idx %arg11[%parallel_loop3A_316, %parallel_loop3A_341] : memref<128x16xf32, #tpu.memory_space<vmem>>[vector<16xi32>, vector<16xi32>], vector<16xf32>,
            %parallel_loop3A_343 = arith.addf %parallel_loop3A_339, %parallel_loop3A_342 : vector<16xf32>
            %parallel_loop3A_344 = arith.constant 7 : i32
            %parallel_loop3A_345 = vector.broadcast %parallel_loop3A_344 : i32 to vector<16xi32>
            %parallel_loop3A_346 = tpu.vector_load_idx %arg11[%parallel_loop3A_316, %parallel_loop3A_345] : memref<128x16xf32, #tpu.memory_space<vmem>>[vector<16xi32>, vector<16xi32>], vector<16xf32>,
            %parallel_loop3A_347 = arith.addf %parallel_loop3A_343, %parallel_loop3A_346 : vector<16xf32>
            %parallel_loop3A_348 = arith.constant 8 : i32
            %parallel_loop3A_349 = vector.broadcast %parallel_loop3A_348 : i32 to vector<16xi32>
            %parallel_loop3A_350 = tpu.vector_load_idx %arg11[%parallel_loop3A_316, %parallel_loop3A_349] : memref<128x16xf32, #tpu.memory_space<vmem>>[vector<16xi32>, vector<16xi32>], vector<16xf32>,
            %parallel_loop3A_351 = arith.addf %parallel_loop3A_347, %parallel_loop3A_350 : vector<16xf32>
            %parallel_loop3A_352 = arith.constant 9 : i32
            %parallel_loop3A_353 = vector.broadcast %parallel_loop3A_352 : i32 to vector<16xi32>
            %parallel_loop3A_354 = tpu.vector_load_idx %arg11[%parallel_loop3A_316, %parallel_loop3A_353] : memref<128x16xf32, #tpu.memory_space<vmem>>[vector<16xi32>, vector<16xi32>], vector<16xf32>,
            %parallel_loop3A_355 = arith.addf %parallel_loop3A_351, %parallel_loop3A_354 : vector<16xf32>
            %parallel_loop3A_356 = arith.constant 10 : i32
            %parallel_loop3A_357 = vector.broadcast %parallel_loop3A_356 : i32 to vector<16xi32>
            %parallel_loop3A_358 = tpu.vector_load_idx %arg11[%parallel_loop3A_316, %parallel_loop3A_357] : memref<128x16xf32, #tpu.memory_space<vmem>>[vector<16xi32>, vector<16xi32>], vector<16xf32>,
            %parallel_loop3A_359 = arith.addf %parallel_loop3A_355, %parallel_loop3A_358 : vector<16xf32>
            %parallel_loop3A_360 = arith.constant 11 : i32
            %parallel_loop3A_361 = vector.broadcast %parallel_loop3A_360 : i32 to vector<16xi32>
            %parallel_loop3A_362 = tpu.vector_load_idx %arg11[%parallel_loop3A_316, %parallel_loop3A_361] : memref<128x16xf32, #tpu.memory_space<vmem>>[vector<16xi32>, vector<16xi32>], vector<16xf32>,
            %parallel_loop3A_363 = arith.addf %parallel_loop3A_359, %parallel_loop3A_362 : vector<16xf32>
            %parallel_loop3A_364 = arith.constant 12 : i32
            %parallel_loop3A_365 = vector.broadcast %parallel_loop3A_364 : i32 to vector<16xi32>
            %parallel_loop3A_366 = tpu.vector_load_idx %arg11[%parallel_loop3A_316, %parallel_loop3A_365] : memref<128x16xf32, #tpu.memory_space<vmem>>[vector<16xi32>, vector<16xi32>], vector<16xf32>,
            %parallel_loop3A_367 = arith.addf %parallel_loop3A_363, %parallel_loop3A_366 : vector<16xf32>
            %parallel_loop3A_368 = arith.constant 13 : i32
            %parallel_loop3A_369 = vector.broadcast %parallel_loop3A_368 : i32 to vector<16xi32>
            %parallel_loop3A_370 = tpu.vector_load_idx %arg11[%parallel_loop3A_316, %parallel_loop3A_369] : memref<128x16xf32, #tpu.memory_space<vmem>>[vector<16xi32>, vector<16xi32>], vector<16xf32>,
            %parallel_loop3A_371 = arith.addf %parallel_loop3A_367, %parallel_loop3A_370 : vector<16xf32>
            %parallel_loop3A_372 = arith.constant 14 : i32
            %parallel_loop3A_373 = vector.broadcast %parallel_loop3A_372 : i32 to vector<16xi32>
            %parallel_loop3A_374 = tpu.vector_load_idx %arg11[%parallel_loop3A_316, %parallel_loop3A_373] : memref<128x16xf32, #tpu.memory_space<vmem>>[vector<16xi32>, vector<16xi32>], vector<16xf32>,
            %parallel_loop3A_375 = arith.addf %parallel_loop3A_371, %parallel_loop3A_374 : vector<16xf32>
            %parallel_loop3A_376 = arith.constant 15 : i32
            %parallel_loop3A_377 = vector.broadcast %parallel_loop3A_376 : i32 to vector<16xi32>
            %parallel_loop3A_378 = tpu.vector_load_idx %arg11[%parallel_loop3A_316, %parallel_loop3A_377] : memref<128x16xf32, #tpu.memory_space<vmem>>[vector<16xi32>, vector<16xi32>], vector<16xf32>,
            %parallel_loop3A_379 = arith.addf %parallel_loop3A_375, %parallel_loop3A_378 : vector<16xf32>
            %parallel_loop3A_380 = arith.constant 0.000000e+00 : f32
            %parallel_loop3A_381 = vector.broadcast %parallel_loop3A_380 : f32 to vector<16xf32>
            %parallel_loop3A_382 = arith.subf %parallel_loop3A_381, %parallel_loop3A_379 : vector<16xf32>
            %parallel_loop3A_383 = math.exp %parallel_loop3A_382 : vector<16xf32>
            %parallel_loop3A_384 = arith.constant 1.000000e+00 : f32
            %parallel_loop3A_385 = vector.broadcast %parallel_loop3A_384 : f32 to vector<16xf32>
            %parallel_loop3A_386 = arith.addf %parallel_loop3A_385, %parallel_loop3A_383 : vector<16xf32>
            %parallel_loop3A_387 = arith.constant 1.000000e+00 : f32
            %parallel_loop3A_388 = vector.broadcast %parallel_loop3A_387 : f32 to vector<16xf32>
            %parallel_loop3A_389 = arith.divf %parallel_loop3A_388, %parallel_loop3A_386 : vector<16xf32>
            %parallel_loop3A_390 = arith.index_cast %parallel_loop3A_314 : i32 to index
            %parallel_loop3A_391 = tpu.vector_load %arg12[%parallel_loop3A_390] {strides = array<i32>} : memref<128xf32, #tpu.memory_space<vmem>>, vector<16xf32>,
            tpu.vector_store %arg12[%parallel_loop3A_390], %parallel_loop3A_389 {strides = array<i32>} : memref<128xf32, #tpu.memory_space<vmem>>, vector<16xf32>,
          } {sc.loop_unroll_factor = 2 : i64, sc.parallel_access}
          %mul3A_309 = arith.constant 1024 : i32
          %mul3A_310 = arith.muli %add3A_12, %mul3A_309 : i32
          %mul3A_311 = arith.constant 128 : i32
          %mul3A_312 = arith.muli %add3A_264, %mul3A_311 : i32
          %add3A_313 = arith.addi %mul3A_310, %mul3A_312 : i32
          "tpu.region"() ({
            %run_scoped3A = tpu.sem_alloc : memref<!tpu.dma_semaphore, #tpu.memory_space<semaphore_mem>>
            %dma_start3A_314 = tpu.memref_slice %arg6[%add3A_313] : memref<200704xf32, #tpu.memory_space<hbm>> -> memref<128xf32, #tpu.memory_space<hbm>>
            %dma_start3A_315 = tpu.memref_slice %arg6[%add3A_313] : memref<200704xf32, #tpu.memory_space<hbm>> -> memref<128xf32, #tpu.memory_space<hbm>>
            tpu.enqueue_dma source(%arg12 : memref<128xf32, #tpu.memory_space<vmem>>) target(%dma_start3A_315 : memref<128xf32, #tpu.memory_space<hbm>>) target_semaphore(%run_scoped3A : memref<!tpu.dma_semaphore, #tpu.memory_space<semaphore_mem>>)
            %dma_wait3A_316 = tpu.memref_slice %arg6[%add3A_313] : memref<200704xf32, #tpu.memory_space<hbm>> -> memref<128xf32, #tpu.memory_space<hbm>>
            %dma_wait3A_317 = tpu.memref_slice %arg6[%add3A_313] : memref<200704xf32, #tpu.memory_space<hbm>> -> memref<128xf32, #tpu.memory_space<hbm>>
            tpu.wait_dma2 semaphore(%run_scoped3A : memref<!tpu.dma_semaphore, #tpu.memory_space<semaphore_mem>>) src(%arg12 : memref<128xf32, #tpu.memory_space<vmem>>) dst(%dma_wait3A_317 : memref<128xf32, #tpu.memory_space<hbm>>)
            tpu.yield
          }) : () -> ()
        }
        %scan3A_259 = arith.constant 8 : i32
      } else {
      }
    }
    %scan3A_4 = arith.constant 7 : i32
    return
  }
}

module attributes {stable_mosaic.version = 14 : i64} {
  func.func @_t1_body(%arg0: i32, %arg1: memref<1000x128xf32, #tpu.memory_space<vmem>>, %arg2: memref<128x128xf32, #tpu.memory_space<vmem>>, %arg3: memref<1x128xf32, #tpu.memory_space<vmem>>, %arg4: memref<128x128xf32, #tpu.memory_space<vmem>>, %arg5: memref<128x128xf32, #tpu.memory_space<vmem>>, %arg6: memref<1000x128xf32, #tpu.memory_space<vmem>>, %arg7: memref<1000x128xf32, #tpu.memory_space<vmem>>, %arg8: memref<1000x128xf32, #tpu.memory_space<vmem>>, %arg9: memref<1x128xf32, #tpu.memory_space<vmem>>, %arg10: memref<1x128xf32, #tpu.memory_space<vmem>>) attributes {dimension_semantics = [#tpu.dimension_semantics<arbitrary>], iteration_bounds = array<i64: 10>, scalar_prefetch = 0 : i64, scratch_operands = 0 : i64, tpu.core_type = #tpu.core_type<tc>, window_params = [{transform_indices = @transform_0, window_bounds = array<i64: 1000, 128>}, {pipeline_mode = #tpu.pipeline_mode<synchronous>, transform_indices = @transform_1, window_bounds = array<i64: 128, 128>}, {pipeline_mode = #tpu.pipeline_mode<synchronous>, transform_indices = @transform_2, window_bounds = array<i64: 1, 128>}, {pipeline_mode = #tpu.pipeline_mode<synchronous>, transform_indices = @transform_3, window_bounds = array<i64: 128, 128>}, {pipeline_mode = #tpu.pipeline_mode<synchronous>, transform_indices = @transform_4, window_bounds = array<i64: 128, 128>}, {transform_indices = @transform_5, window_bounds = array<i64: 1000, 128>}, {transform_indices = @transform_6, window_bounds = array<i64: 1000, 128>}, {transform_indices = @transform_7, window_bounds = array<i64: 1000, 128>}, {pipeline_mode = #tpu.pipeline_mode<synchronous>, transform_indices = @transform_8, window_bounds = array<i64: 1, 128>}, {pipeline_mode = #tpu.pipeline_mode<synchronous>, transform_indices = @transform_9, window_bounds = array<i64: 1, 128>}]} {
    %get3A = arith.constant 0 : index
    %get3A_0 = arith.constant 0 : index
    %get3A_1 = vector.load %arg1[%get3A, %get3A_0] : memref<1000x128xf32, #tpu.memory_space<vmem>>, vector<1000x128xf32>
    %get3A_2 = arith.constant 0 : index
    %get3A_3 = arith.constant 0 : index
    %get3A_4 = vector.load %arg2[%get3A_2, %get3A_3] : memref<128x128xf32, #tpu.memory_space<vmem>>, vector<128x128xf32>
    %dot_general3A = arith.constant dense<0.000000e+00> : vector<1000x128xf32>
    %dot_general3A_5 = tpu.matmul %get3A_1, %get3A_4, %dot_general3A {dimension_numbers = #tpu.dot_dimension_numbers<[1], [0], [0], [1], [0, 0, 1, 1], [], []>, transpose_lhs_hint = false} : vector<1000x128xf32>, vector<128x128xf32>, vector<1000x128xf32> -> vector<1000x128xf32>
    %get3A_6 = arith.constant 0 : index
    %get3A_7 = arith.constant 0 : index
    %get3A_8 = vector.load %arg3[%get3A_6, %get3A_7] : memref<1x128xf32, #tpu.memory_space<vmem>>, vector<1x128xf32>
    %add3A = vector.broadcast %get3A_8 : vector<1x128xf32> to vector<1000x128xf32>
    %add3A_9 = arith.addf %dot_general3A_5, %add3A : vector<1000x128xf32>
    %swap3A = arith.constant 0 : index
    %swap3A_10 = arith.constant 0 : index
    %swap3A_11 = vector.load %arg6[%swap3A, %swap3A_10] : memref<1000x128xf32, #tpu.memory_space<vmem>>, vector<1000x128xf32>
    tpu.vector_store %arg6[%swap3A, %swap3A_10], %add3A_9 {strides = array<i32>} : memref<1000x128xf32, #tpu.memory_space<vmem>>, vector<1000x128xf32>,
    %get3A_12 = arith.constant 0 : index
    %get3A_13 = arith.constant 0 : index
    %get3A_14 = vector.load %arg4[%get3A_12, %get3A_13] : memref<128x128xf32, #tpu.memory_space<vmem>>, vector<128x128xf32>
    %dot_general3A_15 = arith.constant dense<0.000000e+00> : vector<1000x128xf32>
    %dot_general3A_16 = tpu.matmul %add3A_9, %get3A_14, %dot_general3A_15 {dimension_numbers = #tpu.dot_dimension_numbers<[1], [0], [0], [1], [0, 0, 1, 1], [], []>, transpose_lhs_hint = false} : vector<1000x128xf32>, vector<128x128xf32>, vector<1000x128xf32> -> vector<1000x128xf32>
    %get3A_17 = arith.constant 0 : index
    %get3A_18 = arith.constant 0 : index
    %get3A_19 = vector.load %arg5[%get3A_17, %get3A_18] : memref<128x128xf32, #tpu.memory_space<vmem>>, vector<128x128xf32>
    %dot_general3A_20 = arith.constant dense<0.000000e+00> : vector<1000x128xf32>
    %dot_general3A_21 = tpu.matmul %add3A_9, %get3A_19, %dot_general3A_20 {dimension_numbers = #tpu.dot_dimension_numbers<[1], [0], [0], [1], [0, 0, 1, 1], [], []>, transpose_lhs_hint = false} : vector<1000x128xf32>, vector<128x128xf32>, vector<1000x128xf32> -> vector<1000x128xf32>
    %swap3A_22 = arith.constant 0 : index
    %swap3A_23 = arith.constant 0 : index
    %swap3A_24 = vector.load %arg7[%swap3A_22, %swap3A_23] : memref<1000x128xf32, #tpu.memory_space<vmem>>, vector<1000x128xf32>
    tpu.vector_store %arg7[%swap3A_22, %swap3A_23], %dot_general3A_16 {strides = array<i32>} : memref<1000x128xf32, #tpu.memory_space<vmem>>, vector<1000x128xf32>,
    %swap3A_25 = arith.constant 0 : index
    %swap3A_26 = arith.constant 0 : index
    %swap3A_27 = vector.load %arg8[%swap3A_25, %swap3A_26] : memref<1000x128xf32, #tpu.memory_space<vmem>>, vector<1000x128xf32>
    tpu.vector_store %arg8[%swap3A_25, %swap3A_26], %dot_general3A_21 {strides = array<i32>} : memref<1000x128xf32, #tpu.memory_space<vmem>>, vector<1000x128xf32>,
    %reduce_max3A = arith.constant dense<0xFF800000> : vector<128xf32>
    %reduce_max3A_28 = vector.multi_reduction <maximumf>, %dot_general3A_16, %reduce_max3A [0] : vector<1000x128xf32> to vector<128xf32>
    %broadcast_in_dim3A = vector.shape_cast %reduce_max3A_28 : vector<128xf32> to vector<1x128xf32>
    %reduce_max3A_29 = arith.constant dense<0xFF800000> : vector<128xf32>
    %reduce_max3A_30 = vector.multi_reduction <maximumf>, %dot_general3A_21, %reduce_max3A_29 [0] : vector<1000x128xf32> to vector<128xf32>
    %broadcast_in_dim3A_31 = vector.shape_cast %reduce_max3A_30 : vector<128xf32> to vector<1x128xf32>
    %eq3A = arith.constant 0 : i32
    %eq3A_32 = arith.cmpi eq, %arg0, %eq3A : i32
    %convert_element_type3A = arith.extui %eq3A_32 : i1 to i32
    %cond3A = arith.constant 0 : i32
    %cond3A_33 = arith.cmpi ne, %convert_element_type3A, %cond3A : i32
    scf.if %cond3A_33 {
      %swap3A_38 = arith.constant 0 : index
      %swap3A_39 = arith.constant 0 : index
      %swap3A_40 = vector.load %arg9[%swap3A_38, %swap3A_39] : memref<1x128xf32, #tpu.memory_space<vmem>>, vector<1x128xf32>
      tpu.vector_store %arg9[%swap3A_38, %swap3A_39], %broadcast_in_dim3A {strides = array<i32>} : memref<1x128xf32, #tpu.memory_space<vmem>>, vector<1x128xf32>,
      %swap3A_41 = arith.constant 0 : index
      %swap3A_42 = arith.constant 0 : index
      %swap3A_43 = vector.load %arg10[%swap3A_41, %swap3A_42] : memref<1x128xf32, #tpu.memory_space<vmem>>, vector<1x128xf32>
      tpu.vector_store %arg10[%swap3A_41, %swap3A_42], %broadcast_in_dim3A_31 {strides = array<i32>} : memref<1x128xf32, #tpu.memory_space<vmem>>, vector<1x128xf32>,
    } else {
    }
    %ne3A = arith.constant 0 : i32
    %ne3A_34 = arith.cmpi ne, %arg0, %ne3A : i32
    %convert_element_type3A_35 = arith.extui %ne3A_34 : i1 to i32
    %cond3A_36 = arith.constant 0 : i32
    %cond3A_37 = arith.cmpi ne, %convert_element_type3A_35, %cond3A_36 : i32
    scf.if %cond3A_37 {
      %get3A_38 = arith.constant 0 : index
      %get3A_39 = arith.constant 0 : index
      %get3A_40 = vector.load %arg9[%get3A_38, %get3A_39] : memref<1x128xf32, #tpu.memory_space<vmem>>, vector<1x128xf32>
      %max3A = arith.maximumf %get3A_40, %broadcast_in_dim3A : vector<1x128xf32>
      %swap3A_41 = arith.constant 0 : index
      %swap3A_42 = arith.constant 0 : index
      %swap3A_43 = vector.load %arg9[%swap3A_41, %swap3A_42] : memref<1x128xf32, #tpu.memory_space<vmem>>, vector<1x128xf32>
      tpu.vector_store %arg9[%swap3A_41, %swap3A_42], %max3A {strides = array<i32>} : memref<1x128xf32, #tpu.memory_space<vmem>>, vector<1x128xf32>,
      %get3A_44 = arith.constant 0 : index
      %get3A_45 = arith.constant 0 : index
      %get3A_46 = vector.load %arg10[%get3A_44, %get3A_45] : memref<1x128xf32, #tpu.memory_space<vmem>>, vector<1x128xf32>
      %max3A_47 = arith.maximumf %get3A_46, %broadcast_in_dim3A_31 : vector<1x128xf32>
      %swap3A_48 = arith.constant 0 : index
      %swap3A_49 = arith.constant 0 : index
      %swap3A_50 = vector.load %arg10[%swap3A_48, %swap3A_49] : memref<1x128xf32, #tpu.memory_space<vmem>>, vector<1x128xf32>
      tpu.vector_store %arg10[%swap3A_48, %swap3A_49], %max3A_47 {strides = array<i32>} : memref<1x128xf32, #tpu.memory_space<vmem>>, vector<1x128xf32>,
    } else {
    }
    return
  }
  func.func @transform_0(%arg0: i32) -> (i32, i32) {
    %c0_i32 = arith.constant 0 : i32
    %c0_i32_0 = arith.constant 0 : i32
    return %arg0, %c0_i32 : i32, i32
  }
  func.func @transform_1(%arg0: i32) -> (i32, i32) {
    %c0_i32 = arith.constant 0 : i32
    %c0_i32_0 = arith.constant 0 : i32
    %c0_i32_1 = arith.constant 0 : i32
    return %c0_i32, %c0_i32_0 : i32, i32
  }
  func.func @transform_2(%arg0: i32) -> (i32, i32) {
    %c0_i32 = arith.constant 0 : i32
    %c0_i32_0 = arith.constant 0 : i32
    %c0_i32_1 = arith.constant 0 : i32
    return %c0_i32, %c0_i32_0 : i32, i32
  }
  func.func @transform_3(%arg0: i32) -> (i32, i32) {
    %c0_i32 = arith.constant 0 : i32
    %c0_i32_0 = arith.constant 0 : i32
    %c0_i32_1 = arith.constant 0 : i32
    return %c0_i32, %c0_i32_0 : i32, i32
  }
  func.func @transform_4(%arg0: i32) -> (i32, i32) {
    %c0_i32 = arith.constant 0 : i32
    %c0_i32_0 = arith.constant 0 : i32
    %c0_i32_1 = arith.constant 0 : i32
    return %c0_i32, %c0_i32_0 : i32, i32
  }
  func.func @transform_5(%arg0: i32) -> (i32, i32) {
    %c0_i32 = arith.constant 0 : i32
    %c0_i32_0 = arith.constant 0 : i32
    return %arg0, %c0_i32 : i32, i32
  }
  func.func @transform_6(%arg0: i32) -> (i32, i32) {
    %c0_i32 = arith.constant 0 : i32
    %c0_i32_0 = arith.constant 0 : i32
    return %arg0, %c0_i32 : i32, i32
  }
  func.func @transform_7(%arg0: i32) -> (i32, i32) {
    %c0_i32 = arith.constant 0 : i32
    %c0_i32_0 = arith.constant 0 : i32
    return %arg0, %c0_i32 : i32, i32
  }
  func.func @transform_8(%arg0: i32) -> (i32, i32) {
    %c0_i32 = arith.constant 0 : i32
    %c0_i32_0 = arith.constant 0 : i32
    %c0_i32_1 = arith.constant 0 : i32
    return %c0_i32, %c0_i32_0 : i32, i32
  }
  func.func @transform_9(%arg0: i32) -> (i32, i32) {
    %c0_i32 = arith.constant 0 : i32
    %c0_i32_0 = arith.constant 0 : i32
    %c0_i32_1 = arith.constant 0 : i32
    return %c0_i32, %c0_i32_0 : i32, i32
  }
}

module attributes {stable_mosaic.version = 14 : i64} {
  func.func @_t2a_body(%arg0: i32, %arg1: memref<1x1000x128xf32, #tpu.memory_space<vmem>>, %arg2: memref<1x1000x128xf32, #tpu.memory_space<vmem>>, %arg3: memref<1x1000x16xf32, #tpu.memory_space<vmem>>, %arg4: memref<1x1000x16xf32, #tpu.memory_space<vmem>>, %arg5: memref<16x128xf32, #tpu.memory_space<vmem>>, %arg6: memref<1000x128xf32, #tpu.memory_space<vmem>>, %arg7: memref<1x128xf32, #tpu.memory_space<vmem>>, %arg8: memref<1x128xf32, #tpu.memory_space<vmem>>) attributes {dimension_semantics = [#tpu.dimension_semantics<arbitrary>], iteration_bounds = array<i64: 10>, scalar_prefetch = 0 : i64, scratch_operands = 0 : i64, tpu.core_type = #tpu.core_type<tc>, window_params = [{transform_indices = @transform_0, window_bounds = array<i64: 1, 1000, 128>}, {transform_indices = @transform_1, window_bounds = array<i64: 1, 1000, 128>}, {transform_indices = @transform_2, window_bounds = array<i64: 1, 1000, 16>}, {transform_indices = @transform_3, window_bounds = array<i64: 1, 1000, 16>}, {pipeline_mode = #tpu.pipeline_mode<synchronous>, transform_indices = @transform_4, window_bounds = array<i64: 16, 128>}, {transform_indices = @transform_5, window_bounds = array<i64: 1000, 128>}, {pipeline_mode = #tpu.pipeline_mode<synchronous>, transform_indices = @transform_6, window_bounds = array<i64: 1, 128>}, {pipeline_mode = #tpu.pipeline_mode<synchronous>, transform_indices = @transform_7, window_bounds = array<i64: 1, 128>}]} {
    %get3A = arith.constant 0 : index
    %get3A_0 = arith.constant 0 : index
    %get3A_1 = arith.constant 0 : index
    %get3A_2 = vector.load %arg1[%get3A, %get3A_0, %get3A_1] : memref<1x1000x128xf32, #tpu.memory_space<vmem>>, vector<1x1000x128xf32>
    %get3A_3 = vector.shape_cast %get3A_2 : vector<1x1000x128xf32> to vector<1000x128xf32>
    %get3A_4 = arith.constant 0 : index
    %get3A_5 = arith.constant 0 : index
    %get3A_6 = arith.constant 0 : index
    %get3A_7 = vector.load %arg2[%get3A_4, %get3A_5, %get3A_6] : memref<1x1000x128xf32, #tpu.memory_space<vmem>>, vector<1x1000x128xf32>
    %get3A_8 = vector.shape_cast %get3A_7 : vector<1x1000x128xf32> to vector<1000x128xf32>
    %add3A = arith.addf %get3A_3, %get3A_8 : vector<1000x128xf32>
    %get3A_9 = arith.constant 0 : index
    %get3A_10 = arith.constant 0 : index
    %get3A_11 = arith.constant 0 : index
    %get3A_12 = vector.load %arg3[%get3A_9, %get3A_10, %get3A_11] : memref<1x1000x16xf32, #tpu.memory_space<vmem>>, vector<1x1000x16xf32>
    %get3A_13 = vector.shape_cast %get3A_12 : vector<1x1000x16xf32> to vector<1000x16xf32>
    %get3A_14 = arith.constant 0 : index
    %get3A_15 = arith.constant 0 : index
    %get3A_16 = arith.constant 0 : index
    %get3A_17 = vector.load %arg4[%get3A_14, %get3A_15, %get3A_16] : memref<1x1000x16xf32, #tpu.memory_space<vmem>>, vector<1x1000x16xf32>
    %get3A_18 = vector.shape_cast %get3A_17 : vector<1x1000x16xf32> to vector<1000x16xf32>
    %add3A_19 = arith.addf %get3A_13, %get3A_18 : vector<1000x16xf32>
    %get3A_20 = arith.constant 0 : index
    %get3A_21 = arith.constant 0 : index
    %get3A_22 = vector.load %arg5[%get3A_20, %get3A_21] : memref<16x128xf32, #tpu.memory_space<vmem>>, vector<16x128xf32>
    %dot_general3A = arith.constant dense<0.000000e+00> : vector<1000x128xf32>
    %dot_general3A_23 = tpu.matmul %add3A_19, %get3A_22, %dot_general3A {dimension_numbers = #tpu.dot_dimension_numbers<[1], [0], [0], [1], [0, 0, 1, 1], [], []>, transpose_lhs_hint = false} : vector<1000x16xf32>, vector<16x128xf32>, vector<1000x128xf32> -> vector<1000x128xf32>
    %add3A_24 = arith.constant 1.000000e-16 : f32
    %add3A_25 = vector.broadcast %add3A_24 : f32 to vector<1000x128xf32>
    %add3A_26 = arith.addf %dot_general3A_23, %add3A_25 : vector<1000x128xf32>
    %div3A = arith.divf %add3A, %add3A_26 : vector<1000x128xf32>
    %max3A = arith.constant 0.000000e+00 : f32
    %max3A_27 = vector.broadcast %max3A : f32 to vector<1000x128xf32>
    %max3A_28 = arith.maximumf %div3A, %max3A_27 : vector<1000x128xf32>
    %swap3A = arith.constant 0 : index
    %swap3A_29 = arith.constant 0 : index
    %swap3A_30 = vector.load %arg6[%swap3A, %swap3A_29] : memref<1000x128xf32, #tpu.memory_space<vmem>>, vector<1000x128xf32>
    tpu.vector_store %arg6[%swap3A, %swap3A_29], %max3A_28 {strides = array<i32>} : memref<1000x128xf32, #tpu.memory_space<vmem>>, vector<1000x128xf32>,
    %reduce_sum3A = arith.constant dense<0.000000e+00> : vector<128xf32>
    %reduce_sum3A_31 = vector.multi_reduction <add>, %max3A_28, %reduce_sum3A [0] : vector<1000x128xf32> to vector<128xf32>
    %broadcast_in_dim3A = vector.shape_cast %reduce_sum3A_31 : vector<128xf32> to vector<1x128xf32>
    %mul3A = arith.mulf %max3A_28, %max3A_28 : vector<1000x128xf32>
    %reduce_sum3A_32 = arith.constant dense<0.000000e+00> : vector<128xf32>
    %reduce_sum3A_33 = vector.multi_reduction <add>, %mul3A, %reduce_sum3A_32 [0] : vector<1000x128xf32> to vector<128xf32>
    %broadcast_in_dim3A_34 = vector.shape_cast %reduce_sum3A_33 : vector<128xf32> to vector<1x128xf32>
    %eq3A = arith.constant 0 : i32
    %eq3A_35 = arith.cmpi eq, %arg0, %eq3A : i32
    %convert_element_type3A = arith.extui %eq3A_35 : i1 to i32
    %cond3A = arith.constant 0 : i32
    %cond3A_36 = arith.cmpi ne, %convert_element_type3A, %cond3A : i32
    scf.if %cond3A_36 {
      %swap3A_41 = arith.constant 0 : index
      %swap3A_42 = arith.constant 0 : index
      %swap3A_43 = vector.load %arg7[%swap3A_41, %swap3A_42] : memref<1x128xf32, #tpu.memory_space<vmem>>, vector<1x128xf32>
      tpu.vector_store %arg7[%swap3A_41, %swap3A_42], %broadcast_in_dim3A {strides = array<i32>} : memref<1x128xf32, #tpu.memory_space<vmem>>, vector<1x128xf32>,
      %swap3A_44 = arith.constant 0 : index
      %swap3A_45 = arith.constant 0 : index
      %swap3A_46 = vector.load %arg8[%swap3A_44, %swap3A_45] : memref<1x128xf32, #tpu.memory_space<vmem>>, vector<1x128xf32>
      tpu.vector_store %arg8[%swap3A_44, %swap3A_45], %broadcast_in_dim3A_34 {strides = array<i32>} : memref<1x128xf32, #tpu.memory_space<vmem>>, vector<1x128xf32>,
    } else {
    }
    %ne3A = arith.constant 0 : i32
    %ne3A_37 = arith.cmpi ne, %arg0, %ne3A : i32
    %convert_element_type3A_38 = arith.extui %ne3A_37 : i1 to i32
    %cond3A_39 = arith.constant 0 : i32
    %cond3A_40 = arith.cmpi ne, %convert_element_type3A_38, %cond3A_39 : i32
    scf.if %cond3A_40 {
      %get3A_41 = arith.constant 0 : index
      %get3A_42 = arith.constant 0 : index
      %get3A_43 = vector.load %arg7[%get3A_41, %get3A_42] : memref<1x128xf32, #tpu.memory_space<vmem>>, vector<1x128xf32>
      %add3A_44 = arith.addf %get3A_43, %broadcast_in_dim3A : vector<1x128xf32>
      %swap3A_45 = arith.constant 0 : index
      %swap3A_46 = arith.constant 0 : index
      %swap3A_47 = vector.load %arg7[%swap3A_45, %swap3A_46] : memref<1x128xf32, #tpu.memory_space<vmem>>, vector<1x128xf32>
      tpu.vector_store %arg7[%swap3A_45, %swap3A_46], %add3A_44 {strides = array<i32>} : memref<1x128xf32, #tpu.memory_space<vmem>>, vector<1x128xf32>,
      %get3A_48 = arith.constant 0 : index
      %get3A_49 = arith.constant 0 : index
      %get3A_50 = vector.load %arg8[%get3A_48, %get3A_49] : memref<1x128xf32, #tpu.memory_space<vmem>>, vector<1x128xf32>
      %add3A_51 = arith.addf %get3A_50, %broadcast_in_dim3A_34 : vector<1x128xf32>
      %swap3A_52 = arith.constant 0 : index
      %swap3A_53 = arith.constant 0 : index
      %swap3A_54 = vector.load %arg8[%swap3A_52, %swap3A_53] : memref<1x128xf32, #tpu.memory_space<vmem>>, vector<1x128xf32>
      tpu.vector_store %arg8[%swap3A_52, %swap3A_53], %add3A_51 {strides = array<i32>} : memref<1x128xf32, #tpu.memory_space<vmem>>, vector<1x128xf32>,
    } else {
    }
    return
  }
  func.func @transform_0(%arg0: i32) -> (i32, i32, i32) {
    %c0_i32 = arith.constant 0 : i32
    %c0_i32_0 = arith.constant 0 : i32
    %c0_i32_1 = arith.constant 0 : i32
    return %c0_i32, %arg0, %c0_i32_0 : i32, i32, i32
  }
  func.func @transform_1(%arg0: i32) -> (i32, i32, i32) {
    %c1_i32 = arith.constant 1 : i32
    %c0_i32 = arith.constant 0 : i32
    %c0_i32_0 = arith.constant 0 : i32
    return %c1_i32, %arg0, %c0_i32 : i32, i32, i32
  }
  func.func @transform_2(%arg0: i32) -> (i32, i32, i32) {
    %c0_i32 = arith.constant 0 : i32
    %c0_i32_0 = arith.constant 0 : i32
    %c0_i32_1 = arith.constant 0 : i32
    return %c0_i32, %arg0, %c0_i32_0 : i32, i32, i32
  }
  func.func @transform_3(%arg0: i32) -> (i32, i32, i32) {
    %c1_i32 = arith.constant 1 : i32
    %c0_i32 = arith.constant 0 : i32
    %c0_i32_0 = arith.constant 0 : i32
    return %c1_i32, %arg0, %c0_i32 : i32, i32, i32
  }
  func.func @transform_4(%arg0: i32) -> (i32, i32) {
    %c0_i32 = arith.constant 0 : i32
    %c0_i32_0 = arith.constant 0 : i32
    %c0_i32_1 = arith.constant 0 : i32
    return %c0_i32, %c0_i32_0 : i32, i32
  }
  func.func @transform_5(%arg0: i32) -> (i32, i32) {
    %c0_i32 = arith.constant 0 : i32
    %c0_i32_0 = arith.constant 0 : i32
    return %arg0, %c0_i32 : i32, i32
  }
  func.func @transform_6(%arg0: i32) -> (i32, i32) {
    %c0_i32 = arith.constant 0 : i32
    %c0_i32_0 = arith.constant 0 : i32
    %c0_i32_1 = arith.constant 0 : i32
    return %c0_i32, %c0_i32_0 : i32, i32
  }
  func.func @transform_7(%arg0: i32) -> (i32, i32) {
    %c0_i32 = arith.constant 0 : i32
    %c0_i32_0 = arith.constant 0 : i32
    %c0_i32_1 = arith.constant 0 : i32
    return %c0_i32, %c0_i32_0 : i32, i32
  }
}

module attributes {stable_mosaic.version = 14 : i64} {
  func.func @_t2b_body(%arg0: i32, %arg1: memref<1000x128xf32, #tpu.memory_space<vmem>>, %arg2: memref<1x128xf32, #tpu.memory_space<vmem>>, %arg3: memref<1x128xf32, #tpu.memory_space<vmem>>, %arg4: memref<1000x128xf32, #tpu.memory_space<vmem>>) attributes {dimension_semantics = [#tpu.dimension_semantics<arbitrary>], iteration_bounds = array<i64: 10>, scalar_prefetch = 0 : i64, scratch_operands = 0 : i64, tpu.core_type = #tpu.core_type<tc>, window_params = [{transform_indices = @transform_0, window_bounds = array<i64: 1000, 128>}, {pipeline_mode = #tpu.pipeline_mode<synchronous>, transform_indices = @transform_1, window_bounds = array<i64: 1, 128>}, {pipeline_mode = #tpu.pipeline_mode<synchronous>, transform_indices = @transform_2, window_bounds = array<i64: 1, 128>}, {transform_indices = @transform_3, window_bounds = array<i64: 1000, 128>}]} {
    %get3A = arith.constant 0 : index
    %get3A_0 = arith.constant 0 : index
    %get3A_1 = vector.load %arg1[%get3A, %get3A_0] : memref<1000x128xf32, #tpu.memory_space<vmem>>, vector<1000x128xf32>
    %get3A_2 = arith.constant 0 : index
    %get3A_3 = arith.constant 0 : index
    %get3A_4 = vector.load %arg2[%get3A_2, %get3A_3] : memref<1x128xf32, #tpu.memory_space<vmem>>, vector<1x128xf32>
    %mul3A = vector.broadcast %get3A_4 : vector<1x128xf32> to vector<1000x128xf32>
    %mul3A_5 = arith.mulf %get3A_1, %mul3A : vector<1000x128xf32>
    %get3A_6 = arith.constant 0 : index
    %get3A_7 = arith.constant 0 : index
    %get3A_8 = vector.load %arg3[%get3A_6, %get3A_7] : memref<1x128xf32, #tpu.memory_space<vmem>>, vector<1x128xf32>
    %add3A = vector.broadcast %get3A_8 : vector<1x128xf32> to vector<1000x128xf32>
    %add3A_9 = arith.addf %mul3A_5, %add3A : vector<1000x128xf32>
    %swap3A = arith.constant 0 : index
    %swap3A_10 = arith.constant 0 : index
    %swap3A_11 = vector.load %arg4[%swap3A, %swap3A_10] : memref<1000x128xf32, #tpu.memory_space<vmem>>, vector<1000x128xf32>
    tpu.vector_store %arg4[%swap3A, %swap3A_10], %add3A_9 {strides = array<i32>} : memref<1000x128xf32, #tpu.memory_space<vmem>>, vector<1000x128xf32>,
    return
  }
  func.func @transform_0(%arg0: i32) -> (i32, i32) {
    %c0_i32 = arith.constant 0 : i32
    %c0_i32_0 = arith.constant 0 : i32
    return %arg0, %c0_i32 : i32, i32
  }
  func.func @transform_1(%arg0: i32) -> (i32, i32) {
    %c0_i32 = arith.constant 0 : i32
    %c0_i32_0 = arith.constant 0 : i32
    %c0_i32_1 = arith.constant 0 : i32
    return %c0_i32, %c0_i32_0 : i32, i32
  }
  func.func @transform_2(%arg0: i32) -> (i32, i32) {
    %c0_i32 = arith.constant 0 : i32
    %c0_i32_0 = arith.constant 0 : i32
    %c0_i32_1 = arith.constant 0 : i32
    return %c0_i32, %c0_i32_0 : i32, i32
  }
  func.func @transform_3(%arg0: i32) -> (i32, i32) {
    %c0_i32 = arith.constant 0 : i32
    %c0_i32_0 = arith.constant 0 : i32
    return %arg0, %c0_i32 : i32, i32
  }
}

</mosaic_0001>

<sc_bundles>
// kernel: kernel.10.cloned.1.call-start
scs
__scs_entry_jumppad:
0x0: {  	(pc) =	sbr.rel $0x88, $3  }
0x1: {  	(tag) =	ssettag $0x0;
	lr =	simm.s32 $0x1  }
0x2: {  	[smem:$0x3F92] =	sst lr;
	_ =	strace $0xD0000000  }
0x3: {  	_ = 	snop  }
0x4: {  	_ = 	snop  }
0x5: {  	_ = 	snop  }
0x6: {  	_ = 	snop  }
0x7: {  	_ = 	snop  }
__scs_overlays_trampoline_lowered:
0x8: {  	[smem:$0x3FA1] =	sst s0  }
0x9: {  	[smem:$0x3FA2] =	sst s1  }
0xa: {  	[smem:$0x3FA3] =	sst s2  }
0xb: {  	[smem:$0x3FA4] =	sst s3  }
0xc: {  	[smem:$0x3FA5] =	sst s4  }
0xd: {  	[smem:$0x3FA6] =	sst s5  }
0xe: {  	[smem:$0x3FA7] =	sst s6  }
0xf: {  	[smem:$0x3FA8] =	sst s7  }
0x10: {  	[smem:$0x3FA9] =	sst s8  }
0x11: {  	[smem:$0x3FAA] =	sst s9;
	s0 =	simm.s32 @!p0 $0x0  }
0x12: {  	s1 =	sld [smem:$0x3F90];
	s0 =	simm.s32 @p0 $0x1  }
0x13: {  	[smem:$0x3FAB] =	sst s0;
	s0 =	simm.s32 @!p1 $0x0  }
0x14: {  	s2 =	sld [smem:$0x3F8F];
	s0 =	simm.s32 @p1 $0x1  }
0x15: {  	[smem:$0x3FAC] =	sst s0;
	s0 =	simm.s32 @!p2 $0x0  }
0x16: {  	s3 =	sld [smem:$0x3FDB];
	s0 =	simm.s32 @p2 $0x1  }
0x17: {  	s4 =	simm.s32 $0x1BF5;
	[smem:$0x3FAE] =	sst s0  }
0x18: {  	s0 =	sld [smem:$0x3F91];
	_ =	swait.ge [sflag:s4], $0x0  }
0x19: {  	s7 =	sld [smem:$0x3F92]  }
0x1a: {  	s8 =	sadd.s32 $0xFFFFE003, lr  }
0x1b: {  	s9 =	sadd.s32 $0xFFFFFEF7, lr;
	s5 =	simm.s32 $0xFFFFFFFF;
	p2 =	slt.u32 s8, $0xFFFFF086  }
0x1c: {  	p1 =	slt.u32 s9, $0xF7A;
	s5 =	simm.s32 @!p2 $0x0  }
0x1d: {  	s5 =	simm.s32 @p1 $0x1;
	p0 =	seq.s32 s7, s2  }
0x1e: {  	s7 =	smul.u32 @!p0 $0xF7A, s2;
	p2 =	seq.s32 @!p0 s5, $0x0  }
0x1f: {  	s9 =	smul.u32 $0xF7A, s1;
	s8 =	simm.s32 @!p0 $0x1BF5;
	p2 =	por !p2, p0  }
0x20: {  	[sflag:s8] =	ssyncset.s32 @!p0 $0xFFFFF086;
	s6 =	sadd.s32 @!p0 s3, s7;
	s7 =	simm.s32 @!p0 $0x108  }
0x21: {  	s3 =	sadd.s32 s3, s9;
	s6 =	sadd.s32 @!p0 $0x88, s6;
	s7 =	simm.s32 @p2 $0x1082  }
0x22: {  	[simem:s7], [sflag:s8] =	dma.local @!p0 [hbm:s6], $0xF7A  }
0x23: {  	s9 =	sor.u32 $0xD0000000, s2;
	s6 =	simm.s32 $0x108;
	_ =	swait.ge @!p0 [sflag:s8], $0x0  }
0x24: {  	s3 =	sadd.s32 $0x88, s3;
	s6 =	simm.s32 @!p1 $0x1082;
	[sflag:s4] =	ssyncset.s32 $0xFFFFF086  }
0x25: {  	[simem:s6], [sflag:s4] =	dma.local [hbm:s3], $0xF7A  }
0x26: {  	[smem:$0x3F92] =	sst s1;
	(tag) =	ssettag s2;
	_ =	strace s9  }
0x27: {  	s1 =	sld [smem:$0x3FA2]  }
0x28: {  	s2 =	sld [smem:$0x3FA3]  }
0x29: {  	s4 =	sld [smem:$0x3FA5]  }
0x2a: {  	p0 =	seq.s32 s5, $0x0;
	s5 =	sld [smem:$0x3FA6]  }
0x2b: {  	s6 =	sld [smem:$0x3FA7]  }
0x2c: {  	s7 =	sld [smem:$0x3FA8]  }
0x2d: {  	s3 =	simm.s32 $0x108;
	s8 =	sld [smem:$0x3FA9]  }
0x2e: {  	s3 =	simm.s32 @!p0 $0x1082;
	s9 =	sld [smem:$0x3FAA]  }
0x2f: {  	lr =	sadd.s32 s0, s3;
	s0 =	sld [smem:$0x3FA1]  }
0x30: {  	s3 =	sld [smem:$0x3FA4]  }
0x31: {  	[smem:$0x3FAD] =	sst s10  }
0x32: {  	s10 =	sld [smem:$0x3FAB];
	_ =	sdelay $0x3  }
0x33: {  	p0 =	seq.s32 s10, $0x1;
	s10 =	sld [smem:$0x3FAD];
	_ =	sdelay $0x3  }
0x34: {  	[smem:$0x3FAD] =	sst s10  }
0x35: {  	s10 =	sld [smem:$0x3FAC];
	_ =	sdelay $0x3  }
0x36: {  	p1 =	seq.s32 s10, $0x1;
	s10 =	sld [smem:$0x3FAD];
	_ =	sdelay $0x3  }
0x37: {  	[smem:$0x3FAD] =	sst s10  }
0x38: {  	s10 =	sld [smem:$0x3FAE]  }
0x39: {  	_ = 	snop;
	(pc) =	sbr.ind lr, $3  }
0x3a: {  	_ = 	snop  }
0x3b: {  	_ = 	snop  }
0x3c: {  	p2 =	seq.s32 s10, $0x1;
	s10 =	sld [smem:$0x3FAD]  }
0x3d: {  	_ =	shalt  }
0x3e: {  	_ =	shalt  }
0x3f: {  	_ =	shalt  }
0x40: {  	_ =	shalt  }
0x41: {  	_ =	shalt  }
0x42: {  	_ =	shalt  }
0x43: {  	_ =	shalt  }
0x44: {  	_ =	shalt  }
0x45: {  	_ =	shalt  }
0x46: {  	_ =	shalt  }
0x47: {  	_ =	shalt  }
0x48: {  	_ =	shalt  }
0x49: {  	_ =	shalt  }
0x4a: {  	_ =	shalt  }
0x4b: {  	_ =	shalt  }
0x4c: {  	_ =	shalt  }
0x4d: {  	_ =	shalt  }
0x4e: {  	_ =	shalt  }
0x4f: {  	_ =	shalt  }
0x50: {  	_ =	shalt  }
0x51: {  	_ =	shalt  }
0x52: {  	_ =	shalt  }
0x53: {  	_ =	shalt  }
0x54: {  	_ =	shalt  }
0x55: {  	_ =	shalt  }
0x56: {  	_ =	shalt  }
0x57: {  	_ =	shalt  }
0x58: {  	_ =	shalt  }
0x59: {  	_ =	shalt  }
0x5a: {  	_ =	shalt  }
0x5b: {  	_ =	shalt  }
0x5c: {  	_ =	shalt  }
0x5d: {  	_ =	shalt  }
0x5e: {  	_ =	shalt  }
0x5f: {  	_ =	shalt  }
0x60: {  	_ =	shalt  }
0x61: {  	_ =	shalt  }
0x62: {  	_ =	shalt  }
0x63: {  	_ =	shalt  }
0x64: {  	_ =	shalt  }
0x65: {  	_ =	shalt  }
0x66: {  	_ =	shalt  }
0x67: {  	_ =	shalt  }
0x68: {  	_ =	shalt  }
0x69: {  	_ =	shalt  }
0x6a: {  	_ =	shalt  }
0x6b: {  	_ =	shalt  }
0x6c: {  	_ =	shalt  }
0x6d: {  	_ =	shalt  }
0x6e: {  	_ =	shalt  }
0x6f: {  	_ =	shalt  }
0x70: {  	_ =	shalt  }
0x71: {  	_ =	shalt  }
0x72: {  	_ =	shalt  }
0x73: {  	_ =	shalt  }
0x74: {  	_ =	shalt  }
0x75: {  	_ =	shalt  }
0x76: {  	_ =	shalt  }
0x77: {  	_ =	shalt  }
0x78: {  	_ =	shalt  }
0x79: {  	_ =	shalt  }
0x7a: {  	_ =	shalt  }
0x7b: {  	_ =	shalt  }
0x7c: {  	_ =	shalt  }
0x7d: {  	_ =	shalt  }
0x7e: {  	_ =	shalt  }
0x7f: {  	_ =	shalt  }
0x80: {  	_ =	shalt  }
0x81: {  	_ =	shalt  }
0x82: {  	_ =	shalt  }
0x83: {  	_ =	shalt  }
0x84: {  	_ =	shalt  }
0x85: {  	_ =	shalt  }
0x86: {  	_ =	shalt  }
0x87: {  	_ =	shalt  }
.Lfunc_end0:
.L_simem_size_0:
called_computation_lowered:
.L_overlay_start_0:
0x88: {  	s2 =	sld [smem:$0x3FD9]  }
0x89: {  	s3 =	sld [smem:$0x3FFE];
	_ =	sdelay $0x1  }
0x8a: {  	s1 =	srdreg.scid  }
0x8b: {  	s0 =	sand.u32 $0x1, s1  }
0x8c: {  	s17 =	sshll.u32 s0, $0xA;
	s2 =	sadd.s32 s3, s2  }
0x8d: {  	s2 =	sadd.s32 s2, s17  }
0x8e: {  	[smem:$0x3FB9] =	sst s2  }
0x8f: {  	_ = 	snop  }
0x90: {  	s2 =	sld [smem:$0x3FD0];
	(tm) =	ssettm $0x1  }
0x91: {  	s18 =	sld [smem:$0x3FFB];
	_ =	sdelay $0x3  }
0x92: {  	_ =	strace s18  }
0x93: {  	s3 =	sld [smem:$0x3FFC];
	_ =	sdelay $0x3  }
0x94: {  	_ =	strace s3  }
0x95: {  	s3 =	sld [smem:$0x3FFD];
	_ =	sdelay $0x3  }
0x96: {  	_ =	strace s3  }
0x97: {  	_ =	strace $0x8FFFFFFF  }
0x98: {  	s19 =	sld [smem:$0x3FDB];
	_ =	sdelay $0x1  }
0x99: {  	s4 =	simm.s32 $_scs_section_size  }
0x9a: {  	s5 =	simm.s32 $_size__tile_overlayer_lowered;
	s6 =	simm.s32 $_tile_overlayer_lowered  }
0x9b: {  	s22 =	simm.s32 $0x1BFF;
	s21 =	sshll.u32 s6, $0x1;
	s3 =	sadd.s32 s4, s19  }
0x9c: {  	s7 =	simm.s32 $0x0;
	s20 =	sshll.u32 s5, $0x1;
	s5 =	sadd.s32 s21, s3  }
0x9d: {  	[timem:s7], [sflag:s22] =	dma.local [hbm:s5], s20  }
0x9e: {  	_ =	swait.ge [sflag:s22], s20  }
0x9f: {  	s4 =	ssub.s32 $0x0, s20;
	[sflag:s22] =	ssyncset.done $0x0  }
0xa0: {  	[sflag:s22] =	ssyncadd.s32 s4;
	_ =	sdelay $0x1  }
0xa1: {  	s23 =	simm.s32 $0x1B8B  }
0xa2: {  	_ =	swait.ge [sflag:s23], $0x1  }
0xa3: {  	[sflag:s23] =	ssyncset.done $0x0  }
0xa4: {  	s25 =	simm.s32 $0x1B8E;
	s24 =	sld [smem:$0x3FFE];
	[sflag:s23] =	ssyncadd.s32 $0xFFFFFFFF  }
0xa5: {  	s26 =	simm.s32 $execute0_lowered;
	[smem:$0x3FD2] =	sst s25  }
0xa6: {  	s5 =	sshll.u32 s26, $0x1;
	_ =	strace $0x80000046;
	[dreg:$0x1] =	wrdreg $0xFFFFFFFF  }
0xa7: {  	s28 =	simm.s32 $_size_execute0_lowered;
	s3 =	sadd.s32 s3, s5;
	[dreg:$0x0] =	wrdreg $0x0  }
0xa8: {  	s5 =	sshll.u32 s28, $0x1;
	[dreg:$0x2] =	wrdreg s3  }
0xa9: {  	[dreg:$0x3] =	wrdreg s5  }
0xaa: {  	[dreg:$0x4] =	wrdreg $0xC0  }
0xab: {  	_ =	task [dreg:s7], $0x5FFFF  }
0xac: {  	[dreg:$0x1] =	wrdreg $0xFFFFFFFF  }
0xad: {  	[dreg:$0x0] =	wrdreg $0x60  }
0xae: {  	[dreg:$0x2] =	wrdreg s24  }
0xaf: {  	[dreg:$0x3] =	wrdreg s2  }
0xb0: {  	[dreg:$0x4] =	wrdreg $0x0  }
0xb1: {  	[dreg:$0x5] =	wrdreg $0x138C00  }
0xb2: {  	[dreg:$0x6] =	wrdreg $0x9  }
0xb3: {  	_ =	task.clear_ibuf [dreg:s7], $0x7FFFF;
	_ =	strace $0x90000046  }
0xb4: {  	s29 =	simm.s32 $0x9;
	_ =	strace $0x80000048  }
0xb5: {  	_ =	swait.ge [sflag:s29], $0x1  }
0xb6: {  	[sflag:s29] =	ssyncadd.s32 $0xFFFFFFFF  }
0xb7: {  	_ =	strace $0x90000048  }
0xb8: {  	_ =	sfence  }
0xb9: {  	s30 =	sld [smem:$0x0];
	_ =	sdelay $0x2  }
0xba: {  	s31 =	sshll.u32 s1, $0xD;
	s1 =	sshrl.u32 s1, $0x2  }
0xbb: {  	s3 =	sand.u32 $0x4000, s31;
	s1 =	sadd.s32 s1, s30  }
0xbc: {  	s0 =	sor.u32 s3, s0;
	s1 =	sshll.u32 s1, $0x11  }
0xbd: {  	s0 =	sor.u32 s1, s0  }
0xbe: {  	s0 =	sadd.s32 $0x8F2B, s0  }
0xbf: {  	[sflag:s0] =	ssyncadd.remote.s32 $0x1  }
0xc0: {  	_ =	sfence.sel $0xFFFF  }
0xc1: {  	[dreg:$0x0] =	wrdreg $0xFFFFFFFF;
	(pc) =	sbr.abs _section_cstart, $3  }
0xc2: {  	[dreg:$0x1] =	wrdreg $0xFFFFFFFF  }
0xc3: {  	_ =	task.clear_ibuf [dreg:s7], $0x2FFFF;
	_ =	strace $0x9FFFFFFF  }
0xc4: {  	(tm) =	ssettm $0x7FFFFFFF  }
0xc5: {  	_ =	shalt  }
tec
execute0_lowered:
.L_overlay_start_1:
0x0: {  	(tag) =	ssettag $0x1  }
0x1: {  	s0 =	rddreg [dreg:$0x0]  }
0x2: {  	s2 =	rddreg [dreg:$0x2]  }
0x3: {  	s3 =	rddreg [dreg:$0x3]  }
0x4: {  	s16 =	simm.s32 $0x0;
	s1 =	srdreg.scid;
	s20 =	stileid.u32  }
0x5: {  	s30 =	simm.s32 $0x9;
	s29 =	simm.s32 $0x188C0;
	s28 =	simm.s32 $0x1B0C0  }
0x6: {  	[smem:$0x7FF] =	sst s16;
	s6 =	sadd.s32 $0x79E00, s0;
	s1 =	sand.u32 $0x1, s1  }
0x7: {  	s7 =	sadd.s32 $0x4800, s0;
	s8 =	sadd.s32 $0xA1000, s0;
	s9 =	sadd.s32 $0x2BA00, s0  }
0x8: {  	s5 =	smul.u32 $0x2800, s20;
	s10 =	sadd.s32 $0x52C00, s0;
	s12 =	sadd.s32 $0xF9400, s0  }
0x9: {  	s21 =	sadd.s32 $0xEF400, s0;
	_ =	strace $0x80000047;
	[dreg:$0x6] =	wrdreg s12  }
0xa: {  	s11 =	sadd.s32 $0xC8200, s0;
	s22 =	sadd.s32 $0x10D400, s0;
	[dreg:$0x7] =	wrdreg s21  }
0xb: {  	s23 =	sadd.s32 $0x103400, s0;
	s24 =	sadd.s32 $0x117400, s0;
	[dreg:$0x8] =	wrdreg s22  }
0xc: {  	s25 =	sadd.s32 $0x117600, s0;
	s31 =	smul.u32 $0xA000, s20;
	[dreg:$0x9] =	wrdreg s23  }
0xd: {  	s14 =	sshll.u32 s20, $0x1;
	s4 =	smul.u32 $0x138800, s1;
	[dreg:$0xa] =	wrdreg s24  }
0xe: {  	[dreg:$0xb] =	wrdreg s25;
	s26 =	ssub.s32 $0x2, s1;
	s15 =	smul.u32 $0x28000, s1  }
0xf: {  	s1 =	sor.u32 s1, s14;
	s24 =	sadd.s32 $0x121600, s0;
	s13 =	sshrl.u32 s26, $0x1  }
0x10: {  	s19 =	smul.u32 $0xA, s1;
	[dreg:$0xc] =	wrdreg s24;
	s4 =	sadd.s32 s5, s4  }
0x11: {  	s12 =	ssub.s32 s26, s13;
	s14 =	sadd.s32 s5, s15;
	s15 =	sshrl.u32 s31, $0x2  }
0x12: {  	s4 =	sshrl.u32 s4, $0x3;
	s1 =	smax.u32 s12, $0x1;
	s12 =	sshll.u32 s20, $0xA  }
0x13: {  	s17 =	sadd.s32 s3, s15;
	s18 =	sadd.s32 $0xFFEC7800, s14;
	s26 =	sadd.s32 s15, s2  }
0x14: {  	s4 =	sadd.s32 s4, s0;
	[dreg:$0xd] =	wrdreg s1;
	s21 =	sadd.s32 s12, s2  }
.Ltmp0:
0x15: {  	s0 =	sadd.s32 s3, s12;
	[dreg:$0xe] =	wrdreg s18;
	(pc) =	sbr.rel .LBB2_1-.Ltmp0, $4  }
0x16: {  	v0 =	vimm.f32 $0.0e+00;
	vm0 =	vmmov $0xffff;
	s25 =	sadd.s32 $0xFFEC7800, s17;
	s17 =	simm.s32 $0x7;
	[dreg:$0x10] =	wrdreg s26  }
0x17: {  	v1 =	vimm.s32 $0x4;
	v2 =	vlaneseq.u32;
	v3 =	vimm.s32 $0x7;
	s18 =	simm.s32 $0x8;
	s23 =	sadd.s32 $0x12B600, s4;
	[dreg:$0xf] =	wrdreg s25  }
0x18: {  	v4 =	vimm.s32 $0x0;
	v5 =	vimm.s32 $0x1;
	v6 =	vimm.s32 $0x2;
	s22 =	sadd.s32 $0xFFEC7800, s0;
	s31 =	sadd.s32 $0x179800, s4;
	[dreg:$0x11] =	wrdreg s23  }
0x19: {  	v7 =	vimm.s32 $0x3;
	v8 =	vimm.s32 $0x5;
	v9 =	vimm.s32 $0x6;
	s4 =	simm.s32 $0x6;
	[dreg:$0x12] =	wrdreg s31;
	s23 =	simm.s32 $0x5  }
.LBB2_36:
0x1a: {  	s16 =	sadd.s32 $0x1, s16;
	s0 =	rddreg [dreg:$0xd]  }
0x1b: {  	p0 =	sne.s32 s16, s0  }
.Ltmp1:
0x1c: {  	_ = 	snop;
	(pc) =	sbr.rel @!p0 .LBB2_37-.Ltmp1, $2  }
0x1d: {  	_ =	sdelay $0x1  }
0x1e: {  	[bflag:$0x0] =	sbarrier.arrive $0xFFFF;
	_ =	sdelay $0x1  }
.LBB2_1:
0x1f: {  	[tilespmem:$0x1C940] =	vst v0  }
0x20: {  	[tilespmem:$0x1C950] =	vst v0  }
0x21: {  	[tilespmem:$0x1C960] =	vst v0  }
0x22: {  	[tilespmem:$0x1C970] =	vst v0  }
0x23: {  	[tilespmem:$0x1C980] =	vst v0  }
0x24: {  	[tilespmem:$0x1C990] =	vst v0  }
0x25: {  	[tilespmem:$0x1C9A0] =	vst v0  }
0x26: {  	[tilespmem:$0x1C9B0] =	vst v0  }
0x27: {  	[tilespmem:$0x1C9C0] =	vst v0  }
0x28: {  	[tilespmem:$0x1C9D0] =	vst v0  }
0x29: {  	[tilespmem:$0x1C9E0] =	vst v0  }
0x2a: {  	[tilespmem:$0x1C9F0] =	vst v0  }
0x2b: {  	[tilespmem:$0x1CA00] =	vst v0  }
0x2c: {  	[tilespmem:$0x1CA10] =	vst v0  }
0x2d: {  	[tilespmem:$0x1CA20] =	vst v0  }
0x2e: {  	[tilespmem:$0x1CA30] =	vst v0  }
0x2f: {  	[tilespmem:$0x1CA40] =	vst v0  }
0x30: {  	[tilespmem:$0x1CA50] =	vst v0  }
0x31: {  	[tilespmem:$0x1CA60] =	vst v0  }
0x32: {  	[tilespmem:$0x1CA70] =	vst v0  }
0x33: {  	[tilespmem:$0x1CA80] =	vst v0  }
0x34: {  	[tilespmem:$0x1CA90] =	vst v0  }
0x35: {  	[tilespmem:$0x1CAA0] =	vst v0  }
0x36: {  	[tilespmem:$0x1CAB0] =	vst v0  }
0x37: {  	[tilespmem:$0x1CAC0] =	vst v0  }
0x38: {  	[tilespmem:$0x1CAD0] =	vst v0  }
0x39: {  	[tilespmem:$0x1CAE0] =	vst v0  }
0x3a: {  	[tilespmem:$0x1CAF0] =	vst v0  }
0x3b: {  	[tilespmem:$0x1CB00] =	vst v0  }
0x3c: {  	[tilespmem:$0x1CB10] =	vst v0  }
0x3d: {  	[tilespmem:$0x1CB20] =	vst v0  }
0x3e: {  	[tilespmem:$0x1CB30] =	vst v0  }
0x3f: {  	[tilespmem:$0x1CB40] =	vst v0  }
0x40: {  	[tilespmem:$0x1CB50] =	vst v0  }
0x41: {  	[tilespmem:$0x1CB60] =	vst v0  }
0x42: {  	[tilespmem:$0x1CB70] =	vst v0  }
0x43: {  	[tilespmem:$0x1CB80] =	vst v0  }
0x44: {  	[tilespmem:$0x1CB90] =	vst v0  }
0x45: {  	[tilespmem:$0x1CBA0] =	vst v0  }
0x46: {  	[tilespmem:$0x1CBB0] =	vst v0  }
0x47: {  	[tilespmem:$0x1CBC0] =	vst v0  }
0x48: {  	[tilespmem:$0x1CBD0] =	vst v0  }
0x49: {  	[tilespmem:$0x1CBE0] =	vst v0  }
0x4a: {  	[tilespmem:$0x1CBF0] =	vst v0  }
0x4b: {  	[tilespmem:$0x1CC00] =	vst v0  }
0x4c: {  	[tilespmem:$0x1CC10] =	vst v0  }
0x4d: {  	[tilespmem:$0x1CC20] =	vst v0  }
0x4e: {  	[tilespmem:$0x1CC30] =	vst v0  }
0x4f: {  	[tilespmem:$0x1CC40] =	vst v0  }
0x50: {  	[tilespmem:$0x1CC50] =	vst v0  }
0x51: {  	[tilespmem:$0x1CC60] =	vst v0  }
0x52: {  	[tilespmem:$0x1CC70] =	vst v0  }
0x53: {  	[tilespmem:$0x1CC80] =	vst v0  }
0x54: {  	[tilespmem:$0x1CC90] =	vst v0  }
0x55: {  	[tilespmem:$0x1CCA0] =	vst v0  }
0x56: {  	[tilespmem:$0x1CCB0] =	vst v0  }
0x57: {  	[tilespmem:$0x1CCC0] =	vst v0  }
0x58: {  	[tilespmem:$0x1CCD0] =	vst v0  }
0x59: {  	[tilespmem:$0x1CCE0] =	vst v0  }
0x5a: {  	[tilespmem:$0x1CCF0] =	vst v0  }
0x5b: {  	[tilespmem:$0x1CD00] =	vst v0  }
0x5c: {  	[tilespmem:$0x1CD10] =	vst v0  }
0x5d: {  	[dreg:$0x5] =	wrdreg s16;
	p1 =	sgt.u32 s20, $0x4E1;
	[tilespmem:$0x1CD20] =	vst v0;
	s12 =	sadd.s32 $0xFFFFFB1E, s20  }
0x5e: {  	[tilespmem:$0x1CD30] =	vst v0;
	s0 =	simm.s32 @!p1 $0x1C940;
	s1 =	sadd.s32 @!p1 $0x0, s21;
	s5 =	simm.s32 @!p1 $0xA  }
0x5f: {  	[spmem:s1] =	stream.linear.scatter @!p1 [tilespmem:s0], [sflag:$0xA], $0x400, $0x38;
	[tilespmem:$0x1CD40] =	vst v63  }
0x60: {  	p0 =	sgt.u32 s12, $0x9F;
	_ =	swait.ge @!p1 [sflag:s5], $0x400  }
0x61: {  	s12 =	simm.s32 @!p0 $0x9;
	[sflag:s5] =	ssyncset.done @!p1 $0x0  }
0x62: {  	s0 =	sadd.s32 @!p0 $0x0, s22;
	s1 =	simm.s32 @!p0 $0x1C940;
	[sflag:s5] =	ssyncadd.s32 @!p1 $0xFFFFFC00  }
0x63: {  	[spmem:s0] =	stream.linear.scatter @!p0 [tilespmem:s1], [sflag:$0x9], $0x400, $0x38;
	[tilespmem:$0x1CD40] =	vst v63  }
0x64: {  	s5 =	simm.s32 $0x20000;
	_ =	swait.ge @!p0 [sflag:s12], $0x400  }
0x65: {  	s1 =	simm.s32 $0x10000;
	s0 =	sadd.s32 $0x10, s20;
	[sflag:s12] =	ssyncset.done @!p0 $0x0  }
.LBB2_2:
0x66: {  	p2 =	sgt.u32 s0, $0x4E1;
	[sflag:s12] =	ssyncadd.s32 @!p0 $0xFFFFFC00  }
0x67: {  	s13 =	smov.u32 s5;
	s5 =	sadd.s32 $0x10000, s5;
	s16 =	sadd.s32 $0xFFFFFB1E, s0  }
0x68: {  	p1 =	sne.s32 s5, $0x590000;
	s12 =	sshra.s32 @!p2 s1, $0x2;
	s14 =	simm.s32 @!p2 $0x1C940  }
0x69: {  	s15 =	simm.s32 @!p2 $0xA;
	p0 =	sgt.u32 s16, $0x9F;
	s12 =	sadd.s32 @!p2 s12, s21  }
0x6a: {  	[spmem:s12] =	stream.linear.scatter @!p2 [tilespmem:s14], [sflag:$0xA], $0x400, $0x38;
	[tilespmem:$0x1CD40] =	vst v63  }
0x6b: {  	s1 =	sshra.s32 @!p0 s1, $0x2;
	_ =	swait.ge @!p2 [sflag:s15], $0x400  }
.Ltmp2:
0x6c: {  	s12 =	simm.s32 @!p0 $0x9;
	[sflag:s15] =	ssyncset.done @!p2 $0x0;
	(pc) =	sbr.rel @p1 .LBB2_2-.Ltmp2, $4  }
0x6d: {  	s1 =	sadd.s32 @!p0 s1, s22;
	s14 =	simm.s32 @!p0 $0x1C940;
	[sflag:s15] =	ssyncadd.s32 @!p2 $0xFFFFFC00  }
0x6e: {  	[spmem:s1] =	stream.linear.scatter @!p0 [tilespmem:s14], [sflag:$0x9], $0x400, $0x38;
	[tilespmem:$0x1CD40] =	vst v63  }
0x6f: {  	s1 =	smov.u32 s13;
	_ =	swait.ge @!p0 [sflag:s12], $0x400  }
0x70: {  	s0 =	sadd.s32 $0x10, s0;
	[sflag:s12] =	ssyncset.done @!p0 $0x0  }
0x71: {  	p1 =	sgt.u32 s0, $0x4E1  }
0x72: {  	[sflag:s12] =	ssyncadd.s32 @!p0 $0xFFFFFC00;
	s25 =	sadd.s32 $0xFFFFFB1E, s0;
	s5 =	sshra.s32 @!p1 s1, $0x2  }
0x73: {  	s12 =	simm.s32 @!p1 $0x1C940;
	s13 =	simm.s32 @!p1 $0xA;
	s5 =	sadd.s32 @!p1 s5, s21  }
0x74: {  	[spmem:s5] =	stream.linear.scatter @!p1 [tilespmem:s12], [sflag:$0xA], $0x400, $0x38;
	[tilespmem:$0x1CD40] =	vst v63  }
0x75: {  	p0 =	sgt.u32 s25, $0x9F;
	_ =	swait.ge @!p1 [sflag:s13], $0x400  }
0x76: {  	s0 =	sshra.s32 @!p0 s1, $0x2;
	s1 =	simm.s32 @!p0 $0x9;
	[sflag:s13] =	ssyncset.done @!p1 $0x0  }
0x77: {  	s0 =	sadd.s32 @!p0 s0, s22;
	s5 =	simm.s32 @!p0 $0x1C940;
	[sflag:s13] =	ssyncadd.s32 @!p1 $0xFFFFFC00  }
0x78: {  	[spmem:s0] =	stream.linear.scatter @!p0 [tilespmem:s5], [sflag:$0x9], $0x400, $0x38;
	[tilespmem:$0x1CD40] =	vst v63  }
0x79: {  	_ =	swait.ge @!p0 [sflag:s1], $0x400  }
0x7a: {  	[sflag:s1] =	ssyncset.done @!p0 $0x0  }
0x7b: {  	[sflag:s1] =	ssyncadd.s32 @!p0 $0xFFFFFC00  }
0x7c: {  	s24 =	simm.s32 $0x0;
	s31 =	simm.s32 $0x1C8C0;
	s26 =	rddreg [dreg:$0x1]  }
0x7d: {  	[tilespmem:s31], [sflag:$0x9] =	stream.linear.gather [hbm4b:s26+s24], $0x80, $0x38;
	[tilespmem:$0x1CD40] =	vst v63  }
0x7e: {  	_ =	swait.ge [sflag:s30], $0x80  }
0x7f: {  	[sflag:s30] =	ssyncset.done $0x0  }
0x80: {  	[sflag:s30] =	ssyncadd.s32 $0xFFFFFF80  }
0x81: {  	s5 =	simm.s32 $0x0;
	v10 =	vld [tilespmem:$0x1C8C0];
	[bflag:$0x0] =	sbarrier.arrive $0xFFFF  }
.LBB2_4:
0x82: {  	s0 =	sadd.s32 s19, s5  }
0x83: {  	s1 =	rddreg [dreg:$0x6];
	s0 =	sshll.u32 s0, $0x7  }
0x84: {  	s12 =	simm.s32 $0x160C0;
	s1 =	sadd.s32 s1, s0  }
0x85: {  	[tilespmem:s12], [sflag:$0x9] =	stream.linear.gather [hbm4b:s1+s24], $0x400, $0x38;
	[tilespmem:$0x1CD40] =	vst v63  }
0x86: {  	_ =	swait.ge [sflag:s30], $0x400  }
0x87: {  	[sflag:s30] =	ssyncset.done $0x0;
	s15 =	rddreg [dreg:$0x7]  }
0x88: {  	s16 =	simm.s32 $0x164C0;
	[sflag:s30] =	ssyncadd.s32 $0xFFFFFC00;
	s0 =	sadd.s32 s15, s0  }
0x89: {  	[tilespmem:s16], [sflag:$0x9] =	stream.linear.gather [hbm4b:s0+s24], $0x400, $0x38;
	[tilespmem:$0x1CD40] =	vst v63  }
0x8a: {  	_ =	swait.ge [sflag:s30], $0x400  }
0x8b: {  	[sflag:s30] =	ssyncset.done $0x0  }
0x8c: {  	[sflag:s30] =	ssyncadd.s32 $0xFFFFFC00  }
0x8d: {  	v11 =	vld [tilespmem:$0x160C0];
	_ =	sdelay $0x1  }
0x8e: {  	v12 =	vld [tilespmem:$0x164C0];
	_ =	sdelay $0x4  }
0x8f: {  	s20 =	simm.s32 $0x168C0  }
0x90: {  	[tilespmem:s20], [sflag:$0x1] =	stream.indirect_vreg.gather [hbm4b:s8+s24], $0x80, v11, vm0, $0xb8;
	[tilespmem:$0x1CD40] =	vst v63  }
0x91: {  	_ = 	snop  }
0x92: {  	[tilespmem:s29], [sflag:$0x1] =	stream.indirect_vreg.gather [hbm4b:s9+s24], $0x80, v12, vm0, $0xb8;
	[tilespmem:$0x1CD40] =	vst v63  }
0x93: {  	s25 =	simm.s32 $0x1A8C0  }
0x94: {  	[tilespmem:s25], [sflag:$0x1] =	stream.indirect_vreg.gather [hbm4b:s6+s24], $0x80, v11, vm0, $0xb8;
	[tilespmem:$0x1CD40] =	vst v63  }
0x95: {  	v11 =	vld [tilespmem:$0x160D0];
	_ =	sdelay $0x1  }
0x96: {  	v12 =	vld [tilespmem:$0x164D0];
	_ =	sdelay $0x4  }
0x97: {  	s26 =	simm.s32 $0x170C0  }
0x98: {  	[tilespmem:s26], [sflag:$0x2] =	stream.indirect_vreg.gather [hbm4b:s8+s24], $0x80, v11, vm0, $0xb8;
	[tilespmem:$0x1CD40] =	vst v63  }
0x99: {  	s31 =	simm.s32 $0x190C0  }
0x9a: {  	[tilespmem:s31], [sflag:$0x2] =	stream.indirect_vreg.gather [hbm4b:s9+s24], $0x80, v12, vm0, $0xb8;
	[tilespmem:$0x1CD40] =	vst v63  }
0x9b: {  	s13 =	simm.s32 $0x0;
	s12 =	simm.s32 $0x0  }
0x9c: {  	[tilespmem:s28], [sflag:$0x2] =	stream.indirect_vreg.gather [hbm4b:s6+s24], $0x80, v11, vm0, $0xb8;
	[tilespmem:$0x1CD40] =	vst v63  }
.LBB2_5:
0x9d: {  	p0 =	sgt.u32 s13, $0x3D  }
0x9e: {  	s0 =	sadd.s32 $0x2, s13;
	p1 =	slt.u32 @!p0 s13, $0x2  }
0x9f: {  	s1 =	sand.u32 $0x3, s0;
	p1 =	por p1, p0  }
0xa0: {  	s14 =	sadd.s32 @!p1 $0x5, s1  }
0xa1: {  	_ =	swait.ge @!p1 [sflag:s14], $0x800  }
0xa2: {  	[sflag:s14] =	ssyncset.done @!p1 $0x0  }
0xa3: {  	[sflag:s14] =	ssyncadd.s32 @!p1 $0xFFFFF800  }
0xa4: {  	_ =	swait.ge @!p1 [sflag:s14], $0x800  }
0xa5: {  	[sflag:s14] =	ssyncset.done @!p1 $0x0  }
0xa6: {  	s0 =	sshll.u32 @!p0 s0, $0x4;
	[sflag:s14] =	ssyncadd.s32 @!p1 $0xFFFFF800  }
0xa7: {  	v11 =	vld @!p0 [tilespmem:s0+$0x160C0];
	_ =	sdelay $0x1  }
0xa8: {  	v12 =	vld @!p0 [tilespmem:s0+$0x164C0];
	_ =	sdelay $0x3  }
0xa9: {  	s0 =	sshll.u32 @!p0 s1, $0xB  }
0xaa: {  	vm1 =	vmmov @!p0 $0xffff;
	s15 =	simm.s32 @!p0 $0x0;
	s1 =	sadd.s32 @!p0 $0x1, s1;
	s14 =	sadd.s32 @!p0 $0x168C0, s0  }
0xab: {  	[tilespmem:s14], [sflag:s1] =	stream.indirect_vreg.gather @!p0 [hbm4b:s8+s15], $0x80, v11, vm1, $0xb8;
	[tilespmem:$0x1CD40] =	vst v63  }
0xac: {  	s14 =	sadd.s32 @!p0 $0x188C0, s0  }
0xad: {  	[tilespmem:s14], [sflag:s1] =	stream.indirect_vreg.gather @!p0 [hbm4b:s9+s15], $0x80, v12, vm1, $0xb8;
	[tilespmem:$0x1CD40] =	vst v63  }
0xae: {  	s0 =	sadd.s32 @!p0 $0x1A8C0, s0  }
0xaf: {  	[tilespmem:s0], [sflag:s1] =	stream.indirect_vreg.gather @!p0 [hbm4b:s6+s15], $0x80, v11, vm1, $0xb8;
	[tilespmem:$0x1CD40] =	vst v63  }
0xb0: {  	s14 =	sand.u32 $0x3, s13;
	s1 =	sshll.u32 s13, $0x4  }
0xb1: {  	s15 =	sadd.s32 $0x1, s14;
	s0 =	sand.u32 $0x3F0, s1  }
0xb2: {  	v11 =	vld [tilespmem:s0+$0x164C0];
	_ =	swait.ge [sflag:s15], $0x800  }
0xb3: {  	[sflag:s15] =	ssyncset.done $0x0  }
0xb4: {  	[sflag:s15] =	ssyncadd.s32 $0xFFFFF800  }
0xb5: {  	_ =	swait.ge [sflag:s15], $0x800  }
0xb6: {  	[sflag:s15] =	ssyncset.done $0x0  }
0xb7: {  	[sflag:s15] =	ssyncadd.s32 $0xFFFFF800  }
0xb8: {  	s16 =	sshll.u32 s12, $0xB;
	_ =	swait.ge [sflag:s15], $0x800  }
0xb9: {  	s25 =	sand.u32 $0x1800, s16;
	[sflag:s15] =	ssyncset.done $0x0  }
0xba: {  	s0 =	sadd.s32 $0x169C0, s25;
	[sflag:s15] =	ssyncadd.s32 $0xFFFFF800  }
0xbb: {  	v12 =	vld [tilespmem:s0+$0xFFFFFF00]  }
0xbc: {  	s16 =	sadd.s32 $0x189C0, s25;
	v13 =	vld [tilespmem:s0+$0x80]  }
0xbd: {  	[tilespmem:s16+$0xFFFFFF10] =	vst v0;
	v14 =	vld [tilespmem:s16+$0xFFFFFF00]  }
0xbe: {  	[tilespmem:s16+$0xFFFFFF50] =	vst v0;
	v15 =	vld [tilespmem:s16+$0xFFFFFF80]  }
0xbf: {  	[tilespmem:s16+$0xF0] =	vst v0;
	v16 =	vld [tilespmem:s0+$0xFFFFFF80]  }
0xc0: {  	[tilespmem:s16+$0xFFFFFF70] =	vst v0  }
0xc1: {  	[tilespmem:s16+$0xFFFFFF60] =	vst v0  }
0xc2: {  	[tilespmem:s16+$0xFFFFFF30] =	vst v0  }
0xc3: {  	[tilespmem:s16+$0xC0] =	vst v0;
	v14 =	vadd.f32 v14, v12  }
0xc4: {  	v17 =	vld [tilespmem:s16+$0x80];
	[tilespmem:s16+$0xFFFFFF40] =	vst v0;
	v15 =	vadd.f32 v15, v16  }
0xc5: {  	[tilespmem:s16+$0xE0] =	vst v0;
	v59 =	vmul.f32 $2.000000030e-01, v14  }
0xc6: {  	s20 =	simm.s32 $0x0;
	[tilespmem:s16+$0xD0] =	vst v0;
	vm1 =	vgt.f32 v14, $0.0e+00;
	v18 =	vmul.f32 $2.000000030e-01, v15  }
0xc7: {  	s26 =	simm.s32 $0x1;
	v61 =	vmov s20;
	[tilespmem:s16+$0xFFFFFF00] =	vst v0;
	v60 =	vld [tilespmem:s0+$0x0];
	v14 =	vsel vm1, v14, v59;
	vm1 =	vgt.f32 v15, $0.0e+00  }
0xc8: {  	v63 =	vmov s26;
	[tilespmem:s16+$0xFFFFFFE0] =	vst v0;
	v62 =	vld [tilespmem:s16+$0x0];
	v14 =	vsub.f32 v14, v10;
	v15 =	vsel vm1, v15, v18  }
0xc9: {  	v19 =	vperm.xlane v11, v61;
	[tilespmem:s16+$0xFFFFFFA0] =	vst v0;
	v13 =	vadd.f32 v17, v13;
	v15 =	vsub.f32 v15, v10  }
0xca: {  	s20 =	simm.s32 $0x3;
	v25 =	vshll.u32 v63, $0x7;
	v21 =	vperm.xlane v11, v63;
	[tilespmem:s16+$0xFFFFFFC0] =	vst v0;
	v14 =	vmul.f32 $1.442695020e+00, v14  }
0xcb: {  	v27 =	vmov s20;
	[tilespmem:s16+$0xFFFFFF90] =	vst v0;
	v20 =	vmul.f32 $2.000000030e-01, v13;
	v15 =	vmul.f32 $1.442695020e+00, v15  }
0xcc: {  	v28 =	vperm.xlane v11, v27;
	[tilespmem:s16+$0xFFFFFF80] =	vst v0;
	vm1 =	vgt.f32 v13, $0.0e+00;
	(erf) = vpow2.f32 v14  }
0xcd: {  	s15 =	sshll.u32 s14, $0xB;
	[tilespmem:s16+$0x50] =	vst v0;
	v13 =	vsel vm1, v13, v20;
	(erf) = vpow2.f32 v15;
	v15 =	vadd.f32 v62, v60  }
0xce: {  	v24 =	vshll.u32 v21, $0x4;
	[tilespmem:s16+$0x40] =	vst v0;
	v12 =	vmov s15;
	v13 =	vsub.f32 v13, v10  }
0xcf: {  	[tilespmem:s16+$0x30] =	vst v0;
	v17 =	vshll.u32 v61, $0x7;
	v14 =	vshll.u32 v19, $0x4;
	v26 =	vmul.f32 $2.000000030e-01, v15  }
0xd0: {  	[tilespmem:s16+$0x20] =	vst v0;
	v13 =	vmul.f32 $1.442695020e+00, v13;
	v14 =	vand.u32 $0x70, v14;
	vm1 =	vgt.f32 v15, $0.0e+00  }
0xd1: {  	[tilespmem:s16+$0x10] =	vst v0;
	v16 =	vand.u32 $0x70, v24;
	v14 =	vor.u32 v17, v14;
	v15 =	vsel vm1, v15, v26  }
0xd2: {  	[tilespmem:s16+$0xB0] =	vst v0;
	(erf) = vpow2.f32 v13;
	v14 =	vadd.s32 v14, v12;
	v13 =	vsub.f32 v15, v10  }
0xd3: {  	v29 =	vshll.u32 v28, $0x4;
	[tilespmem:s16+$0xFFFFFF20] =	vst v0;
	v16 =	vor.u32 v25, v16;
	v14 =	vadd.s32 v2, v14  }
0xd4: {  	s26 =	simm.s32 $0x2;
	v30 =	vshll.u32 v27, $0x7;
	[tilespmem:s16+$0xFFFFFFB0] =	vst v0;
	v16 =	vadd.s32 v16, v12;
	v17 =	vand.u32 $0x70, v29  }
0xd5: {  	[tilespmem:s16+$0xFFFFFFF0] =	vst v0;
	v16 =	vadd.s32 v2, v16;
	v17 =	vor.u32 v30, v17;
	v15 =	vmov s26  }
0xd6: {  	[tilespmem:s16+$0xFFFFFFD0] =	vst v0;
	v17 =	vadd.s32 v17, v12;
	v32 =	vperm.xlane v11, v15;
	v31 =	vmul.f32 $1.442695020e+00, v13;
	v13 =	vpop (erf)  }
0xd7: {  	[tilespmem:s16+$0xA0] =	vst v0;
	v17 =	vadd.s32 v2, v17;
	v15 =	vshll.u32 v15, $0x7;
	v33 =	vpop (erf)  }
0xd8: {  	s25 =	sadd.s32 $0x1A9C0, s25;
	v34 =	vshll.u32 v32, $0x4;
	(erf) = vpow2.f32 v31;
	[tilespmem:v14+s29+$0x0] =	vst.idx.msk $0xffff, v13;
	v22 =	vperm.xlane v33, v4  }
0xd9: {  	[tilespmem:s16+$0x90] =	vst v0;
	v35 =	vand.u32 $0x70, v34;
	v24 =	vperm.xlane v33, v5;
	v26 =	vperm.xlane v33, v6;
	v29 =	vld [tilespmem:s25+$0xFFFFFF00]  }
0xda: {  	[tilespmem:s16+$0x80] =	vst v0;
	v15 =	vor.u32 v15, v35;
	v28 =	vperm.xlane v33, v7;
	v42 =	vperm.xlane v33, v1;
	v57 =	vld [tilespmem:s25+$0xFFFFFF20]  }
0xdb: {  	[tilespmem:v16+s29+$0x0] =	vst.idx.msk $0xffff, v33;
	v45 =	vperm.xlane v33, v8;
	v47 =	vperm.xlane v33, v9;
	v62 =	vld [tilespmem:s25+$0xFFFFFF50]  }
0xdc: {  	[tilespmem:s16+$0x60] =	vst v0;
	v15 =	vadd.s32 v15, v12;
	v18 =	vperm.xlane v33, v3;
	v33 =	vperm.xlane v13, v4;
	v37 =	vld [tilespmem:s25+$0xFFFFFF80]  }
0xdd: {  	[tilespmem:s16+$0x70] =	vst v0;
	v35 =	vperm.xlane v13, v6;
	v36 =	vld [tilespmem:s25+$0xFFFFFF90];
	v15 =	vadd.s32 v2, v15  }
0xde: {  	[tilespmem:s16+$0x0] =	vst v0;
	v14 =	vpop (erf);
	v39 =	vld [tilespmem:s25+$0xFFFFFFB0];
	v20 =	vmul.f32 v29, v33  }
0xdf: {  	[tilespmem:v17+s29+$0x0] =	vst.idx.msk $0xffff, v14;
	v23 =	vld [tilespmem:s25+$0xFFFFFFD0];
	v21 =	vmul.f32 v57, v35  }
0xe0: {  	v41 =	vld [tilespmem:s25+$0xFFFFFFF0];
	[tilespmem:s25+$0xFFFFFF00] =	vst v20  }
0xe1: {  	v38 =	vld [tilespmem:s25+$0xFFFFFFA0];
	v16 =	vmul.f32 v37, v22;
	v27 =	vpop (erf);
	[tilespmem:s25+$0xFFFFFF20] =	vst v21  }
0xe2: {  	v63 =	vld [tilespmem:s25+$0xFFFFFF60];
	v19 =	vmul.f32 v36, v24;
	[tilespmem:v15+s29+$0x0] =	vst.idx.msk $0xffff, v27  }
0xe3: {  	v40 =	vld [tilespmem:s25+$0xFFFFFFC0];
	v44 =	vmul.f32 v39, v28;
	[tilespmem:s25+$0xFFFFFF80] =	vst v16  }
0xe4: {  	v25 =	vld [tilespmem:s25+$0xFFFFFFE0];
	v49 =	vmul.f32 v23, v45;
	[tilespmem:s25+$0xFFFFFF90] =	vst v19  }
0xe5: {  	v32 =	vld [tilespmem:s25+$0x80];
	v18 =	vmul.f32 v41, v18;
	v37 =	vperm.xlane v13, v8;
	[tilespmem:s25+$0xFFFFFFB0] =	vst v44  }
0xe6: {  	v34 =	vld [tilespmem:s25+$0x90];
	v15 =	vmul.f32 v38, v26;
	[tilespmem:s25+$0xFFFFFFD0] =	vst v49  }
0xe7: {  	v39 =	vperm.xlane v13, v9;
	[tilespmem:s25+$0xFFFFFFF0] =	vst v18;
	v41 =	vmul.f32 v62, v37;
	v43 =	vld [tilespmem:s25+$0x0]  }
0xe8: {  	v45 =	vperm.xlane v14, v5;
	v46 =	vld [tilespmem:s25+$0x10];
	[tilespmem:s25+$0xFFFFFFA0] =	vst v15;
	v15 =	vmul.f32 v40, v42  }
0xe9: {  	v50 =	vperm.xlane v27, v4;
	v44 =	vmul.f32 v63, v39;
	v48 =	vld [tilespmem:s25+$0x20];
	[tilespmem:s25+$0xFFFFFF50] =	vst v41  }
0xea: {  	v51 =	vld [tilespmem:s25+$0x30];
	v42 =	vperm.xlane v14, v4;
	[tilespmem:s25+$0xFFFFFFC0] =	vst v15;
	v15 =	vmul.f32 v25, v47  }
0xeb: {  	v53 =	vperm.xlane v27, v5;
	v16 =	vmul.f32 v34, v45;
	v52 =	vld [tilespmem:s25+$0x40];
	[tilespmem:s25+$0xFFFFFF60] =	vst v44  }
0xec: {  	v55 =	vld [tilespmem:s25+$0x50];
	v47 =	vmul.f32 v32, v42;
	[tilespmem:s25+$0xFFFFFFE0] =	vst v15;
	v15 =	vperm.xlane v27, v6  }
0xed: {  	v58 =	vperm.xlane v27, v7;
	v56 =	vld [tilespmem:s25+$0x60];
	[tilespmem:s25+$0x90] =	vst v16;
	v54 =	vmul.f32 v43, v50  }
0xee: {  	v59 =	vperm.xlane v27, v1;
	v60 =	vld [tilespmem:s25+$0x70];
	[tilespmem:s25+$0x80] =	vst v47;
	v15 =	vmul.f32 v48, v15  }
0xef: {  	v61 =	vperm.xlane v27, v8;
	v24 =	vmul.f32 v46, v53;
	[tilespmem:s25+$0x0] =	vst v54  }
0xf0: {  	v36 =	vld [tilespmem:s25+$0xA0];
	v30 =	vperm.xlane v27, v9;
	[tilespmem:s25+$0x20] =	vst v15;
	v15 =	vmul.f32 v52, v59  }
0xf1: {  	v38 =	vperm.xlane v27, v3;
	v40 =	vld [tilespmem:s25+$0xC0];
	v23 =	vmul.f32 v51, v58;
	[tilespmem:s25+$0x10] =	vst v24  }
0xf2: {  	v31 =	vmul.f32 v55, v61;
	v54 =	vld [tilespmem:s25+$0xFFFFFF30];
	[tilespmem:s25+$0x40] =	vst v15;
	v15 =	vmul.f32 v56, v30  }
0xf3: {  	v18 =	vmul.f32 v60, v38;
	v46 =	vld [tilespmem:s25+$0xE0];
	[tilespmem:s25+$0x30] =	vst v23;
	v48 =	vperm.xlane v14, v6  }
0xf4: {  	v51 =	vperm.xlane v14, v7;
	v52 =	vperm.xlane v14, v1;
	[tilespmem:s25+$0x60] =	vst v15;
	v15 =	vld [tilespmem:s25+$0xB0]  }
0xf5: {  	v50 =	vld [tilespmem:s25+$0xF0];
	v61 =	vperm.xlane v13, v7;
	[tilespmem:s25+$0x50] =	vst v31;
	v17 =	vmul.f32 v36, v48  }
0xf6: {  	v43 =	vld [tilespmem:s25+$0xD0];
	[tilespmem:s25+$0x70] =	vst v18;
	v55 =	vmul.f32 v40, v52;
	v56 =	vperm.xlane v14, v9  }
0xf7: {  	v57 =	vld [tilespmem:s25+$0xFFFFFF40];
	v53 =	vperm.xlane v14, v8;
	[tilespmem:s25+$0xA0] =	vst v17;
	v63 =	vmul.f32 v54, v61  }
0xf8: {  	v49 =	vld [tilespmem:s25+$0xFFFFFF10];
	v14 =	vperm.xlane v14, v3;
	[tilespmem:s25+$0xC0] =	vst v55;
	v59 =	vmul.f32 v46, v56  }
0xf9: {  	[tilespmem:s25+$0xFFFFFF30] =	vst v63;
	v15 =	vmul.f32 v15, v51  }
0xfa: {  	v62 =	vperm.xlane v13, v1;
	v60 =	vld [tilespmem:s25+$0xFFFFFF70];
	v14 =	vmul.f32 v50, v14;
	[tilespmem:s25+$0xE0] =	vst v59  }
0xfb: {  	v58 =	vperm.xlane v13, v5;
	[tilespmem:s25+$0xB0] =	vst v15;
	v15 =	vmul.f32 v43, v53  }
0xfc: {  	[tilespmem:s25+$0xF0] =	vst v14;
	v14 =	vmul.f32 v57, v62  }
0xfd: {  	v13 =	vperm.xlane v13, v3;
	[tilespmem:s25+$0xD0] =	vst v15;
	v15 =	vmul.f32 v49, v58  }
0xfe: {  	[tilespmem:s25+$0xFFFFFF40] =	vst v14  }
0xff: {  	s31 =	sadd.s32 $0x200, s16;
	s1 =	simm.s32 $0x4;
	s0 =	sadd.s32 $0x200, s0;
	v13 =	vmul.f32 v60, v13;
	[tilespmem:s25+$0xFFFFFF10] =	vst v15  }
.LBB2_6:
0x100: {  	s26 =	sadd.s32 $0x2, s1  }
0x101: {  	v14 =	vld [tilespmem:s0+$0xFFFFFF00];
	v15 =	vmov s1;
	[tilespmem:s25+$0xFFFFFF70] =	vst v13;
	s25 =	sadd.s32 $0x200, s25;
	s16 =	smov.u32 s1;
	s20 =	sadd.s32 $0x4, s1  }
0x102: {  	p0 =	slt.u32 s1, $0xC;
	v13 =	vperm.xlane v11, v15;
	v15 =	vshll.u32 v15, $0x7;
	[tilespmem:s31+$0xFFFFFF10] =	vst v0;
	v16 =	vmov s26;
	v17 =	vld [tilespmem:s31+$0x80]  }
0x103: {  	[tilespmem:s31+$0xFFFFFF50] =	vst v0;
	v18 =	vperm.xlane v11, v16;
	v19 =	vld [tilespmem:s0+$0x80]  }
0x104: {  	v20 =	vld [tilespmem:s31+$0xFFFFFF00];
	v13 =	vshll.u32 v13, $0x4;
	[tilespmem:s31+$0xF0] =	vst v0  }
0x105: {  	v13 =	vand.u32 $0x70, v13;
	[tilespmem:s31+$0xFFFFFF70] =	vst v0;
	v21 =	vld [tilespmem:s31+$0xFFFFFF80];
	v18 =	vshll.u32 v18, $0x4  }
0x106: {  	v16 =	vshll.u32 v16, $0x7;
	v13 =	vor.u32 v15, v13;
	[tilespmem:s31+$0xFFFFFF60] =	vst v0;
	v15 =	vld [tilespmem:s0+$0xFFFFFF80];
	v18 =	vand.u32 $0x70, v18  }
0x107: {  	[tilespmem:s31+$0xFFFFFF30] =	vst v0;
	v13 =	vadd.s32 v13, v12;
	v16 =	vor.u32 v16, v18  }
0x108: {  	v16 =	vadd.s32 v16, v12;
	[tilespmem:s31+$0xC0] =	vst v0  }
0x109: {  	v17 =	vadd.f32 v17, v19;
	v14 =	vadd.f32 v20, v14;
	[tilespmem:s31+$0xFFFFFF40] =	vst v0  }
0x10a: {  	[tilespmem:s31+$0xE0] =	vst v0  }
0x10b: {  	v19 =	vmul.f32 $2.000000030e-01, v17;
	v18 =	vmul.f32 $2.000000030e-01, v14;
	v15 =	vadd.f32 v21, v15;
	[tilespmem:s31+$0xD0] =	vst v0  }
0x10c: {  	vm2 =	vgt.f32 v17, $0.0e+00;
	vm1 =	vgt.f32 v14, $0.0e+00;
	[tilespmem:s31+$0xFFFFFF00] =	vst v0  }
0x10d: {  	s1 =	sadd.s32 $0x1, s16;
	v17 =	vsel vm2, v17, v19;
	v14 =	vsel vm1, v14, v18;
	v18 =	vmul.f32 $2.000000030e-01, v15;
	[tilespmem:s31+$0xFFFFFFE0] =	vst v0  }
0x10e: {  	v19 =	vmov s1;
	vm1 =	vgt.f32 v15, $0.0e+00;
	v17 =	vsub.f32 v17, v10;
	[tilespmem:s31+$0xFFFFFFA0] =	vst v0  }
0x10f: {  	s1 =	sadd.s32 $0x3, s16;
	v14 =	vsub.f32 v14, v10;
	v15 =	vsel vm1, v15, v18;
	v18 =	vperm.xlane v11, v19;
	[tilespmem:s31+$0xFFFFFFC0] =	vst v0;
	v20 =	vld [tilespmem:s0+$0x0]  }
0x110: {  	v22 =	vmov s1;
	v17 =	vmul.f32 $1.442695020e+00, v17;
	v15 =	vsub.f32 v15, v10;
	[tilespmem:s31+$0xFFFFFF90] =	vst v0;
	v21 =	vld [tilespmem:s31+$0x0]  }
0x111: {  	v23 =	vperm.xlane v11, v22;
	v22 =	vshll.u32 v22, $0x7;
	v18 =	vshll.u32 v18, $0x4;
	[tilespmem:s31+$0xFFFFFF80] =	vst v0  }
0x112: {  	v19 =	vshll.u32 v19, $0x7;
	v14 =	vmul.f32 $1.442695020e+00, v14;
	v18 =	vand.u32 $0x70, v18;
	[tilespmem:s31+$0x50] =	vst v0  }
0x113: {  	v15 =	vmul.f32 $1.442695020e+00, v15;
	v18 =	vor.u32 v19, v18;
	[tilespmem:s31+$0x40] =	vst v0;
	v19 =	vshll.u32 v23, $0x4  }
0x114: {  	v23 =	vadd.s32 v2, v13;
	v13 =	vadd.s32 v18, v12;
	[tilespmem:s31+$0x30] =	vst v0;
	(erf) = vpow2.f32 v14  }
0x115: {  	v14 =	vadd.s32 v2, v13;
	[tilespmem:s31+$0x20] =	vst v0;
	v13 =	vand.u32 $0x70, v19;
	(erf) = vpow2.f32 v15  }
0x116: {  	v16 =	vadd.s32 v2, v16;
	v15 =	vadd.f32 v21, v20;
	[tilespmem:s31+$0x10] =	vst v0;
	v13 =	vor.u32 v22, v13  }
0x117: {  	[tilespmem:s31+$0xB0] =	vst v0;
	v13 =	vadd.s32 v13, v12;
	(erf) = vpow2.f32 v17  }
0x118: {  	v17 =	vmul.f32 $2.000000030e-01, v15;
	[tilespmem:s31+$0xFFFFFF20] =	vst v0  }
0x119: {  	vm1 =	vgt.f32 v15, $0.0e+00;
	[tilespmem:s31+$0xA0] =	vst v0  }
0x11a: {  	v15 =	vsel vm1, v15, v17;
	[tilespmem:s31+$0x90] =	vst v0  }
0x11b: {  	v15 =	vsub.f32 v15, v10;
	[tilespmem:s31+$0x80] =	vst v0  }
0x11c: {  	v17 =	vadd.s32 v2, v13;
	[tilespmem:s31+$0xFFFFFFB0] =	vst v0  }
0x11d: {  	v15 =	vmul.f32 $1.442695020e+00, v15;
	[tilespmem:s31+$0xFFFFFFF0] =	vst v0;
	v13 =	vpop (erf)  }
0x11e: {  	[tilespmem:s31+$0xFFFFFFD0] =	vst v0;
	v18 =	vpop (erf)  }
0x11f: {  	[tilespmem:v14+s29+$0x0] =	vst.idx.msk $0xffff, v18;
	(erf) = vpow2.f32 v15  }
0x120: {  	[tilespmem:v23+s29+$0x0] =	vst.idx.msk $0xffff, v13;
	v15 =	vld [tilespmem:s25+$0xFFFFFF90];
	v14 =	vpop (erf)  }
0x121: {  	v19 =	vld [tilespmem:s25+$0xFFFFFF80];
	[tilespmem:v17+s29+$0x0] =	vst.idx.msk $0xffff, v14  }
0x122: {  	v17 =	vld [tilespmem:s25+$0xFFFFFFA0]  }
0x123: {  	v20 =	vld [tilespmem:s25+$0xFFFFFFB0]  }
0x124: {  	v21 =	vperm.xlane v18, v4;
	v22 =	vld [tilespmem:s25+$0xFFFFFFC0]  }
0x125: {  	v23 =	vperm.xlane v18, v6;
	v24 =	vld [tilespmem:s25+$0xFFFFFFD0];
	[tilespmem:s31+$0x60] =	vst v0  }
0x126: {  	v28 =	vperm.xlane v18, v5;
	v19 =	vmul.f32 v19, v21;
	v25 =	vld [tilespmem:s25+$0xFFFFFFE0];
	[tilespmem:s31+$0x70] =	vst v0  }
0x127: {  	v17 =	vmul.f32 v17, v23;
	v23 =	vperm.xlane v18, v7;
	v26 =	vld [tilespmem:s25+$0xFFFFFFF0];
	[tilespmem:s31+$0x0] =	vst v0  }
0x128: {  	v15 =	vmul.f32 v15, v28;
	v27 =	vld [tilespmem:s25+$0xFFFFFF00];
	[tilespmem:s25+$0xFFFFFF80] =	vst v19;
	v19 =	vperm.xlane v18, v1;
	v21 =	vpop (erf)  }
0x129: {  	v28 =	vld [tilespmem:s25+$0xFFFFFF20];
	[tilespmem:v16+s29+$0x0] =	vst.idx.msk $0xffff, v21;
	v16 =	vperm.xlane v21, v5;
	v29 =	vperm.xlane v21, v8  }
0x12a: {  	[tilespmem:s25+$0xFFFFFF90] =	vst v15;
	v15 =	vmul.f32 v20, v23;
	v20 =	vperm.xlane v18, v8;
	v23 =	vld [tilespmem:s25+$0x0]  }
0x12b: {  	[tilespmem:s25+$0xFFFFFFA0] =	vst v17;
	v17 =	vmul.f32 v22, v19;
	v19 =	vperm.xlane v18, v9;
	v22 =	vld [tilespmem:s25+$0x10]  }
0x12c: {  	v18 =	vperm.xlane v18, v3;
	[tilespmem:s25+$0xFFFFFFB0] =	vst v15;
	v15 =	vmul.f32 v24, v20;
	v20 =	vld [tilespmem:s25+$0x20]  }
0x12d: {  	[tilespmem:s25+$0xFFFFFFC0] =	vst v17;
	v17 =	vmul.f32 v25, v19;
	v19 =	vperm.xlane v21, v4;
	v24 =	vld [tilespmem:s25+$0x30]  }
0x12e: {  	[tilespmem:s25+$0xFFFFFFD0] =	vst v15;
	v15 =	vmul.f32 v26, v18;
	v18 =	vld [tilespmem:s25+$0x40]  }
0x12f: {  	[tilespmem:s25+$0xFFFFFFE0] =	vst v17;
	v17 =	vmul.f32 v23, v19;
	v19 =	vperm.xlane v21, v6;
	v23 =	vld [tilespmem:s25+$0x50]  }
0x130: {  	[tilespmem:s25+$0xFFFFFFF0] =	vst v15;
	v15 =	vmul.f32 v22, v16;
	v16 =	vperm.xlane v21, v7;
	v22 =	vld [tilespmem:s25+$0x60]  }
0x131: {  	[tilespmem:s25+$0x0] =	vst v17;
	v17 =	vmul.f32 v20, v19;
	v19 =	vperm.xlane v21, v1;
	v20 =	vld [tilespmem:s25+$0x70]  }
0x132: {  	v25 =	vld [tilespmem:s25+$0xFFFFFF50];
	[tilespmem:s25+$0x10] =	vst v15;
	v15 =	vmul.f32 v24, v16  }
0x133: {  	v16 =	vld [tilespmem:s25+$0xFFFFFF60];
	[tilespmem:s25+$0x20] =	vst v17;
	v17 =	vmul.f32 v18, v19;
	v18 =	vperm.xlane v21, v9  }
0x134: {  	v19 =	vperm.xlane v21, v3;
	[tilespmem:s25+$0x30] =	vst v15;
	v15 =	vmul.f32 v23, v29;
	v21 =	vld [tilespmem:s25+$0x80]  }
0x135: {  	v23 =	vperm.xlane v13, v4;
	[tilespmem:s25+$0x40] =	vst v17;
	v17 =	vmul.f32 v22, v18;
	v18 =	vld [tilespmem:s25+$0x90]  }
0x136: {  	v22 =	vperm.xlane v13, v6;
	[tilespmem:s25+$0x50] =	vst v15;
	v15 =	vmul.f32 v20, v19;
	v19 =	vld [tilespmem:s25+$0xA0]  }
0x137: {  	v20 =	vmul.f32 v27, v23;
	v23 =	vperm.xlane v13, v8;
	[tilespmem:s25+$0x60] =	vst v17;
	v17 =	vld [tilespmem:s25+$0xB0]  }
0x138: {  	v24 =	vperm.xlane v13, v9;
	v22 =	vmul.f32 v28, v22;
	[tilespmem:s25+$0x70] =	vst v15;
	v15 =	vld [tilespmem:s25+$0xC0]  }
0x139: {  	[tilespmem:s25+$0xFFFFFF00] =	vst v20;
	v20 =	vmul.f32 v25, v23;
	v23 =	vperm.xlane v14, v4;
	v25 =	vld [tilespmem:s25+$0xD0]  }
0x13a: {  	v16 =	vmul.f32 v16, v24;
	[tilespmem:s25+$0xFFFFFF20] =	vst v22;
	v22 =	vperm.xlane v14, v5;
	v24 =	vld [tilespmem:s25+$0xE0]  }
0x13b: {  	[tilespmem:s25+$0xFFFFFF50] =	vst v20;
	v20 =	vmul.f32 v21, v23;
	v21 =	vperm.xlane v14, v6;
	v23 =	vld [tilespmem:s25+$0xF0]  }
0x13c: {  	v26 =	vld [tilespmem:s25+$0xFFFFFF10];
	[tilespmem:s25+$0xFFFFFF60] =	vst v16;
	v16 =	vmul.f32 v18, v22;
	v18 =	vperm.xlane v14, v7  }
0x13d: {  	v22 =	vld [tilespmem:s25+$0xFFFFFF30];
	[tilespmem:s25+$0x80] =	vst v20;
	v19 =	vmul.f32 v19, v21;
	v20 =	vperm.xlane v14, v1  }
0x13e: {  	v21 =	vld [tilespmem:s25+$0xFFFFFF40];
	[tilespmem:s25+$0x90] =	vst v16;
	v16 =	vmul.f32 v17, v18;
	v17 =	vperm.xlane v14, v8  }
0x13f: {  	v18 =	vld [tilespmem:s25+$0xFFFFFF70];
	[tilespmem:s25+$0xA0] =	vst v19;
	v15 =	vmul.f32 v15, v20;
	v19 =	vperm.xlane v14, v9  }
0x140: {  	v14 =	vperm.xlane v14, v3;
	[tilespmem:s25+$0xB0] =	vst v16;
	v16 =	vmul.f32 v25, v17  }
0x141: {  	v17 =	vperm.xlane v13, v5;
	[tilespmem:s25+$0xC0] =	vst v15;
	v15 =	vmul.f32 v24, v19  }
0x142: {  	v19 =	vperm.xlane v13, v7;
	v14 =	vmul.f32 v23, v14;
	[tilespmem:s25+$0xD0] =	vst v16  }
.Ltmp3:
0x143: {  	v16 =	vmul.f32 v26, v17;
	v17 =	vperm.xlane v13, v1;
	[tilespmem:s25+$0xE0] =	vst v15;
	(pc) =	sbr.rel @p0 .LBB2_6-.Ltmp3, $4  }
0x144: {  	v13 =	vperm.xlane v13, v3;
	v15 =	vmul.f32 v22, v19;
	[tilespmem:s25+$0xF0] =	vst v14  }
0x145: {  	v14 =	vmul.f32 v21, v17;
	[tilespmem:s25+$0xFFFFFF10] =	vst v16  }
0x146: {  	v13 =	vmul.f32 v18, v13;
	[tilespmem:s25+$0xFFFFFF30] =	vst v15  }
0x147: {  	s1 =	smov.u32 s20;
	s0 =	sadd.s32 $0x200, s0;
	s31 =	sadd.s32 $0x200, s31;
	[tilespmem:s25+$0xFFFFFF40] =	vst v14  }
0x148: {  	s13 =	sadd.s32 $0x1, s13  }
0x149: {  	v12 =	vshrl.u32 v11, $0x3;
	p0 =	sne.s32 s13, $0x40  }
.Ltmp4:
0x14a: {  	_ = 	snop;
	(pc) =	sbr.rel @p0 .LBB2_5-.Ltmp4, $4  }
0x14b: {  	[tilespmem:s25+$0xFFFFFF70] =	vst v13;
	s0 =	sadd.s32 $0x1A8C0, s15;
	s1 =	sadd.s32 $0x5, s14  }
0x14c: {  	[spmem:s2] =	stream.indirect_vreg.scatter.add.f32 [tilespmem:s0], [sflag:s1], $0x80, v11, vm0, $0xb8;
	[tilespmem:$0x1CD40] =	vst v63  }
0x14d: {  	s31 =	sadd.s32 $0x188C0, s15;
	s12 =	sadd.s32 $0x1, s12  }
0x14e: {  	[spmem:s3] =	stream.indirect_vreg.scatter.add.f32 [tilespmem:s31], [sflag:s1], $0x80, v12, vm0, $0xb8;
	[tilespmem:$0x1CD40] =	vst v63  }
0x14f: {  	_ =	swait.ge [sflag:s23], $0x800  }
0x150: {  	[sflag:s23] =	ssyncset.done $0x0  }
0x151: {  	[sflag:s23] =	ssyncadd.s32 $0xFFFFF800  }
0x152: {  	_ =	swait.ge [sflag:s23], $0x800  }
0x153: {  	[sflag:s23] =	ssyncset.done $0x0  }
0x154: {  	[sflag:s23] =	ssyncadd.s32 $0xFFFFF800  }
0x155: {  	_ =	swait.ge [sflag:s4], $0x800  }
0x156: {  	[sflag:s4] =	ssyncset.done $0x0  }
0x157: {  	[sflag:s4] =	ssyncadd.s32 $0xFFFFF800  }
0x158: {  	_ =	swait.ge [sflag:s4], $0x800  }
0x159: {  	[sflag:s4] =	ssyncset.done $0x0  }
0x15a: {  	[sflag:s4] =	ssyncadd.s32 $0xFFFFF800  }
0x15b: {  	_ =	swait.ge [sflag:s17], $0x800  }
0x15c: {  	[sflag:s17] =	ssyncset.done $0x0  }
0x15d: {  	[sflag:s17] =	ssyncadd.s32 $0xFFFFF800  }
0x15e: {  	_ =	swait.ge [sflag:s17], $0x800  }
0x15f: {  	[sflag:s17] =	ssyncset.done $0x0  }
0x160: {  	s5 =	sadd.s32 $0x1, s5;
	[sflag:s17] =	ssyncadd.s32 $0xFFFFF800  }
0x161: {  	p0 =	sne.s32 s5, $0xA;
	_ =	swait.ge [sflag:s18], $0x800  }
.Ltmp5:
0x162: {  	[sflag:s18] =	ssyncset.done $0x0;
	(pc) =	sbr.rel @p0 .LBB2_4-.Ltmp5, $4  }
0x163: {  	[sflag:s18] =	ssyncadd.s32 $0xFFFFF800  }
0x164: {  	_ =	swait.ge [sflag:s18], $0x800  }
0x165: {  	[sflag:s18] =	ssyncset.done $0x0  }
0x166: {  	[sflag:s18] =	ssyncadd.s32 $0xFFFFF800  }
0x167: {  	[bflag:$0x0] =	sbarrier.arrive $0xFFFF  }
.Ltmp6:
0x168: {  	s1 =	rddreg [dreg:$0x11];
	(pc) =	sbr.rel .LBB2_10-.Ltmp6, $4  }
0x169: {  	s12 =	rddreg [dreg:$0xe]  }
0x16a: {  	s20 =	rddreg [dreg:$0xb]  }
0x16b: {  	s5 =	stileid.u32;
	s24 =	rddreg [dreg:$0xf]  }
0x16c: {  	s0 =	simm.s32 $0x0;
	s16 =	stileid.u32;
	s25 =	rddreg [dreg:$0x10]  }
.LBB2_11:
0x16d: {  	s13 =	sshra.s32 s0, $0x2  }
0x16e: {  	s14 =	sshll.u32 s16, $0x6;
	s13 =	sadd.s32 s13, s25  }
0x16f: {  	s14 =	sor.u32 $0x1C0A, s14;
	s13 =	sshrl.u32 s13, $0x3  }
0x170: {  	[hbm:s1], [sflag:s14] =	dma.local [spmem:s13], $0x500  }
0x171: {  	s13 =	simm.s32 $0xA  }
.LBB2_14:
0x172: {  	_ =	swait.ge [sflag:s13], $0x500  }
0x173: {  	[sflag:s13] =	ssyncset.done $0x0  }
0x174: {  	[sflag:s13] =	ssyncadd.s32 $0xFFFFFB00  }
.LBB2_15:
0x175: {  	s0 =	sadd.s32 $0xA0000, s0  }
0x176: {  	p0 =	sne.s32 s0, $0x5A0000  }
.Ltmp7:
0x177: {  	_ = 	snop;
	(pc) =	sbr.rel @!p0 .LBB2_16-.Ltmp7, $2  }
0x178: {  	_ =	sdelay $0x2  }
0x179: {  	s12 =	sadd.s32 $0x28000, s12;
	s5 =	sadd.s32 $0x10, s5;
	s1 =	sadd.s32 $0x5000, s1  }
.LBB2_10:
0x17a: {  	p0 =	sgt.u32 s5, $0x7C  }
.Ltmp8:
0x17b: {  	_ = 	snop;
	(pc) =	sbr.rel @!p0 .LBB2_11-.Ltmp8, $1  }
0x17c: {  	_ =	sdelay $0x3  }
0x17d: {  	p0 =	sgt.u32 s5, $0x8C  }
.Ltmp9:
0x17e: {  	_ = 	snop;
	(pc) =	sbr.rel @p0 .LBB2_15-.Ltmp9, $1  }
0x17f: {  	_ =	sdelay $0x3  }
.Ltmp10:
0x180: {  	s13 =	sshra.s32 s0, $0x2;
	(pc) =	sbr.rel .LBB2_14-.Ltmp10, $4  }
0x181: {  	s14 =	sshrl.u32 s12, $0x3;
	s15 =	sshll.u32 s16, $0x6;
	s13 =	sadd.s32 s13, s24  }
0x182: {  	s14 =	sadd.s32 s20, s14;
	s15 =	sor.u32 $0x1C09, s15;
	s13 =	sshrl.u32 s13, $0x3  }
0x183: {  	[hbm:s14], [sflag:s15] =	dma.local [spmem:s13], $0x500  }
0x184: {  	s13 =	simm.s32 $0x9  }
.LBB2_16:
.Ltmp11:
0x185: {  	(pc) =	sbr.rel .LBB2_17-.Ltmp11, $3  }
0x186: {  	_ =	sdelay $0x1  }
0x187: {  	[bflag:$0x0] =	sbarrier.arrive $0xFFFF  }
0x188: {  	s0 =	simm.s32 $0x0;
	s1 =	stileid.u32;
	s12 =	simm.s32 $0x1C940  }
.LBB2_18:
0x189: {  	s5 =	sshra.s32 s0, $0x2  }
0x18a: {  	s5 =	sadd.s32 s5, s21  }
0x18b: {  	[spmem:s5] =	stream.linear.scatter [tilespmem:s12], [sflag:$0xA], $0x400, $0x38;
	[tilespmem:$0x1CD40] =	vst v63  }
0x18c: {  	s5 =	simm.s32 $0xA  }
.LBB2_21:
0x18d: {  	_ =	swait.ge [sflag:s5], $0x400  }
0x18e: {  	[sflag:s5] =	ssyncset.done $0x0  }
0x18f: {  	[sflag:s5] =	ssyncadd.s32 $0xFFFFFC00  }
.LBB2_22:
0x190: {  	s0 =	sadd.s32 $0x10000, s0  }
0x191: {  	p0 =	sne.s32 s0, $0x590000  }
.Ltmp12:
0x192: {  	_ = 	snop;
	(pc) =	sbr.rel @!p0 .LBB2_23-.Ltmp12, $2  }
0x193: {  	_ =	sdelay $0x2  }
0x194: {  	s1 =	sadd.s32 $0x10, s1  }
.LBB2_17:
0x195: {  	p0 =	sgt.u32 s1, $0x4E1  }
.Ltmp13:
0x196: {  	_ = 	snop;
	(pc) =	sbr.rel @!p0 .LBB2_18-.Ltmp13, $1  }
0x197: {  	_ =	sdelay $0x3  }
0x198: {  	p0 =	sgt.u32 s1, $0x581  }
.Ltmp14:
0x199: {  	_ = 	snop;
	(pc) =	sbr.rel @p0 .LBB2_22-.Ltmp14, $1  }
0x19a: {  	_ =	sdelay $0x3  }
.Ltmp15:
0x19b: {  	(pc) =	sbr.rel .LBB2_21-.Ltmp15, $4  }
0x19c: {  	s5 =	sshra.s32 s0, $0x2  }
0x19d: {  	s5 =	sadd.s32 s5, s22  }
0x19e: {  	[spmem:s5] =	stream.linear.scatter [tilespmem:s12], [sflag:$0x9], $0x400, $0x38;
	[tilespmem:$0x1CD40] =	vst v63  }
0x19f: {  	s5 =	simm.s32 $0x9  }
.LBB2_23:
0x1a0: {  	s24 =	simm.s32 $0x0;
	s0 =	rddreg [dreg:$0xa];
	s1 =	simm.s32 $0x1C8C0  }
0x1a1: {  	[tilespmem:s1], [sflag:$0x9] =	stream.linear.gather [hbm4b:s0+s24], $0x80, $0x38;
	[tilespmem:$0x1CD40] =	vst v63  }
0x1a2: {  	_ =	swait.ge [sflag:s30], $0x80  }
0x1a3: {  	[sflag:s30] =	ssyncset.done $0x0  }
0x1a4: {  	[sflag:s30] =	ssyncadd.s32 $0xFFFFFF80  }
0x1a5: {  	s5 =	simm.s32 $0x0;
	v10 =	vld [tilespmem:$0x1C8C0];
	[bflag:$0x0] =	sbarrier.arrive $0xFFFF  }
.LBB2_24:
0x1a6: {  	s0 =	sadd.s32 s19, s5  }
0x1a7: {  	s1 =	rddreg [dreg:$0x8];
	s0 =	sshll.u32 s0, $0x7  }
0x1a8: {  	s12 =	simm.s32 $0x160C0;
	s1 =	sadd.s32 s1, s0  }
0x1a9: {  	[tilespmem:s12], [sflag:$0x9] =	stream.linear.gather [hbm4b:s1+s24], $0x400, $0x38;
	[tilespmem:$0x1CD40] =	vst v63  }
0x1aa: {  	_ =	swait.ge [sflag:s30], $0x400  }
0x1ab: {  	[sflag:s30] =	ssyncset.done $0x0;
	s15 =	rddreg [dreg:$0x9]  }
0x1ac: {  	s16 =	simm.s32 $0x164C0;
	[sflag:s30] =	ssyncadd.s32 $0xFFFFFC00;
	s0 =	sadd.s32 s15, s0  }
0x1ad: {  	[tilespmem:s16], [sflag:$0x9] =	stream.linear.gather [hbm4b:s0+s24], $0x400, $0x38;
	[tilespmem:$0x1CD40] =	vst v63  }
0x1ae: {  	_ =	swait.ge [sflag:s30], $0x400  }
0x1af: {  	[sflag:s30] =	ssyncset.done $0x0  }
0x1b0: {  	[sflag:s30] =	ssyncadd.s32 $0xFFFFFC00  }
0x1b1: {  	v11 =	vld [tilespmem:$0x160C0];
	_ =	sdelay $0x1  }
0x1b2: {  	v12 =	vld [tilespmem:$0x164C0];
	_ =	sdelay $0x4  }
0x1b3: {  	s20 =	simm.s32 $0x168C0  }
0x1b4: {  	[tilespmem:s20], [sflag:$0x1] =	stream.indirect_vreg.gather [hbm4b:s10+s24], $0x80, v11, vm0, $0xb8;
	[tilespmem:$0x1CD40] =	vst v63  }
0x1b5: {  	_ = 	snop  }
0x1b6: {  	[tilespmem:s29], [sflag:$0x1] =	stream.indirect_vreg.gather [hbm4b:s11+s24], $0x80, v12, vm0, $0xb8;
	[tilespmem:$0x1CD40] =	vst v63  }
0x1b7: {  	s25 =	simm.s32 $0x1A8C0  }
0x1b8: {  	[tilespmem:s25], [sflag:$0x1] =	stream.indirect_vreg.gather [hbm4b:s7+s24], $0x80, v11, vm0, $0xb8;
	[tilespmem:$0x1CD40] =	vst v63  }
0x1b9: {  	v11 =	vld [tilespmem:$0x160D0];
	_ =	sdelay $0x1  }
0x1ba: {  	v12 =	vld [tilespmem:$0x164D0];
	_ =	sdelay $0x4  }
0x1bb: {  	s26 =	simm.s32 $0x170C0  }
0x1bc: {  	[tilespmem:s26], [sflag:$0x2] =	stream.indirect_vreg.gather [hbm4b:s10+s24], $0x80, v11, vm0, $0xb8;
	[tilespmem:$0x1CD40] =	vst v63  }
0x1bd: {  	s31 =	simm.s32 $0x190C0  }
0x1be: {  	[tilespmem:s31], [sflag:$0x2] =	stream.indirect_vreg.gather [hbm4b:s11+s24], $0x80, v12, vm0, $0xb8;
	[tilespmem:$0x1CD40] =	vst v63  }
0x1bf: {  	s13 =	simm.s32 $0x0;
	s12 =	simm.s32 $0x0  }
0x1c0: {  	[tilespmem:s28], [sflag:$0x2] =	stream.indirect_vreg.gather [hbm4b:s7+s24], $0x80, v11, vm0, $0xb8;
	[tilespmem:$0x1CD40] =	vst v63  }
.LBB2_25:
0x1c1: {  	p0 =	sgt.u32 s13, $0x3D  }
0x1c2: {  	s0 =	sadd.s32 $0x2, s13;
	p1 =	slt.u32 @!p0 s13, $0x2  }
0x1c3: {  	s1 =	sand.u32 $0x3, s0;
	p1 =	por p1, p0  }
0x1c4: {  	s14 =	sadd.s32 @!p1 $0x5, s1  }
0x1c5: {  	_ =	swait.ge @!p1 [sflag:s14], $0x800  }
0x1c6: {  	[sflag:s14] =	ssyncset.done @!p1 $0x0  }
0x1c7: {  	[sflag:s14] =	ssyncadd.s32 @!p1 $0xFFFFF800  }
0x1c8: {  	_ =	swait.ge @!p1 [sflag:s14], $0x800  }
0x1c9: {  	[sflag:s14] =	ssyncset.done @!p1 $0x0  }
0x1ca: {  	s0 =	sshll.u32 @!p0 s0, $0x4;
	[sflag:s14] =	ssyncadd.s32 @!p1 $0xFFFFF800  }
0x1cb: {  	v11 =	vld @!p0 [tilespmem:s0+$0x160C0];
	_ =	sdelay $0x1  }
0x1cc: {  	v12 =	vld @!p0 [tilespmem:s0+$0x164C0];
	_ =	sdelay $0x3  }
0x1cd: {  	s0 =	sshll.u32 @!p0 s1, $0xB  }
0x1ce: {  	vm1 =	vmmov @!p0 $0xffff;
	s15 =	simm.s32 @!p0 $0x0;
	s1 =	sadd.s32 @!p0 $0x1, s1;
	s14 =	sadd.s32 @!p0 $0x168C0, s0  }
0x1cf: {  	[tilespmem:s14], [sflag:s1] =	stream.indirect_vreg.gather @!p0 [hbm4b:s10+s15], $0x80, v11, vm1, $0xb8;
	[tilespmem:$0x1CD40] =	vst v63  }
0x1d0: {  	s14 =	sadd.s32 @!p0 $0x188C0, s0  }
0x1d1: {  	[tilespmem:s14], [sflag:s1] =	stream.indirect_vreg.gather @!p0 [hbm4b:s11+s15], $0x80, v12, vm1, $0xb8;
	[tilespmem:$0x1CD40] =	vst v63  }
0x1d2: {  	s16 =	sshll.u32 s13, $0x4;
	s0 =	sadd.s32 @!p0 $0x1A8C0, s0;
	s14 =	sand.u32 $0x3, s13  }
0x1d3: {  	[tilespmem:s0], [sflag:s1] =	stream.indirect_vreg.gather @!p0 [hbm4b:s7+s15], $0x80, v11, vm1, $0xb8;
	[tilespmem:$0x1CD40] =	vst v63  }
0x1d4: {  	s20 =	sadd.s32 $0x1, s14;
	s0 =	sand.u32 $0x3F0, s16  }
0x1d5: {  	v11 =	vld [tilespmem:s0+$0x164C0];
	_ =	swait.ge [sflag:s20], $0x800  }
0x1d6: {  	[sflag:s20] =	ssyncset.done $0x0  }
0x1d7: {  	[sflag:s20] =	ssyncadd.s32 $0xFFFFF800  }
0x1d8: {  	_ =	swait.ge [sflag:s20], $0x800  }
0x1d9: {  	[sflag:s20] =	ssyncset.done $0x0  }
0x1da: {  	[sflag:s20] =	ssyncadd.s32 $0xFFFFF800  }
0x1db: {  	s25 =	sshll.u32 s12, $0xB;
	_ =	swait.ge [sflag:s20], $0x800  }
0x1dc: {  	s25 =	sand.u32 $0x1800, s25;
	[sflag:s20] =	ssyncset.done $0x0  }
0x1dd: {  	s0 =	sadd.s32 $0x169C0, s25;
	[sflag:s20] =	ssyncadd.s32 $0xFFFFF800  }
0x1de: {  	v12 =	vld [tilespmem:s0+$0xFFFFFF00]  }
0x1df: {  	s1 =	sadd.s32 $0x189C0, s25;
	v13 =	vld [tilespmem:s0+$0x80]  }
0x1e0: {  	[tilespmem:s1+$0xFFFFFF10] =	vst v0;
	v14 =	vld [tilespmem:s1+$0xFFFFFF00]  }
0x1e1: {  	[tilespmem:s1+$0xFFFFFF50] =	vst v0;
	v15 =	vld [tilespmem:s1+$0xFFFFFF80]  }
0x1e2: {  	[tilespmem:s1+$0xF0] =	vst v0;
	v16 =	vld [tilespmem:s0+$0xFFFFFF80]  }
0x1e3: {  	[tilespmem:s1+$0xFFFFFF70] =	vst v0  }
0x1e4: {  	[tilespmem:s1+$0xFFFFFF60] =	vst v0  }
0x1e5: {  	[tilespmem:s1+$0xFFFFFF30] =	vst v0  }
0x1e6: {  	[tilespmem:s1+$0xC0] =	vst v0;
	v14 =	vadd.f32 v14, v12  }
0x1e7: {  	v17 =	vld [tilespmem:s1+$0x80];
	[tilespmem:s1+$0xFFFFFF40] =	vst v0;
	v15 =	vadd.f32 v15, v16  }
0x1e8: {  	[tilespmem:s1+$0xE0] =	vst v0;
	v59 =	vmul.f32 $2.000000030e-01, v14  }
0x1e9: {  	s26 =	simm.s32 $0x1;
	[tilespmem:s1+$0xD0] =	vst v0;
	vm1 =	vgt.f32 v14, $0.0e+00;
	v18 =	vmul.f32 $2.000000030e-01, v15  }
0x1ea: {  	v63 =	vmov s26;
	s16 =	simm.s32 $0x0;
	[tilespmem:s1+$0xFFFFFF00] =	vst v0;
	v60 =	vld [tilespmem:s0+$0x0];
	v14 =	vsel vm1, v14, v59;
	vm1 =	vgt.f32 v15, $0.0e+00  }
0x1eb: {  	v61 =	vmov s16;
	[tilespmem:s1+$0xFFFFFFE0] =	vst v0;
	v62 =	vld [tilespmem:s1+$0x0];
	v14 =	vsub.f32 v14, v10;
	v15 =	vsel vm1, v15, v18  }
0x1ec: {  	v21 =	vperm.xlane v11, v63;
	[tilespmem:s1+$0xFFFFFFA0] =	vst v0;
	v13 =	vadd.f32 v17, v13;
	v15 =	vsub.f32 v15, v10  }
0x1ed: {  	v25 =	vshll.u32 v63, $0x7;
	v19 =	vperm.xlane v11, v61;
	[tilespmem:s1+$0xFFFFFFC0] =	vst v0;
	v14 =	vmul.f32 $1.442695020e+00, v14  }
0x1ee: {  	v24 =	vshll.u32 v21, $0x4;
	s20 =	simm.s32 $0x3;
	[tilespmem:s1+$0xFFFFFF90] =	vst v0;
	v20 =	vmul.f32 $2.000000030e-01, v13;
	v15 =	vmul.f32 $1.442695020e+00, v15  }
0x1ef: {  	[tilespmem:s1+$0xFFFFFF80] =	vst v0;
	v27 =	vmov s20;
	vm1 =	vgt.f32 v13, $0.0e+00;
	(erf) = vpow2.f32 v14  }
0x1f0: {  	s15 =	sshll.u32 s14, $0xB;
	[tilespmem:s1+$0x50] =	vst v0;
	v13 =	vsel vm1, v13, v20;
	(erf) = vpow2.f32 v15;
	v15 =	vadd.f32 v62, v60  }
0x1f1: {  	[tilespmem:s1+$0x40] =	vst v0;
	v28 =	vperm.xlane v11, v27;
	v12 =	vmov s15;
	v13 =	vsub.f32 v13, v10  }
0x1f2: {  	[tilespmem:s1+$0x30] =	vst v0;
	v17 =	vshll.u32 v61, $0x7;
	v14 =	vshll.u32 v19, $0x4;
	v26 =	vmul.f32 $2.000000030e-01, v15  }
0x1f3: {  	[tilespmem:s1+$0x20] =	vst v0;
	v13 =	vmul.f32 $1.442695020e+00, v13;
	v14 =	vand.u32 $0x70, v14;
	vm1 =	vgt.f32 v15, $0.0e+00  }
0x1f4: {  	[tilespmem:s1+$0x10] =	vst v0;
	v16 =	vand.u32 $0x70, v24;
	v14 =	vor.u32 v17, v14;
	v15 =	vsel vm1, v15, v26  }
0x1f5: {  	[tilespmem:s1+$0xB0] =	vst v0;
	(erf) = vpow2.f32 v13;
	v14 =	vadd.s32 v14, v12;
	v13 =	vsub.f32 v15, v10  }
0x1f6: {  	[tilespmem:s1+$0xFFFFFF20] =	vst v0;
	v29 =	vshll.u32 v28, $0x4;
	v16 =	vor.u32 v25, v16;
	v14 =	vadd.s32 v2, v14  }
0x1f7: {  	s26 =	simm.s32 $0x2;
	[tilespmem:s1+$0xFFFFFFB0] =	vst v0;
	v30 =	vshll.u32 v27, $0x7;
	v16 =	vadd.s32 v16, v12;
	v17 =	vand.u32 $0x70, v29  }
0x1f8: {  	[tilespmem:s1+$0xFFFFFFF0] =	vst v0;
	v16 =	vadd.s32 v2, v16;
	v17 =	vor.u32 v30, v17;
	v15 =	vmov s26  }
0x1f9: {  	[tilespmem:s1+$0xFFFFFFD0] =	vst v0;
	v17 =	vadd.s32 v17, v12;
	v32 =	vperm.xlane v11, v15;
	v31 =	vmul.f32 $1.442695020e+00, v13;
	v13 =	vpop (erf)  }
0x1fa: {  	[tilespmem:s1+$0xA0] =	vst v0;
	v17 =	vadd.s32 v2, v17;
	v15 =	vshll.u32 v15, $0x7;
	v33 =	vpop (erf)  }
0x1fb: {  	s25 =	sadd.s32 $0x1A9C0, s25;
	v34 =	vshll.u32 v32, $0x4;
	(erf) = vpow2.f32 v31;
	[tilespmem:v14+s29+$0x0] =	vst.idx.msk $0xffff, v13;
	v22 =	vperm.xlane v33, v4  }
0x1fc: {  	[tilespmem:s1+$0x90] =	vst v0;
	v35 =	vand.u32 $0x70, v34;
	v24 =	vperm.xlane v33, v5;
	v26 =	vperm.xlane v33, v6;
	v29 =	vld [tilespmem:s25+$0xFFFFFF00]  }
0x1fd: {  	[tilespmem:s1+$0x80] =	vst v0;
	v15 =	vor.u32 v15, v35;
	v28 =	vperm.xlane v33, v7;
	v42 =	vperm.xlane v33, v1;
	v57 =	vld [tilespmem:s25+$0xFFFFFF20]  }
0x1fe: {  	[tilespmem:v16+s29+$0x0] =	vst.idx.msk $0xffff, v33;
	v45 =	vperm.xlane v33, v8;
	v47 =	vperm.xlane v33, v9;
	v62 =	vld [tilespmem:s25+$0xFFFFFF50]  }
0x1ff: {  	[tilespmem:s1+$0x60] =	vst v0;
	v15 =	vadd.s32 v15, v12;
	v18 =	vperm.xlane v33, v3;
	v33 =	vperm.xlane v13, v4;
	v37 =	vld [tilespmem:s25+$0xFFFFFF80]  }
0x200: {  	[tilespmem:s1+$0x70] =	vst v0;
	v35 =	vperm.xlane v13, v6;
	v36 =	vld [tilespmem:s25+$0xFFFFFF90];
	v15 =	vadd.s32 v2, v15  }
0x201: {  	[tilespmem:s1+$0x0] =	vst v0;
	v14 =	vpop (erf);
	v39 =	vld [tilespmem:s25+$0xFFFFFFB0];
	v20 =	vmul.f32 v29, v33  }
0x202: {  	[tilespmem:v17+s29+$0x0] =	vst.idx.msk $0xffff, v14;
	v23 =	vld [tilespmem:s25+$0xFFFFFFD0];
	v21 =	vmul.f32 v57, v35  }
0x203: {  	v41 =	vld [tilespmem:s25+$0xFFFFFFF0];
	[tilespmem:s25+$0xFFFFFF00] =	vst v20  }
0x204: {  	v38 =	vld [tilespmem:s25+$0xFFFFFFA0];
	v16 =	vmul.f32 v37, v22;
	v27 =	vpop (erf);
	[tilespmem:s25+$0xFFFFFF20] =	vst v21  }
0x205: {  	v63 =	vld [tilespmem:s25+$0xFFFFFF60];
	v19 =	vmul.f32 v36, v24;
	[tilespmem:v15+s29+$0x0] =	vst.idx.msk $0xffff, v27  }
0x206: {  	v40 =	vld [tilespmem:s25+$0xFFFFFFC0];
	v44 =	vmul.f32 v39, v28;
	[tilespmem:s25+$0xFFFFFF80] =	vst v16  }
0x207: {  	v25 =	vld [tilespmem:s25+$0xFFFFFFE0];
	v49 =	vmul.f32 v23, v45;
	[tilespmem:s25+$0xFFFFFF90] =	vst v19  }
0x208: {  	v32 =	vld [tilespmem:s25+$0x80];
	v18 =	vmul.f32 v41, v18;
	v37 =	vperm.xlane v13, v8;
	[tilespmem:s25+$0xFFFFFFB0] =	vst v44  }
0x209: {  	v34 =	vld [tilespmem:s25+$0x90];
	v15 =	vmul.f32 v38, v26;
	[tilespmem:s25+$0xFFFFFFD0] =	vst v49  }
0x20a: {  	v39 =	vperm.xlane v13, v9;
	[tilespmem:s25+$0xFFFFFFF0] =	vst v18;
	v41 =	vmul.f32 v62, v37;
	v43 =	vld [tilespmem:s25+$0x0]  }
0x20b: {  	v45 =	vperm.xlane v14, v5;
	v46 =	vld [tilespmem:s25+$0x10];
	[tilespmem:s25+$0xFFFFFFA0] =	vst v15;
	v15 =	vmul.f32 v40, v42  }
0x20c: {  	v50 =	vperm.xlane v27, v4;
	v44 =	vmul.f32 v63, v39;
	v48 =	vld [tilespmem:s25+$0x20];
	[tilespmem:s25+$0xFFFFFF50] =	vst v41  }
0x20d: {  	v51 =	vld [tilespmem:s25+$0x30];
	v42 =	vperm.xlane v14, v4;
	[tilespmem:s25+$0xFFFFFFC0] =	vst v15;
	v15 =	vmul.f32 v25, v47  }
0x20e: {  	v53 =	vperm.xlane v27, v5;
	v16 =	vmul.f32 v34, v45;
	v52 =	vld [tilespmem:s25+$0x40];
	[tilespmem:s25+$0xFFFFFF60] =	vst v44  }
0x20f: {  	v55 =	vld [tilespmem:s25+$0x50];
	v47 =	vmul.f32 v32, v42;
	[tilespmem:s25+$0xFFFFFFE0] =	vst v15;
	v15 =	vperm.xlane v27, v6  }
0x210: {  	v58 =	vperm.xlane v27, v7;
	v56 =	vld [tilespmem:s25+$0x60];
	[tilespmem:s25+$0x90] =	vst v16;
	v54 =	vmul.f32 v43, v50  }
0x211: {  	v59 =	vperm.xlane v27, v1;
	v60 =	vld [tilespmem:s25+$0x70];
	[tilespmem:s25+$0x80] =	vst v47;
	v15 =	vmul.f32 v48, v15  }
0x212: {  	v61 =	vperm.xlane v27, v8;
	v24 =	vmul.f32 v46, v53;
	[tilespmem:s25+$0x0] =	vst v54  }
0x213: {  	v36 =	vld [tilespmem:s25+$0xA0];
	v30 =	vperm.xlane v27, v9;
	[tilespmem:s25+$0x20] =	vst v15;
	v15 =	vmul.f32 v52, v59  }
0x214: {  	v38 =	vperm.xlane v27, v3;
	v40 =	vld [tilespmem:s25+$0xC0];
	v23 =	vmul.f32 v51, v58;
	[tilespmem:s25+$0x10] =	vst v24  }
0x215: {  	v31 =	vmul.f32 v55, v61;
	v54 =	vld [tilespmem:s25+$0xFFFFFF30];
	[tilespmem:s25+$0x40] =	vst v15;
	v15 =	vmul.f32 v56, v30  }
0x216: {  	v18 =	vmul.f32 v60, v38;
	v46 =	vld [tilespmem:s25+$0xE0];
	[tilespmem:s25+$0x30] =	vst v23;
	v48 =	vperm.xlane v14, v6  }
0x217: {  	v51 =	vperm.xlane v14, v7;
	v52 =	vperm.xlane v14, v1;
	[tilespmem:s25+$0x60] =	vst v15;
	v15 =	vld [tilespmem:s25+$0xB0]  }
0x218: {  	v50 =	vld [tilespmem:s25+$0xF0];
	v61 =	vperm.xlane v13, v7;
	[tilespmem:s25+$0x50] =	vst v31;
	v17 =	vmul.f32 v36, v48  }
0x219: {  	v43 =	vld [tilespmem:s25+$0xD0];
	[tilespmem:s25+$0x70] =	vst v18;
	v55 =	vmul.f32 v40, v52;
	v56 =	vperm.xlane v14, v9  }
0x21a: {  	v57 =	vld [tilespmem:s25+$0xFFFFFF40];
	v53 =	vperm.xlane v14, v8;
	[tilespmem:s25+$0xA0] =	vst v17;
	v63 =	vmul.f32 v54, v61  }
0x21b: {  	v49 =	vld [tilespmem:s25+$0xFFFFFF10];
	v14 =	vperm.xlane v14, v3;
	[tilespmem:s25+$0xC0] =	vst v55;
	v59 =	vmul.f32 v46, v56  }
0x21c: {  	[tilespmem:s25+$0xFFFFFF30] =	vst v63;
	v15 =	vmul.f32 v15, v51  }
0x21d: {  	v62 =	vperm.xlane v13, v1;
	v60 =	vld [tilespmem:s25+$0xFFFFFF70];
	v14 =	vmul.f32 v50, v14;
	[tilespmem:s25+$0xE0] =	vst v59  }
0x21e: {  	v58 =	vperm.xlane v13, v5;
	[tilespmem:s25+$0xB0] =	vst v15;
	v15 =	vmul.f32 v43, v53  }
0x21f: {  	[tilespmem:s25+$0xF0] =	vst v14;
	v14 =	vmul.f32 v57, v62  }
0x220: {  	v13 =	vperm.xlane v13, v3;
	[tilespmem:s25+$0xD0] =	vst v15;
	v15 =	vmul.f32 v49, v58  }
0x221: {  	[tilespmem:s25+$0xFFFFFF40] =	vst v14  }
0x222: {  	s31 =	sadd.s32 $0x200, s1;
	s20 =	simm.s32 $0x4;
	s0 =	sadd.s32 $0x200, s0;
	v13 =	vmul.f32 v60, v13;
	[tilespmem:s25+$0xFFFFFF10] =	vst v15  }
.LBB2_26:
0x223: {  	s26 =	sadd.s32 $0x2, s20  }
0x224: {  	v14 =	vld [tilespmem:s0+$0xFFFFFF00];
	v15 =	vmov s20;
	[tilespmem:s25+$0xFFFFFF70] =	vst v13;
	s25 =	sadd.s32 $0x200, s25;
	s16 =	smov.u32 s20;
	s1 =	sadd.s32 $0x4, s20  }
0x225: {  	p0 =	slt.u32 s20, $0xC;
	v13 =	vperm.xlane v11, v15;
	v15 =	vshll.u32 v15, $0x7;
	[tilespmem:s31+$0xFFFFFF10] =	vst v0;
	v16 =	vmov s26;
	v17 =	vld [tilespmem:s31+$0x80]  }
0x226: {  	[tilespmem:s31+$0xFFFFFF50] =	vst v0;
	v18 =	vperm.xlane v11, v16;
	v19 =	vld [tilespmem:s0+$0x80]  }
0x227: {  	v20 =	vld [tilespmem:s31+$0xFFFFFF00];
	v13 =	vshll.u32 v13, $0x4;
	[tilespmem:s31+$0xF0] =	vst v0  }
0x228: {  	v13 =	vand.u32 $0x70, v13;
	[tilespmem:s31+$0xFFFFFF70] =	vst v0;
	v21 =	vld [tilespmem:s31+$0xFFFFFF80];
	v18 =	vshll.u32 v18, $0x4  }
0x229: {  	v16 =	vshll.u32 v16, $0x7;
	v13 =	vor.u32 v15, v13;
	[tilespmem:s31+$0xFFFFFF60] =	vst v0;
	v15 =	vld [tilespmem:s0+$0xFFFFFF80];
	v18 =	vand.u32 $0x70, v18  }
0x22a: {  	[tilespmem:s31+$0xFFFFFF30] =	vst v0;
	v13 =	vadd.s32 v13, v12;
	v16 =	vor.u32 v16, v18  }
0x22b: {  	v16 =	vadd.s32 v16, v12;
	[tilespmem:s31+$0xC0] =	vst v0  }
0x22c: {  	v17 =	vadd.f32 v17, v19;
	v14 =	vadd.f32 v20, v14;
	[tilespmem:s31+$0xFFFFFF40] =	vst v0  }
0x22d: {  	[tilespmem:s31+$0xE0] =	vst v0  }
0x22e: {  	v19 =	vmul.f32 $2.000000030e-01, v17;
	v18 =	vmul.f32 $2.000000030e-01, v14;
	v15 =	vadd.f32 v21, v15;
	[tilespmem:s31+$0xD0] =	vst v0  }
0x22f: {  	vm2 =	vgt.f32 v17, $0.0e+00;
	vm1 =	vgt.f32 v14, $0.0e+00;
	[tilespmem:s31+$0xFFFFFF00] =	vst v0  }
0x230: {  	s20 =	sadd.s32 $0x1, s16;
	v17 =	vsel vm2, v17, v19;
	v14 =	vsel vm1, v14, v18;
	v18 =	vmul.f32 $2.000000030e-01, v15;
	[tilespmem:s31+$0xFFFFFFE0] =	vst v0  }
0x231: {  	v19 =	vmov s20;
	vm1 =	vgt.f32 v15, $0.0e+00;
	v17 =	vsub.f32 v17, v10;
	[tilespmem:s31+$0xFFFFFFA0] =	vst v0  }
0x232: {  	s16 =	sadd.s32 $0x3, s16;
	v14 =	vsub.f32 v14, v10;
	v15 =	vsel vm1, v15, v18;
	v18 =	vperm.xlane v11, v19;
	[tilespmem:s31+$0xFFFFFFC0] =	vst v0;
	v20 =	vld [tilespmem:s0+$0x0]  }
0x233: {  	v22 =	vmov s16;
	v17 =	vmul.f32 $1.442695020e+00, v17;
	v15 =	vsub.f32 v15, v10;
	[tilespmem:s31+$0xFFFFFF90] =	vst v0;
	v21 =	vld [tilespmem:s31+$0x0]  }
0x234: {  	v23 =	vperm.xlane v11, v22;
	v22 =	vshll.u32 v22, $0x7;
	v18 =	vshll.u32 v18, $0x4;
	[tilespmem:s31+$0xFFFFFF80] =	vst v0  }
0x235: {  	v19 =	vshll.u32 v19, $0x7;
	v14 =	vmul.f32 $1.442695020e+00, v14;
	v18 =	vand.u32 $0x70, v18;
	[tilespmem:s31+$0x50] =	vst v0  }
0x236: {  	v15 =	vmul.f32 $1.442695020e+00, v15;
	v18 =	vor.u32 v19, v18;
	[tilespmem:s31+$0x40] =	vst v0;
	v19 =	vshll.u32 v23, $0x4  }
0x237: {  	v23 =	vadd.s32 v2, v13;
	v13 =	vadd.s32 v18, v12;
	[tilespmem:s31+$0x30] =	vst v0;
	(erf) = vpow2.f32 v14  }
0x238: {  	v14 =	vadd.s32 v2, v13;
	[tilespmem:s31+$0x20] =	vst v0;
	v13 =	vand.u32 $0x70, v19;
	(erf) = vpow2.f32 v15  }
0x239: {  	v16 =	vadd.s32 v2, v16;
	v15 =	vadd.f32 v21, v20;
	[tilespmem:s31+$0x10] =	vst v0;
	v13 =	vor.u32 v22, v13  }
0x23a: {  	[tilespmem:s31+$0xB0] =	vst v0;
	v13 =	vadd.s32 v13, v12;
	(erf) = vpow2.f32 v17  }
0x23b: {  	v17 =	vmul.f32 $2.000000030e-01, v15;
	[tilespmem:s31+$0xFFFFFF20] =	vst v0  }
0x23c: {  	vm1 =	vgt.f32 v15, $0.0e+00;
	[tilespmem:s31+$0xA0] =	vst v0  }
0x23d: {  	v15 =	vsel vm1, v15, v17;
	[tilespmem:s31+$0x90] =	vst v0  }
0x23e: {  	v15 =	vsub.f32 v15, v10;
	[tilespmem:s31+$0x80] =	vst v0  }
0x23f: {  	v17 =	vadd.s32 v2, v13;
	[tilespmem:s31+$0xFFFFFFB0] =	vst v0  }
0x240: {  	v15 =	vmul.f32 $1.442695020e+00, v15;
	[tilespmem:s31+$0xFFFFFFF0] =	vst v0;
	v13 =	vpop (erf)  }
0x241: {  	[tilespmem:s31+$0xFFFFFFD0] =	vst v0;
	v18 =	vpop (erf)  }
0x242: {  	[tilespmem:v14+s29+$0x0] =	vst.idx.msk $0xffff, v18;
	(erf) = vpow2.f32 v15  }
0x243: {  	[tilespmem:v23+s29+$0x0] =	vst.idx.msk $0xffff, v13;
	v15 =	vld [tilespmem:s25+$0xFFFFFF90];
	v14 =	vpop (erf)  }
0x244: {  	v19 =	vld [tilespmem:s25+$0xFFFFFF80];
	[tilespmem:v17+s29+$0x0] =	vst.idx.msk $0xffff, v14  }
0x245: {  	v17 =	vld [tilespmem:s25+$0xFFFFFFA0]  }
0x246: {  	v20 =	vld [tilespmem:s25+$0xFFFFFFB0]  }
0x247: {  	v21 =	vperm.xlane v18, v4;
	v22 =	vld [tilespmem:s25+$0xFFFFFFC0]  }
0x248: {  	v23 =	vperm.xlane v18, v6;
	v24 =	vld [tilespmem:s25+$0xFFFFFFD0];
	[tilespmem:s31+$0x60] =	vst v0  }
0x249: {  	v28 =	vperm.xlane v18, v5;
	v19 =	vmul.f32 v19, v21;
	v25 =	vld [tilespmem:s25+$0xFFFFFFE0];
	[tilespmem:s31+$0x70] =	vst v0  }
0x24a: {  	v17 =	vmul.f32 v17, v23;
	v23 =	vperm.xlane v18, v7;
	v26 =	vld [tilespmem:s25+$0xFFFFFFF0];
	[tilespmem:s31+$0x0] =	vst v0  }
0x24b: {  	v15 =	vmul.f32 v15, v28;
	v27 =	vld [tilespmem:s25+$0xFFFFFF00];
	[tilespmem:s25+$0xFFFFFF80] =	vst v19;
	v19 =	vperm.xlane v18, v1;
	v21 =	vpop (erf)  }
0x24c: {  	v28 =	vld [tilespmem:s25+$0xFFFFFF20];
	[tilespmem:v16+s29+$0x0] =	vst.idx.msk $0xffff, v21;
	v16 =	vperm.xlane v21, v5;
	v29 =	vperm.xlane v21, v8  }
0x24d: {  	[tilespmem:s25+$0xFFFFFF90] =	vst v15;
	v15 =	vmul.f32 v20, v23;
	v20 =	vperm.xlane v18, v8;
	v23 =	vld [tilespmem:s25+$0x0]  }
0x24e: {  	[tilespmem:s25+$0xFFFFFFA0] =	vst v17;
	v17 =	vmul.f32 v22, v19;
	v19 =	vperm.xlane v18, v9;
	v22 =	vld [tilespmem:s25+$0x10]  }
0x24f: {  	v18 =	vperm.xlane v18, v3;
	[tilespmem:s25+$0xFFFFFFB0] =	vst v15;
	v15 =	vmul.f32 v24, v20;
	v20 =	vld [tilespmem:s25+$0x20]  }
0x250: {  	[tilespmem:s25+$0xFFFFFFC0] =	vst v17;
	v17 =	vmul.f32 v25, v19;
	v19 =	vperm.xlane v21, v4;
	v24 =	vld [tilespmem:s25+$0x30]  }
0x251: {  	[tilespmem:s25+$0xFFFFFFD0] =	vst v15;
	v15 =	vmul.f32 v26, v18;
	v18 =	vld [tilespmem:s25+$0x40]  }
0x252: {  	[tilespmem:s25+$0xFFFFFFE0] =	vst v17;
	v17 =	vmul.f32 v23, v19;
	v19 =	vperm.xlane v21, v6;
	v23 =	vld [tilespmem:s25+$0x50]  }
0x253: {  	[tilespmem:s25+$0xFFFFFFF0] =	vst v15;
	v15 =	vmul.f32 v22, v16;
	v16 =	vperm.xlane v21, v7;
	v22 =	vld [tilespmem:s25+$0x60]  }
0x254: {  	[tilespmem:s25+$0x0] =	vst v17;
	v17 =	vmul.f32 v20, v19;
	v19 =	vperm.xlane v21, v1;
	v20 =	vld [tilespmem:s25+$0x70]  }
0x255: {  	v25 =	vld [tilespmem:s25+$0xFFFFFF50];
	[tilespmem:s25+$0x10] =	vst v15;
	v15 =	vmul.f32 v24, v16  }
0x256: {  	v16 =	vld [tilespmem:s25+$0xFFFFFF60];
	[tilespmem:s25+$0x20] =	vst v17;
	v17 =	vmul.f32 v18, v19;
	v18 =	vperm.xlane v21, v9  }
0x257: {  	v19 =	vperm.xlane v21, v3;
	[tilespmem:s25+$0x30] =	vst v15;
	v15 =	vmul.f32 v23, v29;
	v21 =	vld [tilespmem:s25+$0x80]  }
0x258: {  	v23 =	vperm.xlane v13, v4;
	[tilespmem:s25+$0x40] =	vst v17;
	v17 =	vmul.f32 v22, v18;
	v18 =	vld [tilespmem:s25+$0x90]  }
0x259: {  	v22 =	vperm.xlane v13, v6;
	[tilespmem:s25+$0x50] =	vst v15;
	v15 =	vmul.f32 v20, v19;
	v19 =	vld [tilespmem:s25+$0xA0]  }
0x25a: {  	v20 =	vmul.f32 v27, v23;
	v23 =	vperm.xlane v13, v8;
	[tilespmem:s25+$0x60] =	vst v17;
	v17 =	vld [tilespmem:s25+$0xB0]  }
0x25b: {  	v24 =	vperm.xlane v13, v9;
	v22 =	vmul.f32 v28, v22;
	[tilespmem:s25+$0x70] =	vst v15;
	v15 =	vld [tilespmem:s25+$0xC0]  }
0x25c: {  	[tilespmem:s25+$0xFFFFFF00] =	vst v20;
	v20 =	vmul.f32 v25, v23;
	v23 =	vperm.xlane v14, v4;
	v25 =	vld [tilespmem:s25+$0xD0]  }
0x25d: {  	v16 =	vmul.f32 v16, v24;
	[tilespmem:s25+$0xFFFFFF20] =	vst v22;
	v22 =	vperm.xlane v14, v5;
	v24 =	vld [tilespmem:s25+$0xE0]  }
0x25e: {  	[tilespmem:s25+$0xFFFFFF50] =	vst v20;
	v20 =	vmul.f32 v21, v23;
	v21 =	vperm.xlane v14, v6;
	v23 =	vld [tilespmem:s25+$0xF0]  }
0x25f: {  	v26 =	vld [tilespmem:s25+$0xFFFFFF10];
	[tilespmem:s25+$0xFFFFFF60] =	vst v16;
	v16 =	vmul.f32 v18, v22;
	v18 =	vperm.xlane v14, v7  }
0x260: {  	v22 =	vld [tilespmem:s25+$0xFFFFFF30];
	[tilespmem:s25+$0x80] =	vst v20;
	v19 =	vmul.f32 v19, v21;
	v20 =	vperm.xlane v14, v1  }
0x261: {  	v21 =	vld [tilespmem:s25+$0xFFFFFF40];
	[tilespmem:s25+$0x90] =	vst v16;
	v16 =	vmul.f32 v17, v18;
	v17 =	vperm.xlane v14, v8  }
0x262: {  	v18 =	vld [tilespmem:s25+$0xFFFFFF70];
	[tilespmem:s25+$0xA0] =	vst v19;
	v15 =	vmul.f32 v15, v20;
	v19 =	vperm.xlane v14, v9  }
0x263: {  	v14 =	vperm.xlane v14, v3;
	[tilespmem:s25+$0xB0] =	vst v16;
	v16 =	vmul.f32 v25, v17  }
0x264: {  	v17 =	vperm.xlane v13, v5;
	[tilespmem:s25+$0xC0] =	vst v15;
	v15 =	vmul.f32 v24, v19  }
0x265: {  	v19 =	vperm.xlane v13, v7;
	v14 =	vmul.f32 v23, v14;
	[tilespmem:s25+$0xD0] =	vst v16  }
.Ltmp16:
0x266: {  	v16 =	vmul.f32 v26, v17;
	v17 =	vperm.xlane v13, v1;
	[tilespmem:s25+$0xE0] =	vst v15;
	(pc) =	sbr.rel @p0 .LBB2_26-.Ltmp16, $4  }
0x267: {  	v13 =	vperm.xlane v13, v3;
	v15 =	vmul.f32 v22, v19;
	[tilespmem:s25+$0xF0] =	vst v14  }
0x268: {  	v14 =	vmul.f32 v21, v17;
	[tilespmem:s25+$0xFFFFFF10] =	vst v16  }
0x269: {  	v13 =	vmul.f32 v18, v13;
	[tilespmem:s25+$0xFFFFFF30] =	vst v15  }
0x26a: {  	s20 =	smov.u32 s1;
	s0 =	sadd.s32 $0x200, s0;
	s31 =	sadd.s32 $0x200, s31;
	[tilespmem:s25+$0xFFFFFF40] =	vst v14  }
0x26b: {  	s13 =	sadd.s32 $0x1, s13  }
0x26c: {  	v12 =	vshrl.u32 v11, $0x3;
	p0 =	sne.s32 s13, $0x40  }
.Ltmp17:
0x26d: {  	_ = 	snop;
	(pc) =	sbr.rel @p0 .LBB2_25-.Ltmp17, $4  }
0x26e: {  	[tilespmem:s25+$0xFFFFFF70] =	vst v13;
	s0 =	sadd.s32 $0x1A8C0, s15;
	s1 =	sadd.s32 $0x5, s14  }
0x26f: {  	[spmem:s2] =	stream.indirect_vreg.scatter.add.f32 [tilespmem:s0], [sflag:s1], $0x80, v11, vm0, $0xb8;
	[tilespmem:$0x1CD40] =	vst v63  }
0x270: {  	s31 =	sadd.s32 $0x188C0, s15;
	s12 =	sadd.s32 $0x1, s12  }
0x271: {  	[spmem:s3] =	stream.indirect_vreg.scatter.add.f32 [tilespmem:s31], [sflag:s1], $0x80, v12, vm0, $0xb8;
	[tilespmem:$0x1CD40] =	vst v63  }
0x272: {  	_ =	swait.ge [sflag:s23], $0x800  }
0x273: {  	[sflag:s23] =	ssyncset.done $0x0  }
0x274: {  	[sflag:s23] =	ssyncadd.s32 $0xFFFFF800  }
0x275: {  	_ =	swait.ge [sflag:s23], $0x800  }
0x276: {  	[sflag:s23] =	ssyncset.done $0x0  }
0x277: {  	[sflag:s23] =	ssyncadd.s32 $0xFFFFF800  }
0x278: {  	_ =	swait.ge [sflag:s4], $0x800  }
0x279: {  	[sflag:s4] =	ssyncset.done $0x0  }
0x27a: {  	[sflag:s4] =	ssyncadd.s32 $0xFFFFF800  }
0x27b: {  	_ =	swait.ge [sflag:s4], $0x800  }
0x27c: {  	[sflag:s4] =	ssyncset.done $0x0  }
0x27d: {  	[sflag:s4] =	ssyncadd.s32 $0xFFFFF800  }
0x27e: {  	_ =	swait.ge [sflag:s17], $0x800  }
0x27f: {  	[sflag:s17] =	ssyncset.done $0x0  }
0x280: {  	[sflag:s17] =	ssyncadd.s32 $0xFFFFF800  }
0x281: {  	_ =	swait.ge [sflag:s17], $0x800  }
0x282: {  	[sflag:s17] =	ssyncset.done $0x0  }
0x283: {  	s5 =	sadd.s32 $0x1, s5;
	[sflag:s17] =	ssyncadd.s32 $0xFFFFF800  }
0x284: {  	p0 =	sne.s32 s5, $0xA;
	_ =	swait.ge [sflag:s18], $0x800  }
.Ltmp18:
0x285: {  	[sflag:s18] =	ssyncset.done $0x0;
	(pc) =	sbr.rel @p0 .LBB2_24-.Ltmp18, $4  }
0x286: {  	[sflag:s18] =	ssyncadd.s32 $0xFFFFF800  }
0x287: {  	_ =	swait.ge [sflag:s18], $0x800  }
0x288: {  	[sflag:s18] =	ssyncset.done $0x0  }
0x289: {  	[sflag:s18] =	ssyncadd.s32 $0xFFFFF800  }
0x28a: {  	[bflag:$0x0] =	sbarrier.arrive $0xFFFF  }
0x28b: {  	s1 =	rddreg [dreg:$0x12]  }
.Ltmp19:
0x28c: {  	s12 =	rddreg [dreg:$0xe];
	(pc) =	sbr.rel .LBB2_30-.Ltmp19, $4  }
0x28d: {  	s16 =	rddreg [dreg:$0x5]  }
0x28e: {  	s24 =	rddreg [dreg:$0xc]  }
0x28f: {  	s5 =	stileid.u32;
	s25 =	rddreg [dreg:$0xf]  }
0x290: {  	s0 =	simm.s32 $0x0;
	s20 =	stileid.u32;
	s26 =	rddreg [dreg:$0x10]  }
.LBB2_31:
0x291: {  	s13 =	sshra.s32 s0, $0x2  }
0x292: {  	s14 =	sshll.u32 s20, $0x6;
	s13 =	sadd.s32 s13, s26  }
0x293: {  	s14 =	sor.u32 $0x1C0A, s14;
	s13 =	sshrl.u32 s13, $0x3  }
0x294: {  	[hbm:s1], [sflag:s14] =	dma.local [spmem:s13], $0x500  }
0x295: {  	s13 =	simm.s32 $0xA  }
.LBB2_34:
0x296: {  	_ =	swait.ge [sflag:s13], $0x500  }
0x297: {  	[sflag:s13] =	ssyncset.done $0x0  }
0x298: {  	[sflag:s13] =	ssyncadd.s32 $0xFFFFFB00  }
.LBB2_35:
0x299: {  	s0 =	sadd.s32 $0xA0000, s0  }
0x29a: {  	p0 =	sne.s32 s0, $0x5A0000  }
.Ltmp20:
0x29b: {  	_ = 	snop;
	(pc) =	sbr.rel @!p0 .LBB2_36-.Ltmp20, $2  }
0x29c: {  	_ =	sdelay $0x2  }
0x29d: {  	s12 =	sadd.s32 $0x28000, s12;
	s5 =	sadd.s32 $0x10, s5;
	s1 =	sadd.s32 $0x5000, s1  }
.LBB2_30:
0x29e: {  	p0 =	sgt.u32 s5, $0x7C  }
.Ltmp21:
0x29f: {  	_ = 	snop;
	(pc) =	sbr.rel @!p0 .LBB2_31-.Ltmp21, $1  }
0x2a0: {  	_ =	sdelay $0x3  }
0x2a1: {  	p0 =	sgt.u32 s5, $0x8C  }
.Ltmp22:
0x2a2: {  	_ = 	snop;
	(pc) =	sbr.rel @p0 .LBB2_35-.Ltmp22, $1  }
0x2a3: {  	_ =	sdelay $0x3  }
.Ltmp23:
0x2a4: {  	s13 =	sshra.s32 s0, $0x2;
	(pc) =	sbr.rel .LBB2_34-.Ltmp23, $4  }
0x2a5: {  	s14 =	sshrl.u32 s12, $0x3;
	s15 =	sshll.u32 s20, $0x6;
	s13 =	sadd.s32 s13, s25  }
0x2a6: {  	s14 =	sadd.s32 s24, s14;
	s15 =	sor.u32 $0x1C09, s15;
	s13 =	sshrl.u32 s13, $0x3  }
0x2a7: {  	[hbm:s14], [sflag:s15] =	dma.local [spmem:s13], $0x500  }
0x2a8: {  	s13 =	simm.s32 $0x9  }
.LBB2_37:
0x2a9: {  	_ =	sfence.sel $0x180000  }
0x2aa: {  	[bflag:$0x0] =	sbarrier.arrive $0xFFFF  }
0x2ab: {  	_ =	strace $0x90000047  }
0x2ac: {  	[bflag:$0x2] =	sbarrier.arrive $0xFFFF  }
0x2ad: {  	p0 =	sne.s32 s20, $0x0;
	s0 =	rddreg [dreg:$0x4]  }
0x2ae: {  	s0 =	sadd.s32 @!p0 $0x100000, s0  }
0x2af: {  	[sflag:s0] =	ssyncadd.tile.s32 @!p0 $0x1;
	_ =	shalt  }
.Lfunc_end2:
_tile_overlayer_lowered:
.L_overlay_start_2:
0x2b0: {  	(tag) =	ssettag $0x2  }
0x2b1: {  	s0 =	rddreg [dreg:$0x0];
	s2 =	stileid.u32  }
0x2b2: {  	s1 =	rddreg [dreg:$0x1];
	p0 =	sne.s32 s2, $0x0  }
0x2b3: {  	s3 =	rddreg [dreg:$0x2];
	[bflag:$0x3] =	sbarrier.arrive $0xFFFF;
	s2 =	simm.s32 @!p0 $0x1C09  }
0x2b4: {  	[timem:s3], [sflag:s2] =	dma.local @!p0 [hbm:s0], s1  }
0x2b5: {  	s0 =	simm.s32 @!p0 $0x9  }
0x2b6: {  	_ =	swait.ge @!p0 [sflag:s0], s1  }
0x2b7: {  	s1 =	ssub.s32 @!p0 $0x0, s1;
	[sflag:s0] =	ssyncset.done @!p0 $0x0  }
0x2b8: {  	[sflag:s0] =	ssyncadd.s32 @!p0 s1  }
0x2b9: {  	[bflag:$0x3] =	sbarrier.arrive $0xFFFF  }
0x2ba: {  	_ =	shalt  }

// kernel: kernel.13.cloned.1.call-start
scs
__scs_entry_jumppad:
0x0: {  	(pc) =	sbr.rel $0x88, $3  }
0x1: {  	(tag) =	ssettag $0x0;
	lr =	simm.s32 $0x1  }
0x2: {  	[smem:$0x3F92] =	sst lr;
	_ =	strace $0xD0000000  }
0x3: {  	_ = 	snop  }
0x4: {  	_ = 	snop  }
0x5: {  	_ = 	snop  }
0x6: {  	_ = 	snop  }
0x7: {  	_ = 	snop  }
__scs_overlays_trampoline_lowered:
0x8: {  	[smem:$0x3FA1] =	sst s0  }
0x9: {  	[smem:$0x3FA2] =	sst s1  }
0xa: {  	[smem:$0x3FA3] =	sst s2  }
0xb: {  	[smem:$0x3FA4] =	sst s3  }
0xc: {  	[smem:$0x3FA5] =	sst s4  }
0xd: {  	[smem:$0x3FA6] =	sst s5  }
0xe: {  	[smem:$0x3FA7] =	sst s6  }
0xf: {  	[smem:$0x3FA8] =	sst s7  }
0x10: {  	[smem:$0x3FA9] =	sst s8  }
0x11: {  	[smem:$0x3FAA] =	sst s9;
	s0 =	simm.s32 @!p0 $0x0  }
0x12: {  	s1 =	sld [smem:$0x3F90];
	s0 =	simm.s32 @p0 $0x1  }
0x13: {  	[smem:$0x3FAB] =	sst s0;
	s0 =	simm.s32 @!p1 $0x0  }
0x14: {  	s2 =	sld [smem:$0x3F8F];
	s0 =	simm.s32 @p1 $0x1  }
0x15: {  	[smem:$0x3FAC] =	sst s0;
	s0 =	simm.s32 @!p2 $0x0  }
0x16: {  	s3 =	sld [smem:$0x3FDB];
	s0 =	simm.s32 @p2 $0x1  }
0x17: {  	s4 =	simm.s32 $0x1BF5;
	[smem:$0x3FAE] =	sst s0  }
0x18: {  	s0 =	sld [smem:$0x3F91];
	_ =	swait.ge [sflag:s4], $0x0  }
0x19: {  	s7 =	sld [smem:$0x3F92]  }
0x1a: {  	s8 =	sadd.s32 $0xFFFFE003, lr  }
0x1b: {  	s9 =	sadd.s32 $0xFFFFFEF7, lr;
	s5 =	simm.s32 $0xFFFFFFFF;
	p2 =	slt.u32 s8, $0xFFFFF086  }
0x1c: {  	p1 =	slt.u32 s9, $0xF7A;
	s5 =	simm.s32 @!p2 $0x0  }
0x1d: {  	s5 =	simm.s32 @p1 $0x1;
	p0 =	seq.s32 s7, s2  }
0x1e: {  	s7 =	smul.u32 @!p0 $0xF7A, s2;
	p2 =	seq.s32 @!p0 s5, $0x0  }
0x1f: {  	s9 =	smul.u32 $0xF7A, s1;
	s8 =	simm.s32 @!p0 $0x1BF5;
	p2 =	por !p2, p0  }
0x20: {  	[sflag:s8] =	ssyncset.s32 @!p0 $0xFFFFF086;
	s6 =	sadd.s32 @!p0 s3, s7;
	s7 =	simm.s32 @!p0 $0x108  }
0x21: {  	s3 =	sadd.s32 s3, s9;
	s6 =	sadd.s32 @!p0 $0x88, s6;
	s7 =	simm.s32 @p2 $0x1082  }
0x22: {  	[simem:s7], [sflag:s8] =	dma.local @!p0 [hbm:s6], $0xF7A  }
0x23: {  	s9 =	sor.u32 $0xD0000000, s2;
	s6 =	simm.s32 $0x108;
	_ =	swait.ge @!p0 [sflag:s8], $0x0  }
0x24: {  	s3 =	sadd.s32 $0x88, s3;
	s6 =	simm.s32 @!p1 $0x1082;
	[sflag:s4] =	ssyncset.s32 $0xFFFFF086  }
0x25: {  	[simem:s6], [sflag:s4] =	dma.local [hbm:s3], $0xF7A  }
0x26: {  	[smem:$0x3F92] =	sst s1;
	(tag) =	ssettag s2;
	_ =	strace s9  }
0x27: {  	s1 =	sld [smem:$0x3FA2]  }
0x28: {  	s2 =	sld [smem:$0x3FA3]  }
0x29: {  	s4 =	sld [smem:$0x3FA5]  }
0x2a: {  	p0 =	seq.s32 s5, $0x0;
	s5 =	sld [smem:$0x3FA6]  }
0x2b: {  	s6 =	sld [smem:$0x3FA7]  }
0x2c: {  	s7 =	sld [smem:$0x3FA8]  }
0x2d: {  	s3 =	simm.s32 $0x108;
	s8 =	sld [smem:$0x3FA9]  }
0x2e: {  	s3 =	simm.s32 @!p0 $0x1082;
	s9 =	sld [smem:$0x3FAA]  }
0x2f: {  	lr =	sadd.s32 s0, s3;
	s0 =	sld [smem:$0x3FA1]  }
0x30: {  	s3 =	sld [smem:$0x3FA4]  }
0x31: {  	[smem:$0x3FAD] =	sst s10  }
0x32: {  	s10 =	sld [smem:$0x3FAB];
	_ =	sdelay $0x3  }
0x33: {  	p0 =	seq.s32 s10, $0x1;
	s10 =	sld [smem:$0x3FAD];
	_ =	sdelay $0x3  }
0x34: {  	[smem:$0x3FAD] =	sst s10  }
0x35: {  	s10 =	sld [smem:$0x3FAC];
	_ =	sdelay $0x3  }
0x36: {  	p1 =	seq.s32 s10, $0x1;
	s10 =	sld [smem:$0x3FAD];
	_ =	sdelay $0x3  }
0x37: {  	[smem:$0x3FAD] =	sst s10  }
0x38: {  	s10 =	sld [smem:$0x3FAE]  }
0x39: {  	_ = 	snop;
	(pc) =	sbr.ind lr, $3  }
0x3a: {  	_ = 	snop  }
0x3b: {  	_ = 	snop  }
0x3c: {  	p2 =	seq.s32 s10, $0x1;
	s10 =	sld [smem:$0x3FAD]  }
0x3d: {  	_ =	shalt  }
0x3e: {  	_ =	shalt  }
0x3f: {  	_ =	shalt  }
0x40: {  	_ =	shalt  }
0x41: {  	_ =	shalt  }
0x42: {  	_ =	shalt  }
0x43: {  	_ =	shalt  }
0x44: {  	_ =	shalt  }
0x45: {  	_ =	shalt  }
0x46: {  	_ =	shalt  }
0x47: {  	_ =	shalt  }
0x48: {  	_ =	shalt  }
0x49: {  	_ =	shalt  }
0x4a: {  	_ =	shalt  }
0x4b: {  	_ =	shalt  }
0x4c: {  	_ =	shalt  }
0x4d: {  	_ =	shalt  }
0x4e: {  	_ =	shalt  }
0x4f: {  	_ =	shalt  }
0x50: {  	_ =	shalt  }
0x51: {  	_ =	shalt  }
0x52: {  	_ =	shalt  }
0x53: {  	_ =	shalt  }
0x54: {  	_ =	shalt  }
0x55: {  	_ =	shalt  }
0x56: {  	_ =	shalt  }
0x57: {  	_ =	shalt  }
0x58: {  	_ =	shalt  }
0x59: {  	_ =	shalt  }
0x5a: {  	_ =	shalt  }
0x5b: {  	_ =	shalt  }
0x5c: {  	_ =	shalt  }
0x5d: {  	_ =	shalt  }
0x5e: {  	_ =	shalt  }
0x5f: {  	_ =	shalt  }
0x60: {  	_ =	shalt  }
0x61: {  	_ =	shalt  }
0x62: {  	_ =	shalt  }
0x63: {  	_ =	shalt  }
0x64: {  	_ =	shalt  }
0x65: {  	_ =	shalt  }
0x66: {  	_ =	shalt  }
0x67: {  	_ =	shalt  }
0x68: {  	_ =	shalt  }
0x69: {  	_ =	shalt  }
0x6a: {  	_ =	shalt  }
0x6b: {  	_ =	shalt  }
0x6c: {  	_ =	shalt  }
0x6d: {  	_ =	shalt  }
0x6e: {  	_ =	shalt  }
0x6f: {  	_ =	shalt  }
0x70: {  	_ =	shalt  }
0x71: {  	_ =	shalt  }
0x72: {  	_ =	shalt  }
0x73: {  	_ =	shalt  }
0x74: {  	_ =	shalt  }
0x75: {  	_ =	shalt  }
0x76: {  	_ =	shalt  }
0x77: {  	_ =	shalt  }
0x78: {  	_ =	shalt  }
0x79: {  	_ =	shalt  }
0x7a: {  	_ =	shalt  }
0x7b: {  	_ =	shalt  }
0x7c: {  	_ =	shalt  }
0x7d: {  	_ =	shalt  }
0x7e: {  	_ =	shalt  }
0x7f: {  	_ =	shalt  }
0x80: {  	_ =	shalt  }
0x81: {  	_ =	shalt  }
0x82: {  	_ =	shalt  }
0x83: {  	_ =	shalt  }
0x84: {  	_ =	shalt  }
0x85: {  	_ =	shalt  }
0x86: {  	_ =	shalt  }
0x87: {  	_ =	shalt  }
.Lfunc_end0:
.L_simem_size_0:
called_computation.1_lowered:
.L_overlay_start_0:
0x88: {  	s2 =	sld [smem:$0x3FD9]  }
0x89: {  	s3 =	sld [smem:$0x3FFE];
	_ =	sdelay $0x1  }
0x8a: {  	s1 =	srdreg.scid  }
0x8b: {  	s0 =	sand.u32 $0x1, s1  }
0x8c: {  	s17 =	sshll.u32 s0, $0xA;
	s2 =	sadd.s32 s3, s2  }
0x8d: {  	s2 =	sadd.s32 s2, s17  }
0x8e: {  	[smem:$0x3FB9] =	sst s2  }
0x8f: {  	_ = 	snop  }
0x90: {  	s2 =	sld [smem:$0x3FD0];
	(tm) =	ssettm $0x1  }
0x91: {  	s18 =	sld [smem:$0x3FFB];
	_ =	sdelay $0x3  }
0x92: {  	_ =	strace s18  }
0x93: {  	s3 =	sld [smem:$0x3FFC];
	_ =	sdelay $0x3  }
0x94: {  	_ =	strace s3  }
0x95: {  	s3 =	sld [smem:$0x3FFD];
	_ =	sdelay $0x3  }
0x96: {  	_ =	strace s3  }
0x97: {  	_ =	strace $0x8FFFFFFF  }
0x98: {  	s19 =	sld [smem:$0x3FDB];
	_ =	sdelay $0x1  }
0x99: {  	s4 =	simm.s32 $_scs_section_size  }
0x9a: {  	s5 =	simm.s32 $_size__tile_overlayer_lowered;
	s6 =	simm.s32 $_tile_overlayer_lowered  }
0x9b: {  	s22 =	simm.s32 $0x1BFF;
	s21 =	sshll.u32 s6, $0x1;
	s3 =	sadd.s32 s4, s19  }
0x9c: {  	s7 =	simm.s32 $0x0;
	s20 =	sshll.u32 s5, $0x1;
	s5 =	sadd.s32 s21, s3  }
0x9d: {  	[timem:s7], [sflag:s22] =	dma.local [hbm:s5], s20  }
0x9e: {  	_ =	swait.ge [sflag:s22], s20  }
0x9f: {  	s4 =	ssub.s32 $0x0, s20;
	[sflag:s22] =	ssyncset.done $0x0  }
0xa0: {  	[sflag:s22] =	ssyncadd.s32 s4;
	_ =	sdelay $0x1  }
0xa1: {  	s23 =	simm.s32 $0x1B8B  }
0xa2: {  	_ =	swait.ge [sflag:s23], $0x1  }
0xa3: {  	[sflag:s23] =	ssyncset.done $0x0  }
0xa4: {  	s25 =	simm.s32 $0x1B8E;
	s24 =	sld [smem:$0x3FFE];
	[sflag:s23] =	ssyncadd.s32 $0xFFFFFFFF  }
0xa5: {  	s26 =	simm.s32 $execute0_lowered;
	[smem:$0x3FD2] =	sst s25  }
0xa6: {  	s5 =	sshll.u32 s26, $0x1;
	_ =	strace $0x80000049;
	[dreg:$0x1] =	wrdreg $0xFFFFFFFF  }
0xa7: {  	s28 =	simm.s32 $_size_execute0_lowered;
	s3 =	sadd.s32 s3, s5;
	[dreg:$0x0] =	wrdreg $0x0  }
0xa8: {  	s5 =	sshll.u32 s28, $0x1;
	[dreg:$0x2] =	wrdreg s3  }
0xa9: {  	[dreg:$0x3] =	wrdreg s5  }
0xaa: {  	[dreg:$0x4] =	wrdreg $0xC0  }
0xab: {  	_ =	task [dreg:s7], $0x5FFFF  }
0xac: {  	[dreg:$0x1] =	wrdreg $0xFFFFFFFF  }
0xad: {  	[dreg:$0x0] =	wrdreg $0x60  }
0xae: {  	[dreg:$0x2] =	wrdreg s24  }
0xaf: {  	[dreg:$0x3] =	wrdreg s2  }
0xb0: {  	[dreg:$0x4] =	wrdreg $0x9  }
0xb1: {  	_ =	task.clear_ibuf [dreg:s7], $0x5FFFF;
	_ =	strace $0x90000049  }
0xb2: {  	s29 =	simm.s32 $0x9;
	_ =	strace $0x8000004B  }
0xb3: {  	_ =	swait.ge [sflag:s29], $0x1  }
0xb4: {  	[sflag:s29] =	ssyncadd.s32 $0xFFFFFFFF  }
0xb5: {  	_ =	strace $0x9000004B  }
0xb6: {  	_ =	sfence  }
0xb7: {  	s30 =	sld [smem:$0x0];
	_ =	sdelay $0x2  }
0xb8: {  	s31 =	sshll.u32 s1, $0xD;
	s1 =	sshrl.u32 s1, $0x2  }
0xb9: {  	s3 =	sand.u32 $0x4000, s31;
	s1 =	sadd.s32 s1, s30  }
0xba: {  	s0 =	sor.u32 s3, s0;
	s1 =	sshll.u32 s1, $0x11  }
0xbb: {  	s0 =	sor.u32 s1, s0  }
0xbc: {  	s0 =	sadd.s32 $0x8F2B, s0  }
0xbd: {  	[sflag:s0] =	ssyncadd.remote.s32 $0x1  }
0xbe: {  	_ =	sfence.sel $0xFFFF  }
0xbf: {  	[dreg:$0x0] =	wrdreg $0xFFFFFFFF;
	(pc) =	sbr.abs _section_cstart, $3  }
0xc0: {  	[dreg:$0x1] =	wrdreg $0xFFFFFFFF  }
0xc1: {  	_ =	task.clear_ibuf [dreg:s7], $0x2FFFF;
	_ =	strace $0x9FFFFFFF  }
0xc2: {  	(tm) =	ssettm $0x7FFFFFFF  }
0xc3: {  	_ =	shalt  }
tec
execute0_lowered:
.L_overlay_start_1:
0x0: {  	(tag) =	ssettag $0x1  }
0x1: {  	s0 =	rddreg [dreg:$0x0];
	s2 =	simm.s32 $0x0;
	s1 =	srdreg.scid  }
0x2: {  	s9 =	stileid.u32;
	s11 =	simm.s32 $0x3;
	s18 =	simm.s32 $0x9800  }
0x3: {  	s19 =	simm.s32 $0x2000;
	s20 =	simm.s32 $0xA000;
	s21 =	simm.s32 $0x2800  }
0x4: {  	s22 =	simm.s32 $0xA800;
	s23 =	simm.s32 $0x3000;
	s24 =	simm.s32 $0xB000  }
0x5: {  	s25 =	simm.s32 $0x3800;
	s28 =	simm.s32 $0x4000;
	s29 =	simm.s32 $0xC000  }
0x6: {  	s30 =	simm.s32 $0x10800;
	s31 =	simm.s32 $0x14800;
	s3 =	sand.u32 $0x1, s1  }
.Ltmp0:
0x7: {  	[smem:$0x7FF] =	sst s2;
	s1 =	ssub.s32 $0x2, s3;
	(pc) =	sbr.rel .LBB2_1-.Ltmp0, $4  }
0x8: {  	s5 =	sadd.s32 $0x2BA00, s0;
	s6 =	sadd.s32 $0x4800, s0;
	s4 =	sshrl.u32 s1, $0x1  }
0x9: {  	s7 =	sadd.s32 $0x1CDC00, s0;
	s8 =	sadd.s32 $0x1C7A00, s0;
	s1 =	ssub.s32 s1, s4  }
0xa: {  	v0 =	vlaneseq.u32;
	s9 =	sshll.u32 s9, $0x1;
	_ =	strace $0x8000004A;
	s26 =	smax.u32 s1, $0x1  }
0xb: {  	vm0 =	vmmov $0xffff;
	v0 =	vmul.u32 $0x80, v0;
	s1 =	simm.s32 $0x0;
	[dreg:$0x3] =	wrdreg s26;
	s26 =	simm.s32 $0xB800  }
.LBB2_10:
0xc: {  	s1 =	rddreg [dreg:$0x4]  }
0xd: {  	s0 =	rddreg [dreg:$0x3];
	s1 =	sadd.s32 $0x1, s1  }
0xe: {  	p0 =	sne.s32 s1, s0  }
.Ltmp1:
0xf: {  	_ = 	snop;
	(pc) =	sbr.rel @!p0 .LBB2_11-.Ltmp1, $1  }
0x10: {  	_ =	sdelay $0x3  }
.LBB2_1:
.Ltmp2:
0x11: {  	(pc) =	sbr.rel .LBB2_2-.Ltmp2, $2  }
0x12: {  	_ =	sdelay $0x2  }
0x13: {  	[dreg:$0x4] =	wrdreg s1;
	s4 =	simm.s32 $0x0  }
.LBB2_9:
0x14: {  	s4 =	sadd.s32 $0x1, s4  }
0x15: {  	p0 =	sne.s32 s4, $0x7  }
.Ltmp3:
0x16: {  	_ = 	snop;
	(pc) =	sbr.rel @!p0 .LBB2_10-.Ltmp3, $1  }
0x17: {  	_ =	sdelay $0x3  }
.LBB2_2:
0x18: {  	s0 =	sshll.u32 s4, $0x5  }
0x19: {  	s0 =	sor.u32 s9, s0  }
0x1a: {  	p0 =	sgt.u32 s0, $0xC3  }
.Ltmp4:
0x1b: {  	_ = 	snop;
	(pc) =	sbr.rel @p0 .LBB2_9-.Ltmp4, $1  }
0x1c: {  	_ =	sdelay $0x3  }
0x1d: {  	s0 =	sor.u32 s3, s0  }
0x1e: {  	s0 =	sshll.u32 s0, $0x7  }
0x1f: {  	s10 =	simm.s32 $0x0;
	s1 =	sadd.s32 s7, s0  }
0x20: {  	[tilespmem:s10], [sflag:$0x3] =	stream.linear.gather [hbm4b:s1+s10], $0x400, $0x38;
	[tilespmem:$0x14880] =	vst v63  }
0x21: {  	_ =	swait.ge [sflag:s11], $0x400  }
0x22: {  	[sflag:s11] =	ssyncset.done $0x0  }
0x23: {  	s12 =	simm.s32 $0x400;
	s17 =	sadd.s32 s8, s0;
	[sflag:s11] =	ssyncadd.s32 $0xFFFFFC00  }
0x24: {  	[tilespmem:s12], [sflag:$0x3] =	stream.linear.gather [hbm4b:s17+s10], $0x400, $0x38;
	[tilespmem:$0x14880] =	vst v63  }
0x25: {  	_ =	swait.ge [sflag:s11], $0x400  }
0x26: {  	[sflag:s11] =	ssyncset.done $0x0  }
0x27: {  	[sflag:s11] =	ssyncadd.s32 $0xFFFFFC00  }
0x28: {  	v1 =	vld [tilespmem:$0x0];
	_ =	sdelay $0x1  }
0x29: {  	v2 =	vld [tilespmem:$0x400];
	_ =	sdelay $0x4  }
0x2a: {  	s12 =	simm.s32 $0x800  }
0x2b: {  	[tilespmem:s12], [sflag:$0x1] =	stream.indirect_vreg.gather [hbm4b:s5+s10], $0x80, v1, vm0, $0xb8;
	[tilespmem:$0x14880] =	vst v63  }
0x2c: {  	s13 =	simm.s32 $0x8800  }
0x2d: {  	[tilespmem:s13], [sflag:$0x1] =	stream.indirect_vreg.gather [hbm4b:s6+s10], $0x80, v2, vm0, $0xb8;
	[tilespmem:$0x14880] =	vst v63  }
0x2e: {  	v1 =	vld [tilespmem:$0x10];
	_ =	sdelay $0x1  }
0x2f: {  	v2 =	vld [tilespmem:$0x410];
	_ =	sdelay $0x4  }
0x30: {  	s14 =	simm.s32 $0x1000  }
0x31: {  	[tilespmem:s14], [sflag:$0x1] =	stream.indirect_vreg.gather [hbm4b:s5+s10], $0x80, v1, vm0, $0xb8;
	[tilespmem:$0x14880] =	vst v63  }
0x32: {  	s15 =	simm.s32 $0x9000  }
0x33: {  	[tilespmem:s15], [sflag:$0x1] =	stream.indirect_vreg.gather [hbm4b:s6+s10], $0x80, v2, vm0, $0xb8;
	[tilespmem:$0x14880] =	vst v63  }
0x34: {  	v1 =	vld [tilespmem:$0x20];
	_ =	sdelay $0x1  }
0x35: {  	v2 =	vld [tilespmem:$0x420];
	_ =	sdelay $0x4  }
0x36: {  	s16 =	simm.s32 $0x1800  }
0x37: {  	[tilespmem:s16], [sflag:$0x1] =	stream.indirect_vreg.gather [hbm4b:s5+s10], $0x80, v1, vm0, $0xb8;
	[tilespmem:$0x14880] =	vst v63  }
0x38: {  	_ = 	snop  }
0x39: {  	[tilespmem:s18], [sflag:$0x1] =	stream.indirect_vreg.gather [hbm4b:s6+s10], $0x80, v2, vm0, $0xb8;
	[tilespmem:$0x14880] =	vst v63  }
0x3a: {  	v1 =	vld [tilespmem:$0x30];
	_ =	sdelay $0x1  }
0x3b: {  	v2 =	vld [tilespmem:$0x430];
	_ =	sdelay $0x5  }
0x3c: {  	[tilespmem:s19], [sflag:$0x1] =	stream.indirect_vreg.gather [hbm4b:s5+s10], $0x80, v1, vm0, $0xb8;
	[tilespmem:$0x14880] =	vst v63  }
0x3d: {  	_ = 	snop  }
0x3e: {  	[tilespmem:s20], [sflag:$0x1] =	stream.indirect_vreg.gather [hbm4b:s6+s10], $0x80, v2, vm0, $0xb8;
	[tilespmem:$0x14880] =	vst v63  }
0x3f: {  	v1 =	vld [tilespmem:$0x40];
	_ =	sdelay $0x1  }
0x40: {  	v2 =	vld [tilespmem:$0x440];
	_ =	sdelay $0x5  }
0x41: {  	[tilespmem:s21], [sflag:$0x1] =	stream.indirect_vreg.gather [hbm4b:s5+s10], $0x80, v1, vm0, $0xb8;
	[tilespmem:$0x14880] =	vst v63  }
0x42: {  	_ = 	snop  }
0x43: {  	[tilespmem:s22], [sflag:$0x1] =	stream.indirect_vreg.gather [hbm4b:s6+s10], $0x80, v2, vm0, $0xb8;
	[tilespmem:$0x14880] =	vst v63  }
0x44: {  	v1 =	vld [tilespmem:$0x50];
	_ =	sdelay $0x1  }
0x45: {  	v2 =	vld [tilespmem:$0x450];
	_ =	sdelay $0x5  }
0x46: {  	[tilespmem:s23], [sflag:$0x1] =	stream.indirect_vreg.gather [hbm4b:s5+s10], $0x80, v1, vm0, $0xb8;
	[tilespmem:$0x14880] =	vst v63  }
0x47: {  	_ = 	snop  }
0x48: {  	[tilespmem:s24], [sflag:$0x1] =	stream.indirect_vreg.gather [hbm4b:s6+s10], $0x80, v2, vm0, $0xb8;
	[tilespmem:$0x14880] =	vst v63  }
0x49: {  	v1 =	vld [tilespmem:$0x60];
	_ =	sdelay $0x1  }
0x4a: {  	v2 =	vld [tilespmem:$0x460];
	_ =	sdelay $0x5  }
0x4b: {  	[tilespmem:s25], [sflag:$0x1] =	stream.indirect_vreg.gather [hbm4b:s5+s10], $0x80, v1, vm0, $0xb8;
	[tilespmem:$0x14880] =	vst v63  }
0x4c: {  	_ = 	snop  }
0x4d: {  	[tilespmem:s26], [sflag:$0x1] =	stream.indirect_vreg.gather [hbm4b:s6+s10], $0x80, v2, vm0, $0xb8;
	[tilespmem:$0x14880] =	vst v63  }
0x4e: {  	v1 =	vld [tilespmem:$0x70];
	_ =	sdelay $0x1  }
0x4f: {  	v2 =	vld [tilespmem:$0x470];
	_ =	sdelay $0x4  }
0x50: {  	s17 =	rddreg [dreg:$0x1]  }
0x51: {  	[tilespmem:s28], [sflag:$0x1] =	stream.indirect_vreg.gather [hbm4b:s5+s10], $0x80, v1, vm0, $0xb8;
	[tilespmem:$0x14880] =	vst v63  }
0x52: {  	p0 =	por $0x0, $0x0;
	s0 =	sadd.s32 s17, s0  }
0x53: {  	[tilespmem:s29], [sflag:$0x1] =	stream.indirect_vreg.gather [hbm4b:s6+s10], $0x80, v2, vm0, $0xb8;
	[tilespmem:$0x14880] =	vst v63  }
.LBB2_4:
0x54: {  	s1 =	sand.u32 $0x1, s10  }
0x55: {  	s12 =	sadd.s32 $0x1, s1  }
0x56: {  	_ =	swait.ge [sflag:s12], $0x4000  }
0x57: {  	[sflag:s12] =	ssyncset.done $0x0  }
0x58: {  	[sflag:s12] =	ssyncadd.s32 $0xFFFFC000  }
0x59: {  	_ =	swait.ge [sflag:s12], $0x4000  }
0x5a: {  	p1 =	seq.s32 s10, $0x7;
	s1 =	sadd.s32 $0x1, s10;
	[sflag:s12] =	ssyncset.done $0x0  }
0x5b: {  	[sflag:s12] =	ssyncadd.s32 $0xFFFFC000;
	s12 =	sshll.u32 @!p1 s1, $0x7  }
0x5c: {  	v1 =	vld @!p1 [tilespmem:s12+$0x0];
	_ =	sdelay $0x1  }
0x5d: {  	v2 =	vld @!p1 [tilespmem:s12+$0x400];
	_ =	sdelay $0x2  }
0x5e: {  	s13 =	sand.u32 @!p1 $0x1, s1  }
0x5f: {  	s14 =	sshll.u32 @!p1 s13, $0xE  }
0x60: {  	vm1 =	vmmov @!p1 $0xffff;
	s17 =	simm.s32 @!p1 $0x0;
	s13 =	sadd.s32 @!p1 $0x1, s13;
	s15 =	sor.u32 @!p1 $0x800, s14  }
0x61: {  	[tilespmem:s15], [sflag:s13] =	stream.indirect_vreg.gather @!p1 [hbm4b:s5+s17], $0x80, v1, vm1, $0xb8;
	[tilespmem:$0x14880] =	vst v63  }
0x62: {  	s15 =	sor.u32 @!p1 $0x8800, s14  }
0x63: {  	[tilespmem:s15], [sflag:s13] =	stream.indirect_vreg.gather @!p1 [hbm4b:s6+s17], $0x80, v2, vm1, $0xb8;
	[tilespmem:$0x14880] =	vst v63  }
0x64: {  	v1 =	vld @!p1 [tilespmem:s12+$0x10];
	_ =	sdelay $0x1  }
0x65: {  	v2 =	vld @!p1 [tilespmem:s12+$0x410];
	_ =	sdelay $0x4  }
0x66: {  	s15 =	sor.u32 @!p1 $0x1000, s14  }
0x67: {  	[tilespmem:s15], [sflag:s13] =	stream.indirect_vreg.gather @!p1 [hbm4b:s5+s17], $0x80, v1, vm1, $0xb8;
	[tilespmem:$0x14880] =	vst v63  }
0x68: {  	s15 =	sor.u32 @!p1 $0x9000, s14  }
0x69: {  	[tilespmem:s15], [sflag:s13] =	stream.indirect_vreg.gather @!p1 [hbm4b:s6+s17], $0x80, v2, vm1, $0xb8;
	[tilespmem:$0x14880] =	vst v63  }
0x6a: {  	v1 =	vld @!p1 [tilespmem:s12+$0x20];
	_ =	sdelay $0x1  }
0x6b: {  	v2 =	vld @!p1 [tilespmem:s12+$0x420];
	_ =	sdelay $0x4  }
0x6c: {  	s15 =	sor.u32 @!p1 $0x1800, s14  }
0x6d: {  	[tilespmem:s15], [sflag:s13] =	stream.indirect_vreg.gather @!p1 [hbm4b:s5+s17], $0x80, v1, vm1, $0xb8;
	[tilespmem:$0x14880] =	vst v63  }
0x6e: {  	s15 =	sor.u32 @!p1 $0x9800, s14  }
0x6f: {  	[tilespmem:s15], [sflag:s13] =	stream.indirect_vreg.gather @!p1 [hbm4b:s6+s17], $0x80, v2, vm1, $0xb8;
	[tilespmem:$0x14880] =	vst v63  }
0x70: {  	v1 =	vld @!p1 [tilespmem:s12+$0x30];
	_ =	sdelay $0x1  }
0x71: {  	v2 =	vld @!p1 [tilespmem:s12+$0x430];
	_ =	sdelay $0x4  }
0x72: {  	s15 =	sor.u32 @!p1 $0x2000, s14  }
0x73: {  	[tilespmem:s15], [sflag:s13] =	stream.indirect_vreg.gather @!p1 [hbm4b:s5+s17], $0x80, v1, vm1, $0xb8;
	[tilespmem:$0x14880] =	vst v63  }
0x74: {  	s15 =	sor.u32 @!p1 $0xA000, s14  }
0x75: {  	[tilespmem:s15], [sflag:s13] =	stream.indirect_vreg.gather @!p1 [hbm4b:s6+s17], $0x80, v2, vm1, $0xb8;
	[tilespmem:$0x14880] =	vst v63  }
0x76: {  	v1 =	vld @!p1 [tilespmem:s12+$0x40];
	_ =	sdelay $0x1  }
0x77: {  	v2 =	vld @!p1 [tilespmem:s12+$0x440];
	_ =	sdelay $0x4  }
0x78: {  	s15 =	sor.u32 @!p1 $0x2800, s14  }
0x79: {  	[tilespmem:s15], [sflag:s13] =	stream.indirect_vreg.gather @!p1 [hbm4b:s5+s17], $0x80, v1, vm1, $0xb8;
	[tilespmem:$0x14880] =	vst v63  }
0x7a: {  	s15 =	sor.u32 @!p1 $0xA800, s14  }
0x7b: {  	[tilespmem:s15], [sflag:s13] =	stream.indirect_vreg.gather @!p1 [hbm4b:s6+s17], $0x80, v2, vm1, $0xb8;
	[tilespmem:$0x14880] =	vst v63  }
0x7c: {  	v1 =	vld @!p1 [tilespmem:s12+$0x50];
	_ =	sdelay $0x1  }
0x7d: {  	v2 =	vld @!p1 [tilespmem:s12+$0x450];
	_ =	sdelay $0x4  }
0x7e: {  	s15 =	sor.u32 @!p1 $0x3000, s14  }
0x7f: {  	[tilespmem:s15], [sflag:s13] =	stream.indirect_vreg.gather @!p1 [hbm4b:s5+s17], $0x80, v1, vm1, $0xb8;
	[tilespmem:$0x14880] =	vst v63  }
0x80: {  	s15 =	sor.u32 @!p1 $0xB000, s14  }
0x81: {  	[tilespmem:s15], [sflag:s13] =	stream.indirect_vreg.gather @!p1 [hbm4b:s6+s17], $0x80, v2, vm1, $0xb8;
	[tilespmem:$0x14880] =	vst v63  }
0x82: {  	v1 =	vld @!p1 [tilespmem:s12+$0x60];
	_ =	sdelay $0x1  }
0x83: {  	v2 =	vld @!p1 [tilespmem:s12+$0x460];
	_ =	sdelay $0x4  }
0x84: {  	s15 =	sor.u32 @!p1 $0x3800, s14  }
0x85: {  	[tilespmem:s15], [sflag:s13] =	stream.indirect_vreg.gather @!p1 [hbm4b:s5+s17], $0x80, v1, vm1, $0xb8;
	[tilespmem:$0x14880] =	vst v63  }
0x86: {  	s15 =	sor.u32 @!p1 $0xB800, s14  }
0x87: {  	[tilespmem:s15], [sflag:s13] =	stream.indirect_vreg.gather @!p1 [hbm4b:s6+s17], $0x80, v2, vm1, $0xb8;
	[tilespmem:$0x14880] =	vst v63  }
0x88: {  	v1 =	vld @!p1 [tilespmem:s12+$0x70];
	_ =	sdelay $0x1  }
0x89: {  	v2 =	vld @!p1 [tilespmem:s12+$0x470];
	_ =	sdelay $0x2  }
0x8a: {  	s12 =	simm.s32 $0x1  }
0x8b: {  	s12 =	simm.s32 @!p0 $0x0  }
0x8c: {  	s15 =	sadd.s32 @!p1 $0x4000, s14;
	s12 =	sshll.u32 s12, $0xE  }
0x8d: {  	[tilespmem:s15], [sflag:s13] =	stream.indirect_vreg.gather @!p1 [hbm4b:s5+s17], $0x80, v1, vm1, $0xb8;
	[tilespmem:$0x14880] =	vst v63  }
0x8e: {  	s14 =	sadd.s32 @!p1 $0xC000, s14;
	s16 =	sor.u32 $0x900, s12  }
0x8f: {  	[tilespmem:s14], [sflag:s13] =	stream.indirect_vreg.gather @!p1 [hbm4b:s6+s17], $0x80, v2, vm1, $0xb8;
	[tilespmem:$0x14880] =	vst v63  }
0x90: {  	s13 =	sor.u32 $0x8900, s12;
	v1 =	vld [tilespmem:s16+$0x80]  }
0x91: {  	v2 =	vld [tilespmem:s13+$0x80]  }
0x92: {  	v3 =	vld [tilespmem:s16+$0x90]  }
0x93: {  	v4 =	vld [tilespmem:s13+$0x90]  }
0x94: {  	v5 =	vld [tilespmem:s16+$0xA0]  }
0x95: {  	v6 =	vld [tilespmem:s13+$0xA0]  }
0x96: {  	v7 =	vld [tilespmem:s16+$0xB0]  }
0x97: {  	v8 =	vld [tilespmem:s13+$0xB0]  }
0x98: {  	v9 =	vld [tilespmem:s16+$0xC0]  }
0x99: {  	v10 =	vld [tilespmem:s13+$0xC0]  }
0x9a: {  	v11 =	vld [tilespmem:s16+$0xD0]  }
0x9b: {  	v12 =	vld [tilespmem:s13+$0xD0]  }
0x9c: {  	v13 =	vld [tilespmem:s16+$0xE0]  }
0x9d: {  	v14 =	vld [tilespmem:s13+$0xE0]  }
0x9e: {  	v15 =	vld [tilespmem:s16+$0xF0]  }
0x9f: {  	v16 =	vld [tilespmem:s13+$0xF0]  }
0xa0: {  	v17 =	vld [tilespmem:s13+$0xFFFFFF00]  }
0xa1: {  	v18 =	vld [tilespmem:s16+$0xFFFFFF10]  }
0xa2: {  	v19 =	vld [tilespmem:s13+$0xFFFFFF10]  }
0xa3: {  	v20 =	vld [tilespmem:s16+$0xFFFFFF80]  }
0xa4: {  	v21 =	vld [tilespmem:s13+$0xFFFFFF80]  }
0xa5: {  	v22 =	vld [tilespmem:s16+$0xFFFFFF90]  }
0xa6: {  	v23 =	vld [tilespmem:s13+$0xFFFFFF90]  }
0xa7: {  	v24 =	vld [tilespmem:s16+$0x0]  }
0xa8: {  	v25 =	vld [tilespmem:s13+$0x0]  }
0xa9: {  	v26 =	vld [tilespmem:s16+$0x10]  }
0xaa: {  	v27 =	vld [tilespmem:s13+$0x10]  }
0xab: {  	v28 =	vld [tilespmem:s16+$0xFFFFFF00]  }
0xac: {  	v29 =	vld [tilespmem:s16+$0xFFFFFF20]  }
0xad: {  	v30 =	vld [tilespmem:s13+$0xFFFFFF20]  }
0xae: {  	v31 =	vld [tilespmem:s16+$0xFFFFFFA0]  }
0xaf: {  	v32 =	vld [tilespmem:s13+$0xFFFFFFA0]  }
0xb0: {  	v33 =	vld [tilespmem:s16+$0x20]  }
0xb1: {  	v34 =	vld [tilespmem:s13+$0x20]  }
0xb2: {  	v35 =	vld [tilespmem:s16+$0xFFFFFF30]  }
0xb3: {  	v36 =	vld [tilespmem:s13+$0xFFFFFF30]  }
0xb4: {  	v37 =	vld [tilespmem:s16+$0xFFFFFFB0]  }
0xb5: {  	v38 =	vld [tilespmem:s13+$0xFFFFFFB0]  }
0xb6: {  	v39 =	vld [tilespmem:s16+$0x30]  }
0xb7: {  	v40 =	vld [tilespmem:s13+$0x30]  }
0xb8: {  	v42 =	vld [tilespmem:s16+$0xFFFFFFD0];
	v1 =	vmul.f32 v2, v1;
	v2 =	vmul.f32 v4, v3  }
0xb9: {  	v45 =	vld [tilespmem:s13+$0xFFFFFFD0]  }
0xba: {  	v46 =	vld [tilespmem:s16+$0x50];
	v1 =	vadd.f32 v2, v1;
	v2 =	vmul.f32 v6, v5  }
0xbb: {  	v49 =	vld [tilespmem:s13+$0x50]  }
0xbc: {  	v52 =	vld [tilespmem:s16+$0xFFFFFF60];
	v1 =	vadd.f32 v2, v1;
	v2 =	vmul.f32 v8, v7  }
0xbd: {  	v56 =	vld [tilespmem:s16+$0xFFFFFFE0]  }
0xbe: {  	v3 =	vld [tilespmem:s16+$0xFFFFFF40];
	v1 =	vadd.f32 v2, v1;
	v2 =	vmul.f32 v10, v9  }
0xbf: {  	v4 =	vld [tilespmem:s13+$0xFFFFFF40];
	v43 =	vmul.f32 v21, v20  }
0xc0: {  	v44 =	vmul.f32 v23, v22;
	v5 =	vld [tilespmem:s16+$0xFFFFFFC0];
	v1 =	vadd.f32 v2, v1;
	v2 =	vmul.f32 v12, v11  }
0xc1: {  	v17 =	vmul.f32 v17, v28;
	v47 =	vmul.f32 v25, v24;
	v6 =	vld [tilespmem:s13+$0xFFFFFFC0]  }
0xc2: {  	v48 =	vmul.f32 v27, v26;
	v7 =	vld [tilespmem:s16+$0x40];
	v1 =	vadd.f32 v2, v1;
	v2 =	vmul.f32 v19, v18  }
0xc3: {  	v51 =	vmul.f32 v32, v31;
	v9 =	vld [tilespmem:s16+$0xFFFFFF50];
	v11 =	vmul.f32 v14, v13;
	v13 =	vadd.f32 v44, v43  }
0xc4: {  	v50 =	vmul.f32 v30, v29;
	v53 =	vmul.f32 v34, v33;
	v10 =	vld [tilespmem:s13+$0xFFFFFF50];
	v2 =	vadd.f32 v2, v17  }
0xc5: {  	v57 =	vmul.f32 v38, v37;
	v8 =	vld [tilespmem:s13+$0x40];
	v13 =	vadd.f32 v51, v13;
	v11 =	vadd.f32 v11, v1  }
0xc6: {  	v59 =	vld [tilespmem:s13+$0xFFFFFFE0];
	v55 =	vmul.f32 v36, v35;
	v1 =	vadd.f32 v48, v47;
	v2 =	vadd.f32 v50, v2  }
0xc7: {  	v54 =	vld [tilespmem:s13+$0xFFFFFF60];
	v3 =	vmul.f32 v4, v3;
	v5 =	vmul.f32 v6, v5;
	v4 =	vadd.f32 v57, v13  }
0xc8: {  	v60 =	vld [tilespmem:s16+$0x60];
	v58 =	vmul.f32 v40, v39;
	v1 =	vadd.f32 v53, v1;
	v2 =	vadd.f32 v55, v2  }
0xc9: {  	v62 =	vld [tilespmem:s13+$0x60];
	v15 =	vmul.f32 v16, v15;
	v6 =	vmul.f32 v10, v9;
	v4 =	vadd.f32 v5, v4  }
0xca: {  	v5 =	vld [tilespmem:s13+$0xFFFFFF70];
	v61 =	vadd.f32 v58, v1;
	v2 =	vadd.f32 v3, v2;
	v3 =	vmul.f32 v8, v7  }
0xcb: {  	v63 =	vmul.f32 v59, v56;
	v1 =	vld [tilespmem:s16+$0xFFFFFF70];
	v7 =	vmul.f32 v45, v42  }
0xcc: {  	v10 =	vmul.f32 v49, v46;
	v3 =	vadd.f32 v3, v61;
	v9 =	vadd.f32 v6, v2;
	v2 =	vld [tilespmem:s16+$0xFFFFFFF0]  }
0xcd: {  	v8 =	vadd.f32 v15, v11;
	v11 =	vmul.f32 v54, v52;
	v4 =	vadd.f32 v7, v4;
	v6 =	vld [tilespmem:s13+$0xFFFFFFF0]  }
0xce: {  	s14 =	simm.s32 $0x10900;
	v7 =	vadd.f32 v10, v3;
	v3 =	vld [tilespmem:s16+$0x70];
	v10 =	vmul.f32 v62, v60  }
0xcf: {  	s15 =	simm.s32 $0x0;
	s12 =	simm.s32 $0x14810;
	[tilespmem:s14+$0x80] =	vst v8;
	v8 =	vadd.f32 v11, v9;
	v4 =	vadd.f32 v63, v4;
	v9 =	vld [tilespmem:s13+$0x70];
	s16 =	sadd.s32 $0x200, s16  }
.LBB2_5:
0xd0: {  	v11 =	vld [tilespmem:s16+$0x80];
	v1 =	vmul.f32 v5, v1;
	v5 =	vadd.f32 v10, v7;
	s13 =	sadd.s32 $0x200, s13  }
0xd1: {  	v7 =	vld [tilespmem:s13+$0x80]  }
0xd2: {  	v10 =	vld [tilespmem:s16+$0x90];
	v1 =	vadd.f32 v1, v8;
	v2 =	vmul.f32 v6, v2  }
0xd3: {  	s15 =	sadd.s32 $0x4, s15;
	v6 =	vld [tilespmem:s13+$0x90]  }
0xd4: {  	p1 =	slt.u32 s15, $0x7C;
	v8 =	vld [tilespmem:s16+$0xA0];
	[tilespmem:s14+$0xFFFFFF00] =	vst v1;
	v1 =	vadd.f32 v2, v4;
	v2 =	vmul.f32 v9, v3  }
0xd5: {  	v3 =	vld [tilespmem:s13+$0xA0]  }
0xd6: {  	v4 =	vld [tilespmem:s16+$0xB0];
	[tilespmem:s14+$0xFFFFFF80] =	vst v1;
	v1 =	vadd.f32 v2, v5  }
0xd7: {  	v2 =	vld [tilespmem:s13+$0xB0]  }
0xd8: {  	v5 =	vmul.f32 v7, v11;
	v6 =	vmul.f32 v6, v10;
	v7 =	vld [tilespmem:s16+$0xC0];
	[tilespmem:s14+$0x0] =	vst v1  }
0xd9: {  	v1 =	vld [tilespmem:s13+$0xC0]  }
0xda: {  	v5 =	vadd.f32 v6, v5;
	v3 =	vmul.f32 v3, v8;
	v6 =	vld [tilespmem:s16+$0xD0]  }
0xdb: {  	v8 =	vld [tilespmem:s13+$0xD0]  }
0xdc: {  	v3 =	vadd.f32 v3, v5;
	v2 =	vmul.f32 v2, v4;
	v4 =	vld [tilespmem:s16+$0xE0]  }
0xdd: {  	v5 =	vld [tilespmem:s13+$0xE0]  }
0xde: {  	v2 =	vadd.f32 v2, v3;
	v1 =	vmul.f32 v1, v7;
	v3 =	vld [tilespmem:s16+$0xF0]  }
0xdf: {  	v7 =	vld [tilespmem:s13+$0xF0]  }
0xe0: {  	v9 =	vld [tilespmem:s13+$0xFFFFFF00];
	v1 =	vadd.f32 v1, v2;
	v2 =	vmul.f32 v8, v6  }
0xe1: {  	v6 =	vld [tilespmem:s16+$0xFFFFFF10]  }
0xe2: {  	v8 =	vld [tilespmem:s13+$0xFFFFFF10];
	v1 =	vadd.f32 v2, v1;
	v2 =	vmul.f32 v5, v4  }
0xe3: {  	v4 =	vld [tilespmem:s16+$0xFFFFFF80]  }
0xe4: {  	v5 =	vld [tilespmem:s13+$0xFFFFFF80];
	v1 =	vadd.f32 v2, v1;
	v2 =	vmul.f32 v7, v3  }
0xe5: {  	v3 =	vld [tilespmem:s16+$0xFFFFFF90]  }
0xe6: {  	v7 =	vld [tilespmem:s13+$0xFFFFFF90];
	v1 =	vadd.f32 v2, v1  }
0xe7: {  	s14 =	sadd.s32 $0x200, s14;
	v2 =	vmul.f32 v8, v6;
	v6 =	vld [tilespmem:s16+$0x0]  }
0xe8: {  	s17 =	simm.s32 $0x0;
	v8 =	vld [tilespmem:s13+$0x0];
	[tilespmem:s14+$0x80] =	vst v1  }
0xe9: {  	v1 =	vmul.f32 v5, v4;
	v4 =	vld [tilespmem:s16+$0x10]  }
0xea: {  	v5 =	vld [tilespmem:s13+$0x10]  }
0xeb: {  	v10 =	vld [tilespmem:s16+$0xFFFFFF00];
	v3 =	vmul.f32 v7, v3  }
0xec: {  	v7 =	vld [tilespmem:s16+$0xFFFFFF20]  }
0xed: {  	v11 =	vld [tilespmem:s13+$0xFFFFFF20];
	v1 =	vadd.f32 v3, v1;
	v3 =	vmul.f32 v8, v6  }
0xee: {  	v6 =	vld [tilespmem:s16+$0xFFFFFFA0]  }
0xef: {  	v8 =	vld [tilespmem:s13+$0xFFFFFFA0];
	v4 =	vmul.f32 v5, v4  }
0xf0: {  	v5 =	vmul.f32 v9, v10;
	v9 =	vld [tilespmem:s16+$0x20]  }
0xf1: {  	v3 =	vadd.f32 v4, v3;
	v4 =	vld [tilespmem:s13+$0x20]  }
0xf2: {  	v2 =	vadd.f32 v2, v5;
	v5 =	vmul.f32 v11, v7;
	v7 =	vld [tilespmem:s16+$0xFFFFFF30]  }
0xf3: {  	v10 =	vld [tilespmem:s13+$0xFFFFFF30]  }
0xf4: {  	v2 =	vadd.f32 v5, v2;
	v5 =	vmul.f32 v8, v6;
	v6 =	vld [tilespmem:s16+$0xFFFFFFB0]  }
0xf5: {  	v8 =	vld [tilespmem:s13+$0xFFFFFFB0]  }
0xf6: {  	v1 =	vadd.f32 v5, v1;
	v4 =	vmul.f32 v4, v9;
	v5 =	vld [tilespmem:s16+$0x30]  }
0xf7: {  	v9 =	vld [tilespmem:s13+$0x30]  }
0xf8: {  	v7 =	vmul.f32 v10, v7;
	v10 =	vld [tilespmem:s16+$0xFFFFFF40];
	v3 =	vadd.f32 v4, v3  }
0xf9: {  	v4 =	vld [tilespmem:s13+$0xFFFFFF40]  }
0xfa: {  	v2 =	vadd.f32 v7, v2;
	v6 =	vmul.f32 v8, v6;
	v7 =	vld [tilespmem:s16+$0xFFFFFFC0]  }
0xfb: {  	v8 =	vld [tilespmem:s13+$0xFFFFFFC0]  }
0xfc: {  	v1 =	vadd.f32 v6, v1;
	v5 =	vmul.f32 v9, v5;
	v6 =	vld [tilespmem:s16+$0x40]  }
0xfd: {  	v9 =	vld [tilespmem:s13+$0x40]  }
0xfe: {  	v4 =	vmul.f32 v4, v10;
	v10 =	vld [tilespmem:s16+$0xFFFFFF50];
	v3 =	vadd.f32 v5, v3  }
0xff: {  	v5 =	vld [tilespmem:s13+$0xFFFFFF50]  }
0x100: {  	v2 =	vadd.f32 v4, v2;
	v4 =	vmul.f32 v8, v7;
	v7 =	vld [tilespmem:s16+$0xFFFFFFD0]  }
0x101: {  	v8 =	vld [tilespmem:s13+$0xFFFFFFD0]  }
0x102: {  	v1 =	vadd.f32 v4, v1;
	v4 =	vmul.f32 v9, v6;
	v6 =	vld [tilespmem:s16+$0x50]  }
0x103: {  	v9 =	vld [tilespmem:s13+$0x50]  }
0x104: {  	v5 =	vmul.f32 v5, v10;
	v10 =	vld [tilespmem:s16+$0xFFFFFF60];
	v3 =	vadd.f32 v4, v3  }
0x105: {  	v4 =	vld [tilespmem:s13+$0xFFFFFF60]  }
0x106: {  	v2 =	vadd.f32 v5, v2;
	v5 =	vmul.f32 v8, v7;
	v11 =	vld [tilespmem:s16+$0xFFFFFFE0]  }
0x107: {  	v12 =	vld [tilespmem:s13+$0xFFFFFFE0]  }
0x108: {  	v13 =	vadd.f32 v5, v1;
	v5 =	vmul.f32 v9, v6;
	v9 =	vld [tilespmem:s16+$0x60]  }
0x109: {  	v14 =	vld [tilespmem:s13+$0x60]  }
0x10a: {  	v4 =	vmul.f32 v4, v10;
	v1 =	vld [tilespmem:s16+$0xFFFFFF70];
	v7 =	vadd.f32 v5, v3  }
.Ltmp5:
0x10b: {  	v5 =	vld [tilespmem:s13+$0xFFFFFF70];
	(pc) =	sbr.rel @p1 .LBB2_5-.Ltmp5, $4  }
0x10c: {  	v8 =	vadd.f32 v4, v2;
	v3 =	vmul.f32 v12, v11;
	v2 =	vld [tilespmem:s16+$0xFFFFFFF0]  }
0x10d: {  	v6 =	vld [tilespmem:s13+$0xFFFFFFF0]  }
0x10e: {  	v4 =	vadd.f32 v3, v13;
	v10 =	vmul.f32 v14, v9;
	v3 =	vld [tilespmem:s16+$0x70]  }
0x10f: {  	s16 =	sadd.s32 $0x200, s16;
	v9 =	vld [tilespmem:s13+$0x70]  }
0x110: {  	v1 =	vmul.f32 v5, v1  }
0x111: {  	s13 =	simm.s32 $0x10  }
0x112: {  	v5 =	vadd.f32 v10, v7;
	v7 =	vmov s13;
	v1 =	vadd.f32 v1, v8  }
0x113: {  	v2 =	vmul.f32 v6, v2;
	v6 =	vmov s17;
	v7 =	vshll.u32 v7, $0x7  }
0x114: {  	v6 =	vshll.u32 v6, $0x7;
	v7 =	vor.u32 v0, v7;
	v3 =	vmul.f32 v9, v3  }
0x115: {  	v2 =	vadd.f32 v2, v4;
	v4 =	vor.u32 v0, v6  }
0x116: {  	[tilespmem:s14+$0xFFFFFF00] =	vst v1;
	v10 =	vor.u32 $0x4, v7;
	v1 =	vadd.f32 v3, v5  }
0x117: {  	v3 =	vor.u32 $0x1, v7;
	[tilespmem:s14+$0xFFFFFF80] =	vst v2  }
0x118: {  	v2 =	vor.u32 $0x2, v7;
	[tilespmem:s14+$0x0] =	vst v1  }
0x119: {  	v1 =	vor.u32 $0x1, v4;
	v6 =	vld.idx.msk [tilespmem:v7+s30+$0x0], $0xffff  }
0x11a: {  	v8 =	vor.u32 $0x2, v4;
	v9 =	vld.idx.msk [tilespmem:v4+s30+$0x0], $0xffff  }
0x11b: {  	v5 =	vor.u32 $0x3, v7;
	v10 =	vld.idx.msk [tilespmem:v10+s30+$0x0], $0xffff  }
0x11c: {  	v11 =	vor.u32 $0x3, v4;
	v3 =	vld.idx.msk [tilespmem:v3+s30+$0x0], $0xffff  }
0x11d: {  	v12 =	vor.u32 $0x5, v7;
	v2 =	vld.idx.msk [tilespmem:v2+s30+$0x0], $0xffff  }
0x11e: {  	v13 =	vor.u32 $0x4, v4;
	v1 =	vld.idx.msk [tilespmem:v1+s30+$0x0], $0xffff  }
0x11f: {  	v14 =	vor.u32 $0x5, v4;
	v8 =	vld.idx.msk [tilespmem:v8+s30+$0x0], $0xffff  }
0x120: {  	v15 =	vor.u32 $0x6, v7;
	v5 =	vld.idx.msk [tilespmem:v5+s30+$0x0], $0xffff  }
0x121: {  	v16 =	vor.u32 $0x6, v4;
	v11 =	vld.idx.msk [tilespmem:v11+s30+$0x0], $0xffff;
	v3 =	vadd.f32 v3, v6  }
0x122: {  	v17 =	vor.u32 $0x7, v7;
	v6 =	vld.idx.msk [tilespmem:v12+s30+$0x0], $0xffff  }
0x123: {  	v12 =	vor.u32 $0x7, v4;
	v1 =	vadd.f32 v1, v9;
	v9 =	vld.idx.msk [tilespmem:v13+s30+$0x0], $0xffff;
	v2 =	vadd.f32 v2, v3  }
0x124: {  	v13 =	vor.u32 $0x8, v7;
	v3 =	vld.idx.msk [tilespmem:v14+s30+$0x0], $0xffff  }
0x125: {  	v14 =	vor.u32 $0x8, v4;
	v1 =	vadd.f32 v8, v1;
	v8 =	vld.idx.msk [tilespmem:v15+s30+$0x0], $0xffff;
	v2 =	vadd.f32 v5, v2  }
0x126: {  	v15 =	vor.u32 $0x9, v7;
	v5 =	vld.idx.msk [tilespmem:v16+s30+$0x0], $0xffff  }
0x127: {  	v49 =	vor.u32 $0x9, v4;
	v1 =	vadd.f32 v11, v1;
	v11 =	vld.idx.msk [tilespmem:v17+s30+$0x0], $0xffff;
	v2 =	vadd.f32 v10, v2  }
0x128: {  	v50 =	vor.u32 $0xA, v7;
	v10 =	vld.idx.msk [tilespmem:v12+s30+$0x0], $0xffff  }
0x129: {  	v12 =	vor.u32 $0xA, v4;
	v1 =	vadd.f32 v9, v1;
	v9 =	vld.idx.msk [tilespmem:v13+s30+$0x0], $0xffff;
	v2 =	vadd.f32 v6, v2  }
0x12a: {  	v13 =	vor.u32 $0xC, v4;
	v6 =	vld.idx.msk [tilespmem:v14+s30+$0x0], $0xffff  }
0x12b: {  	v14 =	vor.u32 $0xB, v7;
	v1 =	vadd.f32 v3, v1;
	v3 =	vld.idx.msk [tilespmem:v15+s30+$0x0], $0xffff;
	v2 =	vadd.f32 v8, v2  }
0x12c: {  	v15 =	vor.u32 $0xB, v4;
	v8 =	vld.idx.msk [tilespmem:v49+s30+$0x0], $0xffff  }
0x12d: {  	v51 =	vor.u32 $0xC, v7;
	v1 =	vadd.f32 v5, v1;
	v5 =	vld.idx.msk [tilespmem:v50+s30+$0x0], $0xffff;
	v2 =	vadd.f32 v11, v2  }
0x12e: {  	v11 =	vld.idx.msk [tilespmem:v12+s30+$0x0], $0xffff  }
0x12f: {  	v12 =	vor.u32 $0xD, v7;
	v1 =	vadd.f32 v10, v1;
	v10 =	vld.idx.msk [tilespmem:v13+s30+$0x0], $0xffff;
	v2 =	vadd.f32 v9, v2  }
0x130: {  	v13 =	vor.u32 $0xD, v4;
	v9 =	vld.idx.msk [tilespmem:v14+s30+$0x0], $0xffff  }
0x131: {  	s17 =	simm.s32 $0x20;
	v14 =	vor.u32 $0xE, v7;
	v1 =	vadd.f32 v6, v1;
	v6 =	vld.idx.msk [tilespmem:v15+s30+$0x0], $0xffff;
	v2 =	vadd.f32 v3, v2  }
0x132: {  	s16 =	simm.s32 $0x30;
	v53 =	vmov s17;
	v52 =	vor.u32 $0xE, v4;
	v7 =	vor.u32 $0xF, v7;
	v3 =	vld.idx.msk [tilespmem:v51+s30+$0x0], $0xffff  }
0x133: {  	v15 =	vmov s16;
	v1 =	vadd.f32 v8, v1;
	v2 =	vadd.f32 v5, v2  }
0x134: {  	v4 =	vor.u32 $0xF, v4;
	v15 =	vshll.u32 v15, $0x7;
	v5 =	vld.idx.msk [tilespmem:v12+s30+$0x0], $0xffff;
	v12 =	vshll.u32 v53, $0x7  }
0x135: {  	v15 =	vor.u32 v0, v15;
	v1 =	vadd.f32 v11, v1;
	v11 =	vld.idx.msk [tilespmem:v13+s30+$0x0], $0xffff;
	v2 =	vadd.f32 v9, v2  }
0x136: {  	v13 =	vor.u32 v0, v12;
	v9 =	vld.idx.msk [tilespmem:v14+s30+$0x0], $0xffff  }
0x137: {  	v8 =	vld.idx.msk [tilespmem:v52+s30+$0x0], $0xffff;
	v12 =	vor.u32 $0x1, v15;
	v1 =	vadd.f32 v6, v1;
	v2 =	vadd.f32 v3, v2  }
0x138: {  	v14 =	vor.u32 $0x1, v13;
	v6 =	vld.idx.msk [tilespmem:v7+s30+$0x0], $0xffff  }
0x139: {  	v7 =	vor.u32 $0x2, v15;
	v3 =	vld.idx.msk [tilespmem:v4+s30+$0x0], $0xffff;
	v1 =	vadd.f32 v10, v1;
	v2 =	vadd.f32 v5, v2  }
0x13a: {  	v54 =	vor.u32 $0x2, v13;
	v10 =	vld.idx.msk [tilespmem:v15+s30+$0x0], $0xffff  }
0x13b: {  	v4 =	vor.u32 $0x3, v15;
	v5 =	vld.idx.msk [tilespmem:v13+s30+$0x0], $0xffff;
	v1 =	vadd.f32 v11, v1;
	v2 =	vadd.f32 v9, v2  }
0x13c: {  	v11 =	vld.idx.msk [tilespmem:v12+s30+$0x0], $0xffff;
	v12 =	vor.u32 $0x3, v13  }
0x13d: {  	v55 =	vor.u32 $0x4, v15;
	v1 =	vadd.f32 v8, v1;
	v8 =	vld.idx.msk [tilespmem:v14+s30+$0x0], $0xffff;
	v2 =	vadd.f32 v6, v2  }
0x13e: {  	v7 =	vld.idx.msk [tilespmem:v7+s30+$0x0], $0xffff;
	v14 =	vor.u32 $0x4, v13  }
0x13f: {  	v9 =	vor.u32 $0x5, v15;
	v1 =	vadd.f32 v3, v1;
	v3 =	vld.idx.msk [tilespmem:v54+s30+$0x0], $0xffff;
	v2 =	vsub.f32 $0.0e+00, v2  }
0x140: {  	v56 =	vor.u32 $0x6, v15;
	v4 =	vld.idx.msk [tilespmem:v4+s30+$0x0], $0xffff;
	v6 =	vor.u32 $0x5, v13  }
0x141: {  	v12 =	vld.idx.msk [tilespmem:v12+s30+$0x0], $0xffff;
	v10 =	vadd.f32 v11, v10;
	v1 =	vsub.f32 $0.0e+00, v1;
	v2 =	vmul.f32 $1.442695020e+00, v2  }
0x142: {  	v19 =	vor.u32 $0x7, v15;
	v18 =	vor.u32 $0x6, v13;
	v17 =	vld.idx.msk [tilespmem:v55+s30+$0x0], $0xffff;
	v5 =	vadd.f32 v8, v5  }
0x143: {  	v14 =	vld.idx.msk [tilespmem:v14+s30+$0x0], $0xffff;
	v1 =	vmul.f32 $1.442695020e+00, v1;
	(erf) = vpow2.f32 v2;
	v2 =	vadd.f32 v7, v10  }
0x144: {  	v9 =	vld.idx.msk [tilespmem:v9+s30+$0x0], $0xffff;
	v8 =	vor.u32 $0x7, v13;
	v3 =	vadd.f32 v3, v5  }
0x145: {  	v5 =	vld.idx.msk [tilespmem:v6+s30+$0x0], $0xffff;
	(erf) = vpow2.f32 v1;
	v2 =	vadd.f32 v4, v2  }
0x146: {  	v1 =	vld.idx.msk [tilespmem:v56+s30+$0x0], $0xffff;
	v3 =	vadd.f32 v12, v3  }
0x147: {  	v11 =	vor.u32 $0x8, v15;
	v4 =	vld.idx.msk [tilespmem:v18+s30+$0x0], $0xffff;
	v2 =	vadd.f32 v17, v2  }
0x148: {  	v6 =	vor.u32 $0x8, v13;
	v12 =	vld.idx.msk [tilespmem:v19+s30+$0x0], $0xffff;
	v3 =	vadd.f32 v14, v3  }
0x149: {  	v7 =	vor.u32 $0x9, v15;
	v14 =	vld.idx.msk [tilespmem:v8+s30+$0x0], $0xffff;
	v2 =	vadd.f32 v9, v2  }
0x14a: {  	v58 =	vor.u32 $0xA, v13;
	v3 =	vadd.f32 v5, v3  }
0x14b: {  	v10 =	vor.u32 $0x9, v13;
	v1 =	vadd.f32 v1, v2  }
0x14c: {  	v57 =	vor.u32 $0xA, v15;
	v59 =	vld.idx.msk [tilespmem:v11+s30+$0x0], $0xffff;
	v3 =	vadd.f32 v4, v3  }
0x14d: {  	v60 =	vor.u32 $0xC, v13;
	v5 =	vld.idx.msk [tilespmem:v6+s30+$0x0], $0xffff;
	v6 =	vpop (erf);
	v1 =	vadd.f32 v12, v1  }
0x14e: {  	v20 =	vld.idx.msk [tilespmem:v7+s30+$0x0], $0xffff;
	v9 =	vor.u32 $0xB, v15;
	v7 =	vpop (erf);
	v12 =	vadd.f32 v14, v3;
	v14 =	vadd.f32 $1.000000000e+00, v6  }
0x14f: {  	v21 =	vor.u32 $0xB, v13;
	v11 =	vld.idx.msk [tilespmem:v58+s30+$0x0], $0xffff;
	v61 =	vadd.f32 $1.000000000e+00, v7  }
0x150: {  	v22 =	vor.u32 $0xC, v15;
	v10 =	vld.idx.msk [tilespmem:v10+s30+$0x0], $0xffff;
	(erf) = vrcp.f32 v14  }
0x151: {  	v8 =	vld.idx.msk [tilespmem:v57+s30+$0x0], $0xffff;
	(erf) = vrcp.f32 v61  }
0x152: {  	v6 =	vor.u32 $0xE, v13;
	v7 =	vld.idx.msk [tilespmem:v60+s30+$0x0], $0xffff  }
0x153: {  	v2 =	vor.u32 $0xD, v15;
	v62 =	vadd.f32 v59, v1;
	v63 =	vadd.f32 v5, v12;
	v12 =	vld.idx.msk [tilespmem:v9+s30+$0x0], $0xffff  }
0x154: {  	v4 =	vor.u32 $0xD, v13;
	v3 =	vor.u32 $0xE, v15;
	v1 =	vor.u32 $0xF, v13;
	v9 =	vld.idx.msk [tilespmem:v21+s30+$0x0], $0xffff  }
0x155: {  	s13 =	simm.s32 $0x14810;
	s14 =	simm.s32 $0x40;
	v5 =	vor.u32 $0xF, v15;
	v13 =	vadd.f32 v20, v62;
	v14 =	vadd.f32 v10, v63;
	v10 =	vld.idx.msk [tilespmem:v22+s30+$0x0], $0xffff  }
.LBB2_7:
0x156: {  	p1 =	slt.u32 s14, $0x60  }
0x157: {  	v6 =	vld.idx.msk [tilespmem:v6+s30+$0x0], $0xffff;
	s12 =	sadd.s32 $0x20, s12;
	s15 =	smov.u32 s14;
	s14 =	sadd.s32 $0x20, s14  }
0x158: {  	v8 =	vadd.f32 v8, v13;
	s16 =	sadd.s32 $0x10, s15;
	v11 =	vadd.f32 v11, v14;
	v2 =	vld.idx.msk [tilespmem:v2+s30+$0x0], $0xffff  }
0x159: {  	v13 =	vmov s15;
	v14 =	vmov s16;
	v4 =	vld.idx.msk [tilespmem:v4+s30+$0x0], $0xffff;
	v15 =	vpop (erf)  }
0x15a: {  	v13 =	vshll.u32 v13, $0x7;
	v8 =	vadd.f32 v12, v8;
	v14 =	vshll.u32 v14, $0x7;
	v3 =	vld.idx.msk [tilespmem:v3+s30+$0x0], $0xffff;
	[tilespmem:s13+$0x0] =	vst v15;
	v12 =	vpop (erf)  }
0x15b: {  	v13 =	vor.u32 v0, v13;
	v9 =	vadd.f32 v9, v11;
	v14 =	vor.u32 v0, v14;
	[tilespmem:s13+$0xFFFFFFF0] =	vst v12;
	s13 =	smov.u32 s12  }
0x15c: {  	v11 =	vor.u32 $0x1, v13;
	v8 =	vadd.f32 v10, v8;
	v12 =	vor.u32 $0x1, v14;
	v5 =	vld.idx.msk [tilespmem:v5+s30+$0x0], $0xffff  }
0x15d: {  	v10 =	vor.u32 $0x2, v13;
	v15 =	vor.u32 $0x2, v14;
	v7 =	vadd.f32 v7, v9;
	v1 =	vld.idx.msk [tilespmem:v1+s30+$0x0], $0xffff  }
0x15e: {  	v9 =	vor.u32 $0x3, v13;
	v16 =	vor.u32 $0x3, v14;
	v2 =	vadd.f32 v2, v8  }
0x15f: {  	v17 =	vor.u32 $0x4, v14;
	v8 =	vor.u32 $0x4, v13;
	v4 =	vadd.f32 v4, v7  }
0x160: {  	v19 =	vor.u32 $0x5, v14;
	v7 =	vor.u32 $0x5, v13;
	v2 =	vadd.f32 v3, v2;
	v18 =	vld.idx.msk [tilespmem:v14+s30+$0x0], $0xffff  }
0x161: {  	v21 =	vor.u32 $0x6, v13;
	v22 =	vor.u32 $0x6, v14;
	v3 =	vadd.f32 v6, v4;
	v20 =	vld.idx.msk [tilespmem:v13+s30+$0x0], $0xffff  }
0x162: {  	v23 =	vor.u32 $0x7, v13;
	v2 =	vadd.f32 v5, v2;
	v4 =	vld.idx.msk [tilespmem:v12+s30+$0x0], $0xffff;
	v12 =	vor.u32 $0x7, v14  }
0x163: {  	v24 =	vor.u32 $0x8, v13;
	v1 =	vadd.f32 v1, v3;
	v5 =	vld.idx.msk [tilespmem:v15+s30+$0x0], $0xffff;
	v15 =	vor.u32 $0x8, v14  }
0x164: {  	v25 =	vor.u32 $0x9, v14;
	v2 =	vsub.f32 $0.0e+00, v2;
	v6 =	vld.idx.msk [tilespmem:v11+s30+$0x0], $0xffff;
	v11 =	vor.u32 $0x9, v13  }
0x165: {  	v26 =	vor.u32 $0xA, v13;
	v27 =	vor.u32 $0xA, v14;
	v1 =	vsub.f32 $0.0e+00, v1;
	v16 =	vld.idx.msk [tilespmem:v16+s30+$0x0], $0xffff  }
0x166: {  	v28 =	vor.u32 $0xB, v13;
	v29 =	vor.u32 $0xB, v14;
	v3 =	vmul.f32 $1.442695020e+00, v2;
	v10 =	vld.idx.msk [tilespmem:v10+s30+$0x0], $0xffff  }
0x167: {  	v30 =	vor.u32 $0xC, v13;
	v31 =	vor.u32 $0xC, v14;
	v1 =	vmul.f32 $1.442695020e+00, v1;
	v17 =	vld.idx.msk [tilespmem:v17+s30+$0x0], $0xffff  }
0x168: {  	v2 =	vor.u32 $0xD, v14;
	v18 =	vadd.f32 v4, v18;
	v9 =	vld.idx.msk [tilespmem:v9+s30+$0x0], $0xffff;
	(erf) = vpow2.f32 v3  }
0x169: {  	v4 =	vor.u32 $0xD, v13;
	v3 =	vor.u32 $0xE, v14;
	v19 =	vld.idx.msk [tilespmem:v19+s30+$0x0], $0xffff;
	(erf) = vpow2.f32 v1  }
0x16a: {  	v20 =	vadd.f32 v6, v20;
	v6 =	vor.u32 $0xE, v13;
	v18 =	vadd.f32 v5, v18;
	v8 =	vld.idx.msk [tilespmem:v8+s30+$0x0], $0xffff  }
0x16b: {  	v1 =	vor.u32 $0xF, v13;
	v5 =	vor.u32 $0xF, v14  }
0x16c: {  	v10 =	vadd.f32 v10, v20;
	v13 =	vadd.f32 v16, v18;
	v7 =	vld.idx.msk [tilespmem:v7+s30+$0x0], $0xffff  }
0x16d: {  	v14 =	vld.idx.msk [tilespmem:v22+s30+$0x0], $0xffff  }
0x16e: {  	v9 =	vadd.f32 v9, v10;
	v13 =	vadd.f32 v17, v13;
	v10 =	vld.idx.msk [tilespmem:v21+s30+$0x0], $0xffff  }
0x16f: {  	v12 =	vld.idx.msk [tilespmem:v12+s30+$0x0], $0xffff  }
0x170: {  	v8 =	vadd.f32 v8, v9;
	v13 =	vadd.f32 v19, v13;
	v9 =	vld.idx.msk [tilespmem:v23+s30+$0x0], $0xffff  }
0x171: {  	v15 =	vld.idx.msk [tilespmem:v15+s30+$0x0], $0xffff;
	v16 =	vpop (erf)  }
0x172: {  	v7 =	vadd.f32 v7, v8;
	v17 =	vld.idx.msk [tilespmem:v24+s30+$0x0], $0xffff;
	v8 =	vadd.f32 $1.000000000e+00, v16;
	v16 =	vpop (erf)  }
0x173: {  	v13 =	vadd.f32 v14, v13;
	v14 =	vld.idx.msk [tilespmem:v25+s30+$0x0], $0xffff;
	v16 =	vadd.f32 $1.000000000e+00, v16  }
0x174: {  	v7 =	vadd.f32 v10, v7;
	v10 =	vld.idx.msk [tilespmem:v11+s30+$0x0], $0xffff;
	(erf) = vrcp.f32 v8  }
0x175: {  	v12 =	vadd.f32 v12, v13;
	v8 =	vld.idx.msk [tilespmem:v27+s30+$0x0], $0xffff;
	(erf) = vrcp.f32 v16  }
.Ltmp6:
0x176: {  	v9 =	vadd.f32 v9, v7;
	v11 =	vld.idx.msk [tilespmem:v26+s30+$0x0], $0xffff;
	(pc) =	sbr.rel @p1 .LBB2_7-.Ltmp6, $4  }
0x177: {  	v13 =	vadd.f32 v15, v12;
	v7 =	vld.idx.msk [tilespmem:v30+s30+$0x0], $0xffff  }
0x178: {  	v15 =	vadd.f32 v17, v9;
	v12 =	vld.idx.msk [tilespmem:v29+s30+$0x0], $0xffff  }
0x179: {  	v13 =	vadd.f32 v14, v13;
	v9 =	vld.idx.msk [tilespmem:v28+s30+$0x0], $0xffff  }
0x17a: {  	v14 =	vadd.f32 v10, v15;
	v10 =	vld.idx.msk [tilespmem:v31+s30+$0x0], $0xffff  }
0x17b: {  	_ =	sdelay $0x2  }
0x17c: {  	v8 =	vadd.f32 v8, v13  }
0x17d: {  	v2 =	vld.idx.msk [tilespmem:v2+s30+$0x0], $0xffff;
	v11 =	vadd.f32 v11, v14  }
0x17e: {  	v4 =	vld.idx.msk [tilespmem:v4+s30+$0x0], $0xffff;
	v8 =	vadd.f32 v12, v8  }
0x17f: {  	v3 =	vld.idx.msk [tilespmem:v3+s30+$0x0], $0xffff;
	v9 =	vadd.f32 v9, v11  }
0x180: {  	v6 =	vld.idx.msk [tilespmem:v6+s30+$0x0], $0xffff;
	v8 =	vadd.f32 v10, v8  }
0x181: {  	v5 =	vld.idx.msk [tilespmem:v5+s30+$0x0], $0xffff;
	v7 =	vadd.f32 v7, v9  }
0x182: {  	v1 =	vld.idx.msk [tilespmem:v1+s30+$0x0], $0xffff;
	v2 =	vadd.f32 v2, v8  }
0x183: {  	v4 =	vadd.f32 v4, v7  }
0x184: {  	v2 =	vadd.f32 v3, v2  }
0x185: {  	v3 =	vadd.f32 v6, v4  }
0x186: {  	v2 =	vadd.f32 v5, v2  }
0x187: {  	v1 =	vadd.f32 v1, v3  }
0x188: {  	v2 =	vsub.f32 $0.0e+00, v2  }
0x189: {  	v1 =	vsub.f32 $0.0e+00, v1  }
0x18a: {  	v2 =	vmul.f32 $1.442695020e+00, v2  }
0x18b: {  	v1 =	vmul.f32 $1.442695020e+00, v1  }
0x18c: {  	(erf) = vpow2.f32 v2  }
0x18d: {  	(erf) = vpow2.f32 v1;
	_ =	sdelay $0x5  }
0x18e: {  	v1 =	vpop (erf)  }
0x18f: {  	v2 =	vpop (erf)  }
0x190: {  	v3 =	vpop (erf)  }
0x191: {  	v3 =	vadd.f32 $1.000000000e+00, v3;
	v63 =	vpop (erf)  }
0x192: {  	v4 =	vadd.f32 $1.000000000e+00, v63  }
0x193: {  	(erf) = vrcp.f32 v3  }
0x194: {  	(erf) = vrcp.f32 v4;
	_ =	sdelay $0x6  }
0x195: {  	[tilespmem:s13+$0x0] =	vst v1  }
0x196: {  	s12 =	sadd.s32 $0x20, s12;
	[tilespmem:s13+$0xFFFFFFF0] =	vst v2;
	v1 =	vpop (erf)  }
0x197: {  	s10 =	sshll.u32 s10, $0x4;
	[tilespmem:s12+$0x0] =	vst v1;
	v1 =	vpop (erf)  }
0x198: {  	p1 =	sne.s32 s1, $0x8;
	s10 =	sadd.s32 s10, s0;
	[tilespmem:s12+$0xFFFFFFF0] =	vst v1  }
0x199: {  	[hbm4b:s10+s2] =	stream.linear.scatter [tilespmem:s31], [sflag:$0x3], $0x80, $0x38;
	[tilespmem:$0x14880] =	vst v63  }
.Ltmp7:
0x19a: {  	_ = 	snop;
	(pc) =	sbr.rel @p1 .LBB2_4-.Ltmp7, $4  }
.Ltmp8:
0x19b: {  	_ = 	snop;
	(pc) =	sbr.rel @!p1 .LBB2_9-.Ltmp8, $4  }
0x19c: {  	_ =	swait.ge [sflag:s11], $0x80  }
0x19d: {  	[sflag:s11] =	ssyncset.done $0x0  }
0x19e: {  	p0 =	por !p0, !p0;
	s10 =	smov.u32 s1;
	[sflag:s11] =	ssyncadd.s32 $0xFFFFFF80  }
0x19f: {  	_ = 	snop  }
.LBB2_11:
0x1a0: {  	_ =	sfence.sel $0x180000  }
0x1a1: {  	[bflag:$0x0] =	sbarrier.arrive $0xFFFF  }
0x1a2: {  	_ =	strace $0x9000004A  }
0x1a3: {  	s0 =	stileid.u32;
	[bflag:$0x2] =	sbarrier.arrive $0xFFFF  }
0x1a4: {  	p0 =	sne.s32 s0, $0x0;
	s0 =	rddreg [dreg:$0x2]  }
0x1a5: {  	s0 =	sadd.s32 @!p0 $0x100000, s0  }
0x1a6: {  	[sflag:s0] =	ssyncadd.tile.s32 @!p0 $0x1;
	_ =	shalt  }
.Lfunc_end2:
_tile_overlayer_lowered:
.L_overlay_start_2:
0x1a7: {  	(tag) =	ssettag $0x2  }
0x1a8: {  	s0 =	rddreg [dreg:$0x0];
	s2 =	stileid.u32  }
0x1a9: {  	s1 =	rddreg [dreg:$0x1];
	p0 =	sne.s32 s2, $0x0  }
0x1aa: {  	s3 =	rddreg [dreg:$0x2];
	[bflag:$0x3] =	sbarrier.arrive $0xFFFF;
	s2 =	simm.s32 @!p0 $0x1C03  }
0x1ab: {  	[timem:s3], [sflag:s2] =	dma.local @!p0 [hbm:s0], s1  }
0x1ac: {  	s0 =	simm.s32 @!p0 $0x3  }
0x1ad: {  	_ =	swait.ge @!p0 [sflag:s0], s1  }
0x1ae: {  	s1 =	ssub.s32 @!p0 $0x0, s1;
	[sflag:s0] =	ssyncset.done @!p0 $0x0  }
0x1af: {  	[sflag:s0] =	ssyncadd.s32 @!p0 s1  }
0x1b0: {  	[bflag:$0x3] =	sbarrier.arrive $0xFFFF  }
0x1b1: {  	_ =	shalt  }

</sc_bundles>
